<compile_context>
chip_gen: v7x
topology: tpu7x:2x2x1
jax: 0.10.2.dev20260603
libtpu: 0.0.44.dev20260713+nightly
codegen_flags: <defaults>
</compile_context>

<pallas_src>
import functools

import jax
import jax.numpy as jnp
from jax import lax
from jax.experimental import pallas as pl
from jax.experimental.pallas import tpu as pltpu
from jax.experimental.pallas import tpu_sc as plsc

N = 50000
E = 800000
H = 64
G = 128
NUM_LAYERS = 8

NSC = 2
NTILE = 16
HC = H // NSC
NPAD = 53248
TRASH = 50176
ROWS_PER_TILE = NPAD // NTILE
WB_CHUNKS = ROWS_PER_TILE // 128

KB = 40
NB = 10
CH = KB * NB
EPT = CH * 128
EPAD = NTILE * EPT

BLK = 512
GRID = NPAD // BLK


def _make_agg():
    mesh = plsc.VectorSubcoreMesh(core_axis_name="c", subcore_axis_name="s")

    @functools.partial(
        pl.kernel,
        out_type=jax.ShapeDtypeStruct((NSC, NPAD, HC), jnp.float32),
        mesh=mesh,
        scratch_types=[
            pltpu.VMEM((KB, 128), jnp.int32),
            pltpu.VMEM((KB, 128), jnp.int32),
            pltpu.VMEM((128, HC), jnp.float32),
            pltpu.VMEM((128, HC), jnp.float32),
            pltpu.VMEM((128, HC), jnp.float32),
            pltpu.VMEM_SHARED((NPAD, HC), jnp.float32),
            pltpu.SemaphoreType.DMA,
            pltpu.SemaphoreType.DMA,
            pltpu.SemaphoreType.DMA,
            pltpu.SemaphoreType.DMA,
            pltpu.SemaphoreType.DMA,
        ],
        compiler_params=pltpu.CompilerParams(use_tc_tiling_on_sc=False),
    )
    def agg(h2_hbm, srcw_hbm, dstw_hbm, zrows_hbm, out_hbm,
            sidx, didx, rows0, rows1, rows2, acc, semi0, semi1, sem0, sem1, sem2):
        c = lax.axis_index("c")
        s = lax.axis_index("s")
        for k in range(WB_CHUNKS):
            pltpu.sync_copy(zrows_hbm, acc.at[pl.ds(s * ROWS_PER_TILE + k * 128, 128)])
        plsc.subcore_barrier()

        hplane = h2_hbm.at[c]
        rows = (rows0, rows1, rows2)
        sems = (sem0, sem1, sem2)

        def block(b, carry):
            icp0 = pltpu.async_copy(srcw_hbm.at[s, pl.ds(b * KB, KB)], sidx, semi0)
            icp1 = pltpu.async_copy(dstw_hbm.at[s, pl.ds(b * KB, KB)], didx, semi1)
            icp0.wait()
            cps = [None, None, None]
            cps[0] = pltpu.async_copy(hplane.at[sidx.at[0]], rows[0], sems[0])
            cps[1] = pltpu.async_copy(hplane.at[sidx.at[1]], rows[1], sems[1])
            icp1.wait()
            for j in range(KB):
                if j + 2 < KB:
                    cps[(j + 2) % 3] = pltpu.async_copy(
                        hplane.at[sidx.at[j + 2]], rows[(j + 2) % 3], sems[(j + 2) % 3])
                cps[j % 3].wait()
                pltpu.sync_copy(rows[j % 3], acc.at[didx.at[j]], add=True)
            return carry

        lax.fori_loop(0, NB, block, 0)
        plsc.subcore_barrier()
        for k in range(WB_CHUNKS):
            lo = s * ROWS_PER_TILE + k * 128
            pltpu.sync_copy(acc.at[pl.ds(lo, 128)], out_hbm.at[c, pl.ds(lo, 128)])

    return agg


_agg32 = _make_agg()


def _lin(x16, W1p):
    def body(x_ref, w_ref, o_ref, o2_ref):
        z = jnp.dot(x_ref[...], w_ref[...], preferred_element_type=jnp.float32)
        o_ref[...] = z
        o2_ref[0] = z[:, 0:HC]
        o2_ref[1] = z[:, HC:H]

    return pl.pallas_call(
        body,
        grid=(GRID,),
        in_specs=[
            pl.BlockSpec((BLK, 16), lambda i: (i, 0)),
            pl.BlockSpec((16, H), lambda i: (0, 0)),
        ],
        out_specs=[
            pl.BlockSpec((BLK, H), lambda i: (i, 0)),
            pl.BlockSpec((NSC, BLK, HC), lambda i: (0, i, 0)),
        ],
        out_shape=[
            jax.ShapeDtypeStruct((NPAD, H), jnp.float32),
            jax.ShapeDtypeStruct((NSC, NPAD, HC), jnp.float32),
        ],
    )(x16, W1p)


def _pre(hin, W1):
    def body(h_ref, w1_ref, o_ref):
        o_ref[...] = jnp.dot(h_ref[...], w1_ref[...], preferred_element_type=jnp.float32)

    return pl.pallas_call(
        body,
        grid=(GRID,),
        in_specs=[
            pl.BlockSpec((BLK, H), lambda i: (i, 0)),
            pl.BlockSpec((H, H), lambda i: (0, 0)),
        ],
        out_specs=pl.BlockSpec((BLK, H), lambda i: (i, 0)),
        out_shape=jax.ShapeDtypeStruct((NPAD, H), jnp.float32),
    )(hin, W1)


def _mlp(uin, agg2, W1, W2, aux):
    def body(u_ref, a_ref, w1_ref, w2_ref, aux_ref, o_ref, o2_ref):
        auxv = aux_ref[...]
        b1 = auxv[0:1, :]
        b2 = auxv[1:2, :]
        s2 = auxv[2:3, :]
        t2 = auxv[3:4, :]
        z = u_ref[...]
        z += jnp.dot(a_ref[0], w1_ref[0:HC, :], preferred_element_type=jnp.float32)
        z += jnp.dot(a_ref[1], w1_ref[HC:H, :], preferred_element_type=jnp.float32)
        z = jnp.maximum(z + b1, 0.0)
        z = jnp.maximum(jnp.dot(z, w2_ref[...], preferred_element_type=jnp.float32) + b2, 0.0)
        z = z * s2 + t2
        o_ref[...] = z
        o2_ref[0] = z[:, 0:HC]
        o2_ref[1] = z[:, HC:H]

    return pl.pallas_call(
        body,
        grid=(GRID,),
        in_specs=[
            pl.BlockSpec((BLK, H), lambda i: (i, 0)),
            pl.BlockSpec((NSC, BLK, HC), lambda i: (0, i, 0)),
            pl.BlockSpec((H, H), lambda i: (0, 0)),
            pl.BlockSpec((H, H), lambda i: (0, 0)),
            pl.BlockSpec((8, H), lambda i: (0, 0)),
        ],
        out_specs=[
            pl.BlockSpec((BLK, H), lambda i: (i, 0)),
            pl.BlockSpec((NSC, BLK, HC), lambda i: (0, i, 0)),
        ],
        out_shape=[
            jax.ShapeDtypeStruct((NPAD, H), jnp.float32),
            jax.ShapeDtypeStruct((NSC, NPAD, HC), jnp.float32),
        ],
    )(uin, agg2, W1, W2, aux)


def _pool(h, batch3):
    def body(h_ref, b_ref, sum_ref, cnt_ref):
        i = pl.program_id(0)

        @pl.when(i == 0)
        def _():
            sum_ref[...] = jnp.zeros_like(sum_ref)
            cnt_ref[...] = jnp.zeros_like(cnt_ref)

        b = jnp.reshape(b_ref[...], (BLK,))
        gids = lax.broadcasted_iota(jnp.int32, (G, BLK), 0)
        ohT = (gids == b[None, :]).astype(jnp.float32)
        sum_ref[...] += jnp.dot(ohT, h_ref[...], preferred_element_type=jnp.float32)
        cnt_ref[...] += jnp.broadcast_to(jnp.sum(ohT, axis=1, keepdims=True), (G, 128))

    return pl.pallas_call(
        body,
        grid=(GRID,),
        in_specs=[
            pl.BlockSpec((BLK, H), lambda i: (i, 0)),
            pl.BlockSpec((1, 1, BLK), lambda i: (i, 0, 0)),
        ],
        out_specs=[
            pl.BlockSpec((G, H), lambda i: (0, 0)),
            pl.BlockSpec((G, 128), lambda i: (0, 0)),
        ],
        out_shape=[
            jax.ShapeDtypeStruct((G, H), jnp.float32),
            jax.ShapeDtypeStruct((G, 128), jnp.float32),
        ],
    )(h, batch3)


def _head(sums, cnt, l1W, aux1, l2Wp, aux2):
    def body(s_ref, c_ref, w1_ref, a1_ref, w2_ref, a2_ref, o_ref):
        pooled = s_ref[...] / jnp.maximum(c_ref[...][:, 0:1], 1.0)
        l1b = a1_ref[...][0:1, :]
        l2b = a2_ref[...][0:1, :]
        z = jnp.maximum(jnp.dot(pooled, w1_ref[...], preferred_element_type=jnp.float32) + l1b, 0.0)
        o = jnp.dot(z, w2_ref[...], preferred_element_type=jnp.float32) + l2b
        mask = lax.broadcasted_iota(jnp.int32, (G, 128), 1) < 3
        om = jnp.where(mask, o, -1e30)
        mx = jnp.max(om, axis=1, keepdims=True)
        e = jnp.where(mask, jnp.exp(o - mx), 0.0)
        lse = jnp.log(jnp.sum(e, axis=1, keepdims=True))
        o_ref[...] = (o - mx - lse)[:, 0:3]

    return pl.pallas_call(
        body,
        in_specs=[
            pl.BlockSpec((G, H), lambda: (0, 0)),
            pl.BlockSpec((G, 128), lambda: (0, 0)),
            pl.BlockSpec((H, H), lambda: (0, 0)),
            pl.BlockSpec((8, H), lambda: (0, 0)),
            pl.BlockSpec((H, 128), lambda: (0, 0)),
            pl.BlockSpec((8, 128), lambda: (0, 0)),
        ],
        out_specs=pl.BlockSpec((G, 3), lambda: (0, 0)),
        out_shape=jax.ShapeDtypeStruct((G, 3), jnp.float32),
    )(sums, cnt, l1W, aux1, l2Wp, aux2)


def _fold(W1, b1, g1, be1, m1, v1, W2, b2, g2, be2, m2, v2):
    s1 = g1 / jnp.sqrt(v1 + 1e-5)
    t1 = be1 - m1 * s1
    W2p = s1[:, None] * W2
    b2p = b2 + t1 @ W2
    s2 = g2 / jnp.sqrt(v2 + 1e-5)
    t2 = be2 - m2 * s2
    aux = jnp.zeros((8, H), jnp.float32)
    aux = aux.at[0].set(b1).at[1].set(b2p).at[2].set(s2).at[3].set(t2)
    return W1, W2p, aux


def kernel(x, edge_index, batch, params):
    src = edge_index[0].astype(jnp.int32)
    dst = edge_index[1].astype(jnp.int32)

    srcp = jnp.concatenate([src, jnp.zeros((EPAD - E,), jnp.int32)])
    dstp = jnp.concatenate([dst, jnp.full((EPAD - E,), -1, jnp.int32)])
    lane = lax.rem(jnp.arange(EPAD, dtype=jnp.int32), jnp.int32(128))
    dl = jnp.where(dstp >= 0, dstp, TRASH + lane)
    srcw = srcp.reshape(NTILE, CH, 128)
    dstw = dl.reshape(NTILE, CH, 128)

    zrows = jnp.zeros((128, HC), jnp.float32)

    p = params
    x16 = jnp.pad(x, ((0, NPAD - N), (0, 15)))
    W1p = jnp.pad(p['c1_W1'], ((0, 15), (0, 0)))
    W1a, W2a, auxa = _fold(W1p, p['c1_b1'], p['c1_bn1_g'], p['c1_bn1_b'],
                           p['c1_bn1_m'], p['c1_bn1_v'], p['c1_W2'], p['c1_b2'],
                           p['c1_bn2_g'], p['c1_bn2_b'], p['c1_bn2_m'], p['c1_bn2_v'])
    h0, h02 = _lin(x16, W1a)

    L = NUM_LAYERS - 1
    s1 = p['bn1_g'] / jnp.sqrt(p['bn1_v'] + 1e-5)
    t1 = p['bn1_b'] - p['bn1_m'] * s1
    W2s = s1[:, :, None] * p['Ws2']
    b2s = p['bs2'] + jnp.einsum('lh,lhk->lk', t1, p['Ws2'])
    s2 = p['bn2_g'] / jnp.sqrt(p['bn2_v'] + 1e-5)
    t2 = p['bn2_b'] - p['bn2_m'] * s2
    auxs = jnp.zeros((L, 8, H), jnp.float32)
    auxs = auxs.at[:, 0].set(p['bs1']).at[:, 1].set(b2s).at[:, 2].set(s2).at[:, 3].set(t2)

    eye = jnp.eye(H, dtype=jnp.float32)
    W1_stack = jnp.concatenate([eye[None], p['Ws1']], axis=0)
    W2_stack = jnp.concatenate([W2a[None], W2s], axis=0)
    aux_stack = jnp.concatenate([auxa[None], auxs], axis=0)

    n_iters = jnp.where(src[0] >= -1, NUM_LAYERS, NUM_LAYERS - 1).astype(jnp.int32)

    def cond(st):
        return st[0] < n_iters

    def body(st):
        i, h, h2 = st
        W1l = lax.dynamic_index_in_dim(W1_stack, i, keepdims=False)
        W2l = lax.dynamic_index_in_dim(W2_stack, i, keepdims=False)
        auxl = lax.dynamic_index_in_dim(aux_stack, i, keepdims=False)
        agg2 = _agg32(h2, srcw, dstw, zrows)
        u = _pre(h, W1l)
        hn, hn2 = _mlp(u, agg2, W1l, W2l, auxl)
        return i + 1, hn, hn2

    _, h, _ = lax.while_loop(cond, body, (jnp.int32(0), h0, h02))

    batchp = jnp.concatenate([batch.astype(jnp.int32), jnp.full((NPAD - N,), G, jnp.int32)])
    sums, cnt = _pool(h, batchp.reshape(GRID, 1, BLK))

    aux1 = jnp.zeros((8, H), jnp.float32).at[0].set(p['lin1_b'])
    l2Wp = jnp.pad(p['lin2_W'], ((0, 0), (0, 125)))
    aux2 = jnp.zeros((8, 128), jnp.float32).at[0, 0:3].set(p['lin2_b'])
    return _head(sums, cnt, p['lin1_W'], aux1, l2Wp, aux2)

# --- scband reference (transcript-rebuilt; emitter-appended) ---
"""Pipeline reference for scband-gin0-87909390614643 (READ-ONLY COPY).

The authoritative reference and input builder live on the scoring server;
editing this copy changes nothing except your own understanding.
"""

import jax, jax.numpy as jnp
import numpy as np

N = 50000
E = 800000
H = 64
NUM_LAYERS = 8
G = 128  # number of graphs in batch vector


def _bn(h, g, b, m, v):
    # BatchNorm1d in eval mode: use running stats
    return (h - m) / jnp.sqrt(v + 1e-5) * g + b


def _gin_layer(x, src, dst, W1, b1, g1, be1, m1, v1, W2, b2, g2, be2, m2, v2):
    # GINConv with train_eps=False, eps=0: nn(x + sum_{j in N(i)} x_j)
    agg = jnp.zeros_like(x).at[dst].add(x[src])
    h = x + agg
    h = _bn(jax.nn.relu(h @ W1 + b1), g1, be1, m1, v1)
    h = _bn(jax.nn.relu(h @ W2 + b2), g2, be2, m2, v2)
    return h


def setup_inputs(seed: int = 0) -> dict:
    key = jax.random.key(seed)
    ks = jax.random.split(key, 16)
    x = jax.random.normal(ks[0], (N, 1), dtype=jnp.float32)
    edge_index = jax.random.randint(ks[1], (2, E), 0, N, dtype=jnp.int32)
    batch = jnp.sort(jax.random.randint(ks[2], (N,), 0, G, dtype=jnp.int32))

    L = NUM_LAYERS - 1  # remaining conv layers
    params = {
        # conv1 MLP: Linear(1,H), ReLU, BN, Linear(H,H), ReLU, BN
        'c1_W1': jax.random.normal(ks[3], (1, H), dtype=jnp.float32) * 0.5,
        'c1_b1': jnp.zeros((H,), dtype=jnp.float32),
        'c1_bn1_g': jnp.ones((H,), dtype=jnp.float32),
        'c1_bn1_b': jnp.zeros((H,), dtype=jnp.float32),
        'c1_bn1_m': jnp.zeros((H,), dtype=jnp.float32),
        'c1_bn1_v': jnp.ones((H,), dtype=jnp.float32),
        'c1_W2': jax.random.normal(ks[4], (H, H), dtype=jnp.float32) * 0.1,
        'c1_b2': jnp.zeros((H,), dtype=jnp.float32),
        'c1_bn2_g': jnp.ones((H,), dtype=jnp.float32),
        'c1_bn2_b': jnp.zeros((H,), dtype=jnp.float32),
        'c1_bn2_m': jnp.zeros((H,), dtype=jnp.float32),
        'c1_bn2_v': jnp.ones((H,), dtype=jnp.float32),
        # stacked params for convs[0..L-1]
        'Ws1': jax.random.normal(ks[5], (L, H, H), dtype=jnp.float32) * 0.1,
        'bs1': jnp.zeros((L, H), dtype=jnp.float32),
        'bn1_g': jnp.ones((L, H), dtype=jnp.float32),
        'bn1_b': jnp.zeros((L, H), dtype=jnp.float32),
        'bn1_m': jnp.zeros((L, H), dtype=jnp.float32),
        'bn1_v': jnp.ones((L, H), dtype=jnp.float32),
        'Ws2': jax.random.normal(ks[6], (L, H, H), dtype=jnp.float32) * 0.1,
        'bs2': jnp.zeros((L, H), dtype=jnp.float32),
        'bn2_g': jnp.ones((L, H), dtype=jnp.float32),
        'bn2_b': jnp.zeros((L, H), dtype=jnp.float32),
        'bn2_m': jnp.zeros((L, H), dtype=jnp.float32),
        'bn2_v': jnp.ones((L, H), dtype=jnp.float32),
        'lin1_W': jax.random.normal(ks[7], (H, H), dtype=jnp.float32) * 0.1,
        'lin1_b': jnp.zeros((H,), dtype=jnp.float32),
        'lin2_W': jax.random.normal(ks[8], (H, 3), dtype=jnp.float32) * 0.1,
        'lin2_b': jnp.zeros((3,), dtype=jnp.float32),
    }
    return {'x': x, 'edge_index': edge_index, 'batch': batch, 'params': params}


def _forward(x, edge_index, batch, p):
    src = edge_index[0]
    dst = edge_index[1]
    h = _gin_layer(x, src, dst,
                   p['c1_W1'], p['c1_b1'], p['c1_bn1_g'], p['c1_bn1_b'], p['c1_bn1_m'], p['c1_bn1_v'],
                   p['c1_W2'], p['c1_b2'], p['c1_bn2_g'], p['c1_bn2_b'], p['c1_bn2_m'], p['c1_bn2_v'])
    for i in range(NUM_LAYERS - 1):
        h = _gin_layer(h, src, dst,
                       p['Ws1'][i], p['bs1'][i], p['bn1_g'][i], p['bn1_b'][i], p['bn1_m'][i], p['bn1_v'][i],
                       p['Ws2'][i], p['bs2'][i], p['bn2_g'][i], p['bn2_b'][i], p['bn2_m'][i], p['bn2_v'][i])
    # global_mean_pool
    sums = jax.ops.segment_sum(h, batch, num_segments=G)
    cnt = jax.ops.segment_sum(jnp.ones((h.shape[0], 1), dtype=h.dtype), batch, num_segments=G)
    pooled = sums / jnp.maximum(cnt, 1.0)
    h = jax.nn.relu(pooled @ p['lin1_W'] + p['lin1_b'])
    # dropout in eval mode: identity
    h = h @ p['lin2_W'] + p['lin2_b']
    return jax.nn.log_softmax(h, axis=-1)


def reference(x, edge_index, batch, params):
    return _forward(x, edge_index, batch, params)

if __name__ == "__main__":
    import jax
    _d = setup_inputs()
    print(jax.jit(kernel)(*tuple(_d.values())))

</pallas_src>

<mosaic_0001>
#map = affine_map<(d0, d1) -> (0, 0, 0)>
#map1 = affine_map<(d0, d1) -> (0, 0)>
module attributes {stable_mosaic.version = 14 : i64} {
  func.func @agg(%arg0: i32, %arg1: i32, %arg2: memref<2x53248x32xf32, #tpu.memory_space<hbm>>, %arg3: memref<16x400x128xi32, #tpu.memory_space<hbm>>, %arg4: memref<16x400x128xi32, #tpu.memory_space<hbm>>, %arg5: memref<128x32xf32, #tpu.memory_space<hbm>>, %arg6: memref<2x53248x32xf32, #tpu.memory_space<hbm>>, %arg7: memref<40x128xi32, #tpu.memory_space<vmem>>, %arg8: memref<40x128xi32, #tpu.memory_space<vmem>>, %arg9: memref<128x32xf32, #tpu.memory_space<vmem>>, %arg10: memref<128x32xf32, #tpu.memory_space<vmem>>, %arg11: memref<128x32xf32, #tpu.memory_space<vmem>>, %arg12: memref<53248x32xf32, #tpu.memory_space<vmem_shared>>, %arg13: memref<!tpu.dma_semaphore, #tpu.memory_space<semaphore_mem>>, %arg14: memref<!tpu.dma_semaphore, #tpu.memory_space<semaphore_mem>>, %arg15: memref<!tpu.dma_semaphore, #tpu.memory_space<semaphore_mem>>, %arg16: memref<!tpu.dma_semaphore, #tpu.memory_space<semaphore_mem>>, %arg17: memref<!tpu.dma_semaphore, #tpu.memory_space<semaphore_mem>>) attributes {dimension_semantics = [#tpu.dimension_semantics<core_parallel>, #tpu.dimension_semantics<subcore_parallel>], iteration_bounds = array<i64: 2, 16>, scalar_prefetch = 0 : i64, scratch_operands = 11 : i64, tpu.core_type = #tpu.core_type<sc_vector_subcore>, window_params = [{transform_indices = #map}, {transform_indices = #map}, {transform_indices = #map}, {transform_indices = #map1}, {transform_indices = #map}]} {
    %mul3A = arith.constant 3328 : i32
    %mul3A_0 = arith.muli %arg1, %mul3A : i32
    %add3A = arith.constant 0 : i32
    %add3A_1 = arith.addi %mul3A_0, %add3A : i32
    "tpu.region"() ({
      %run_scoped3A = tpu.sem_alloc : memref<!tpu.dma_semaphore, #tpu.memory_space<semaphore_mem>>
      %dma_start3A = arith.constant 0 : i32
      %dma_start3A_212 = tpu.memref_slice %arg12[%add3A_1, %dma_start3A] : memref<53248x32xf32, #tpu.memory_space<vmem_shared>> -> memref<128x32xf32, #tpu.memory_space<vmem_shared>>
      tpu.enqueue_dma source(%arg5 : memref<128x32xf32, #tpu.memory_space<hbm>>) target(%dma_start3A_212 : memref<128x32xf32, #tpu.memory_space<vmem_shared>>) target_semaphore(%run_scoped3A : memref<!tpu.dma_semaphore, #tpu.memory_space<semaphore_mem>>)
      %dma_wait3A = arith.constant 0 : i32
      %dma_wait3A_213 = tpu.memref_slice %arg12[%add3A_1, %dma_wait3A] : memref<53248x32xf32, #tpu.memory_space<vmem_shared>> -> memref<128x32xf32, #tpu.memory_space<vmem_shared>>
      tpu.wait_dma2 semaphore(%run_scoped3A : memref<!tpu.dma_semaphore, #tpu.memory_space<semaphore_mem>>) src(%arg5 : memref<128x32xf32, #tpu.memory_space<hbm>>) dst(%dma_wait3A_213 : memref<128x32xf32, #tpu.memory_space<vmem_shared>>)
      tpu.yield
    }) : () -> ()
    %mul3A_2 = arith.constant 3328 : i32
    %mul3A_3 = arith.muli %arg1, %mul3A_2 : i32
    %add3A_4 = arith.constant 128 : i32
    %add3A_5 = arith.addi %mul3A_3, %add3A_4 : i32
    "tpu.region"() ({
      %run_scoped3A = tpu.sem_alloc : memref<!tpu.dma_semaphore, #tpu.memory_space<semaphore_mem>>
      %dma_start3A = arith.constant 0 : i32
      %dma_start3A_212 = tpu.memref_slice %arg12[%add3A_5, %dma_start3A] : memref<53248x32xf32, #tpu.memory_space<vmem_shared>> -> memref<128x32xf32, #tpu.memory_space<vmem_shared>>
      tpu.enqueue_dma source(%arg5 : memref<128x32xf32, #tpu.memory_space<hbm>>) target(%dma_start3A_212 : memref<128x32xf32, #tpu.memory_space<vmem_shared>>) target_semaphore(%run_scoped3A : memref<!tpu.dma_semaphore, #tpu.memory_space<semaphore_mem>>)
      %dma_wait3A = arith.constant 0 : i32
      %dma_wait3A_213 = tpu.memref_slice %arg12[%add3A_5, %dma_wait3A] : memref<53248x32xf32, #tpu.memory_space<vmem_shared>> -> memref<128x32xf32, #tpu.memory_space<vmem_shared>>
      tpu.wait_dma2 semaphore(%run_scoped3A : memref<!tpu.dma_semaphore, #tpu.memory_space<semaphore_mem>>) src(%arg5 : memref<128x32xf32, #tpu.memory_space<hbm>>) dst(%dma_wait3A_213 : memref<128x32xf32, #tpu.memory_space<vmem_shared>>)
      tpu.yield
    }) : () -> ()
    %mul3A_6 = arith.constant 3328 : i32
    %mul3A_7 = arith.muli %arg1, %mul3A_6 : i32
    %add3A_8 = arith.constant 256 : i32
    %add3A_9 = arith.addi %mul3A_7, %add3A_8 : i32
    "tpu.region"() ({
      %run_scoped3A = tpu.sem_alloc : memref<!tpu.dma_semaphore, #tpu.memory_space<semaphore_mem>>
      %dma_start3A = arith.constant 0 : i32
      %dma_start3A_212 = tpu.memref_slice %arg12[%add3A_9, %dma_start3A] : memref<53248x32xf32, #tpu.memory_space<vmem_shared>> -> memref<128x32xf32, #tpu.memory_space<vmem_shared>>
      tpu.enqueue_dma source(%arg5 : memref<128x32xf32, #tpu.memory_space<hbm>>) target(%dma_start3A_212 : memref<128x32xf32, #tpu.memory_space<vmem_shared>>) target_semaphore(%run_scoped3A : memref<!tpu.dma_semaphore, #tpu.memory_space<semaphore_mem>>)
      %dma_wait3A = arith.constant 0 : i32
      %dma_wait3A_213 = tpu.memref_slice %arg12[%add3A_9, %dma_wait3A] : memref<53248x32xf32, #tpu.memory_space<vmem_shared>> -> memref<128x32xf32, #tpu.memory_space<vmem_shared>>
      tpu.wait_dma2 semaphore(%run_scoped3A : memref<!tpu.dma_semaphore, #tpu.memory_space<semaphore_mem>>) src(%arg5 : memref<128x32xf32, #tpu.memory_space<hbm>>) dst(%dma_wait3A_213 : memref<128x32xf32, #tpu.memory_space<vmem_shared>>)
      tpu.yield
    }) : () -> ()
    %mul3A_10 = arith.constant 3328 : i32
    %mul3A_11 = arith.muli %arg1, %mul3A_10 : i32
    %add3A_12 = arith.constant 384 : i32
    %add3A_13 = arith.addi %mul3A_11, %add3A_12 : i32
    "tpu.region"() ({
      %run_scoped3A = tpu.sem_alloc : memref<!tpu.dma_semaphore, #tpu.memory_space<semaphore_mem>>
      %dma_start3A = arith.constant 0 : i32
      %dma_start3A_212 = tpu.memref_slice %arg12[%add3A_13, %dma_start3A] : memref<53248x32xf32, #tpu.memory_space<vmem_shared>> -> memref<128x32xf32, #tpu.memory_space<vmem_shared>>
      tpu.enqueue_dma source(%arg5 : memref<128x32xf32, #tpu.memory_space<hbm>>) target(%dma_start3A_212 : memref<128x32xf32, #tpu.memory_space<vmem_shared>>) target_semaphore(%run_scoped3A : memref<!tpu.dma_semaphore, #tpu.memory_space<semaphore_mem>>)
      %dma_wait3A = arith.constant 0 : i32
      %dma_wait3A_213 = tpu.memref_slice %arg12[%add3A_13, %dma_wait3A] : memref<53248x32xf32, #tpu.memory_space<vmem_shared>> -> memref<128x32xf32, #tpu.memory_space<vmem_shared>>
      tpu.wait_dma2 semaphore(%run_scoped3A : memref<!tpu.dma_semaphore, #tpu.memory_space<semaphore_mem>>) src(%arg5 : memref<128x32xf32, #tpu.memory_space<hbm>>) dst(%dma_wait3A_213 : memref<128x32xf32, #tpu.memory_space<vmem_shared>>)
      tpu.yield
    }) : () -> ()
    %mul3A_14 = arith.constant 3328 : i32
    %mul3A_15 = arith.muli %arg1, %mul3A_14 : i32
    %add3A_16 = arith.constant 512 : i32
    %add3A_17 = arith.addi %mul3A_15, %add3A_16 : i32
    "tpu.region"() ({
      %run_scoped3A = tpu.sem_alloc : memref<!tpu.dma_semaphore, #tpu.memory_space<semaphore_mem>>
      %dma_start3A = arith.constant 0 : i32
      %dma_start3A_212 = tpu.memref_slice %arg12[%add3A_17, %dma_start3A] : memref<53248x32xf32, #tpu.memory_space<vmem_shared>> -> memref<128x32xf32, #tpu.memory_space<vmem_shared>>
      tpu.enqueue_dma source(%arg5 : memref<128x32xf32, #tpu.memory_space<hbm>>) target(%dma_start3A_212 : memref<128x32xf32, #tpu.memory_space<vmem_shared>>) target_semaphore(%run_scoped3A : memref<!tpu.dma_semaphore, #tpu.memory_space<semaphore_mem>>)
      %dma_wait3A = arith.constant 0 : i32
      %dma_wait3A_213 = tpu.memref_slice %arg12[%add3A_17, %dma_wait3A] : memref<53248x32xf32, #tpu.memory_space<vmem_shared>> -> memref<128x32xf32, #tpu.memory_space<vmem_shared>>
      tpu.wait_dma2 semaphore(%run_scoped3A : memref<!tpu.dma_semaphore, #tpu.memory_space<semaphore_mem>>) src(%arg5 : memref<128x32xf32, #tpu.memory_space<hbm>>) dst(%dma_wait3A_213 : memref<128x32xf32, #tpu.memory_space<vmem_shared>>)
      tpu.yield
    }) : () -> ()
    %mul3A_18 = arith.constant 3328 : i32
    %mul3A_19 = arith.muli %arg1, %mul3A_18 : i32
    %add3A_20 = arith.constant 640 : i32
    %add3A_21 = arith.addi %mul3A_19, %add3A_20 : i32
    "tpu.region"() ({
      %run_scoped3A = tpu.sem_alloc : memref<!tpu.dma_semaphore, #tpu.memory_space<semaphore_mem>>
      %dma_start3A = arith.constant 0 : i32
      %dma_start3A_212 = tpu.memref_slice %arg12[%add3A_21, %dma_start3A] : memref<53248x32xf32, #tpu.memory_space<vmem_shared>> -> memref<128x32xf32, #tpu.memory_space<vmem_shared>>
      tpu.enqueue_dma source(%arg5 : memref<128x32xf32, #tpu.memory_space<hbm>>) target(%dma_start3A_212 : memref<128x32xf32, #tpu.memory_space<vmem_shared>>) target_semaphore(%run_scoped3A : memref<!tpu.dma_semaphore, #tpu.memory_space<semaphore_mem>>)
      %dma_wait3A = arith.constant 0 : i32
      %dma_wait3A_213 = tpu.memref_slice %arg12[%add3A_21, %dma_wait3A] : memref<53248x32xf32, #tpu.memory_space<vmem_shared>> -> memref<128x32xf32, #tpu.memory_space<vmem_shared>>
      tpu.wait_dma2 semaphore(%run_scoped3A : memref<!tpu.dma_semaphore, #tpu.memory_space<semaphore_mem>>) src(%arg5 : memref<128x32xf32, #tpu.memory_space<hbm>>) dst(%dma_wait3A_213 : memref<128x32xf32, #tpu.memory_space<vmem_shared>>)
      tpu.yield
    }) : () -> ()
    %mul3A_22 = arith.constant 3328 : i32
    %mul3A_23 = arith.muli %arg1, %mul3A_22 : i32
    %add3A_24 = arith.constant 768 : i32
    %add3A_25 = arith.addi %mul3A_23, %add3A_24 : i32
    "tpu.region"() ({
      %run_scoped3A = tpu.sem_alloc : memref<!tpu.dma_semaphore, #tpu.memory_space<semaphore_mem>>
      %dma_start3A = arith.constant 0 : i32
      %dma_start3A_212 = tpu.memref_slice %arg12[%add3A_25, %dma_start3A] : memref<53248x32xf32, #tpu.memory_space<vmem_shared>> -> memref<128x32xf32, #tpu.memory_space<vmem_shared>>
      tpu.enqueue_dma source(%arg5 : memref<128x32xf32, #tpu.memory_space<hbm>>) target(%dma_start3A_212 : memref<128x32xf32, #tpu.memory_space<vmem_shared>>) target_semaphore(%run_scoped3A : memref<!tpu.dma_semaphore, #tpu.memory_space<semaphore_mem>>)
      %dma_wait3A = arith.constant 0 : i32
      %dma_wait3A_213 = tpu.memref_slice %arg12[%add3A_25, %dma_wait3A] : memref<53248x32xf32, #tpu.memory_space<vmem_shared>> -> memref<128x32xf32, #tpu.memory_space<vmem_shared>>
      tpu.wait_dma2 semaphore(%run_scoped3A : memref<!tpu.dma_semaphore, #tpu.memory_space<semaphore_mem>>) src(%arg5 : memref<128x32xf32, #tpu.memory_space<hbm>>) dst(%dma_wait3A_213 : memref<128x32xf32, #tpu.memory_space<vmem_shared>>)
      tpu.yield
    }) : () -> ()
    %mul3A_26 = arith.constant 3328 : i32
    %mul3A_27 = arith.muli %arg1, %mul3A_26 : i32
    %add3A_28 = arith.constant 896 : i32
    %add3A_29 = arith.addi %mul3A_27, %add3A_28 : i32
    "tpu.region"() ({
      %run_scoped3A = tpu.sem_alloc : memref<!tpu.dma_semaphore, #tpu.memory_space<semaphore_mem>>
      %dma_start3A = arith.constant 0 : i32
      %dma_start3A_212 = tpu.memref_slice %arg12[%add3A_29, %dma_start3A] : memref<53248x32xf32, #tpu.memory_space<vmem_shared>> -> memref<128x32xf32, #tpu.memory_space<vmem_shared>>
      tpu.enqueue_dma source(%arg5 : memref<128x32xf32, #tpu.memory_space<hbm>>) target(%dma_start3A_212 : memref<128x32xf32, #tpu.memory_space<vmem_shared>>) target_semaphore(%run_scoped3A : memref<!tpu.dma_semaphore, #tpu.memory_space<semaphore_mem>>)
      %dma_wait3A = arith.constant 0 : i32
      %dma_wait3A_213 = tpu.memref_slice %arg12[%add3A_29, %dma_wait3A] : memref<53248x32xf32, #tpu.memory_space<vmem_shared>> -> memref<128x32xf32, #tpu.memory_space<vmem_shared>>
      tpu.wait_dma2 semaphore(%run_scoped3A : memref<!tpu.dma_semaphore, #tpu.memory_space<semaphore_mem>>) src(%arg5 : memref<128x32xf32, #tpu.memory_space<hbm>>) dst(%dma_wait3A_213 : memref<128x32xf32, #tpu.memory_space<vmem_shared>>)
      tpu.yield
    }) : () -> ()
    %mul3A_30 = arith.constant 3328 : i32
    %mul3A_31 = arith.muli %arg1, %mul3A_30 : i32
    %add3A_32 = arith.constant 1024 : i32
    %add3A_33 = arith.addi %mul3A_31, %add3A_32 : i32
    "tpu.region"() ({
      %run_scoped3A = tpu.sem_alloc : memref<!tpu.dma_semaphore, #tpu.memory_space<semaphore_mem>>
      %dma_start3A = arith.constant 0 : i32
      %dma_start3A_212 = tpu.memref_slice %arg12[%add3A_33, %dma_start3A] : memref<53248x32xf32, #tpu.memory_space<vmem_shared>> -> memref<128x32xf32, #tpu.memory_space<vmem_shared>>
      tpu.enqueue_dma source(%arg5 : memref<128x32xf32, #tpu.memory_space<hbm>>) target(%dma_start3A_212 : memref<128x32xf32, #tpu.memory_space<vmem_shared>>) target_semaphore(%run_scoped3A : memref<!tpu.dma_semaphore, #tpu.memory_space<semaphore_mem>>)
      %dma_wait3A = arith.constant 0 : i32
      %dma_wait3A_213 = tpu.memref_slice %arg12[%add3A_33, %dma_wait3A] : memref<53248x32xf32, #tpu.memory_space<vmem_shared>> -> memref<128x32xf32, #tpu.memory_space<vmem_shared>>
      tpu.wait_dma2 semaphore(%run_scoped3A : memref<!tpu.dma_semaphore, #tpu.memory_space<semaphore_mem>>) src(%arg5 : memref<128x32xf32, #tpu.memory_space<hbm>>) dst(%dma_wait3A_213 : memref<128x32xf32, #tpu.memory_space<vmem_shared>>)
      tpu.yield
    }) : () -> ()
    %mul3A_34 = arith.constant 3328 : i32
    %mul3A_35 = arith.muli %arg1, %mul3A_34 : i32
    %add3A_36 = arith.constant 1152 : i32
    %add3A_37 = arith.addi %mul3A_35, %add3A_36 : i32
    "tpu.region"() ({
      %run_scoped3A = tpu.sem_alloc : memref<!tpu.dma_semaphore, #tpu.memory_space<semaphore_mem>>
      %dma_start3A = arith.constant 0 : i32
      %dma_start3A_212 = tpu.memref_slice %arg12[%add3A_37, %dma_start3A] : memref<53248x32xf32, #tpu.memory_space<vmem_shared>> -> memref<128x32xf32, #tpu.memory_space<vmem_shared>>
      tpu.enqueue_dma source(%arg5 : memref<128x32xf32, #tpu.memory_space<hbm>>) target(%dma_start3A_212 : memref<128x32xf32, #tpu.memory_space<vmem_shared>>) target_semaphore(%run_scoped3A : memref<!tpu.dma_semaphore, #tpu.memory_space<semaphore_mem>>)
      %dma_wait3A = arith.constant 0 : i32
      %dma_wait3A_213 = tpu.memref_slice %arg12[%add3A_37, %dma_wait3A] : memref<53248x32xf32, #tpu.memory_space<vmem_shared>> -> memref<128x32xf32, #tpu.memory_space<vmem_shared>>
      tpu.wait_dma2 semaphore(%run_scoped3A : memref<!tpu.dma_semaphore, #tpu.memory_space<semaphore_mem>>) src(%arg5 : memref<128x32xf32, #tpu.memory_space<hbm>>) dst(%dma_wait3A_213 : memref<128x32xf32, #tpu.memory_space<vmem_shared>>)
      tpu.yield
    }) : () -> ()
    %mul3A_38 = arith.constant 3328 : i32
    %mul3A_39 = arith.muli %arg1, %mul3A_38 : i32
    %add3A_40 = arith.constant 1280 : i32
    %add3A_41 = arith.addi %mul3A_39, %add3A_40 : i32
    "tpu.region"() ({
      %run_scoped3A = tpu.sem_alloc : memref<!tpu.dma_semaphore, #tpu.memory_space<semaphore_mem>>
      %dma_start3A = arith.constant 0 : i32
      %dma_start3A_212 = tpu.memref_slice %arg12[%add3A_41, %dma_start3A] : memref<53248x32xf32, #tpu.memory_space<vmem_shared>> -> memref<128x32xf32, #tpu.memory_space<vmem_shared>>
      tpu.enqueue_dma source(%arg5 : memref<128x32xf32, #tpu.memory_space<hbm>>) target(%dma_start3A_212 : memref<128x32xf32, #tpu.memory_space<vmem_shared>>) target_semaphore(%run_scoped3A : memref<!tpu.dma_semaphore, #tpu.memory_space<semaphore_mem>>)
      %dma_wait3A = arith.constant 0 : i32
      %dma_wait3A_213 = tpu.memref_slice %arg12[%add3A_41, %dma_wait3A] : memref<53248x32xf32, #tpu.memory_space<vmem_shared>> -> memref<128x32xf32, #tpu.memory_space<vmem_shared>>
      tpu.wait_dma2 semaphore(%run_scoped3A : memref<!tpu.dma_semaphore, #tpu.memory_space<semaphore_mem>>) src(%arg5 : memref<128x32xf32, #tpu.memory_space<hbm>>) dst(%dma_wait3A_213 : memref<128x32xf32, #tpu.memory_space<vmem_shared>>)
      tpu.yield
    }) : () -> ()
    %mul3A_42 = arith.constant 3328 : i32
    %mul3A_43 = arith.muli %arg1, %mul3A_42 : i32
    %add3A_44 = arith.constant 1408 : i32
    %add3A_45 = arith.addi %mul3A_43, %add3A_44 : i32
    "tpu.region"() ({
      %run_scoped3A = tpu.sem_alloc : memref<!tpu.dma_semaphore, #tpu.memory_space<semaphore_mem>>
      %dma_start3A = arith.constant 0 : i32
      %dma_start3A_212 = tpu.memref_slice %arg12[%add3A_45, %dma_start3A] : memref<53248x32xf32, #tpu.memory_space<vmem_shared>> -> memref<128x32xf32, #tpu.memory_space<vmem_shared>>
      tpu.enqueue_dma source(%arg5 : memref<128x32xf32, #tpu.memory_space<hbm>>) target(%dma_start3A_212 : memref<128x32xf32, #tpu.memory_space<vmem_shared>>) target_semaphore(%run_scoped3A : memref<!tpu.dma_semaphore, #tpu.memory_space<semaphore_mem>>)
      %dma_wait3A = arith.constant 0 : i32
      %dma_wait3A_213 = tpu.memref_slice %arg12[%add3A_45, %dma_wait3A] : memref<53248x32xf32, #tpu.memory_space<vmem_shared>> -> memref<128x32xf32, #tpu.memory_space<vmem_shared>>
      tpu.wait_dma2 semaphore(%run_scoped3A : memref<!tpu.dma_semaphore, #tpu.memory_space<semaphore_mem>>) src(%arg5 : memref<128x32xf32, #tpu.memory_space<hbm>>) dst(%dma_wait3A_213 : memref<128x32xf32, #tpu.memory_space<vmem_shared>>)
      tpu.yield
    }) : () -> ()
    %mul3A_46 = arith.constant 3328 : i32
    %mul3A_47 = arith.muli %arg1, %mul3A_46 : i32
    %add3A_48 = arith.constant 1536 : i32
    %add3A_49 = arith.addi %mul3A_47, %add3A_48 : i32
    "tpu.region"() ({
      %run_scoped3A = tpu.sem_alloc : memref<!tpu.dma_semaphore, #tpu.memory_space<semaphore_mem>>
      %dma_start3A = arith.constant 0 : i32
      %dma_start3A_212 = tpu.memref_slice %arg12[%add3A_49, %dma_start3A] : memref<53248x32xf32, #tpu.memory_space<vmem_shared>> -> memref<128x32xf32, #tpu.memory_space<vmem_shared>>
      tpu.enqueue_dma source(%arg5 : memref<128x32xf32, #tpu.memory_space<hbm>>) target(%dma_start3A_212 : memref<128x32xf32, #tpu.memory_space<vmem_shared>>) target_semaphore(%run_scoped3A : memref<!tpu.dma_semaphore, #tpu.memory_space<semaphore_mem>>)
      %dma_wait3A = arith.constant 0 : i32
      %dma_wait3A_213 = tpu.memref_slice %arg12[%add3A_49, %dma_wait3A] : memref<53248x32xf32, #tpu.memory_space<vmem_shared>> -> memref<128x32xf32, #tpu.memory_space<vmem_shared>>
      tpu.wait_dma2 semaphore(%run_scoped3A : memref<!tpu.dma_semaphore, #tpu.memory_space<semaphore_mem>>) src(%arg5 : memref<128x32xf32, #tpu.memory_space<hbm>>) dst(%dma_wait3A_213 : memref<128x32xf32, #tpu.memory_space<vmem_shared>>)
      tpu.yield
    }) : () -> ()
    %mul3A_50 = arith.constant 3328 : i32
    %mul3A_51 = arith.muli %arg1, %mul3A_50 : i32
    %add3A_52 = arith.constant 1664 : i32
    %add3A_53 = arith.addi %mul3A_51, %add3A_52 : i32
    "tpu.region"() ({
      %run_scoped3A = tpu.sem_alloc : memref<!tpu.dma_semaphore, #tpu.memory_space<semaphore_mem>>
      %dma_start3A = arith.constant 0 : i32
      %dma_start3A_212 = tpu.memref_slice %arg12[%add3A_53, %dma_start3A] : memref<53248x32xf32, #tpu.memory_space<vmem_shared>> -> memref<128x32xf32, #tpu.memory_space<vmem_shared>>
      tpu.enqueue_dma source(%arg5 : memref<128x32xf32, #tpu.memory_space<hbm>>) target(%dma_start3A_212 : memref<128x32xf32, #tpu.memory_space<vmem_shared>>) target_semaphore(%run_scoped3A : memref<!tpu.dma_semaphore, #tpu.memory_space<semaphore_mem>>)
      %dma_wait3A = arith.constant 0 : i32
      %dma_wait3A_213 = tpu.memref_slice %arg12[%add3A_53, %dma_wait3A] : memref<53248x32xf32, #tpu.memory_space<vmem_shared>> -> memref<128x32xf32, #tpu.memory_space<vmem_shared>>
      tpu.wait_dma2 semaphore(%run_scoped3A : memref<!tpu.dma_semaphore, #tpu.memory_space<semaphore_mem>>) src(%arg5 : memref<128x32xf32, #tpu.memory_space<hbm>>) dst(%dma_wait3A_213 : memref<128x32xf32, #tpu.memory_space<vmem_shared>>)
      tpu.yield
    }) : () -> ()
    %mul3A_54 = arith.constant 3328 : i32
    %mul3A_55 = arith.muli %arg1, %mul3A_54 : i32
    %add3A_56 = arith.constant 1792 : i32
    %add3A_57 = arith.addi %mul3A_55, %add3A_56 : i32
    "tpu.region"() ({
      %run_scoped3A = tpu.sem_alloc : memref<!tpu.dma_semaphore, #tpu.memory_space<semaphore_mem>>
      %dma_start3A = arith.constant 0 : i32
      %dma_start3A_212 = tpu.memref_slice %arg12[%add3A_57, %dma_start3A] : memref<53248x32xf32, #tpu.memory_space<vmem_shared>> -> memref<128x32xf32, #tpu.memory_space<vmem_shared>>
      tpu.enqueue_dma source(%arg5 : memref<128x32xf32, #tpu.memory_space<hbm>>) target(%dma_start3A_212 : memref<128x32xf32, #tpu.memory_space<vmem_shared>>) target_semaphore(%run_scoped3A : memref<!tpu.dma_semaphore, #tpu.memory_space<semaphore_mem>>)
      %dma_wait3A = arith.constant 0 : i32
      %dma_wait3A_213 = tpu.memref_slice %arg12[%add3A_57, %dma_wait3A] : memref<53248x32xf32, #tpu.memory_space<vmem_shared>> -> memref<128x32xf32, #tpu.memory_space<vmem_shared>>
      tpu.wait_dma2 semaphore(%run_scoped3A : memref<!tpu.dma_semaphore, #tpu.memory_space<semaphore_mem>>) src(%arg5 : memref<128x32xf32, #tpu.memory_space<hbm>>) dst(%dma_wait3A_213 : memref<128x32xf32, #tpu.memory_space<vmem_shared>>)
      tpu.yield
    }) : () -> ()
    %mul3A_58 = arith.constant 3328 : i32
    %mul3A_59 = arith.muli %arg1, %mul3A_58 : i32
    %add3A_60 = arith.constant 1920 : i32
    %add3A_61 = arith.addi %mul3A_59, %add3A_60 : i32
    "tpu.region"() ({
      %run_scoped3A = tpu.sem_alloc : memref<!tpu.dma_semaphore, #tpu.memory_space<semaphore_mem>>
      %dma_start3A = arith.constant 0 : i32
      %dma_start3A_212 = tpu.memref_slice %arg12[%add3A_61, %dma_start3A] : memref<53248x32xf32, #tpu.memory_space<vmem_shared>> -> memref<128x32xf32, #tpu.memory_space<vmem_shared>>
      tpu.enqueue_dma source(%arg5 : memref<128x32xf32, #tpu.memory_space<hbm>>) target(%dma_start3A_212 : memref<128x32xf32, #tpu.memory_space<vmem_shared>>) target_semaphore(%run_scoped3A : memref<!tpu.dma_semaphore, #tpu.memory_space<semaphore_mem>>)
      %dma_wait3A = arith.constant 0 : i32
      %dma_wait3A_213 = tpu.memref_slice %arg12[%add3A_61, %dma_wait3A] : memref<53248x32xf32, #tpu.memory_space<vmem_shared>> -> memref<128x32xf32, #tpu.memory_space<vmem_shared>>
      tpu.wait_dma2 semaphore(%run_scoped3A : memref<!tpu.dma_semaphore, #tpu.memory_space<semaphore_mem>>) src(%arg5 : memref<128x32xf32, #tpu.memory_space<hbm>>) dst(%dma_wait3A_213 : memref<128x32xf32, #tpu.memory_space<vmem_shared>>)
      tpu.yield
    }) : () -> ()
    %mul3A_62 = arith.constant 3328 : i32
    %mul3A_63 = arith.muli %arg1, %mul3A_62 : i32
    %add3A_64 = arith.constant 2048 : i32
    %add3A_65 = arith.addi %mul3A_63, %add3A_64 : i32
    "tpu.region"() ({
      %run_scoped3A = tpu.sem_alloc : memref<!tpu.dma_semaphore, #tpu.memory_space<semaphore_mem>>
      %dma_start3A = arith.constant 0 : i32
      %dma_start3A_212 = tpu.memref_slice %arg12[%add3A_65, %dma_start3A] : memref<53248x32xf32, #tpu.memory_space<vmem_shared>> -> memref<128x32xf32, #tpu.memory_space<vmem_shared>>
      tpu.enqueue_dma source(%arg5 : memref<128x32xf32, #tpu.memory_space<hbm>>) target(%dma_start3A_212 : memref<128x32xf32, #tpu.memory_space<vmem_shared>>) target_semaphore(%run_scoped3A : memref<!tpu.dma_semaphore, #tpu.memory_space<semaphore_mem>>)
      %dma_wait3A = arith.constant 0 : i32
      %dma_wait3A_213 = tpu.memref_slice %arg12[%add3A_65, %dma_wait3A] : memref<53248x32xf32, #tpu.memory_space<vmem_shared>> -> memref<128x32xf32, #tpu.memory_space<vmem_shared>>
      tpu.wait_dma2 semaphore(%run_scoped3A : memref<!tpu.dma_semaphore, #tpu.memory_space<semaphore_mem>>) src(%arg5 : memref<128x32xf32, #tpu.memory_space<hbm>>) dst(%dma_wait3A_213 : memref<128x32xf32, #tpu.memory_space<vmem_shared>>)
      tpu.yield
    }) : () -> ()
    %mul3A_66 = arith.constant 3328 : i32
    %mul3A_67 = arith.muli %arg1, %mul3A_66 : i32
    %add3A_68 = arith.constant 2176 : i32
    %add3A_69 = arith.addi %mul3A_67, %add3A_68 : i32
    "tpu.region"() ({
      %run_scoped3A = tpu.sem_alloc : memref<!tpu.dma_semaphore, #tpu.memory_space<semaphore_mem>>
      %dma_start3A = arith.constant 0 : i32
      %dma_start3A_212 = tpu.memref_slice %arg12[%add3A_69, %dma_start3A] : memref<53248x32xf32, #tpu.memory_space<vmem_shared>> -> memref<128x32xf32, #tpu.memory_space<vmem_shared>>
      tpu.enqueue_dma source(%arg5 : memref<128x32xf32, #tpu.memory_space<hbm>>) target(%dma_start3A_212 : memref<128x32xf32, #tpu.memory_space<vmem_shared>>) target_semaphore(%run_scoped3A : memref<!tpu.dma_semaphore, #tpu.memory_space<semaphore_mem>>)
      %dma_wait3A = arith.constant 0 : i32
      %dma_wait3A_213 = tpu.memref_slice %arg12[%add3A_69, %dma_wait3A] : memref<53248x32xf32, #tpu.memory_space<vmem_shared>> -> memref<128x32xf32, #tpu.memory_space<vmem_shared>>
      tpu.wait_dma2 semaphore(%run_scoped3A : memref<!tpu.dma_semaphore, #tpu.memory_space<semaphore_mem>>) src(%arg5 : memref<128x32xf32, #tpu.memory_space<hbm>>) dst(%dma_wait3A_213 : memref<128x32xf32, #tpu.memory_space<vmem_shared>>)
      tpu.yield
    }) : () -> ()
    %mul3A_70 = arith.constant 3328 : i32
    %mul3A_71 = arith.muli %arg1, %mul3A_70 : i32
    %add3A_72 = arith.constant 2304 : i32
    %add3A_73 = arith.addi %mul3A_71, %add3A_72 : i32
    "tpu.region"() ({
      %run_scoped3A = tpu.sem_alloc : memref<!tpu.dma_semaphore, #tpu.memory_space<semaphore_mem>>
      %dma_start3A = arith.constant 0 : i32
      %dma_start3A_212 = tpu.memref_slice %arg12[%add3A_73, %dma_start3A] : memref<53248x32xf32, #tpu.memory_space<vmem_shared>> -> memref<128x32xf32, #tpu.memory_space<vmem_shared>>
      tpu.enqueue_dma source(%arg5 : memref<128x32xf32, #tpu.memory_space<hbm>>) target(%dma_start3A_212 : memref<128x32xf32, #tpu.memory_space<vmem_shared>>) target_semaphore(%run_scoped3A : memref<!tpu.dma_semaphore, #tpu.memory_space<semaphore_mem>>)
      %dma_wait3A = arith.constant 0 : i32
      %dma_wait3A_213 = tpu.memref_slice %arg12[%add3A_73, %dma_wait3A] : memref<53248x32xf32, #tpu.memory_space<vmem_shared>> -> memref<128x32xf32, #tpu.memory_space<vmem_shared>>
      tpu.wait_dma2 semaphore(%run_scoped3A : memref<!tpu.dma_semaphore, #tpu.memory_space<semaphore_mem>>) src(%arg5 : memref<128x32xf32, #tpu.memory_space<hbm>>) dst(%dma_wait3A_213 : memref<128x32xf32, #tpu.memory_space<vmem_shared>>)
      tpu.yield
    }) : () -> ()
    %mul3A_74 = arith.constant 3328 : i32
    %mul3A_75 = arith.muli %arg1, %mul3A_74 : i32
    %add3A_76 = arith.constant 2432 : i32
    %add3A_77 = arith.addi %mul3A_75, %add3A_76 : i32
    "tpu.region"() ({
      %run_scoped3A = tpu.sem_alloc : memref<!tpu.dma_semaphore, #tpu.memory_space<semaphore_mem>>
      %dma_start3A = arith.constant 0 : i32
      %dma_start3A_212 = tpu.memref_slice %arg12[%add3A_77, %dma_start3A] : memref<53248x32xf32, #tpu.memory_space<vmem_shared>> -> memref<128x32xf32, #tpu.memory_space<vmem_shared>>
      tpu.enqueue_dma source(%arg5 : memref<128x32xf32, #tpu.memory_space<hbm>>) target(%dma_start3A_212 : memref<128x32xf32, #tpu.memory_space<vmem_shared>>) target_semaphore(%run_scoped3A : memref<!tpu.dma_semaphore, #tpu.memory_space<semaphore_mem>>)
      %dma_wait3A = arith.constant 0 : i32
      %dma_wait3A_213 = tpu.memref_slice %arg12[%add3A_77, %dma_wait3A] : memref<53248x32xf32, #tpu.memory_space<vmem_shared>> -> memref<128x32xf32, #tpu.memory_space<vmem_shared>>
      tpu.wait_dma2 semaphore(%run_scoped3A : memref<!tpu.dma_semaphore, #tpu.memory_space<semaphore_mem>>) src(%arg5 : memref<128x32xf32, #tpu.memory_space<hbm>>) dst(%dma_wait3A_213 : memref<128x32xf32, #tpu.memory_space<vmem_shared>>)
      tpu.yield
    }) : () -> ()
    %mul3A_78 = arith.constant 3328 : i32
    %mul3A_79 = arith.muli %arg1, %mul3A_78 : i32
    %add3A_80 = arith.constant 2560 : i32
    %add3A_81 = arith.addi %mul3A_79, %add3A_80 : i32
    "tpu.region"() ({
      %run_scoped3A = tpu.sem_alloc : memref<!tpu.dma_semaphore, #tpu.memory_space<semaphore_mem>>
      %dma_start3A = arith.constant 0 : i32
      %dma_start3A_212 = tpu.memref_slice %arg12[%add3A_81, %dma_start3A] : memref<53248x32xf32, #tpu.memory_space<vmem_shared>> -> memref<128x32xf32, #tpu.memory_space<vmem_shared>>
      tpu.enqueue_dma source(%arg5 : memref<128x32xf32, #tpu.memory_space<hbm>>) target(%dma_start3A_212 : memref<128x32xf32, #tpu.memory_space<vmem_shared>>) target_semaphore(%run_scoped3A : memref<!tpu.dma_semaphore, #tpu.memory_space<semaphore_mem>>)
      %dma_wait3A = arith.constant 0 : i32
      %dma_wait3A_213 = tpu.memref_slice %arg12[%add3A_81, %dma_wait3A] : memref<53248x32xf32, #tpu.memory_space<vmem_shared>> -> memref<128x32xf32, #tpu.memory_space<vmem_shared>>
      tpu.wait_dma2 semaphore(%run_scoped3A : memref<!tpu.dma_semaphore, #tpu.memory_space<semaphore_mem>>) src(%arg5 : memref<128x32xf32, #tpu.memory_space<hbm>>) dst(%dma_wait3A_213 : memref<128x32xf32, #tpu.memory_space<vmem_shared>>)
      tpu.yield
    }) : () -> ()
    %mul3A_82 = arith.constant 3328 : i32
    %mul3A_83 = arith.muli %arg1, %mul3A_82 : i32
    %add3A_84 = arith.constant 2688 : i32
    %add3A_85 = arith.addi %mul3A_83, %add3A_84 : i32
    "tpu.region"() ({
      %run_scoped3A = tpu.sem_alloc : memref<!tpu.dma_semaphore, #tpu.memory_space<semaphore_mem>>
      %dma_start3A = arith.constant 0 : i32
      %dma_start3A_212 = tpu.memref_slice %arg12[%add3A_85, %dma_start3A] : memref<53248x32xf32, #tpu.memory_space<vmem_shared>> -> memref<128x32xf32, #tpu.memory_space<vmem_shared>>
      tpu.enqueue_dma source(%arg5 : memref<128x32xf32, #tpu.memory_space<hbm>>) target(%dma_start3A_212 : memref<128x32xf32, #tpu.memory_space<vmem_shared>>) target_semaphore(%run_scoped3A : memref<!tpu.dma_semaphore, #tpu.memory_space<semaphore_mem>>)
      %dma_wait3A = arith.constant 0 : i32
      %dma_wait3A_213 = tpu.memref_slice %arg12[%add3A_85, %dma_wait3A] : memref<53248x32xf32, #tpu.memory_space<vmem_shared>> -> memref<128x32xf32, #tpu.memory_space<vmem_shared>>
      tpu.wait_dma2 semaphore(%run_scoped3A : memref<!tpu.dma_semaphore, #tpu.memory_space<semaphore_mem>>) src(%arg5 : memref<128x32xf32, #tpu.memory_space<hbm>>) dst(%dma_wait3A_213 : memref<128x32xf32, #tpu.memory_space<vmem_shared>>)
      tpu.yield
    }) : () -> ()
    %mul3A_86 = arith.constant 3328 : i32
    %mul3A_87 = arith.muli %arg1, %mul3A_86 : i32
    %add3A_88 = arith.constant 2816 : i32
    %add3A_89 = arith.addi %mul3A_87, %add3A_88 : i32
    "tpu.region"() ({
      %run_scoped3A = tpu.sem_alloc : memref<!tpu.dma_semaphore, #tpu.memory_space<semaphore_mem>>
      %dma_start3A = arith.constant 0 : i32
      %dma_start3A_212 = tpu.memref_slice %arg12[%add3A_89, %dma_start3A] : memref<53248x32xf32, #tpu.memory_space<vmem_shared>> -> memref<128x32xf32, #tpu.memory_space<vmem_shared>>
      tpu.enqueue_dma source(%arg5 : memref<128x32xf32, #tpu.memory_space<hbm>>) target(%dma_start3A_212 : memref<128x32xf32, #tpu.memory_space<vmem_shared>>) target_semaphore(%run_scoped3A : memref<!tpu.dma_semaphore, #tpu.memory_space<semaphore_mem>>)
      %dma_wait3A = arith.constant 0 : i32
      %dma_wait3A_213 = tpu.memref_slice %arg12[%add3A_89, %dma_wait3A] : memref<53248x32xf32, #tpu.memory_space<vmem_shared>> -> memref<128x32xf32, #tpu.memory_space<vmem_shared>>
      tpu.wait_dma2 semaphore(%run_scoped3A : memref<!tpu.dma_semaphore, #tpu.memory_space<semaphore_mem>>) src(%arg5 : memref<128x32xf32, #tpu.memory_space<hbm>>) dst(%dma_wait3A_213 : memref<128x32xf32, #tpu.memory_space<vmem_shared>>)
      tpu.yield
    }) : () -> ()
    %mul3A_90 = arith.constant 3328 : i32
    %mul3A_91 = arith.muli %arg1, %mul3A_90 : i32
    %add3A_92 = arith.constant 2944 : i32
    %add3A_93 = arith.addi %mul3A_91, %add3A_92 : i32
    "tpu.region"() ({
      %run_scoped3A = tpu.sem_alloc : memref<!tpu.dma_semaphore, #tpu.memory_space<semaphore_mem>>
      %dma_start3A = arith.constant 0 : i32
      %dma_start3A_212 = tpu.memref_slice %arg12[%add3A_93, %dma_start3A] : memref<53248x32xf32, #tpu.memory_space<vmem_shared>> -> memref<128x32xf32, #tpu.memory_space<vmem_shared>>
      tpu.enqueue_dma source(%arg5 : memref<128x32xf32, #tpu.memory_space<hbm>>) target(%dma_start3A_212 : memref<128x32xf32, #tpu.memory_space<vmem_shared>>) target_semaphore(%run_scoped3A : memref<!tpu.dma_semaphore, #tpu.memory_space<semaphore_mem>>)
      %dma_wait3A = arith.constant 0 : i32
      %dma_wait3A_213 = tpu.memref_slice %arg12[%add3A_93, %dma_wait3A] : memref<53248x32xf32, #tpu.memory_space<vmem_shared>> -> memref<128x32xf32, #tpu.memory_space<vmem_shared>>
      tpu.wait_dma2 semaphore(%run_scoped3A : memref<!tpu.dma_semaphore, #tpu.memory_space<semaphore_mem>>) src(%arg5 : memref<128x32xf32, #tpu.memory_space<hbm>>) dst(%dma_wait3A_213 : memref<128x32xf32, #tpu.memory_space<vmem_shared>>)
      tpu.yield
    }) : () -> ()
    %mul3A_94 = arith.constant 3328 : i32
    %mul3A_95 = arith.muli %arg1, %mul3A_94 : i32
    %add3A_96 = arith.constant 3072 : i32
    %add3A_97 = arith.addi %mul3A_95, %add3A_96 : i32
    "tpu.region"() ({
      %run_scoped3A = tpu.sem_alloc : memref<!tpu.dma_semaphore, #tpu.memory_space<semaphore_mem>>
      %dma_start3A = arith.constant 0 : i32
      %dma_start3A_212 = tpu.memref_slice %arg12[%add3A_97, %dma_start3A] : memref<53248x32xf32, #tpu.memory_space<vmem_shared>> -> memref<128x32xf32, #tpu.memory_space<vmem_shared>>
      tpu.enqueue_dma source(%arg5 : memref<128x32xf32, #tpu.memory_space<hbm>>) target(%dma_start3A_212 : memref<128x32xf32, #tpu.memory_space<vmem_shared>>) target_semaphore(%run_scoped3A : memref<!tpu.dma_semaphore, #tpu.memory_space<semaphore_mem>>)
      %dma_wait3A = arith.constant 0 : i32
      %dma_wait3A_213 = tpu.memref_slice %arg12[%add3A_97, %dma_wait3A] : memref<53248x32xf32, #tpu.memory_space<vmem_shared>> -> memref<128x32xf32, #tpu.memory_space<vmem_shared>>
      tpu.wait_dma2 semaphore(%run_scoped3A : memref<!tpu.dma_semaphore, #tpu.memory_space<semaphore_mem>>) src(%arg5 : memref<128x32xf32, #tpu.memory_space<hbm>>) dst(%dma_wait3A_213 : memref<128x32xf32, #tpu.memory_space<vmem_shared>>)
      tpu.yield
    }) : () -> ()
    %mul3A_98 = arith.constant 3328 : i32
    %mul3A_99 = arith.muli %arg1, %mul3A_98 : i32
    %add3A_100 = arith.constant 3200 : i32
    %add3A_101 = arith.addi %mul3A_99, %add3A_100 : i32
    "tpu.region"() ({
      %run_scoped3A = tpu.sem_alloc : memref<!tpu.dma_semaphore, #tpu.memory_space<semaphore_mem>>
      %dma_start3A = arith.constant 0 : i32
      %dma_start3A_212 = tpu.memref_slice %arg12[%add3A_101, %dma_start3A] : memref<53248x32xf32, #tpu.memory_space<vmem_shared>> -> memref<128x32xf32, #tpu.memory_space<vmem_shared>>
      tpu.enqueue_dma source(%arg5 : memref<128x32xf32, #tpu.memory_space<hbm>>) target(%dma_start3A_212 : memref<128x32xf32, #tpu.memory_space<vmem_shared>>) target_semaphore(%run_scoped3A : memref<!tpu.dma_semaphore, #tpu.memory_space<semaphore_mem>>)
      %dma_wait3A = arith.constant 0 : i32
      %dma_wait3A_213 = tpu.memref_slice %arg12[%add3A_101, %dma_wait3A] : memref<53248x32xf32, #tpu.memory_space<vmem_shared>> -> memref<128x32xf32, #tpu.memory_space<vmem_shared>>
      tpu.wait_dma2 semaphore(%run_scoped3A : memref<!tpu.dma_semaphore, #tpu.memory_space<semaphore_mem>>) src(%arg5 : memref<128x32xf32, #tpu.memory_space<hbm>>) dst(%dma_wait3A_213 : memref<128x32xf32, #tpu.memory_space<vmem_shared>>)
      tpu.yield
    }) : () -> ()
    %barrier3A = arith.constant 0 : index
    tpu.barrier barrier_id(%barrier3A)
    %scan3A = arith.constant 0 : i32
    %scan3A_102 = arith.constant 0 : i32
    %scan3A_103 = arith.constant 10 : i32
    %scan3A_104 = arith.addi %scan3A_102, %scan3A_103 : i32
    %scan3A_105 = arith.constant 1 : i32
    scf.for %scan3A_212 = %scan3A_102 to %scan3A_104 step %scan3A_105  : i32 {
      %mul3A_213 = arith.constant 40 : i32
      %mul3A_214 = arith.muli %scan3A_212, %mul3A_213 : i32
      %dma_start3A = arith.constant 0 : i32
      %dma_start3A_215 = tpu.memref_slice %arg3[%arg1, %mul3A_214, %dma_start3A] : memref<16x400x128xi32, #tpu.memory_space<hbm>> -> memref<1x40x128xi32, #tpu.memory_space<hbm>>
      %dma_start3A_216 = tpu.memref_squeeze %dma_start3A_215 : memref<1x40x128xi32, #tpu.memory_space<hbm>> -> memref<40x128xi32, #tpu.memory_space<hbm>>
      %dma_start3A_217 = arith.constant 0 : i32
      %dma_start3A_218 = tpu.memref_slice %arg3[%arg1, %mul3A_214, %dma_start3A_217] : memref<16x400x128xi32, #tpu.memory_space<hbm>> -> memref<1x40x128xi32, #tpu.memory_space<hbm>>
      %dma_start3A_219 = tpu.memref_squeeze %dma_start3A_218 : memref<1x40x128xi32, #tpu.memory_space<hbm>> -> memref<40x128xi32, #tpu.memory_space<hbm>>
      tpu.enqueue_dma source(%dma_start3A_219 : memref<40x128xi32, #tpu.memory_space<hbm>>) target(%arg7 : memref<40x128xi32, #tpu.memory_space<vmem>>) target_semaphore(%arg13 : memref<!tpu.dma_semaphore, #tpu.memory_space<semaphore_mem>>)
      %mul3A_220 = arith.constant 40 : i32
      %mul3A_221 = arith.muli %scan3A_212, %mul3A_220 : i32
      %dma_start3A_222 = arith.constant 0 : i32
      %dma_start3A_223 = tpu.memref_slice %arg4[%arg1, %mul3A_221, %dma_start3A_222] : memref<16x400x128xi32, #tpu.memory_space<hbm>> -> memref<1x40x128xi32, #tpu.memory_space<hbm>>
      %dma_start3A_224 = tpu.memref_squeeze %dma_start3A_223 : memref<1x40x128xi32, #tpu.memory_space<hbm>> -> memref<40x128xi32, #tpu.memory_space<hbm>>
      %dma_start3A_225 = arith.constant 0 : i32
      %dma_start3A_226 = tpu.memref_slice %arg4[%arg1, %mul3A_221, %dma_start3A_225] : memref<16x400x128xi32, #tpu.memory_space<hbm>> -> memref<1x40x128xi32, #tpu.memory_space<hbm>>
      %dma_start3A_227 = tpu.memref_squeeze %dma_start3A_226 : memref<1x40x128xi32, #tpu.memory_space<hbm>> -> memref<40x128xi32, #tpu.memory_space<hbm>>
      tpu.enqueue_dma source(%dma_start3A_227 : memref<40x128xi32, #tpu.memory_space<hbm>>) target(%arg8 : memref<40x128xi32, #tpu.memory_space<vmem>>) target_semaphore(%arg14 : memref<!tpu.dma_semaphore, #tpu.memory_space<semaphore_mem>>)
      %dma_wait3A = arith.constant 0 : i32
      %dma_wait3A_228 = tpu.memref_slice %arg3[%arg1, %mul3A_214, %dma_wait3A] : memref<16x400x128xi32, #tpu.memory_space<hbm>> -> memref<1x40x128xi32, #tpu.memory_space<hbm>>
      %dma_wait3A_229 = tpu.memref_squeeze %dma_wait3A_228 : memref<1x40x128xi32, #tpu.memory_space<hbm>> -> memref<40x128xi32, #tpu.memory_space<hbm>>
      %dma_wait3A_230 = arith.constant 0 : i32
      %dma_wait3A_231 = tpu.memref_slice %arg3[%arg1, %mul3A_214, %dma_wait3A_230] : memref<16x400x128xi32, #tpu.memory_space<hbm>> -> memref<1x40x128xi32, #tpu.memory_space<hbm>>
      %dma_wait3A_232 = tpu.memref_squeeze %dma_wait3A_231 : memref<1x40x128xi32, #tpu.memory_space<hbm>> -> memref<40x128xi32, #tpu.memory_space<hbm>>
      tpu.wait_dma2 semaphore(%arg13 : memref<!tpu.dma_semaphore, #tpu.memory_space<semaphore_mem>>) src(%dma_wait3A_232 : memref<40x128xi32, #tpu.memory_space<hbm>>) dst(%arg7 : memref<40x128xi32, #tpu.memory_space<vmem>>)
      %dma_start3A_233 = arith.constant 0 : i32
      %dma_start3A_234 = arith.constant 0 : i32
      %dma_start3A_235 = tpu.memref_slice %arg7[%dma_start3A_233, %dma_start3A_234] : memref<40x128xi32, #tpu.memory_space<vmem>> -> memref<1x128xi32, #tpu.memory_space<vmem>>
      %dma_start3A_236 = tpu.memref_squeeze %dma_start3A_235 : memref<1x128xi32, #tpu.memory_space<vmem>> -> memref<128xi32, #tpu.memory_space<vmem>>
      %dma_start3A_237 = arith.constant 0 : i32
      %dma_start3A_238 = arith.constant 0 : i32
      %dma_start3A_239 = tpu.memref_slice %arg2[%arg0, %dma_start3A_237, %dma_start3A_238] : memref<2x53248x32xf32, #tpu.memory_space<hbm>> -> memref<1x53248x32xf32, #tpu.memory_space<hbm>>
      %dma_start3A_240 = tpu.memref_squeeze %dma_start3A_239 : memref<1x53248x32xf32, #tpu.memory_space<hbm>> -> memref<53248x32xf32, #tpu.memory_space<hbm>>
      %dma_start3A_241 = arith.constant 0 : i32
      %dma_start3A_242 = arith.constant 0 : i32
      %dma_start3A_243 = tpu.memref_slice %dma_start3A_240[%dma_start3A_241, %dma_start3A_242] : memref<53248x32xf32, #tpu.memory_space<hbm>> -> memref<53248x32xf32, #tpu.memory_space<hbm>>
      tpu.enqueue_indirect_dma source(%dma_start3A_243 : memref<53248x32xf32, #tpu.memory_space<hbm>>) target(%arg9 : memref<128x32xf32, #tpu.memory_space<vmem>>) offsets(%dma_start3A_236 : memref<128xi32, #tpu.memory_space<vmem>>) semaphore(%arg15 : memref<!tpu.dma_semaphore, #tpu.memory_space<semaphore_mem>>)
      %dma_start3A_244 = arith.constant 1 : i32
      %dma_start3A_245 = arith.constant 0 : i32
      %dma_start3A_246 = tpu.memref_slice %arg7[%dma_start3A_244, %dma_start3A_245] : memref<40x128xi32, #tpu.memory_space<vmem>> -> memref<1x128xi32, #tpu.memory_space<vmem>>
      %dma_start3A_247 = tpu.memref_squeeze %dma_start3A_246 : memref<1x128xi32, #tpu.memory_space<vmem>> -> memref<128xi32, #tpu.memory_space<vmem>>
      %dma_start3A_248 = arith.constant 0 : i32
      %dma_start3A_249 = arith.constant 0 : i32
      %dma_start3A_250 = tpu.memref_slice %arg2[%arg0, %dma_start3A_248, %dma_start3A_249] : memref<2x53248x32xf32, #tpu.memory_space<hbm>> -> memref<1x53248x32xf32, #tpu.memory_space<hbm>>
      %dma_start3A_251 = tpu.memref_squeeze %dma_start3A_250 : memref<1x53248x32xf32, #tpu.memory_space<hbm>> -> memref<53248x32xf32, #tpu.memory_space<hbm>>
      %dma_start3A_252 = arith.constant 0 : i32
      %dma_start3A_253 = arith.constant 0 : i32
      %dma_start3A_254 = tpu.memref_slice %dma_start3A_251[%dma_start3A_252, %dma_start3A_253] : memref<53248x32xf32, #tpu.memory_space<hbm>> -> memref<53248x32xf32, #tpu.memory_space<hbm>>
      tpu.enqueue_indirect_dma source(%dma_start3A_254 : memref<53248x32xf32, #tpu.memory_space<hbm>>) target(%arg10 : memref<128x32xf32, #tpu.memory_space<vmem>>) offsets(%dma_start3A_247 : memref<128xi32, #tpu.memory_space<vmem>>) semaphore(%arg16 : memref<!tpu.dma_semaphore, #tpu.memory_space<semaphore_mem>>)
      %dma_wait3A_255 = arith.constant 0 : i32
      %dma_wait3A_256 = tpu.memref_slice %arg4[%arg1, %mul3A_221, %dma_wait3A_255] : memref<16x400x128xi32, #tpu.memory_space<hbm>> -> memref<1x40x128xi32, #tpu.memory_space<hbm>>
      %dma_wait3A_257 = tpu.memref_squeeze %dma_wait3A_256 : memref<1x40x128xi32, #tpu.memory_space<hbm>> -> memref<40x128xi32, #tpu.memory_space<hbm>>
      %dma_wait3A_258 = arith.constant 0 : i32
      %dma_wait3A_259 = tpu.memref_slice %arg4[%arg1, %mul3A_221, %dma_wait3A_258] : memref<16x400x128xi32, #tpu.memory_space<hbm>> -> memref<1x40x128xi32, #tpu.memory_space<hbm>>
      %dma_wait3A_260 = tpu.memref_squeeze %dma_wait3A_259 : memref<1x40x128xi32, #tpu.memory_space<hbm>> -> memref<40x128xi32, #tpu.memory_space<hbm>>
      tpu.wait_dma2 semaphore(%arg14 : memref<!tpu.dma_semaphore, #tpu.memory_space<semaphore_mem>>) src(%dma_wait3A_260 : memref<40x128xi32, #tpu.memory_space<hbm>>) dst(%arg8 : memref<40x128xi32, #tpu.memory_space<vmem>>)
      %dma_start3A_261 = arith.constant 2 : i32
      %dma_start3A_262 = arith.constant 0 : i32
      %dma_start3A_263 = tpu.memref_slice %arg7[%dma_start3A_261, %dma_start3A_262] : memref<40x128xi32, #tpu.memory_space<vmem>> -> memref<1x128xi32, #tpu.memory_space<vmem>>
      %dma_start3A_264 = tpu.memref_squeeze %dma_start3A_263 : memref<1x128xi32, #tpu.memory_space<vmem>> -> memref<128xi32, #tpu.memory_space<vmem>>
      %dma_start3A_265 = arith.constant 0 : i32
      %dma_start3A_266 = arith.constant 0 : i32
      %dma_start3A_267 = tpu.memref_slice %arg2[%arg0, %dma_start3A_265, %dma_start3A_266] : memref<2x53248x32xf32, #tpu.memory_space<hbm>> -> memref<1x53248x32xf32, #tpu.memory_space<hbm>>
      %dma_start3A_268 = tpu.memref_squeeze %dma_start3A_267 : memref<1x53248x32xf32, #tpu.memory_space<hbm>> -> memref<53248x32xf32, #tpu.memory_space<hbm>>
      %dma_start3A_269 = arith.constant 0 : i32
      %dma_start3A_270 = arith.constant 0 : i32
      %dma_start3A_271 = tpu.memref_slice %dma_start3A_268[%dma_start3A_269, %dma_start3A_270] : memref<53248x32xf32, #tpu.memory_space<hbm>> -> memref<53248x32xf32, #tpu.memory_space<hbm>>
      tpu.enqueue_indirect_dma source(%dma_start3A_271 : memref<53248x32xf32, #tpu.memory_space<hbm>>) target(%arg11 : memref<128x32xf32, #tpu.memory_space<vmem>>) offsets(%dma_start3A_264 : memref<128xi32, #tpu.memory_space<vmem>>) semaphore(%arg17 : memref<!tpu.dma_semaphore, #tpu.memory_space<semaphore_mem>>)
      %dma_wait3A_272 = arith.constant 0 : i32
      %dma_wait3A_273 = arith.constant 0 : i32
      %dma_wait3A_274 = tpu.memref_slice %arg7[%dma_wait3A_272, %dma_wait3A_273] : memref<40x128xi32, #tpu.memory_space<vmem>> -> memref<1x128xi32, #tpu.memory_space<vmem>>
      %dma_wait3A_275 = tpu.memref_squeeze %dma_wait3A_274 : memref<1x128xi32, #tpu.memory_space<vmem>> -> memref<128xi32, #tpu.memory_space<vmem>>
      %dma_wait3A_276 = arith.constant 0 : i32
      %dma_wait3A_277 = arith.constant 0 : i32
      %dma_wait3A_278 = tpu.memref_slice %arg2[%arg0, %dma_wait3A_276, %dma_wait3A_277] : memref<2x53248x32xf32, #tpu.memory_space<hbm>> -> memref<1x53248x32xf32, #tpu.memory_space<hbm>>
      %dma_wait3A_279 = tpu.memref_squeeze %dma_wait3A_278 : memref<1x53248x32xf32, #tpu.memory_space<hbm>> -> memref<53248x32xf32, #tpu.memory_space<hbm>>
      %dma_wait3A_280 = arith.constant 0 : i32
      %dma_wait3A_281 = arith.constant 0 : i32
      %dma_wait3A_282 = tpu.memref_slice %dma_wait3A_279[%dma_wait3A_280, %dma_wait3A_281] : memref<53248x32xf32, #tpu.memory_space<hbm>> -> memref<53248x32xf32, #tpu.memory_space<hbm>>
      tpu.wait_indirect_dma semaphore(%arg15 : memref<!tpu.dma_semaphore, #tpu.memory_space<semaphore_mem>>) src(%dma_wait3A_282 : memref<53248x32xf32, #tpu.memory_space<hbm>>) dst(%arg9 : memref<128x32xf32, #tpu.memory_space<vmem>>)
      %run_scoped3A = arith.constant 0 : i32
      "tpu.region"() ({
        %run_scoped3A_1158 = tpu.sem_alloc : memref<!tpu.dma_semaphore, #tpu.memory_space<semaphore_mem>>
        %dma_start3A_1159 = arith.constant 0 : i32
        %dma_start3A_1160 = tpu.memref_slice %arg8[%run_scoped3A, %dma_start3A_1159] : memref<40x128xi32, #tpu.memory_space<vmem>> -> memref<1x128xi32, #tpu.memory_space<vmem>>
        %dma_start3A_1161 = tpu.memref_squeeze %dma_start3A_1160 : memref<1x128xi32, #tpu.memory_space<vmem>> -> memref<128xi32, #tpu.memory_space<vmem>>
        %dma_start3A_1162 = arith.constant 0 : i32
        %dma_start3A_1163 = arith.constant 0 : i32
        %dma_start3A_1164 = tpu.memref_slice %arg12[%dma_start3A_1162, %dma_start3A_1163] : memref<53248x32xf32, #tpu.memory_space<vmem_shared>> -> memref<53248x32xf32, #tpu.memory_space<vmem_shared>>
        tpu.enqueue_indirect_dma source(%arg9 : memref<128x32xf32, #tpu.memory_space<vmem>>) target(%dma_start3A_1164 : memref<53248x32xf32, #tpu.memory_space<vmem_shared>>) offsets(%dma_start3A_1161 : memref<128xi32, #tpu.memory_space<vmem>>) semaphore(%run_scoped3A_1158 : memref<!tpu.dma_semaphore, #tpu.memory_space<semaphore_mem>>) {add = true}
        %dma_wait3A_1165 = arith.constant 0 : i32
        %dma_wait3A_1166 = tpu.memref_slice %arg8[%run_scoped3A, %dma_wait3A_1165] : memref<40x128xi32, #tpu.memory_space<vmem>> -> memref<1x128xi32, #tpu.memory_space<vmem>>
        %dma_wait3A_1167 = tpu.memref_squeeze %dma_wait3A_1166 : memref<1x128xi32, #tpu.memory_space<vmem>> -> memref<128xi32, #tpu.memory_space<vmem>>
        %dma_wait3A_1168 = arith.constant 0 : i32
        %dma_wait3A_1169 = arith.constant 0 : i32
        %dma_wait3A_1170 = tpu.memref_slice %arg12[%dma_wait3A_1168, %dma_wait3A_1169] : memref<53248x32xf32, #tpu.memory_space<vmem_shared>> -> memref<53248x32xf32, #tpu.memory_space<vmem_shared>>
        tpu.wait_indirect_dma semaphore(%run_scoped3A_1158 : memref<!tpu.dma_semaphore, #tpu.memory_space<semaphore_mem>>) src(%arg9 : memref<128x32xf32, #tpu.memory_space<vmem>>) dst(%dma_wait3A_1170 : memref<53248x32xf32, #tpu.memory_space<vmem_shared>>)
        tpu.yield
      }) : () -> ()
      %dma_start3A_283 = arith.constant 3 : i32
      %dma_start3A_284 = arith.constant 0 : i32
      %dma_start3A_285 = tpu.memref_slice %arg7[%dma_start3A_283, %dma_start3A_284] : memref<40x128xi32, #tpu.memory_space<vmem>> -> memref<1x128xi32, #tpu.memory_space<vmem>>
      %dma_start3A_286 = tpu.memref_squeeze %dma_start3A_285 : memref<1x128xi32, #tpu.memory_space<vmem>> -> memref<128xi32, #tpu.memory_space<vmem>>
      %dma_start3A_287 = arith.constant 0 : i32
      %dma_start3A_288 = arith.constant 0 : i32
      %dma_start3A_289 = tpu.memref_slice %arg2[%arg0, %dma_start3A_287, %dma_start3A_288] : memref<2x53248x32xf32, #tpu.memory_space<hbm>> -> memref<1x53248x32xf32, #tpu.memory_space<hbm>>
      %dma_start3A_290 = tpu.memref_squeeze %dma_start3A_289 : memref<1x53248x32xf32, #tpu.memory_space<hbm>> -> memref<53248x32xf32, #tpu.memory_space<hbm>>
      %dma_start3A_291 = arith.constant 0 : i32
      %dma_start3A_292 = arith.constant 0 : i32
      %dma_start3A_293 = tpu.memref_slice %dma_start3A_290[%dma_start3A_291, %dma_start3A_292] : memref<53248x32xf32, #tpu.memory_space<hbm>> -> memref<53248x32xf32, #tpu.memory_space<hbm>>
      tpu.enqueue_indirect_dma source(%dma_start3A_293 : memref<53248x32xf32, #tpu.memory_space<hbm>>) target(%arg9 : memref<128x32xf32, #tpu.memory_space<vmem>>) offsets(%dma_start3A_286 : memref<128xi32, #tpu.memory_space<vmem>>) semaphore(%arg15 : memref<!tpu.dma_semaphore, #tpu.memory_space<semaphore_mem>>)
      %dma_wait3A_294 = arith.constant 1 : i32
      %dma_wait3A_295 = arith.constant 0 : i32
      %dma_wait3A_296 = tpu.memref_slice %arg7[%dma_wait3A_294, %dma_wait3A_295] : memref<40x128xi32, #tpu.memory_space<vmem>> -> memref<1x128xi32, #tpu.memory_space<vmem>>
      %dma_wait3A_297 = tpu.memref_squeeze %dma_wait3A_296 : memref<1x128xi32, #tpu.memory_space<vmem>> -> memref<128xi32, #tpu.memory_space<vmem>>
      %dma_wait3A_298 = arith.constant 0 : i32
      %dma_wait3A_299 = arith.constant 0 : i32
      %dma_wait3A_300 = tpu.memref_slice %arg2[%arg0, %dma_wait3A_298, %dma_wait3A_299] : memref<2x53248x32xf32, #tpu.memory_space<hbm>> -> memref<1x53248x32xf32, #tpu.memory_space<hbm>>
      %dma_wait3A_301 = tpu.memref_squeeze %dma_wait3A_300 : memref<1x53248x32xf32, #tpu.memory_space<hbm>> -> memref<53248x32xf32, #tpu.memory_space<hbm>>
      %dma_wait3A_302 = arith.constant 0 : i32
      %dma_wait3A_303 = arith.constant 0 : i32
      %dma_wait3A_304 = tpu.memref_slice %dma_wait3A_301[%dma_wait3A_302, %dma_wait3A_303] : memref<53248x32xf32, #tpu.memory_space<hbm>> -> memref<53248x32xf32, #tpu.memory_space<hbm>>
      tpu.wait_indirect_dma semaphore(%arg16 : memref<!tpu.dma_semaphore, #tpu.memory_space<semaphore_mem>>) src(%dma_wait3A_304 : memref<53248x32xf32, #tpu.memory_space<hbm>>) dst(%arg10 : memref<128x32xf32, #tpu.memory_space<vmem>>)
      %run_scoped3A_305 = arith.constant 1 : i32
      "tpu.region"() ({
        %run_scoped3A_1158 = tpu.sem_alloc : memref<!tpu.dma_semaphore, #tpu.memory_space<semaphore_mem>>
        %dma_start3A_1159 = arith.constant 0 : i32
        %dma_start3A_1160 = tpu.memref_slice %arg8[%run_scoped3A_305, %dma_start3A_1159] : memref<40x128xi32, #tpu.memory_space<vmem>> -> memref<1x128xi32, #tpu.memory_space<vmem>>
        %dma_start3A_1161 = tpu.memref_squeeze %dma_start3A_1160 : memref<1x128xi32, #tpu.memory_space<vmem>> -> memref<128xi32, #tpu.memory_space<vmem>>
        %dma_start3A_1162 = arith.constant 0 : i32
        %dma_start3A_1163 = arith.constant 0 : i32
        %dma_start3A_1164 = tpu.memref_slice %arg12[%dma_start3A_1162, %dma_start3A_1163] : memref<53248x32xf32, #tpu.memory_space<vmem_shared>> -> memref<53248x32xf32, #tpu.memory_space<vmem_shared>>
        tpu.enqueue_indirect_dma source(%arg10 : memref<128x32xf32, #tpu.memory_space<vmem>>) target(%dma_start3A_1164 : memref<53248x32xf32, #tpu.memory_space<vmem_shared>>) offsets(%dma_start3A_1161 : memref<128xi32, #tpu.memory_space<vmem>>) semaphore(%run_scoped3A_1158 : memref<!tpu.dma_semaphore, #tpu.memory_space<semaphore_mem>>) {add = true}
        %dma_wait3A_1165 = arith.constant 0 : i32
        %dma_wait3A_1166 = tpu.memref_slice %arg8[%run_scoped3A_305, %dma_wait3A_1165] : memref<40x128xi32, #tpu.memory_space<vmem>> -> memref<1x128xi32, #tpu.memory_space<vmem>>
        %dma_wait3A_1167 = tpu.memref_squeeze %dma_wait3A_1166 : memref<1x128xi32, #tpu.memory_space<vmem>> -> memref<128xi32, #tpu.memory_space<vmem>>
        %dma_wait3A_1168 = arith.constant 0 : i32
        %dma_wait3A_1169 = arith.constant 0 : i32
        %dma_wait3A_1170 = tpu.memref_slice %arg12[%dma_wait3A_1168, %dma_wait3A_1169] : memref<53248x32xf32, #tpu.memory_space<vmem_shared>> -> memref<53248x32xf32, #tpu.memory_space<vmem_shared>>
        tpu.wait_indirect_dma semaphore(%run_scoped3A_1158 : memref<!tpu.dma_semaphore, #tpu.memory_space<semaphore_mem>>) src(%arg10 : memref<128x32xf32, #tpu.memory_space<vmem>>) dst(%dma_wait3A_1170 : memref<53248x32xf32, #tpu.memory_space<vmem_shared>>)
        tpu.yield
      }) : () -> ()
      %dma_start3A_306 = arith.constant 4 : i32
      %dma_start3A_307 = arith.constant 0 : i32
      %dma_start3A_308 = tpu.memref_slice %arg7[%dma_start3A_306, %dma_start3A_307] : memref<40x128xi32, #tpu.memory_space<vmem>> -> memref<1x128xi32, #tpu.memory_space<vmem>>
      %dma_start3A_309 = tpu.memref_squeeze %dma_start3A_308 : memref<1x128xi32, #tpu.memory_space<vmem>> -> memref<128xi32, #tpu.memory_space<vmem>>
      %dma_start3A_310 = arith.constant 0 : i32
      %dma_start3A_311 = arith.constant 0 : i32
      %dma_start3A_312 = tpu.memref_slice %arg2[%arg0, %dma_start3A_310, %dma_start3A_311] : memref<2x53248x32xf32, #tpu.memory_space<hbm>> -> memref<1x53248x32xf32, #tpu.memory_space<hbm>>
      %dma_start3A_313 = tpu.memref_squeeze %dma_start3A_312 : memref<1x53248x32xf32, #tpu.memory_space<hbm>> -> memref<53248x32xf32, #tpu.memory_space<hbm>>
      %dma_start3A_314 = arith.constant 0 : i32
      %dma_start3A_315 = arith.constant 0 : i32
      %dma_start3A_316 = tpu.memref_slice %dma_start3A_313[%dma_start3A_314, %dma_start3A_315] : memref<53248x32xf32, #tpu.memory_space<hbm>> -> memref<53248x32xf32, #tpu.memory_space<hbm>>
      tpu.enqueue_indirect_dma source(%dma_start3A_316 : memref<53248x32xf32, #tpu.memory_space<hbm>>) target(%arg10 : memref<128x32xf32, #tpu.memory_space<vmem>>) offsets(%dma_start3A_309 : memref<128xi32, #tpu.memory_space<vmem>>) semaphore(%arg16 : memref<!tpu.dma_semaphore, #tpu.memory_space<semaphore_mem>>)
      %dma_wait3A_317 = arith.constant 2 : i32
      %dma_wait3A_318 = arith.constant 0 : i32
      %dma_wait3A_319 = tpu.memref_slice %arg7[%dma_wait3A_317, %dma_wait3A_318] : memref<40x128xi32, #tpu.memory_space<vmem>> -> memref<1x128xi32, #tpu.memory_space<vmem>>
      %dma_wait3A_320 = tpu.memref_squeeze %dma_wait3A_319 : memref<1x128xi32, #tpu.memory_space<vmem>> -> memref<128xi32, #tpu.memory_space<vmem>>
      %dma_wait3A_321 = arith.constant 0 : i32
      %dma_wait3A_322 = arith.constant 0 : i32
      %dma_wait3A_323 = tpu.memref_slice %arg2[%arg0, %dma_wait3A_321, %dma_wait3A_322] : memref<2x53248x32xf32, #tpu.memory_space<hbm>> -> memref<1x53248x32xf32, #tpu.memory_space<hbm>>
      %dma_wait3A_324 = tpu.memref_squeeze %dma_wait3A_323 : memref<1x53248x32xf32, #tpu.memory_space<hbm>> -> memref<53248x32xf32, #tpu.memory_space<hbm>>
      %dma_wait3A_325 = arith.constant 0 : i32
      %dma_wait3A_326 = arith.constant 0 : i32
      %dma_wait3A_327 = tpu.memref_slice %dma_wait3A_324[%dma_wait3A_325, %dma_wait3A_326] : memref<53248x32xf32, #tpu.memory_space<hbm>> -> memref<53248x32xf32, #tpu.memory_space<hbm>>
      tpu.wait_indirect_dma semaphore(%arg17 : memref<!tpu.dma_semaphore, #tpu.memory_space<semaphore_mem>>) src(%dma_wait3A_327 : memref<53248x32xf32, #tpu.memory_space<hbm>>) dst(%arg11 : memref<128x32xf32, #tpu.memory_space<vmem>>)
      %run_scoped3A_328 = arith.constant 2 : i32
      "tpu.region"() ({
        %run_scoped3A_1158 = tpu.sem_alloc : memref<!tpu.dma_semaphore, #tpu.memory_space<semaphore_mem>>
        %dma_start3A_1159 = arith.constant 0 : i32
        %dma_start3A_1160 = tpu.memref_slice %arg8[%run_scoped3A_328, %dma_start3A_1159] : memref<40x128xi32, #tpu.memory_space<vmem>> -> memref<1x128xi32, #tpu.memory_space<vmem>>
        %dma_start3A_1161 = tpu.memref_squeeze %dma_start3A_1160 : memref<1x128xi32, #tpu.memory_space<vmem>> -> memref<128xi32, #tpu.memory_space<vmem>>
        %dma_start3A_1162 = arith.constant 0 : i32
        %dma_start3A_1163 = arith.constant 0 : i32
        %dma_start3A_1164 = tpu.memref_slice %arg12[%dma_start3A_1162, %dma_start3A_1163] : memref<53248x32xf32, #tpu.memory_space<vmem_shared>> -> memref<53248x32xf32, #tpu.memory_space<vmem_shared>>
        tpu.enqueue_indirect_dma source(%arg11 : memref<128x32xf32, #tpu.memory_space<vmem>>) target(%dma_start3A_1164 : memref<53248x32xf32, #tpu.memory_space<vmem_shared>>) offsets(%dma_start3A_1161 : memref<128xi32, #tpu.memory_space<vmem>>) semaphore(%run_scoped3A_1158 : memref<!tpu.dma_semaphore, #tpu.memory_space<semaphore_mem>>) {add = true}
        %dma_wait3A_1165 = arith.constant 0 : i32
        %dma_wait3A_1166 = tpu.memref_slice %arg8[%run_scoped3A_328, %dma_wait3A_1165] : memref<40x128xi32, #tpu.memory_space<vmem>> -> memref<1x128xi32, #tpu.memory_space<vmem>>
        %dma_wait3A_1167 = tpu.memref_squeeze %dma_wait3A_1166 : memref<1x128xi32, #tpu.memory_space<vmem>> -> memref<128xi32, #tpu.memory_space<vmem>>
        %dma_wait3A_1168 = arith.constant 0 : i32
        %dma_wait3A_1169 = arith.constant 0 : i32
        %dma_wait3A_1170 = tpu.memref_slice %arg12[%dma_wait3A_1168, %dma_wait3A_1169] : memref<53248x32xf32, #tpu.memory_space<vmem_shared>> -> memref<53248x32xf32, #tpu.memory_space<vmem_shared>>
        tpu.wait_indirect_dma semaphore(%run_scoped3A_1158 : memref<!tpu.dma_semaphore, #tpu.memory_space<semaphore_mem>>) src(%arg11 : memref<128x32xf32, #tpu.memory_space<vmem>>) dst(%dma_wait3A_1170 : memref<53248x32xf32, #tpu.memory_space<vmem_shared>>)
        tpu.yield
      }) : () -> ()
      %dma_start3A_329 = arith.constant 5 : i32
      %dma_start3A_330 = arith.constant 0 : i32
      %dma_start3A_331 = tpu.memref_slice %arg7[%dma_start3A_329, %dma_start3A_330] : memref<40x128xi32, #tpu.memory_space<vmem>> -> memref<1x128xi32, #tpu.memory_space<vmem>>
      %dma_start3A_332 = tpu.memref_squeeze %dma_start3A_331 : memref<1x128xi32, #tpu.memory_space<vmem>> -> memref<128xi32, #tpu.memory_space<vmem>>
      %dma_start3A_333 = arith.constant 0 : i32
      %dma_start3A_334 = arith.constant 0 : i32
      %dma_start3A_335 = tpu.memref_slice %arg2[%arg0, %dma_start3A_333, %dma_start3A_334] : memref<2x53248x32xf32, #tpu.memory_space<hbm>> -> memref<1x53248x32xf32, #tpu.memory_space<hbm>>
      %dma_start3A_336 = tpu.memref_squeeze %dma_start3A_335 : memref<1x53248x32xf32, #tpu.memory_space<hbm>> -> memref<53248x32xf32, #tpu.memory_space<hbm>>
      %dma_start3A_337 = arith.constant 0 : i32
      %dma_start3A_338 = arith.constant 0 : i32
      %dma_start3A_339 = tpu.memref_slice %dma_start3A_336[%dma_start3A_337, %dma_start3A_338] : memref<53248x32xf32, #tpu.memory_space<hbm>> -> memref<53248x32xf32, #tpu.memory_space<hbm>>
      tpu.enqueue_indirect_dma source(%dma_start3A_339 : memref<53248x32xf32, #tpu.memory_space<hbm>>) target(%arg11 : memref<128x32xf32, #tpu.memory_space<vmem>>) offsets(%dma_start3A_332 : memref<128xi32, #tpu.memory_space<vmem>>) semaphore(%arg17 : memref<!tpu.dma_semaphore, #tpu.memory_space<semaphore_mem>>)
      %dma_wait3A_340 = arith.constant 3 : i32
      %dma_wait3A_341 = arith.constant 0 : i32
      %dma_wait3A_342 = tpu.memref_slice %arg7[%dma_wait3A_340, %dma_wait3A_341] : memref<40x128xi32, #tpu.memory_space<vmem>> -> memref<1x128xi32, #tpu.memory_space<vmem>>
      %dma_wait3A_343 = tpu.memref_squeeze %dma_wait3A_342 : memref<1x128xi32, #tpu.memory_space<vmem>> -> memref<128xi32, #tpu.memory_space<vmem>>
      %dma_wait3A_344 = arith.constant 0 : i32
      %dma_wait3A_345 = arith.constant 0 : i32
      %dma_wait3A_346 = tpu.memref_slice %arg2[%arg0, %dma_wait3A_344, %dma_wait3A_345] : memref<2x53248x32xf32, #tpu.memory_space<hbm>> -> memref<1x53248x32xf32, #tpu.memory_space<hbm>>
      %dma_wait3A_347 = tpu.memref_squeeze %dma_wait3A_346 : memref<1x53248x32xf32, #tpu.memory_space<hbm>> -> memref<53248x32xf32, #tpu.memory_space<hbm>>
      %dma_wait3A_348 = arith.constant 0 : i32
      %dma_wait3A_349 = arith.constant 0 : i32
      %dma_wait3A_350 = tpu.memref_slice %dma_wait3A_347[%dma_wait3A_348, %dma_wait3A_349] : memref<53248x32xf32, #tpu.memory_space<hbm>> -> memref<53248x32xf32, #tpu.memory_space<hbm>>
      tpu.wait_indirect_dma semaphore(%arg15 : memref<!tpu.dma_semaphore, #tpu.memory_space<semaphore_mem>>) src(%dma_wait3A_350 : memref<53248x32xf32, #tpu.memory_space<hbm>>) dst(%arg9 : memref<128x32xf32, #tpu.memory_space<vmem>>)
      %run_scoped3A_351 = arith.constant 3 : i32
      "tpu.region"() ({
        %run_scoped3A_1158 = tpu.sem_alloc : memref<!tpu.dma_semaphore, #tpu.memory_space<semaphore_mem>>
        %dma_start3A_1159 = arith.constant 0 : i32
        %dma_start3A_1160 = tpu.memref_slice %arg8[%run_scoped3A_351, %dma_start3A_1159] : memref<40x128xi32, #tpu.memory_space<vmem>> -> memref<1x128xi32, #tpu.memory_space<vmem>>
        %dma_start3A_1161 = tpu.memref_squeeze %dma_start3A_1160 : memref<1x128xi32, #tpu.memory_space<vmem>> -> memref<128xi32, #tpu.memory_space<vmem>>
        %dma_start3A_1162 = arith.constant 0 : i32
        %dma_start3A_1163 = arith.constant 0 : i32
        %dma_start3A_1164 = tpu.memref_slice %arg12[%dma_start3A_1162, %dma_start3A_1163] : memref<53248x32xf32, #tpu.memory_space<vmem_shared>> -> memref<53248x32xf32, #tpu.memory_space<vmem_shared>>
        tpu.enqueue_indirect_dma source(%arg9 : memref<128x32xf32, #tpu.memory_space<vmem>>) target(%dma_start3A_1164 : memref<53248x32xf32, #tpu.memory_space<vmem_shared>>) offsets(%dma_start3A_1161 : memref<128xi32, #tpu.memory_space<vmem>>) semaphore(%run_scoped3A_1158 : memref<!tpu.dma_semaphore, #tpu.memory_space<semaphore_mem>>) {add = true}
        %dma_wait3A_1165 = arith.constant 0 : i32
        %dma_wait3A_1166 = tpu.memref_slice %arg8[%run_scoped3A_351, %dma_wait3A_1165] : memref<40x128xi32, #tpu.memory_space<vmem>> -> memref<1x128xi32, #tpu.memory_space<vmem>>
        %dma_wait3A_1167 = tpu.memref_squeeze %dma_wait3A_1166 : memref<1x128xi32, #tpu.memory_space<vmem>> -> memref<128xi32, #tpu.memory_space<vmem>>
        %dma_wait3A_1168 = arith.constant 0 : i32
        %dma_wait3A_1169 = arith.constant 0 : i32
        %dma_wait3A_1170 = tpu.memref_slice %arg12[%dma_wait3A_1168, %dma_wait3A_1169] : memref<53248x32xf32, #tpu.memory_space<vmem_shared>> -> memref<53248x32xf32, #tpu.memory_space<vmem_shared>>
        tpu.wait_indirect_dma semaphore(%run_scoped3A_1158 : memref<!tpu.dma_semaphore, #tpu.memory_space<semaphore_mem>>) src(%arg9 : memref<128x32xf32, #tpu.memory_space<vmem>>) dst(%dma_wait3A_1170 : memref<53248x32xf32, #tpu.memory_space<vmem_shared>>)
        tpu.yield
      }) : () -> ()
      %dma_start3A_352 = arith.constant 6 : i32
      %dma_start3A_353 = arith.constant 0 : i32
      %dma_start3A_354 = tpu.memref_slice %arg7[%dma_start3A_352, %dma_start3A_353] : memref<40x128xi32, #tpu.memory_space<vmem>> -> memref<1x128xi32, #tpu.memory_space<vmem>>
      %dma_start3A_355 = tpu.memref_squeeze %dma_start3A_354 : memref<1x128xi32, #tpu.memory_space<vmem>> -> memref<128xi32, #tpu.memory_space<vmem>>
      %dma_start3A_356 = arith.constant 0 : i32
      %dma_start3A_357 = arith.constant 0 : i32
      %dma_start3A_358 = tpu.memref_slice %arg2[%arg0, %dma_start3A_356, %dma_start3A_357] : memref<2x53248x32xf32, #tpu.memory_space<hbm>> -> memref<1x53248x32xf32, #tpu.memory_space<hbm>>
      %dma_start3A_359 = tpu.memref_squeeze %dma_start3A_358 : memref<1x53248x32xf32, #tpu.memory_space<hbm>> -> memref<53248x32xf32, #tpu.memory_space<hbm>>
      %dma_start3A_360 = arith.constant 0 : i32
      %dma_start3A_361 = arith.constant 0 : i32
      %dma_start3A_362 = tpu.memref_slice %dma_start3A_359[%dma_start3A_360, %dma_start3A_361] : memref<53248x32xf32, #tpu.memory_space<hbm>> -> memref<53248x32xf32, #tpu.memory_space<hbm>>
      tpu.enqueue_indirect_dma source(%dma_start3A_362 : memref<53248x32xf32, #tpu.memory_space<hbm>>) target(%arg9 : memref<128x32xf32, #tpu.memory_space<vmem>>) offsets(%dma_start3A_355 : memref<128xi32, #tpu.memory_space<vmem>>) semaphore(%arg15 : memref<!tpu.dma_semaphore, #tpu.memory_space<semaphore_mem>>)
      %dma_wait3A_363 = arith.constant 4 : i32
      %dma_wait3A_364 = arith.constant 0 : i32
      %dma_wait3A_365 = tpu.memref_slice %arg7[%dma_wait3A_363, %dma_wait3A_364] : memref<40x128xi32, #tpu.memory_space<vmem>> -> memref<1x128xi32, #tpu.memory_space<vmem>>
      %dma_wait3A_366 = tpu.memref_squeeze %dma_wait3A_365 : memref<1x128xi32, #tpu.memory_space<vmem>> -> memref<128xi32, #tpu.memory_space<vmem>>
      %dma_wait3A_367 = arith.constant 0 : i32
      %dma_wait3A_368 = arith.constant 0 : i32
      %dma_wait3A_369 = tpu.memref_slice %arg2[%arg0, %dma_wait3A_367, %dma_wait3A_368] : memref<2x53248x32xf32, #tpu.memory_space<hbm>> -> memref<1x53248x32xf32, #tpu.memory_space<hbm>>
      %dma_wait3A_370 = tpu.memref_squeeze %dma_wait3A_369 : memref<1x53248x32xf32, #tpu.memory_space<hbm>> -> memref<53248x32xf32, #tpu.memory_space<hbm>>
      %dma_wait3A_371 = arith.constant 0 : i32
      %dma_wait3A_372 = arith.constant 0 : i32
      %dma_wait3A_373 = tpu.memref_slice %dma_wait3A_370[%dma_wait3A_371, %dma_wait3A_372] : memref<53248x32xf32, #tpu.memory_space<hbm>> -> memref<53248x32xf32, #tpu.memory_space<hbm>>
      tpu.wait_indirect_dma semaphore(%arg16 : memref<!tpu.dma_semaphore, #tpu.memory_space<semaphore_mem>>) src(%dma_wait3A_373 : memref<53248x32xf32, #tpu.memory_space<hbm>>) dst(%arg10 : memref<128x32xf32, #tpu.memory_space<vmem>>)
      %run_scoped3A_374 = arith.constant 4 : i32
      "tpu.region"() ({
        %run_scoped3A_1158 = tpu.sem_alloc : memref<!tpu.dma_semaphore, #tpu.memory_space<semaphore_mem>>
        %dma_start3A_1159 = arith.constant 0 : i32
        %dma_start3A_1160 = tpu.memref_slice %arg8[%run_scoped3A_374, %dma_start3A_1159] : memref<40x128xi32, #tpu.memory_space<vmem>> -> memref<1x128xi32, #tpu.memory_space<vmem>>
        %dma_start3A_1161 = tpu.memref_squeeze %dma_start3A_1160 : memref<1x128xi32, #tpu.memory_space<vmem>> -> memref<128xi32, #tpu.memory_space<vmem>>
        %dma_start3A_1162 = arith.constant 0 : i32
        %dma_start3A_1163 = arith.constant 0 : i32
        %dma_start3A_1164 = tpu.memref_slice %arg12[%dma_start3A_1162, %dma_start3A_1163] : memref<53248x32xf32, #tpu.memory_space<vmem_shared>> -> memref<53248x32xf32, #tpu.memory_space<vmem_shared>>
        tpu.enqueue_indirect_dma source(%arg10 : memref<128x32xf32, #tpu.memory_space<vmem>>) target(%dma_start3A_1164 : memref<53248x32xf32, #tpu.memory_space<vmem_shared>>) offsets(%dma_start3A_1161 : memref<128xi32, #tpu.memory_space<vmem>>) semaphore(%run_scoped3A_1158 : memref<!tpu.dma_semaphore, #tpu.memory_space<semaphore_mem>>) {add = true}
        %dma_wait3A_1165 = arith.constant 0 : i32
        %dma_wait3A_1166 = tpu.memref_slice %arg8[%run_scoped3A_374, %dma_wait3A_1165] : memref<40x128xi32, #tpu.memory_space<vmem>> -> memref<1x128xi32, #tpu.memory_space<vmem>>
        %dma_wait3A_1167 = tpu.memref_squeeze %dma_wait3A_1166 : memref<1x128xi32, #tpu.memory_space<vmem>> -> memref<128xi32, #tpu.memory_space<vmem>>
        %dma_wait3A_1168 = arith.constant 0 : i32
        %dma_wait3A_1169 = arith.constant 0 : i32
        %dma_wait3A_1170 = tpu.memref_slice %arg12[%dma_wait3A_1168, %dma_wait3A_1169] : memref<53248x32xf32, #tpu.memory_space<vmem_shared>> -> memref<53248x32xf32, #tpu.memory_space<vmem_shared>>
        tpu.wait_indirect_dma semaphore(%run_scoped3A_1158 : memref<!tpu.dma_semaphore, #tpu.memory_space<semaphore_mem>>) src(%arg10 : memref<128x32xf32, #tpu.memory_space<vmem>>) dst(%dma_wait3A_1170 : memref<53248x32xf32, #tpu.memory_space<vmem_shared>>)
        tpu.yield
      }) : () -> ()
      %dma_start3A_375 = arith.constant 7 : i32
      %dma_start3A_376 = arith.constant 0 : i32
      %dma_start3A_377 = tpu.memref_slice %arg7[%dma_start3A_375, %dma_start3A_376] : memref<40x128xi32, #tpu.memory_space<vmem>> -> memref<1x128xi32, #tpu.memory_space<vmem>>
      %dma_start3A_378 = tpu.memref_squeeze %dma_start3A_377 : memref<1x128xi32, #tpu.memory_space<vmem>> -> memref<128xi32, #tpu.memory_space<vmem>>
      %dma_start3A_379 = arith.constant 0 : i32
      %dma_start3A_380 = arith.constant 0 : i32
      %dma_start3A_381 = tpu.memref_slice %arg2[%arg0, %dma_start3A_379, %dma_start3A_380] : memref<2x53248x32xf32, #tpu.memory_space<hbm>> -> memref<1x53248x32xf32, #tpu.memory_space<hbm>>
      %dma_start3A_382 = tpu.memref_squeeze %dma_start3A_381 : memref<1x53248x32xf32, #tpu.memory_space<hbm>> -> memref<53248x32xf32, #tpu.memory_space<hbm>>
      %dma_start3A_383 = arith.constant 0 : i32
      %dma_start3A_384 = arith.constant 0 : i32
      %dma_start3A_385 = tpu.memref_slice %dma_start3A_382[%dma_start3A_383, %dma_start3A_384] : memref<53248x32xf32, #tpu.memory_space<hbm>> -> memref<53248x32xf32, #tpu.memory_space<hbm>>
      tpu.enqueue_indirect_dma source(%dma_start3A_385 : memref<53248x32xf32, #tpu.memory_space<hbm>>) target(%arg10 : memref<128x32xf32, #tpu.memory_space<vmem>>) offsets(%dma_start3A_378 : memref<128xi32, #tpu.memory_space<vmem>>) semaphore(%arg16 : memref<!tpu.dma_semaphore, #tpu.memory_space<semaphore_mem>>)
      %dma_wait3A_386 = arith.constant 5 : i32
      %dma_wait3A_387 = arith.constant 0 : i32
      %dma_wait3A_388 = tpu.memref_slice %arg7[%dma_wait3A_386, %dma_wait3A_387] : memref<40x128xi32, #tpu.memory_space<vmem>> -> memref<1x128xi32, #tpu.memory_space<vmem>>
      %dma_wait3A_389 = tpu.memref_squeeze %dma_wait3A_388 : memref<1x128xi32, #tpu.memory_space<vmem>> -> memref<128xi32, #tpu.memory_space<vmem>>
      %dma_wait3A_390 = arith.constant 0 : i32
      %dma_wait3A_391 = arith.constant 0 : i32
      %dma_wait3A_392 = tpu.memref_slice %arg2[%arg0, %dma_wait3A_390, %dma_wait3A_391] : memref<2x53248x32xf32, #tpu.memory_space<hbm>> -> memref<1x53248x32xf32, #tpu.memory_space<hbm>>
      %dma_wait3A_393 = tpu.memref_squeeze %dma_wait3A_392 : memref<1x53248x32xf32, #tpu.memory_space<hbm>> -> memref<53248x32xf32, #tpu.memory_space<hbm>>
      %dma_wait3A_394 = arith.constant 0 : i32
      %dma_wait3A_395 = arith.constant 0 : i32
      %dma_wait3A_396 = tpu.memref_slice %dma_wait3A_393[%dma_wait3A_394, %dma_wait3A_395] : memref<53248x32xf32, #tpu.memory_space<hbm>> -> memref<53248x32xf32, #tpu.memory_space<hbm>>
      tpu.wait_indirect_dma semaphore(%arg17 : memref<!tpu.dma_semaphore, #tpu.memory_space<semaphore_mem>>) src(%dma_wait3A_396 : memref<53248x32xf32, #tpu.memory_space<hbm>>) dst(%arg11 : memref<128x32xf32, #tpu.memory_space<vmem>>)
      %run_scoped3A_397 = arith.constant 5 : i32
      "tpu.region"() ({
        %run_scoped3A_1158 = tpu.sem_alloc : memref<!tpu.dma_semaphore, #tpu.memory_space<semaphore_mem>>
        %dma_start3A_1159 = arith.constant 0 : i32
        %dma_start3A_1160 = tpu.memref_slice %arg8[%run_scoped3A_397, %dma_start3A_1159] : memref<40x128xi32, #tpu.memory_space<vmem>> -> memref<1x128xi32, #tpu.memory_space<vmem>>
        %dma_start3A_1161 = tpu.memref_squeeze %dma_start3A_1160 : memref<1x128xi32, #tpu.memory_space<vmem>> -> memref<128xi32, #tpu.memory_space<vmem>>
        %dma_start3A_1162 = arith.constant 0 : i32
        %dma_start3A_1163 = arith.constant 0 : i32
        %dma_start3A_1164 = tpu.memref_slice %arg12[%dma_start3A_1162, %dma_start3A_1163] : memref<53248x32xf32, #tpu.memory_space<vmem_shared>> -> memref<53248x32xf32, #tpu.memory_space<vmem_shared>>
        tpu.enqueue_indirect_dma source(%arg11 : memref<128x32xf32, #tpu.memory_space<vmem>>) target(%dma_start3A_1164 : memref<53248x32xf32, #tpu.memory_space<vmem_shared>>) offsets(%dma_start3A_1161 : memref<128xi32, #tpu.memory_space<vmem>>) semaphore(%run_scoped3A_1158 : memref<!tpu.dma_semaphore, #tpu.memory_space<semaphore_mem>>) {add = true}
        %dma_wait3A_1165 = arith.constant 0 : i32
        %dma_wait3A_1166 = tpu.memref_slice %arg8[%run_scoped3A_397, %dma_wait3A_1165] : memref<40x128xi32, #tpu.memory_space<vmem>> -> memref<1x128xi32, #tpu.memory_space<vmem>>
        %dma_wait3A_1167 = tpu.memref_squeeze %dma_wait3A_1166 : memref<1x128xi32, #tpu.memory_space<vmem>> -> memref<128xi32, #tpu.memory_space<vmem>>
        %dma_wait3A_1168 = arith.constant 0 : i32
        %dma_wait3A_1169 = arith.constant 0 : i32
        %dma_wait3A_1170 = tpu.memref_slice %arg12[%dma_wait3A_1168, %dma_wait3A_1169] : memref<53248x32xf32, #tpu.memory_space<vmem_shared>> -> memref<53248x32xf32, #tpu.memory_space<vmem_shared>>
        tpu.wait_indirect_dma semaphore(%run_scoped3A_1158 : memref<!tpu.dma_semaphore, #tpu.memory_space<semaphore_mem>>) src(%arg11 : memref<128x32xf32, #tpu.memory_space<vmem>>) dst(%dma_wait3A_1170 : memref<53248x32xf32, #tpu.memory_space<vmem_shared>>)
        tpu.yield
      }) : () -> ()
      %dma_start3A_398 = arith.constant 8 : i32
      %dma_start3A_399 = arith.constant 0 : i32
      %dma_start3A_400 = tpu.memref_slice %arg7[%dma_start3A_398, %dma_start3A_399] : memref<40x128xi32, #tpu.memory_space<vmem>> -> memref<1x128xi32, #tpu.memory_space<vmem>>
      %dma_start3A_401 = tpu.memref_squeeze %dma_start3A_400 : memref<1x128xi32, #tpu.memory_space<vmem>> -> memref<128xi32, #tpu.memory_space<vmem>>
      %dma_start3A_402 = arith.constant 0 : i32
      %dma_start3A_403 = arith.constant 0 : i32
      %dma_start3A_404 = tpu.memref_slice %arg2[%arg0, %dma_start3A_402, %dma_start3A_403] : memref<2x53248x32xf32, #tpu.memory_space<hbm>> -> memref<1x53248x32xf32, #tpu.memory_space<hbm>>
      %dma_start3A_405 = tpu.memref_squeeze %dma_start3A_404 : memref<1x53248x32xf32, #tpu.memory_space<hbm>> -> memref<53248x32xf32, #tpu.memory_space<hbm>>
      %dma_start3A_406 = arith.constant 0 : i32
      %dma_start3A_407 = arith.constant 0 : i32
      %dma_start3A_408 = tpu.memref_slice %dma_start3A_405[%dma_start3A_406, %dma_start3A_407] : memref<53248x32xf32, #tpu.memory_space<hbm>> -> memref<53248x32xf32, #tpu.memory_space<hbm>>
      tpu.enqueue_indirect_dma source(%dma_start3A_408 : memref<53248x32xf32, #tpu.memory_space<hbm>>) target(%arg11 : memref<128x32xf32, #tpu.memory_space<vmem>>) offsets(%dma_start3A_401 : memref<128xi32, #tpu.memory_space<vmem>>) semaphore(%arg17 : memref<!tpu.dma_semaphore, #tpu.memory_space<semaphore_mem>>)
      %dma_wait3A_409 = arith.constant 6 : i32
      %dma_wait3A_410 = arith.constant 0 : i32
      %dma_wait3A_411 = tpu.memref_slice %arg7[%dma_wait3A_409, %dma_wait3A_410] : memref<40x128xi32, #tpu.memory_space<vmem>> -> memref<1x128xi32, #tpu.memory_space<vmem>>
      %dma_wait3A_412 = tpu.memref_squeeze %dma_wait3A_411 : memref<1x128xi32, #tpu.memory_space<vmem>> -> memref<128xi32, #tpu.memory_space<vmem>>
      %dma_wait3A_413 = arith.constant 0 : i32
      %dma_wait3A_414 = arith.constant 0 : i32
      %dma_wait3A_415 = tpu.memref_slice %arg2[%arg0, %dma_wait3A_413, %dma_wait3A_414] : memref<2x53248x32xf32, #tpu.memory_space<hbm>> -> memref<1x53248x32xf32, #tpu.memory_space<hbm>>
      %dma_wait3A_416 = tpu.memref_squeeze %dma_wait3A_415 : memref<1x53248x32xf32, #tpu.memory_space<hbm>> -> memref<53248x32xf32, #tpu.memory_space<hbm>>
      %dma_wait3A_417 = arith.constant 0 : i32
      %dma_wait3A_418 = arith.constant 0 : i32
      %dma_wait3A_419 = tpu.memref_slice %dma_wait3A_416[%dma_wait3A_417, %dma_wait3A_418] : memref<53248x32xf32, #tpu.memory_space<hbm>> -> memref<53248x32xf32, #tpu.memory_space<hbm>>
      tpu.wait_indirect_dma semaphore(%arg15 : memref<!tpu.dma_semaphore, #tpu.memory_space<semaphore_mem>>) src(%dma_wait3A_419 : memref<53248x32xf32, #tpu.memory_space<hbm>>) dst(%arg9 : memref<128x32xf32, #tpu.memory_space<vmem>>)
      %run_scoped3A_420 = arith.constant 6 : i32
      "tpu.region"() ({
        %run_scoped3A_1158 = tpu.sem_alloc : memref<!tpu.dma_semaphore, #tpu.memory_space<semaphore_mem>>
        %dma_start3A_1159 = arith.constant 0 : i32
        %dma_start3A_1160 = tpu.memref_slice %arg8[%run_scoped3A_420, %dma_start3A_1159] : memref<40x128xi32, #tpu.memory_space<vmem>> -> memref<1x128xi32, #tpu.memory_space<vmem>>
        %dma_start3A_1161 = tpu.memref_squeeze %dma_start3A_1160 : memref<1x128xi32, #tpu.memory_space<vmem>> -> memref<128xi32, #tpu.memory_space<vmem>>
        %dma_start3A_1162 = arith.constant 0 : i32
        %dma_start3A_1163 = arith.constant 0 : i32
        %dma_start3A_1164 = tpu.memref_slice %arg12[%dma_start3A_1162, %dma_start3A_1163] : memref<53248x32xf32, #tpu.memory_space<vmem_shared>> -> memref<53248x32xf32, #tpu.memory_space<vmem_shared>>
        tpu.enqueue_indirect_dma source(%arg9 : memref<128x32xf32, #tpu.memory_space<vmem>>) target(%dma_start3A_1164 : memref<53248x32xf32, #tpu.memory_space<vmem_shared>>) offsets(%dma_start3A_1161 : memref<128xi32, #tpu.memory_space<vmem>>) semaphore(%run_scoped3A_1158 : memref<!tpu.dma_semaphore, #tpu.memory_space<semaphore_mem>>) {add = true}
        %dma_wait3A_1165 = arith.constant 0 : i32
        %dma_wait3A_1166 = tpu.memref_slice %arg8[%run_scoped3A_420, %dma_wait3A_1165] : memref<40x128xi32, #tpu.memory_space<vmem>> -> memref<1x128xi32, #tpu.memory_space<vmem>>
        %dma_wait3A_1167 = tpu.memref_squeeze %dma_wait3A_1166 : memref<1x128xi32, #tpu.memory_space<vmem>> -> memref<128xi32, #tpu.memory_space<vmem>>
        %dma_wait3A_1168 = arith.constant 0 : i32
        %dma_wait3A_1169 = arith.constant 0 : i32
        %dma_wait3A_1170 = tpu.memref_slice %arg12[%dma_wait3A_1168, %dma_wait3A_1169] : memref<53248x32xf32, #tpu.memory_space<vmem_shared>> -> memref<53248x32xf32, #tpu.memory_space<vmem_shared>>
        tpu.wait_indirect_dma semaphore(%run_scoped3A_1158 : memref<!tpu.dma_semaphore, #tpu.memory_space<semaphore_mem>>) src(%arg9 : memref<128x32xf32, #tpu.memory_space<vmem>>) dst(%dma_wait3A_1170 : memref<53248x32xf32, #tpu.memory_space<vmem_shared>>)
        tpu.yield
      }) : () -> ()
      %dma_start3A_421 = arith.constant 9 : i32
      %dma_start3A_422 = arith.constant 0 : i32
      %dma_start3A_423 = tpu.memref_slice %arg7[%dma_start3A_421, %dma_start3A_422] : memref<40x128xi32, #tpu.memory_space<vmem>> -> memref<1x128xi32, #tpu.memory_space<vmem>>
      %dma_start3A_424 = tpu.memref_squeeze %dma_start3A_423 : memref<1x128xi32, #tpu.memory_space<vmem>> -> memref<128xi32, #tpu.memory_space<vmem>>
      %dma_start3A_425 = arith.constant 0 : i32
      %dma_start3A_426 = arith.constant 0 : i32
      %dma_start3A_427 = tpu.memref_slice %arg2[%arg0, %dma_start3A_425, %dma_start3A_426] : memref<2x53248x32xf32, #tpu.memory_space<hbm>> -> memref<1x53248x32xf32, #tpu.memory_space<hbm>>
      %dma_start3A_428 = tpu.memref_squeeze %dma_start3A_427 : memref<1x53248x32xf32, #tpu.memory_space<hbm>> -> memref<53248x32xf32, #tpu.memory_space<hbm>>
      %dma_start3A_429 = arith.constant 0 : i32
      %dma_start3A_430 = arith.constant 0 : i32
      %dma_start3A_431 = tpu.memref_slice %dma_start3A_428[%dma_start3A_429, %dma_start3A_430] : memref<53248x32xf32, #tpu.memory_space<hbm>> -> memref<53248x32xf32, #tpu.memory_space<hbm>>
      tpu.enqueue_indirect_dma source(%dma_start3A_431 : memref<53248x32xf32, #tpu.memory_space<hbm>>) target(%arg9 : memref<128x32xf32, #tpu.memory_space<vmem>>) offsets(%dma_start3A_424 : memref<128xi32, #tpu.memory_space<vmem>>) semaphore(%arg15 : memref<!tpu.dma_semaphore, #tpu.memory_space<semaphore_mem>>)
      %dma_wait3A_432 = arith.constant 7 : i32
      %dma_wait3A_433 = arith.constant 0 : i32
      %dma_wait3A_434 = tpu.memref_slice %arg7[%dma_wait3A_432, %dma_wait3A_433] : memref<40x128xi32, #tpu.memory_space<vmem>> -> memref<1x128xi32, #tpu.memory_space<vmem>>
      %dma_wait3A_435 = tpu.memref_squeeze %dma_wait3A_434 : memref<1x128xi32, #tpu.memory_space<vmem>> -> memref<128xi32, #tpu.memory_space<vmem>>
      %dma_wait3A_436 = arith.constant 0 : i32
      %dma_wait3A_437 = arith.constant 0 : i32
      %dma_wait3A_438 = tpu.memref_slice %arg2[%arg0, %dma_wait3A_436, %dma_wait3A_437] : memref<2x53248x32xf32, #tpu.memory_space<hbm>> -> memref<1x53248x32xf32, #tpu.memory_space<hbm>>
      %dma_wait3A_439 = tpu.memref_squeeze %dma_wait3A_438 : memref<1x53248x32xf32, #tpu.memory_space<hbm>> -> memref<53248x32xf32, #tpu.memory_space<hbm>>
      %dma_wait3A_440 = arith.constant 0 : i32
      %dma_wait3A_441 = arith.constant 0 : i32
      %dma_wait3A_442 = tpu.memref_slice %dma_wait3A_439[%dma_wait3A_440, %dma_wait3A_441] : memref<53248x32xf32, #tpu.memory_space<hbm>> -> memref<53248x32xf32, #tpu.memory_space<hbm>>
      tpu.wait_indirect_dma semaphore(%arg16 : memref<!tpu.dma_semaphore, #tpu.memory_space<semaphore_mem>>) src(%dma_wait3A_442 : memref<53248x32xf32, #tpu.memory_space<hbm>>) dst(%arg10 : memref<128x32xf32, #tpu.memory_space<vmem>>)
      %run_scoped3A_443 = arith.constant 7 : i32
      "tpu.region"() ({
        %run_scoped3A_1158 = tpu.sem_alloc : memref<!tpu.dma_semaphore, #tpu.memory_space<semaphore_mem>>
        %dma_start3A_1159 = arith.constant 0 : i32
        %dma_start3A_1160 = tpu.memref_slice %arg8[%run_scoped3A_443, %dma_start3A_1159] : memref<40x128xi32, #tpu.memory_space<vmem>> -> memref<1x128xi32, #tpu.memory_space<vmem>>
        %dma_start3A_1161 = tpu.memref_squeeze %dma_start3A_1160 : memref<1x128xi32, #tpu.memory_space<vmem>> -> memref<128xi32, #tpu.memory_space<vmem>>
        %dma_start3A_1162 = arith.constant 0 : i32
        %dma_start3A_1163 = arith.constant 0 : i32
        %dma_start3A_1164 = tpu.memref_slice %arg12[%dma_start3A_1162, %dma_start3A_1163] : memref<53248x32xf32, #tpu.memory_space<vmem_shared>> -> memref<53248x32xf32, #tpu.memory_space<vmem_shared>>
        tpu.enqueue_indirect_dma source(%arg10 : memref<128x32xf32, #tpu.memory_space<vmem>>) target(%dma_start3A_1164 : memref<53248x32xf32, #tpu.memory_space<vmem_shared>>) offsets(%dma_start3A_1161 : memref<128xi32, #tpu.memory_space<vmem>>) semaphore(%run_scoped3A_1158 : memref<!tpu.dma_semaphore, #tpu.memory_space<semaphore_mem>>) {add = true}
        %dma_wait3A_1165 = arith.constant 0 : i32
        %dma_wait3A_1166 = tpu.memref_slice %arg8[%run_scoped3A_443, %dma_wait3A_1165] : memref<40x128xi32, #tpu.memory_space<vmem>> -> memref<1x128xi32, #tpu.memory_space<vmem>>
        %dma_wait3A_1167 = tpu.memref_squeeze %dma_wait3A_1166 : memref<1x128xi32, #tpu.memory_space<vmem>> -> memref<128xi32, #tpu.memory_space<vmem>>
        %dma_wait3A_1168 = arith.constant 0 : i32
        %dma_wait3A_1169 = arith.constant 0 : i32
        %dma_wait3A_1170 = tpu.memref_slice %arg12[%dma_wait3A_1168, %dma_wait3A_1169] : memref<53248x32xf32, #tpu.memory_space<vmem_shared>> -> memref<53248x32xf32, #tpu.memory_space<vmem_shared>>
        tpu.wait_indirect_dma semaphore(%run_scoped3A_1158 : memref<!tpu.dma_semaphore, #tpu.memory_space<semaphore_mem>>) src(%arg10 : memref<128x32xf32, #tpu.memory_space<vmem>>) dst(%dma_wait3A_1170 : memref<53248x32xf32, #tpu.memory_space<vmem_shared>>)
        tpu.yield
      }) : () -> ()
      %dma_start3A_444 = arith.constant 10 : i32
      %dma_start3A_445 = arith.constant 0 : i32
      %dma_start3A_446 = tpu.memref_slice %arg7[%dma_start3A_444, %dma_start3A_445] : memref<40x128xi32, #tpu.memory_space<vmem>> -> memref<1x128xi32, #tpu.memory_space<vmem>>
      %dma_start3A_447 = tpu.memref_squeeze %dma_start3A_446 : memref<1x128xi32, #tpu.memory_space<vmem>> -> memref<128xi32, #tpu.memory_space<vmem>>
      %dma_start3A_448 = arith.constant 0 : i32
      %dma_start3A_449 = arith.constant 0 : i32
      %dma_start3A_450 = tpu.memref_slice %arg2[%arg0, %dma_start3A_448, %dma_start3A_449] : memref<2x53248x32xf32, #tpu.memory_space<hbm>> -> memref<1x53248x32xf32, #tpu.memory_space<hbm>>
      %dma_start3A_451 = tpu.memref_squeeze %dma_start3A_450 : memref<1x53248x32xf32, #tpu.memory_space<hbm>> -> memref<53248x32xf32, #tpu.memory_space<hbm>>
      %dma_start3A_452 = arith.constant 0 : i32
      %dma_start3A_453 = arith.constant 0 : i32
      %dma_start3A_454 = tpu.memref_slice %dma_start3A_451[%dma_start3A_452, %dma_start3A_453] : memref<53248x32xf32, #tpu.memory_space<hbm>> -> memref<53248x32xf32, #tpu.memory_space<hbm>>
      tpu.enqueue_indirect_dma source(%dma_start3A_454 : memref<53248x32xf32, #tpu.memory_space<hbm>>) target(%arg10 : memref<128x32xf32, #tpu.memory_space<vmem>>) offsets(%dma_start3A_447 : memref<128xi32, #tpu.memory_space<vmem>>) semaphore(%arg16 : memref<!tpu.dma_semaphore, #tpu.memory_space<semaphore_mem>>)
      %dma_wait3A_455 = arith.constant 8 : i32
      %dma_wait3A_456 = arith.constant 0 : i32
      %dma_wait3A_457 = tpu.memref_slice %arg7[%dma_wait3A_455, %dma_wait3A_456] : memref<40x128xi32, #tpu.memory_space<vmem>> -> memref<1x128xi32, #tpu.memory_space<vmem>>
      %dma_wait3A_458 = tpu.memref_squeeze %dma_wait3A_457 : memref<1x128xi32, #tpu.memory_space<vmem>> -> memref<128xi32, #tpu.memory_space<vmem>>
      %dma_wait3A_459 = arith.constant 0 : i32
      %dma_wait3A_460 = arith.constant 0 : i32
      %dma_wait3A_461 = tpu.memref_slice %arg2[%arg0, %dma_wait3A_459, %dma_wait3A_460] : memref<2x53248x32xf32, #tpu.memory_space<hbm>> -> memref<1x53248x32xf32, #tpu.memory_space<hbm>>
      %dma_wait3A_462 = tpu.memref_squeeze %dma_wait3A_461 : memref<1x53248x32xf32, #tpu.memory_space<hbm>> -> memref<53248x32xf32, #tpu.memory_space<hbm>>
      %dma_wait3A_463 = arith.constant 0 : i32
      %dma_wait3A_464 = arith.constant 0 : i32
      %dma_wait3A_465 = tpu.memref_slice %dma_wait3A_462[%dma_wait3A_463, %dma_wait3A_464] : memref<53248x32xf32, #tpu.memory_space<hbm>> -> memref<53248x32xf32, #tpu.memory_space<hbm>>
      tpu.wait_indirect_dma semaphore(%arg17 : memref<!tpu.dma_semaphore, #tpu.memory_space<semaphore_mem>>) src(%dma_wait3A_465 : memref<53248x32xf32, #tpu.memory_space<hbm>>) dst(%arg11 : memref<128x32xf32, #tpu.memory_space<vmem>>)
      %run_scoped3A_466 = arith.constant 8 : i32
      "tpu.region"() ({
        %run_scoped3A_1158 = tpu.sem_alloc : memref<!tpu.dma_semaphore, #tpu.memory_space<semaphore_mem>>
        %dma_start3A_1159 = arith.constant 0 : i32
        %dma_start3A_1160 = tpu.memref_slice %arg8[%run_scoped3A_466, %dma_start3A_1159] : memref<40x128xi32, #tpu.memory_space<vmem>> -> memref<1x128xi32, #tpu.memory_space<vmem>>
        %dma_start3A_1161 = tpu.memref_squeeze %dma_start3A_1160 : memref<1x128xi32, #tpu.memory_space<vmem>> -> memref<128xi32, #tpu.memory_space<vmem>>
        %dma_start3A_1162 = arith.constant 0 : i32
        %dma_start3A_1163 = arith.constant 0 : i32
        %dma_start3A_1164 = tpu.memref_slice %arg12[%dma_start3A_1162, %dma_start3A_1163] : memref<53248x32xf32, #tpu.memory_space<vmem_shared>> -> memref<53248x32xf32, #tpu.memory_space<vmem_shared>>
        tpu.enqueue_indirect_dma source(%arg11 : memref<128x32xf32, #tpu.memory_space<vmem>>) target(%dma_start3A_1164 : memref<53248x32xf32, #tpu.memory_space<vmem_shared>>) offsets(%dma_start3A_1161 : memref<128xi32, #tpu.memory_space<vmem>>) semaphore(%run_scoped3A_1158 : memref<!tpu.dma_semaphore, #tpu.memory_space<semaphore_mem>>) {add = true}
        %dma_wait3A_1165 = arith.constant 0 : i32
        %dma_wait3A_1166 = tpu.memref_slice %arg8[%run_scoped3A_466, %dma_wait3A_1165] : memref<40x128xi32, #tpu.memory_space<vmem>> -> memref<1x128xi32, #tpu.memory_space<vmem>>
        %dma_wait3A_1167 = tpu.memref_squeeze %dma_wait3A_1166 : memref<1x128xi32, #tpu.memory_space<vmem>> -> memref<128xi32, #tpu.memory_space<vmem>>
        %dma_wait3A_1168 = arith.constant 0 : i32
        %dma_wait3A_1169 = arith.constant 0 : i32
        %dma_wait3A_1170 = tpu.memref_slice %arg12[%dma_wait3A_1168, %dma_wait3A_1169] : memref<53248x32xf32, #tpu.memory_space<vmem_shared>> -> memref<53248x32xf32, #tpu.memory_space<vmem_shared>>
        tpu.wait_indirect_dma semaphore(%run_scoped3A_1158 : memref<!tpu.dma_semaphore, #tpu.memory_space<semaphore_mem>>) src(%arg11 : memref<128x32xf32, #tpu.memory_space<vmem>>) dst(%dma_wait3A_1170 : memref<53248x32xf32, #tpu.memory_space<vmem_shared>>)
        tpu.yield
      }) : () -> ()
      %dma_start3A_467 = arith.constant 11 : i32
      %dma_start3A_468 = arith.constant 0 : i32
      %dma_start3A_469 = tpu.memref_slice %arg7[%dma_start3A_467, %dma_start3A_468] : memref<40x128xi32, #tpu.memory_space<vmem>> -> memref<1x128xi32, #tpu.memory_space<vmem>>
      %dma_start3A_470 = tpu.memref_squeeze %dma_start3A_469 : memref<1x128xi32, #tpu.memory_space<vmem>> -> memref<128xi32, #tpu.memory_space<vmem>>
      %dma_start3A_471 = arith.constant 0 : i32
      %dma_start3A_472 = arith.constant 0 : i32
      %dma_start3A_473 = tpu.memref_slice %arg2[%arg0, %dma_start3A_471, %dma_start3A_472] : memref<2x53248x32xf32, #tpu.memory_space<hbm>> -> memref<1x53248x32xf32, #tpu.memory_space<hbm>>
      %dma_start3A_474 = tpu.memref_squeeze %dma_start3A_473 : memref<1x53248x32xf32, #tpu.memory_space<hbm>> -> memref<53248x32xf32, #tpu.memory_space<hbm>>
      %dma_start3A_475 = arith.constant 0 : i32
      %dma_start3A_476 = arith.constant 0 : i32
      %dma_start3A_477 = tpu.memref_slice %dma_start3A_474[%dma_start3A_475, %dma_start3A_476] : memref<53248x32xf32, #tpu.memory_space<hbm>> -> memref<53248x32xf32, #tpu.memory_space<hbm>>
      tpu.enqueue_indirect_dma source(%dma_start3A_477 : memref<53248x32xf32, #tpu.memory_space<hbm>>) target(%arg11 : memref<128x32xf32, #tpu.memory_space<vmem>>) offsets(%dma_start3A_470 : memref<128xi32, #tpu.memory_space<vmem>>) semaphore(%arg17 : memref<!tpu.dma_semaphore, #tpu.memory_space<semaphore_mem>>)
      %dma_wait3A_478 = arith.constant 9 : i32
      %dma_wait3A_479 = arith.constant 0 : i32
      %dma_wait3A_480 = tpu.memref_slice %arg7[%dma_wait3A_478, %dma_wait3A_479] : memref<40x128xi32, #tpu.memory_space<vmem>> -> memref<1x128xi32, #tpu.memory_space<vmem>>
      %dma_wait3A_481 = tpu.memref_squeeze %dma_wait3A_480 : memref<1x128xi32, #tpu.memory_space<vmem>> -> memref<128xi32, #tpu.memory_space<vmem>>
      %dma_wait3A_482 = arith.constant 0 : i32
      %dma_wait3A_483 = arith.constant 0 : i32
      %dma_wait3A_484 = tpu.memref_slice %arg2[%arg0, %dma_wait3A_482, %dma_wait3A_483] : memref<2x53248x32xf32, #tpu.memory_space<hbm>> -> memref<1x53248x32xf32, #tpu.memory_space<hbm>>
      %dma_wait3A_485 = tpu.memref_squeeze %dma_wait3A_484 : memref<1x53248x32xf32, #tpu.memory_space<hbm>> -> memref<53248x32xf32, #tpu.memory_space<hbm>>
      %dma_wait3A_486 = arith.constant 0 : i32
      %dma_wait3A_487 = arith.constant 0 : i32
      %dma_wait3A_488 = tpu.memref_slice %dma_wait3A_485[%dma_wait3A_486, %dma_wait3A_487] : memref<53248x32xf32, #tpu.memory_space<hbm>> -> memref<53248x32xf32, #tpu.memory_space<hbm>>
      tpu.wait_indirect_dma semaphore(%arg15 : memref<!tpu.dma_semaphore, #tpu.memory_space<semaphore_mem>>) src(%dma_wait3A_488 : memref<53248x32xf32, #tpu.memory_space<hbm>>) dst(%arg9 : memref<128x32xf32, #tpu.memory_space<vmem>>)
      %run_scoped3A_489 = arith.constant 9 : i32
      "tpu.region"() ({
        %run_scoped3A_1158 = tpu.sem_alloc : memref<!tpu.dma_semaphore, #tpu.memory_space<semaphore_mem>>
        %dma_start3A_1159 = arith.constant 0 : i32
        %dma_start3A_1160 = tpu.memref_slice %arg8[%run_scoped3A_489, %dma_start3A_1159] : memref<40x128xi32, #tpu.memory_space<vmem>> -> memref<1x128xi32, #tpu.memory_space<vmem>>
        %dma_start3A_1161 = tpu.memref_squeeze %dma_start3A_1160 : memref<1x128xi32, #tpu.memory_space<vmem>> -> memref<128xi32, #tpu.memory_space<vmem>>
        %dma_start3A_1162 = arith.constant 0 : i32
        %dma_start3A_1163 = arith.constant 0 : i32
        %dma_start3A_1164 = tpu.memref_slice %arg12[%dma_start3A_1162, %dma_start3A_1163] : memref<53248x32xf32, #tpu.memory_space<vmem_shared>> -> memref<53248x32xf32, #tpu.memory_space<vmem_shared>>
        tpu.enqueue_indirect_dma source(%arg9 : memref<128x32xf32, #tpu.memory_space<vmem>>) target(%dma_start3A_1164 : memref<53248x32xf32, #tpu.memory_space<vmem_shared>>) offsets(%dma_start3A_1161 : memref<128xi32, #tpu.memory_space<vmem>>) semaphore(%run_scoped3A_1158 : memref<!tpu.dma_semaphore, #tpu.memory_space<semaphore_mem>>) {add = true}
        %dma_wait3A_1165 = arith.constant 0 : i32
        %dma_wait3A_1166 = tpu.memref_slice %arg8[%run_scoped3A_489, %dma_wait3A_1165] : memref<40x128xi32, #tpu.memory_space<vmem>> -> memref<1x128xi32, #tpu.memory_space<vmem>>
        %dma_wait3A_1167 = tpu.memref_squeeze %dma_wait3A_1166 : memref<1x128xi32, #tpu.memory_space<vmem>> -> memref<128xi32, #tpu.memory_space<vmem>>
        %dma_wait3A_1168 = arith.constant 0 : i32
        %dma_wait3A_1169 = arith.constant 0 : i32
        %dma_wait3A_1170 = tpu.memref_slice %arg12[%dma_wait3A_1168, %dma_wait3A_1169] : memref<53248x32xf32, #tpu.memory_space<vmem_shared>> -> memref<53248x32xf32, #tpu.memory_space<vmem_shared>>
        tpu.wait_indirect_dma semaphore(%run_scoped3A_1158 : memref<!tpu.dma_semaphore, #tpu.memory_space<semaphore_mem>>) src(%arg9 : memref<128x32xf32, #tpu.memory_space<vmem>>) dst(%dma_wait3A_1170 : memref<53248x32xf32, #tpu.memory_space<vmem_shared>>)
        tpu.yield
      }) : () -> ()
      %dma_start3A_490 = arith.constant 12 : i32
      %dma_start3A_491 = arith.constant 0 : i32
      %dma_start3A_492 = tpu.memref_slice %arg7[%dma_start3A_490, %dma_start3A_491] : memref<40x128xi32, #tpu.memory_space<vmem>> -> memref<1x128xi32, #tpu.memory_space<vmem>>
      %dma_start3A_493 = tpu.memref_squeeze %dma_start3A_492 : memref<1x128xi32, #tpu.memory_space<vmem>> -> memref<128xi32, #tpu.memory_space<vmem>>
      %dma_start3A_494 = arith.constant 0 : i32
      %dma_start3A_495 = arith.constant 0 : i32
      %dma_start3A_496 = tpu.memref_slice %arg2[%arg0, %dma_start3A_494, %dma_start3A_495] : memref<2x53248x32xf32, #tpu.memory_space<hbm>> -> memref<1x53248x32xf32, #tpu.memory_space<hbm>>
      %dma_start3A_497 = tpu.memref_squeeze %dma_start3A_496 : memref<1x53248x32xf32, #tpu.memory_space<hbm>> -> memref<53248x32xf32, #tpu.memory_space<hbm>>
      %dma_start3A_498 = arith.constant 0 : i32
      %dma_start3A_499 = arith.constant 0 : i32
      %dma_start3A_500 = tpu.memref_slice %dma_start3A_497[%dma_start3A_498, %dma_start3A_499] : memref<53248x32xf32, #tpu.memory_space<hbm>> -> memref<53248x32xf32, #tpu.memory_space<hbm>>
      tpu.enqueue_indirect_dma source(%dma_start3A_500 : memref<53248x32xf32, #tpu.memory_space<hbm>>) target(%arg9 : memref<128x32xf32, #tpu.memory_space<vmem>>) offsets(%dma_start3A_493 : memref<128xi32, #tpu.memory_space<vmem>>) semaphore(%arg15 : memref<!tpu.dma_semaphore, #tpu.memory_space<semaphore_mem>>)
      %dma_wait3A_501 = arith.constant 10 : i32
      %dma_wait3A_502 = arith.constant 0 : i32
      %dma_wait3A_503 = tpu.memref_slice %arg7[%dma_wait3A_501, %dma_wait3A_502] : memref<40x128xi32, #tpu.memory_space<vmem>> -> memref<1x128xi32, #tpu.memory_space<vmem>>
      %dma_wait3A_504 = tpu.memref_squeeze %dma_wait3A_503 : memref<1x128xi32, #tpu.memory_space<vmem>> -> memref<128xi32, #tpu.memory_space<vmem>>
      %dma_wait3A_505 = arith.constant 0 : i32
      %dma_wait3A_506 = arith.constant 0 : i32
      %dma_wait3A_507 = tpu.memref_slice %arg2[%arg0, %dma_wait3A_505, %dma_wait3A_506] : memref<2x53248x32xf32, #tpu.memory_space<hbm>> -> memref<1x53248x32xf32, #tpu.memory_space<hbm>>
      %dma_wait3A_508 = tpu.memref_squeeze %dma_wait3A_507 : memref<1x53248x32xf32, #tpu.memory_space<hbm>> -> memref<53248x32xf32, #tpu.memory_space<hbm>>
      %dma_wait3A_509 = arith.constant 0 : i32
      %dma_wait3A_510 = arith.constant 0 : i32
      %dma_wait3A_511 = tpu.memref_slice %dma_wait3A_508[%dma_wait3A_509, %dma_wait3A_510] : memref<53248x32xf32, #tpu.memory_space<hbm>> -> memref<53248x32xf32, #tpu.memory_space<hbm>>
      tpu.wait_indirect_dma semaphore(%arg16 : memref<!tpu.dma_semaphore, #tpu.memory_space<semaphore_mem>>) src(%dma_wait3A_511 : memref<53248x32xf32, #tpu.memory_space<hbm>>) dst(%arg10 : memref<128x32xf32, #tpu.memory_space<vmem>>)
      %run_scoped3A_512 = arith.constant 10 : i32
      "tpu.region"() ({
        %run_scoped3A_1158 = tpu.sem_alloc : memref<!tpu.dma_semaphore, #tpu.memory_space<semaphore_mem>>
        %dma_start3A_1159 = arith.constant 0 : i32
        %dma_start3A_1160 = tpu.memref_slice %arg8[%run_scoped3A_512, %dma_start3A_1159] : memref<40x128xi32, #tpu.memory_space<vmem>> -> memref<1x128xi32, #tpu.memory_space<vmem>>
        %dma_start3A_1161 = tpu.memref_squeeze %dma_start3A_1160 : memref<1x128xi32, #tpu.memory_space<vmem>> -> memref<128xi32, #tpu.memory_space<vmem>>
        %dma_start3A_1162 = arith.constant 0 : i32
        %dma_start3A_1163 = arith.constant 0 : i32
        %dma_start3A_1164 = tpu.memref_slice %arg12[%dma_start3A_1162, %dma_start3A_1163] : memref<53248x32xf32, #tpu.memory_space<vmem_shared>> -> memref<53248x32xf32, #tpu.memory_space<vmem_shared>>
        tpu.enqueue_indirect_dma source(%arg10 : memref<128x32xf32, #tpu.memory_space<vmem>>) target(%dma_start3A_1164 : memref<53248x32xf32, #tpu.memory_space<vmem_shared>>) offsets(%dma_start3A_1161 : memref<128xi32, #tpu.memory_space<vmem>>) semaphore(%run_scoped3A_1158 : memref<!tpu.dma_semaphore, #tpu.memory_space<semaphore_mem>>) {add = true}
        %dma_wait3A_1165 = arith.constant 0 : i32
        %dma_wait3A_1166 = tpu.memref_slice %arg8[%run_scoped3A_512, %dma_wait3A_1165] : memref<40x128xi32, #tpu.memory_space<vmem>> -> memref<1x128xi32, #tpu.memory_space<vmem>>
        %dma_wait3A_1167 = tpu.memref_squeeze %dma_wait3A_1166 : memref<1x128xi32, #tpu.memory_space<vmem>> -> memref<128xi32, #tpu.memory_space<vmem>>
        %dma_wait3A_1168 = arith.constant 0 : i32
        %dma_wait3A_1169 = arith.constant 0 : i32
        %dma_wait3A_1170 = tpu.memref_slice %arg12[%dma_wait3A_1168, %dma_wait3A_1169] : memref<53248x32xf32, #tpu.memory_space<vmem_shared>> -> memref<53248x32xf32, #tpu.memory_space<vmem_shared>>
        tpu.wait_indirect_dma semaphore(%run_scoped3A_1158 : memref<!tpu.dma_semaphore, #tpu.memory_space<semaphore_mem>>) src(%arg10 : memref<128x32xf32, #tpu.memory_space<vmem>>) dst(%dma_wait3A_1170 : memref<53248x32xf32, #tpu.memory_space<vmem_shared>>)
        tpu.yield
      }) : () -> ()
      %dma_start3A_513 = arith.constant 13 : i32
      %dma_start3A_514 = arith.constant 0 : i32
      %dma_start3A_515 = tpu.memref_slice %arg7[%dma_start3A_513, %dma_start3A_514] : memref<40x128xi32, #tpu.memory_space<vmem>> -> memref<1x128xi32, #tpu.memory_space<vmem>>
      %dma_start3A_516 = tpu.memref_squeeze %dma_start3A_515 : memref<1x128xi32, #tpu.memory_space<vmem>> -> memref<128xi32, #tpu.memory_space<vmem>>
      %dma_start3A_517 = arith.constant 0 : i32
      %dma_start3A_518 = arith.constant 0 : i32
      %dma_start3A_519 = tpu.memref_slice %arg2[%arg0, %dma_start3A_517, %dma_start3A_518] : memref<2x53248x32xf32, #tpu.memory_space<hbm>> -> memref<1x53248x32xf32, #tpu.memory_space<hbm>>
      %dma_start3A_520 = tpu.memref_squeeze %dma_start3A_519 : memref<1x53248x32xf32, #tpu.memory_space<hbm>> -> memref<53248x32xf32, #tpu.memory_space<hbm>>
      %dma_start3A_521 = arith.constant 0 : i32
      %dma_start3A_522 = arith.constant 0 : i32
      %dma_start3A_523 = tpu.memref_slice %dma_start3A_520[%dma_start3A_521, %dma_start3A_522] : memref<53248x32xf32, #tpu.memory_space<hbm>> -> memref<53248x32xf32, #tpu.memory_space<hbm>>
      tpu.enqueue_indirect_dma source(%dma_start3A_523 : memref<53248x32xf32, #tpu.memory_space<hbm>>) target(%arg10 : memref<128x32xf32, #tpu.memory_space<vmem>>) offsets(%dma_start3A_516 : memref<128xi32, #tpu.memory_space<vmem>>) semaphore(%arg16 : memref<!tpu.dma_semaphore, #tpu.memory_space<semaphore_mem>>)
      %dma_wait3A_524 = arith.constant 11 : i32
      %dma_wait3A_525 = arith.constant 0 : i32
      %dma_wait3A_526 = tpu.memref_slice %arg7[%dma_wait3A_524, %dma_wait3A_525] : memref<40x128xi32, #tpu.memory_space<vmem>> -> memref<1x128xi32, #tpu.memory_space<vmem>>
      %dma_wait3A_527 = tpu.memref_squeeze %dma_wait3A_526 : memref<1x128xi32, #tpu.memory_space<vmem>> -> memref<128xi32, #tpu.memory_space<vmem>>
      %dma_wait3A_528 = arith.constant 0 : i32
      %dma_wait3A_529 = arith.constant 0 : i32
      %dma_wait3A_530 = tpu.memref_slice %arg2[%arg0, %dma_wait3A_528, %dma_wait3A_529] : memref<2x53248x32xf32, #tpu.memory_space<hbm>> -> memref<1x53248x32xf32, #tpu.memory_space<hbm>>
      %dma_wait3A_531 = tpu.memref_squeeze %dma_wait3A_530 : memref<1x53248x32xf32, #tpu.memory_space<hbm>> -> memref<53248x32xf32, #tpu.memory_space<hbm>>
      %dma_wait3A_532 = arith.constant 0 : i32
      %dma_wait3A_533 = arith.constant 0 : i32
      %dma_wait3A_534 = tpu.memref_slice %dma_wait3A_531[%dma_wait3A_532, %dma_wait3A_533] : memref<53248x32xf32, #tpu.memory_space<hbm>> -> memref<53248x32xf32, #tpu.memory_space<hbm>>
      tpu.wait_indirect_dma semaphore(%arg17 : memref<!tpu.dma_semaphore, #tpu.memory_space<semaphore_mem>>) src(%dma_wait3A_534 : memref<53248x32xf32, #tpu.memory_space<hbm>>) dst(%arg11 : memref<128x32xf32, #tpu.memory_space<vmem>>)
      %run_scoped3A_535 = arith.constant 11 : i32
      "tpu.region"() ({
        %run_scoped3A_1158 = tpu.sem_alloc : memref<!tpu.dma_semaphore, #tpu.memory_space<semaphore_mem>>
        %dma_start3A_1159 = arith.constant 0 : i32
        %dma_start3A_1160 = tpu.memref_slice %arg8[%run_scoped3A_535, %dma_start3A_1159] : memref<40x128xi32, #tpu.memory_space<vmem>> -> memref<1x128xi32, #tpu.memory_space<vmem>>
        %dma_start3A_1161 = tpu.memref_squeeze %dma_start3A_1160 : memref<1x128xi32, #tpu.memory_space<vmem>> -> memref<128xi32, #tpu.memory_space<vmem>>
        %dma_start3A_1162 = arith.constant 0 : i32
        %dma_start3A_1163 = arith.constant 0 : i32
        %dma_start3A_1164 = tpu.memref_slice %arg12[%dma_start3A_1162, %dma_start3A_1163] : memref<53248x32xf32, #tpu.memory_space<vmem_shared>> -> memref<53248x32xf32, #tpu.memory_space<vmem_shared>>
        tpu.enqueue_indirect_dma source(%arg11 : memref<128x32xf32, #tpu.memory_space<vmem>>) target(%dma_start3A_1164 : memref<53248x32xf32, #tpu.memory_space<vmem_shared>>) offsets(%dma_start3A_1161 : memref<128xi32, #tpu.memory_space<vmem>>) semaphore(%run_scoped3A_1158 : memref<!tpu.dma_semaphore, #tpu.memory_space<semaphore_mem>>) {add = true}
        %dma_wait3A_1165 = arith.constant 0 : i32
        %dma_wait3A_1166 = tpu.memref_slice %arg8[%run_scoped3A_535, %dma_wait3A_1165] : memref<40x128xi32, #tpu.memory_space<vmem>> -> memref<1x128xi32, #tpu.memory_space<vmem>>
        %dma_wait3A_1167 = tpu.memref_squeeze %dma_wait3A_1166 : memref<1x128xi32, #tpu.memory_space<vmem>> -> memref<128xi32, #tpu.memory_space<vmem>>
        %dma_wait3A_1168 = arith.constant 0 : i32
        %dma_wait3A_1169 = arith.constant 0 : i32
        %dma_wait3A_1170 = tpu.memref_slice %arg12[%dma_wait3A_1168, %dma_wait3A_1169] : memref<53248x32xf32, #tpu.memory_space<vmem_shared>> -> memref<53248x32xf32, #tpu.memory_space<vmem_shared>>
        tpu.wait_indirect_dma semaphore(%run_scoped3A_1158 : memref<!tpu.dma_semaphore, #tpu.memory_space<semaphore_mem>>) src(%arg11 : memref<128x32xf32, #tpu.memory_space<vmem>>) dst(%dma_wait3A_1170 : memref<53248x32xf32, #tpu.memory_space<vmem_shared>>)
        tpu.yield
      }) : () -> ()
      %dma_start3A_536 = arith.constant 14 : i32
      %dma_start3A_537 = arith.constant 0 : i32
      %dma_start3A_538 = tpu.memref_slice %arg7[%dma_start3A_536, %dma_start3A_537] : memref<40x128xi32, #tpu.memory_space<vmem>> -> memref<1x128xi32, #tpu.memory_space<vmem>>
      %dma_start3A_539 = tpu.memref_squeeze %dma_start3A_538 : memref<1x128xi32, #tpu.memory_space<vmem>> -> memref<128xi32, #tpu.memory_space<vmem>>
      %dma_start3A_540 = arith.constant 0 : i32
      %dma_start3A_541 = arith.constant 0 : i32
      %dma_start3A_542 = tpu.memref_slice %arg2[%arg0, %dma_start3A_540, %dma_start3A_541] : memref<2x53248x32xf32, #tpu.memory_space<hbm>> -> memref<1x53248x32xf32, #tpu.memory_space<hbm>>
      %dma_start3A_543 = tpu.memref_squeeze %dma_start3A_542 : memref<1x53248x32xf32, #tpu.memory_space<hbm>> -> memref<53248x32xf32, #tpu.memory_space<hbm>>
      %dma_start3A_544 = arith.constant 0 : i32
      %dma_start3A_545 = arith.constant 0 : i32
      %dma_start3A_546 = tpu.memref_slice %dma_start3A_543[%dma_start3A_544, %dma_start3A_545] : memref<53248x32xf32, #tpu.memory_space<hbm>> -> memref<53248x32xf32, #tpu.memory_space<hbm>>
      tpu.enqueue_indirect_dma source(%dma_start3A_546 : memref<53248x32xf32, #tpu.memory_space<hbm>>) target(%arg11 : memref<128x32xf32, #tpu.memory_space<vmem>>) offsets(%dma_start3A_539 : memref<128xi32, #tpu.memory_space<vmem>>) semaphore(%arg17 : memref<!tpu.dma_semaphore, #tpu.memory_space<semaphore_mem>>)
      %dma_wait3A_547 = arith.constant 12 : i32
      %dma_wait3A_548 = arith.constant 0 : i32
      %dma_wait3A_549 = tpu.memref_slice %arg7[%dma_wait3A_547, %dma_wait3A_548] : memref<40x128xi32, #tpu.memory_space<vmem>> -> memref<1x128xi32, #tpu.memory_space<vmem>>
      %dma_wait3A_550 = tpu.memref_squeeze %dma_wait3A_549 : memref<1x128xi32, #tpu.memory_space<vmem>> -> memref<128xi32, #tpu.memory_space<vmem>>
      %dma_wait3A_551 = arith.constant 0 : i32
      %dma_wait3A_552 = arith.constant 0 : i32
      %dma_wait3A_553 = tpu.memref_slice %arg2[%arg0, %dma_wait3A_551, %dma_wait3A_552] : memref<2x53248x32xf32, #tpu.memory_space<hbm>> -> memref<1x53248x32xf32, #tpu.memory_space<hbm>>
      %dma_wait3A_554 = tpu.memref_squeeze %dma_wait3A_553 : memref<1x53248x32xf32, #tpu.memory_space<hbm>> -> memref<53248x32xf32, #tpu.memory_space<hbm>>
      %dma_wait3A_555 = arith.constant 0 : i32
      %dma_wait3A_556 = arith.constant 0 : i32
      %dma_wait3A_557 = tpu.memref_slice %dma_wait3A_554[%dma_wait3A_555, %dma_wait3A_556] : memref<53248x32xf32, #tpu.memory_space<hbm>> -> memref<53248x32xf32, #tpu.memory_space<hbm>>
      tpu.wait_indirect_dma semaphore(%arg15 : memref<!tpu.dma_semaphore, #tpu.memory_space<semaphore_mem>>) src(%dma_wait3A_557 : memref<53248x32xf32, #tpu.memory_space<hbm>>) dst(%arg9 : memref<128x32xf32, #tpu.memory_space<vmem>>)
      %run_scoped3A_558 = arith.constant 12 : i32
      "tpu.region"() ({
        %run_scoped3A_1158 = tpu.sem_alloc : memref<!tpu.dma_semaphore, #tpu.memory_space<semaphore_mem>>
        %dma_start3A_1159 = arith.constant 0 : i32
        %dma_start3A_1160 = tpu.memref_slice %arg8[%run_scoped3A_558, %dma_start3A_1159] : memref<40x128xi32, #tpu.memory_space<vmem>> -> memref<1x128xi32, #tpu.memory_space<vmem>>
        %dma_start3A_1161 = tpu.memref_squeeze %dma_start3A_1160 : memref<1x128xi32, #tpu.memory_space<vmem>> -> memref<128xi32, #tpu.memory_space<vmem>>
        %dma_start3A_1162 = arith.constant 0 : i32
        %dma_start3A_1163 = arith.constant 0 : i32
        %dma_start3A_1164 = tpu.memref_slice %arg12[%dma_start3A_1162, %dma_start3A_1163] : memref<53248x32xf32, #tpu.memory_space<vmem_shared>> -> memref<53248x32xf32, #tpu.memory_space<vmem_shared>>
        tpu.enqueue_indirect_dma source(%arg9 : memref<128x32xf32, #tpu.memory_space<vmem>>) target(%dma_start3A_1164 : memref<53248x32xf32, #tpu.memory_space<vmem_shared>>) offsets(%dma_start3A_1161 : memref<128xi32, #tpu.memory_space<vmem>>) semaphore(%run_scoped3A_1158 : memref<!tpu.dma_semaphore, #tpu.memory_space<semaphore_mem>>) {add = true}
        %dma_wait3A_1165 = arith.constant 0 : i32
        %dma_wait3A_1166 = tpu.memref_slice %arg8[%run_scoped3A_558, %dma_wait3A_1165] : memref<40x128xi32, #tpu.memory_space<vmem>> -> memref<1x128xi32, #tpu.memory_space<vmem>>
        %dma_wait3A_1167 = tpu.memref_squeeze %dma_wait3A_1166 : memref<1x128xi32, #tpu.memory_space<vmem>> -> memref<128xi32, #tpu.memory_space<vmem>>
        %dma_wait3A_1168 = arith.constant 0 : i32
        %dma_wait3A_1169 = arith.constant 0 : i32
        %dma_wait3A_1170 = tpu.memref_slice %arg12[%dma_wait3A_1168, %dma_wait3A_1169] : memref<53248x32xf32, #tpu.memory_space<vmem_shared>> -> memref<53248x32xf32, #tpu.memory_space<vmem_shared>>
        tpu.wait_indirect_dma semaphore(%run_scoped3A_1158 : memref<!tpu.dma_semaphore, #tpu.memory_space<semaphore_mem>>) src(%arg9 : memref<128x32xf32, #tpu.memory_space<vmem>>) dst(%dma_wait3A_1170 : memref<53248x32xf32, #tpu.memory_space<vmem_shared>>)
        tpu.yield
      }) : () -> ()
      %dma_start3A_559 = arith.constant 15 : i32
      %dma_start3A_560 = arith.constant 0 : i32
      %dma_start3A_561 = tpu.memref_slice %arg7[%dma_start3A_559, %dma_start3A_560] : memref<40x128xi32, #tpu.memory_space<vmem>> -> memref<1x128xi32, #tpu.memory_space<vmem>>
      %dma_start3A_562 = tpu.memref_squeeze %dma_start3A_561 : memref<1x128xi32, #tpu.memory_space<vmem>> -> memref<128xi32, #tpu.memory_space<vmem>>
      %dma_start3A_563 = arith.constant 0 : i32
      %dma_start3A_564 = arith.constant 0 : i32
      %dma_start3A_565 = tpu.memref_slice %arg2[%arg0, %dma_start3A_563, %dma_start3A_564] : memref<2x53248x32xf32, #tpu.memory_space<hbm>> -> memref<1x53248x32xf32, #tpu.memory_space<hbm>>
      %dma_start3A_566 = tpu.memref_squeeze %dma_start3A_565 : memref<1x53248x32xf32, #tpu.memory_space<hbm>> -> memref<53248x32xf32, #tpu.memory_space<hbm>>
      %dma_start3A_567 = arith.constant 0 : i32
      %dma_start3A_568 = arith.constant 0 : i32
      %dma_start3A_569 = tpu.memref_slice %dma_start3A_566[%dma_start3A_567, %dma_start3A_568] : memref<53248x32xf32, #tpu.memory_space<hbm>> -> memref<53248x32xf32, #tpu.memory_space<hbm>>
      tpu.enqueue_indirect_dma source(%dma_start3A_569 : memref<53248x32xf32, #tpu.memory_space<hbm>>) target(%arg9 : memref<128x32xf32, #tpu.memory_space<vmem>>) offsets(%dma_start3A_562 : memref<128xi32, #tpu.memory_space<vmem>>) semaphore(%arg15 : memref<!tpu.dma_semaphore, #tpu.memory_space<semaphore_mem>>)
      %dma_wait3A_570 = arith.constant 13 : i32
      %dma_wait3A_571 = arith.constant 0 : i32
      %dma_wait3A_572 = tpu.memref_slice %arg7[%dma_wait3A_570, %dma_wait3A_571] : memref<40x128xi32, #tpu.memory_space<vmem>> -> memref<1x128xi32, #tpu.memory_space<vmem>>
      %dma_wait3A_573 = tpu.memref_squeeze %dma_wait3A_572 : memref<1x128xi32, #tpu.memory_space<vmem>> -> memref<128xi32, #tpu.memory_space<vmem>>
      %dma_wait3A_574 = arith.constant 0 : i32
      %dma_wait3A_575 = arith.constant 0 : i32
      %dma_wait3A_576 = tpu.memref_slice %arg2[%arg0, %dma_wait3A_574, %dma_wait3A_575] : memref<2x53248x32xf32, #tpu.memory_space<hbm>> -> memref<1x53248x32xf32, #tpu.memory_space<hbm>>
      %dma_wait3A_577 = tpu.memref_squeeze %dma_wait3A_576 : memref<1x53248x32xf32, #tpu.memory_space<hbm>> -> memref<53248x32xf32, #tpu.memory_space<hbm>>
      %dma_wait3A_578 = arith.constant 0 : i32
      %dma_wait3A_579 = arith.constant 0 : i32
      %dma_wait3A_580 = tpu.memref_slice %dma_wait3A_577[%dma_wait3A_578, %dma_wait3A_579] : memref<53248x32xf32, #tpu.memory_space<hbm>> -> memref<53248x32xf32, #tpu.memory_space<hbm>>
      tpu.wait_indirect_dma semaphore(%arg16 : memref<!tpu.dma_semaphore, #tpu.memory_space<semaphore_mem>>) src(%dma_wait3A_580 : memref<53248x32xf32, #tpu.memory_space<hbm>>) dst(%arg10 : memref<128x32xf32, #tpu.memory_space<vmem>>)
      %run_scoped3A_581 = arith.constant 13 : i32
      "tpu.region"() ({
        %run_scoped3A_1158 = tpu.sem_alloc : memref<!tpu.dma_semaphore, #tpu.memory_space<semaphore_mem>>
        %dma_start3A_1159 = arith.constant 0 : i32
        %dma_start3A_1160 = tpu.memref_slice %arg8[%run_scoped3A_581, %dma_start3A_1159] : memref<40x128xi32, #tpu.memory_space<vmem>> -> memref<1x128xi32, #tpu.memory_space<vmem>>
        %dma_start3A_1161 = tpu.memref_squeeze %dma_start3A_1160 : memref<1x128xi32, #tpu.memory_space<vmem>> -> memref<128xi32, #tpu.memory_space<vmem>>
        %dma_start3A_1162 = arith.constant 0 : i32
        %dma_start3A_1163 = arith.constant 0 : i32
        %dma_start3A_1164 = tpu.memref_slice %arg12[%dma_start3A_1162, %dma_start3A_1163] : memref<53248x32xf32, #tpu.memory_space<vmem_shared>> -> memref<53248x32xf32, #tpu.memory_space<vmem_shared>>
        tpu.enqueue_indirect_dma source(%arg10 : memref<128x32xf32, #tpu.memory_space<vmem>>) target(%dma_start3A_1164 : memref<53248x32xf32, #tpu.memory_space<vmem_shared>>) offsets(%dma_start3A_1161 : memref<128xi32, #tpu.memory_space<vmem>>) semaphore(%run_scoped3A_1158 : memref<!tpu.dma_semaphore, #tpu.memory_space<semaphore_mem>>) {add = true}
        %dma_wait3A_1165 = arith.constant 0 : i32
        %dma_wait3A_1166 = tpu.memref_slice %arg8[%run_scoped3A_581, %dma_wait3A_1165] : memref<40x128xi32, #tpu.memory_space<vmem>> -> memref<1x128xi32, #tpu.memory_space<vmem>>
        %dma_wait3A_1167 = tpu.memref_squeeze %dma_wait3A_1166 : memref<1x128xi32, #tpu.memory_space<vmem>> -> memref<128xi32, #tpu.memory_space<vmem>>
        %dma_wait3A_1168 = arith.constant 0 : i32
        %dma_wait3A_1169 = arith.constant 0 : i32
        %dma_wait3A_1170 = tpu.memref_slice %arg12[%dma_wait3A_1168, %dma_wait3A_1169] : memref<53248x32xf32, #tpu.memory_space<vmem_shared>> -> memref<53248x32xf32, #tpu.memory_space<vmem_shared>>
        tpu.wait_indirect_dma semaphore(%run_scoped3A_1158 : memref<!tpu.dma_semaphore, #tpu.memory_space<semaphore_mem>>) src(%arg10 : memref<128x32xf32, #tpu.memory_space<vmem>>) dst(%dma_wait3A_1170 : memref<53248x32xf32, #tpu.memory_space<vmem_shared>>)
        tpu.yield
      }) : () -> ()
      %dma_start3A_582 = arith.constant 16 : i32
      %dma_start3A_583 = arith.constant 0 : i32
      %dma_start3A_584 = tpu.memref_slice %arg7[%dma_start3A_582, %dma_start3A_583] : memref<40x128xi32, #tpu.memory_space<vmem>> -> memref<1x128xi32, #tpu.memory_space<vmem>>
      %dma_start3A_585 = tpu.memref_squeeze %dma_start3A_584 : memref<1x128xi32, #tpu.memory_space<vmem>> -> memref<128xi32, #tpu.memory_space<vmem>>
      %dma_start3A_586 = arith.constant 0 : i32
      %dma_start3A_587 = arith.constant 0 : i32
      %dma_start3A_588 = tpu.memref_slice %arg2[%arg0, %dma_start3A_586, %dma_start3A_587] : memref<2x53248x32xf32, #tpu.memory_space<hbm>> -> memref<1x53248x32xf32, #tpu.memory_space<hbm>>
      %dma_start3A_589 = tpu.memref_squeeze %dma_start3A_588 : memref<1x53248x32xf32, #tpu.memory_space<hbm>> -> memref<53248x32xf32, #tpu.memory_space<hbm>>
      %dma_start3A_590 = arith.constant 0 : i32
      %dma_start3A_591 = arith.constant 0 : i32
      %dma_start3A_592 = tpu.memref_slice %dma_start3A_589[%dma_start3A_590, %dma_start3A_591] : memref<53248x32xf32, #tpu.memory_space<hbm>> -> memref<53248x32xf32, #tpu.memory_space<hbm>>
      tpu.enqueue_indirect_dma source(%dma_start3A_592 : memref<53248x32xf32, #tpu.memory_space<hbm>>) target(%arg10 : memref<128x32xf32, #tpu.memory_space<vmem>>) offsets(%dma_start3A_585 : memref<128xi32, #tpu.memory_space<vmem>>) semaphore(%arg16 : memref<!tpu.dma_semaphore, #tpu.memory_space<semaphore_mem>>)
      %dma_wait3A_593 = arith.constant 14 : i32
      %dma_wait3A_594 = arith.constant 0 : i32
      %dma_wait3A_595 = tpu.memref_slice %arg7[%dma_wait3A_593, %dma_wait3A_594] : memref<40x128xi32, #tpu.memory_space<vmem>> -> memref<1x128xi32, #tpu.memory_space<vmem>>
      %dma_wait3A_596 = tpu.memref_squeeze %dma_wait3A_595 : memref<1x128xi32, #tpu.memory_space<vmem>> -> memref<128xi32, #tpu.memory_space<vmem>>
      %dma_wait3A_597 = arith.constant 0 : i32
      %dma_wait3A_598 = arith.constant 0 : i32
      %dma_wait3A_599 = tpu.memref_slice %arg2[%arg0, %dma_wait3A_597, %dma_wait3A_598] : memref<2x53248x32xf32, #tpu.memory_space<hbm>> -> memref<1x53248x32xf32, #tpu.memory_space<hbm>>
      %dma_wait3A_600 = tpu.memref_squeeze %dma_wait3A_599 : memref<1x53248x32xf32, #tpu.memory_space<hbm>> -> memref<53248x32xf32, #tpu.memory_space<hbm>>
      %dma_wait3A_601 = arith.constant 0 : i32
      %dma_wait3A_602 = arith.constant 0 : i32
      %dma_wait3A_603 = tpu.memref_slice %dma_wait3A_600[%dma_wait3A_601, %dma_wait3A_602] : memref<53248x32xf32, #tpu.memory_space<hbm>> -> memref<53248x32xf32, #tpu.memory_space<hbm>>
      tpu.wait_indirect_dma semaphore(%arg17 : memref<!tpu.dma_semaphore, #tpu.memory_space<semaphore_mem>>) src(%dma_wait3A_603 : memref<53248x32xf32, #tpu.memory_space<hbm>>) dst(%arg11 : memref<128x32xf32, #tpu.memory_space<vmem>>)
      %run_scoped3A_604 = arith.constant 14 : i32
      "tpu.region"() ({
        %run_scoped3A_1158 = tpu.sem_alloc : memref<!tpu.dma_semaphore, #tpu.memory_space<semaphore_mem>>
        %dma_start3A_1159 = arith.constant 0 : i32
        %dma_start3A_1160 = tpu.memref_slice %arg8[%run_scoped3A_604, %dma_start3A_1159] : memref<40x128xi32, #tpu.memory_space<vmem>> -> memref<1x128xi32, #tpu.memory_space<vmem>>
        %dma_start3A_1161 = tpu.memref_squeeze %dma_start3A_1160 : memref<1x128xi32, #tpu.memory_space<vmem>> -> memref<128xi32, #tpu.memory_space<vmem>>
        %dma_start3A_1162 = arith.constant 0 : i32
        %dma_start3A_1163 = arith.constant 0 : i32
        %dma_start3A_1164 = tpu.memref_slice %arg12[%dma_start3A_1162, %dma_start3A_1163] : memref<53248x32xf32, #tpu.memory_space<vmem_shared>> -> memref<53248x32xf32, #tpu.memory_space<vmem_shared>>
        tpu.enqueue_indirect_dma source(%arg11 : memref<128x32xf32, #tpu.memory_space<vmem>>) target(%dma_start3A_1164 : memref<53248x32xf32, #tpu.memory_space<vmem_shared>>) offsets(%dma_start3A_1161 : memref<128xi32, #tpu.memory_space<vmem>>) semaphore(%run_scoped3A_1158 : memref<!tpu.dma_semaphore, #tpu.memory_space<semaphore_mem>>) {add = true}
        %dma_wait3A_1165 = arith.constant 0 : i32
        %dma_wait3A_1166 = tpu.memref_slice %arg8[%run_scoped3A_604, %dma_wait3A_1165] : memref<40x128xi32, #tpu.memory_space<vmem>> -> memref<1x128xi32, #tpu.memory_space<vmem>>
        %dma_wait3A_1167 = tpu.memref_squeeze %dma_wait3A_1166 : memref<1x128xi32, #tpu.memory_space<vmem>> -> memref<128xi32, #tpu.memory_space<vmem>>
        %dma_wait3A_1168 = arith.constant 0 : i32
        %dma_wait3A_1169 = arith.constant 0 : i32
        %dma_wait3A_1170 = tpu.memref_slice %arg12[%dma_wait3A_1168, %dma_wait3A_1169] : memref<53248x32xf32, #tpu.memory_space<vmem_shared>> -> memref<53248x32xf32, #tpu.memory_space<vmem_shared>>
        tpu.wait_indirect_dma semaphore(%run_scoped3A_1158 : memref<!tpu.dma_semaphore, #tpu.memory_space<semaphore_mem>>) src(%arg11 : memref<128x32xf32, #tpu.memory_space<vmem>>) dst(%dma_wait3A_1170 : memref<53248x32xf32, #tpu.memory_space<vmem_shared>>)
        tpu.yield
      }) : () -> ()
      %dma_start3A_605 = arith.constant 17 : i32
      %dma_start3A_606 = arith.constant 0 : i32
      %dma_start3A_607 = tpu.memref_slice %arg7[%dma_start3A_605, %dma_start3A_606] : memref<40x128xi32, #tpu.memory_space<vmem>> -> memref<1x128xi32, #tpu.memory_space<vmem>>
      %dma_start3A_608 = tpu.memref_squeeze %dma_start3A_607 : memref<1x128xi32, #tpu.memory_space<vmem>> -> memref<128xi32, #tpu.memory_space<vmem>>
      %dma_start3A_609 = arith.constant 0 : i32
      %dma_start3A_610 = arith.constant 0 : i32
      %dma_start3A_611 = tpu.memref_slice %arg2[%arg0, %dma_start3A_609, %dma_start3A_610] : memref<2x53248x32xf32, #tpu.memory_space<hbm>> -> memref<1x53248x32xf32, #tpu.memory_space<hbm>>
      %dma_start3A_612 = tpu.memref_squeeze %dma_start3A_611 : memref<1x53248x32xf32, #tpu.memory_space<hbm>> -> memref<53248x32xf32, #tpu.memory_space<hbm>>
      %dma_start3A_613 = arith.constant 0 : i32
      %dma_start3A_614 = arith.constant 0 : i32
      %dma_start3A_615 = tpu.memref_slice %dma_start3A_612[%dma_start3A_613, %dma_start3A_614] : memref<53248x32xf32, #tpu.memory_space<hbm>> -> memref<53248x32xf32, #tpu.memory_space<hbm>>
      tpu.enqueue_indirect_dma source(%dma_start3A_615 : memref<53248x32xf32, #tpu.memory_space<hbm>>) target(%arg11 : memref<128x32xf32, #tpu.memory_space<vmem>>) offsets(%dma_start3A_608 : memref<128xi32, #tpu.memory_space<vmem>>) semaphore(%arg17 : memref<!tpu.dma_semaphore, #tpu.memory_space<semaphore_mem>>)
      %dma_wait3A_616 = arith.constant 15 : i32
      %dma_wait3A_617 = arith.constant 0 : i32
      %dma_wait3A_618 = tpu.memref_slice %arg7[%dma_wait3A_616, %dma_wait3A_617] : memref<40x128xi32, #tpu.memory_space<vmem>> -> memref<1x128xi32, #tpu.memory_space<vmem>>
      %dma_wait3A_619 = tpu.memref_squeeze %dma_wait3A_618 : memref<1x128xi32, #tpu.memory_space<vmem>> -> memref<128xi32, #tpu.memory_space<vmem>>
      %dma_wait3A_620 = arith.constant 0 : i32
      %dma_wait3A_621 = arith.constant 0 : i32
      %dma_wait3A_622 = tpu.memref_slice %arg2[%arg0, %dma_wait3A_620, %dma_wait3A_621] : memref<2x53248x32xf32, #tpu.memory_space<hbm>> -> memref<1x53248x32xf32, #tpu.memory_space<hbm>>
      %dma_wait3A_623 = tpu.memref_squeeze %dma_wait3A_622 : memref<1x53248x32xf32, #tpu.memory_space<hbm>> -> memref<53248x32xf32, #tpu.memory_space<hbm>>
      %dma_wait3A_624 = arith.constant 0 : i32
      %dma_wait3A_625 = arith.constant 0 : i32
      %dma_wait3A_626 = tpu.memref_slice %dma_wait3A_623[%dma_wait3A_624, %dma_wait3A_625] : memref<53248x32xf32, #tpu.memory_space<hbm>> -> memref<53248x32xf32, #tpu.memory_space<hbm>>
      tpu.wait_indirect_dma semaphore(%arg15 : memref<!tpu.dma_semaphore, #tpu.memory_space<semaphore_mem>>) src(%dma_wait3A_626 : memref<53248x32xf32, #tpu.memory_space<hbm>>) dst(%arg9 : memref<128x32xf32, #tpu.memory_space<vmem>>)
      %run_scoped3A_627 = arith.constant 15 : i32
      "tpu.region"() ({
        %run_scoped3A_1158 = tpu.sem_alloc : memref<!tpu.dma_semaphore, #tpu.memory_space<semaphore_mem>>
        %dma_start3A_1159 = arith.constant 0 : i32
        %dma_start3A_1160 = tpu.memref_slice %arg8[%run_scoped3A_627, %dma_start3A_1159] : memref<40x128xi32, #tpu.memory_space<vmem>> -> memref<1x128xi32, #tpu.memory_space<vmem>>
        %dma_start3A_1161 = tpu.memref_squeeze %dma_start3A_1160 : memref<1x128xi32, #tpu.memory_space<vmem>> -> memref<128xi32, #tpu.memory_space<vmem>>
        %dma_start3A_1162 = arith.constant 0 : i32
        %dma_start3A_1163 = arith.constant 0 : i32
        %dma_start3A_1164 = tpu.memref_slice %arg12[%dma_start3A_1162, %dma_start3A_1163] : memref<53248x32xf32, #tpu.memory_space<vmem_shared>> -> memref<53248x32xf32, #tpu.memory_space<vmem_shared>>
        tpu.enqueue_indirect_dma source(%arg9 : memref<128x32xf32, #tpu.memory_space<vmem>>) target(%dma_start3A_1164 : memref<53248x32xf32, #tpu.memory_space<vmem_shared>>) offsets(%dma_start3A_1161 : memref<128xi32, #tpu.memory_space<vmem>>) semaphore(%run_scoped3A_1158 : memref<!tpu.dma_semaphore, #tpu.memory_space<semaphore_mem>>) {add = true}
        %dma_wait3A_1165 = arith.constant 0 : i32
        %dma_wait3A_1166 = tpu.memref_slice %arg8[%run_scoped3A_627, %dma_wait3A_1165] : memref<40x128xi32, #tpu.memory_space<vmem>> -> memref<1x128xi32, #tpu.memory_space<vmem>>
        %dma_wait3A_1167 = tpu.memref_squeeze %dma_wait3A_1166 : memref<1x128xi32, #tpu.memory_space<vmem>> -> memref<128xi32, #tpu.memory_space<vmem>>
        %dma_wait3A_1168 = arith.constant 0 : i32
        %dma_wait3A_1169 = arith.constant 0 : i32
        %dma_wait3A_1170 = tpu.memref_slice %arg12[%dma_wait3A_1168, %dma_wait3A_1169] : memref<53248x32xf32, #tpu.memory_space<vmem_shared>> -> memref<53248x32xf32, #tpu.memory_space<vmem_shared>>
        tpu.wait_indirect_dma semaphore(%run_scoped3A_1158 : memref<!tpu.dma_semaphore, #tpu.memory_space<semaphore_mem>>) src(%arg9 : memref<128x32xf32, #tpu.memory_space<vmem>>) dst(%dma_wait3A_1170 : memref<53248x32xf32, #tpu.memory_space<vmem_shared>>)
        tpu.yield
      }) : () -> ()
      %dma_start3A_628 = arith.constant 18 : i32
      %dma_start3A_629 = arith.constant 0 : i32
      %dma_start3A_630 = tpu.memref_slice %arg7[%dma_start3A_628, %dma_start3A_629] : memref<40x128xi32, #tpu.memory_space<vmem>> -> memref<1x128xi32, #tpu.memory_space<vmem>>
      %dma_start3A_631 = tpu.memref_squeeze %dma_start3A_630 : memref<1x128xi32, #tpu.memory_space<vmem>> -> memref<128xi32, #tpu.memory_space<vmem>>
      %dma_start3A_632 = arith.constant 0 : i32
      %dma_start3A_633 = arith.constant 0 : i32
      %dma_start3A_634 = tpu.memref_slice %arg2[%arg0, %dma_start3A_632, %dma_start3A_633] : memref<2x53248x32xf32, #tpu.memory_space<hbm>> -> memref<1x53248x32xf32, #tpu.memory_space<hbm>>
      %dma_start3A_635 = tpu.memref_squeeze %dma_start3A_634 : memref<1x53248x32xf32, #tpu.memory_space<hbm>> -> memref<53248x32xf32, #tpu.memory_space<hbm>>
      %dma_start3A_636 = arith.constant 0 : i32
      %dma_start3A_637 = arith.constant 0 : i32
      %dma_start3A_638 = tpu.memref_slice %dma_start3A_635[%dma_start3A_636, %dma_start3A_637] : memref<53248x32xf32, #tpu.memory_space<hbm>> -> memref<53248x32xf32, #tpu.memory_space<hbm>>
      tpu.enqueue_indirect_dma source(%dma_start3A_638 : memref<53248x32xf32, #tpu.memory_space<hbm>>) target(%arg9 : memref<128x32xf32, #tpu.memory_space<vmem>>) offsets(%dma_start3A_631 : memref<128xi32, #tpu.memory_space<vmem>>) semaphore(%arg15 : memref<!tpu.dma_semaphore, #tpu.memory_space<semaphore_mem>>)
      %dma_wait3A_639 = arith.constant 16 : i32
      %dma_wait3A_640 = arith.constant 0 : i32
      %dma_wait3A_641 = tpu.memref_slice %arg7[%dma_wait3A_639, %dma_wait3A_640] : memref<40x128xi32, #tpu.memory_space<vmem>> -> memref<1x128xi32, #tpu.memory_space<vmem>>
      %dma_wait3A_642 = tpu.memref_squeeze %dma_wait3A_641 : memref<1x128xi32, #tpu.memory_space<vmem>> -> memref<128xi32, #tpu.memory_space<vmem>>
      %dma_wait3A_643 = arith.constant 0 : i32
      %dma_wait3A_644 = arith.constant 0 : i32
      %dma_wait3A_645 = tpu.memref_slice %arg2[%arg0, %dma_wait3A_643, %dma_wait3A_644] : memref<2x53248x32xf32, #tpu.memory_space<hbm>> -> memref<1x53248x32xf32, #tpu.memory_space<hbm>>
      %dma_wait3A_646 = tpu.memref_squeeze %dma_wait3A_645 : memref<1x53248x32xf32, #tpu.memory_space<hbm>> -> memref<53248x32xf32, #tpu.memory_space<hbm>>
      %dma_wait3A_647 = arith.constant 0 : i32
      %dma_wait3A_648 = arith.constant 0 : i32
      %dma_wait3A_649 = tpu.memref_slice %dma_wait3A_646[%dma_wait3A_647, %dma_wait3A_648] : memref<53248x32xf32, #tpu.memory_space<hbm>> -> memref<53248x32xf32, #tpu.memory_space<hbm>>
      tpu.wait_indirect_dma semaphore(%arg16 : memref<!tpu.dma_semaphore, #tpu.memory_space<semaphore_mem>>) src(%dma_wait3A_649 : memref<53248x32xf32, #tpu.memory_space<hbm>>) dst(%arg10 : memref<128x32xf32, #tpu.memory_space<vmem>>)
      %run_scoped3A_650 = arith.constant 16 : i32
      "tpu.region"() ({
        %run_scoped3A_1158 = tpu.sem_alloc : memref<!tpu.dma_semaphore, #tpu.memory_space<semaphore_mem>>
        %dma_start3A_1159 = arith.constant 0 : i32
        %dma_start3A_1160 = tpu.memref_slice %arg8[%run_scoped3A_650, %dma_start3A_1159] : memref<40x128xi32, #tpu.memory_space<vmem>> -> memref<1x128xi32, #tpu.memory_space<vmem>>
        %dma_start3A_1161 = tpu.memref_squeeze %dma_start3A_1160 : memref<1x128xi32, #tpu.memory_space<vmem>> -> memref<128xi32, #tpu.memory_space<vmem>>
        %dma_start3A_1162 = arith.constant 0 : i32
        %dma_start3A_1163 = arith.constant 0 : i32
        %dma_start3A_1164 = tpu.memref_slice %arg12[%dma_start3A_1162, %dma_start3A_1163] : memref<53248x32xf32, #tpu.memory_space<vmem_shared>> -> memref<53248x32xf32, #tpu.memory_space<vmem_shared>>
        tpu.enqueue_indirect_dma source(%arg10 : memref<128x32xf32, #tpu.memory_space<vmem>>) target(%dma_start3A_1164 : memref<53248x32xf32, #tpu.memory_space<vmem_shared>>) offsets(%dma_start3A_1161 : memref<128xi32, #tpu.memory_space<vmem>>) semaphore(%run_scoped3A_1158 : memref<!tpu.dma_semaphore, #tpu.memory_space<semaphore_mem>>) {add = true}
        %dma_wait3A_1165 = arith.constant 0 : i32
        %dma_wait3A_1166 = tpu.memref_slice %arg8[%run_scoped3A_650, %dma_wait3A_1165] : memref<40x128xi32, #tpu.memory_space<vmem>> -> memref<1x128xi32, #tpu.memory_space<vmem>>
        %dma_wait3A_1167 = tpu.memref_squeeze %dma_wait3A_1166 : memref<1x128xi32, #tpu.memory_space<vmem>> -> memref<128xi32, #tpu.memory_space<vmem>>
        %dma_wait3A_1168 = arith.constant 0 : i32
        %dma_wait3A_1169 = arith.constant 0 : i32
        %dma_wait3A_1170 = tpu.memref_slice %arg12[%dma_wait3A_1168, %dma_wait3A_1169] : memref<53248x32xf32, #tpu.memory_space<vmem_shared>> -> memref<53248x32xf32, #tpu.memory_space<vmem_shared>>
        tpu.wait_indirect_dma semaphore(%run_scoped3A_1158 : memref<!tpu.dma_semaphore, #tpu.memory_space<semaphore_mem>>) src(%arg10 : memref<128x32xf32, #tpu.memory_space<vmem>>) dst(%dma_wait3A_1170 : memref<53248x32xf32, #tpu.memory_space<vmem_shared>>)
        tpu.yield
      }) : () -> ()
      %dma_start3A_651 = arith.constant 19 : i32
      %dma_start3A_652 = arith.constant 0 : i32
      %dma_start3A_653 = tpu.memref_slice %arg7[%dma_start3A_651, %dma_start3A_652] : memref<40x128xi32, #tpu.memory_space<vmem>> -> memref<1x128xi32, #tpu.memory_space<vmem>>
      %dma_start3A_654 = tpu.memref_squeeze %dma_start3A_653 : memref<1x128xi32, #tpu.memory_space<vmem>> -> memref<128xi32, #tpu.memory_space<vmem>>
      %dma_start3A_655 = arith.constant 0 : i32
      %dma_start3A_656 = arith.constant 0 : i32
      %dma_start3A_657 = tpu.memref_slice %arg2[%arg0, %dma_start3A_655, %dma_start3A_656] : memref<2x53248x32xf32, #tpu.memory_space<hbm>> -> memref<1x53248x32xf32, #tpu.memory_space<hbm>>
      %dma_start3A_658 = tpu.memref_squeeze %dma_start3A_657 : memref<1x53248x32xf32, #tpu.memory_space<hbm>> -> memref<53248x32xf32, #tpu.memory_space<hbm>>
      %dma_start3A_659 = arith.constant 0 : i32
      %dma_start3A_660 = arith.constant 0 : i32
      %dma_start3A_661 = tpu.memref_slice %dma_start3A_658[%dma_start3A_659, %dma_start3A_660] : memref<53248x32xf32, #tpu.memory_space<hbm>> -> memref<53248x32xf32, #tpu.memory_space<hbm>>
      tpu.enqueue_indirect_dma source(%dma_start3A_661 : memref<53248x32xf32, #tpu.memory_space<hbm>>) target(%arg10 : memref<128x32xf32, #tpu.memory_space<vmem>>) offsets(%dma_start3A_654 : memref<128xi32, #tpu.memory_space<vmem>>) semaphore(%arg16 : memref<!tpu.dma_semaphore, #tpu.memory_space<semaphore_mem>>)
      %dma_wait3A_662 = arith.constant 17 : i32
      %dma_wait3A_663 = arith.constant 0 : i32
      %dma_wait3A_664 = tpu.memref_slice %arg7[%dma_wait3A_662, %dma_wait3A_663] : memref<40x128xi32, #tpu.memory_space<vmem>> -> memref<1x128xi32, #tpu.memory_space<vmem>>
      %dma_wait3A_665 = tpu.memref_squeeze %dma_wait3A_664 : memref<1x128xi32, #tpu.memory_space<vmem>> -> memref<128xi32, #tpu.memory_space<vmem>>
      %dma_wait3A_666 = arith.constant 0 : i32
      %dma_wait3A_667 = arith.constant 0 : i32
      %dma_wait3A_668 = tpu.memref_slice %arg2[%arg0, %dma_wait3A_666, %dma_wait3A_667] : memref<2x53248x32xf32, #tpu.memory_space<hbm>> -> memref<1x53248x32xf32, #tpu.memory_space<hbm>>
      %dma_wait3A_669 = tpu.memref_squeeze %dma_wait3A_668 : memref<1x53248x32xf32, #tpu.memory_space<hbm>> -> memref<53248x32xf32, #tpu.memory_space<hbm>>
      %dma_wait3A_670 = arith.constant 0 : i32
      %dma_wait3A_671 = arith.constant 0 : i32
      %dma_wait3A_672 = tpu.memref_slice %dma_wait3A_669[%dma_wait3A_670, %dma_wait3A_671] : memref<53248x32xf32, #tpu.memory_space<hbm>> -> memref<53248x32xf32, #tpu.memory_space<hbm>>
      tpu.wait_indirect_dma semaphore(%arg17 : memref<!tpu.dma_semaphore, #tpu.memory_space<semaphore_mem>>) src(%dma_wait3A_672 : memref<53248x32xf32, #tpu.memory_space<hbm>>) dst(%arg11 : memref<128x32xf32, #tpu.memory_space<vmem>>)
      %run_scoped3A_673 = arith.constant 17 : i32
      "tpu.region"() ({
        %run_scoped3A_1158 = tpu.sem_alloc : memref<!tpu.dma_semaphore, #tpu.memory_space<semaphore_mem>>
        %dma_start3A_1159 = arith.constant 0 : i32
        %dma_start3A_1160 = tpu.memref_slice %arg8[%run_scoped3A_673, %dma_start3A_1159] : memref<40x128xi32, #tpu.memory_space<vmem>> -> memref<1x128xi32, #tpu.memory_space<vmem>>
        %dma_start3A_1161 = tpu.memref_squeeze %dma_start3A_1160 : memref<1x128xi32, #tpu.memory_space<vmem>> -> memref<128xi32, #tpu.memory_space<vmem>>
        %dma_start3A_1162 = arith.constant 0 : i32
        %dma_start3A_1163 = arith.constant 0 : i32
        %dma_start3A_1164 = tpu.memref_slice %arg12[%dma_start3A_1162, %dma_start3A_1163] : memref<53248x32xf32, #tpu.memory_space<vmem_shared>> -> memref<53248x32xf32, #tpu.memory_space<vmem_shared>>
        tpu.enqueue_indirect_dma source(%arg11 : memref<128x32xf32, #tpu.memory_space<vmem>>) target(%dma_start3A_1164 : memref<53248x32xf32, #tpu.memory_space<vmem_shared>>) offsets(%dma_start3A_1161 : memref<128xi32, #tpu.memory_space<vmem>>) semaphore(%run_scoped3A_1158 : memref<!tpu.dma_semaphore, #tpu.memory_space<semaphore_mem>>) {add = true}
        %dma_wait3A_1165 = arith.constant 0 : i32
        %dma_wait3A_1166 = tpu.memref_slice %arg8[%run_scoped3A_673, %dma_wait3A_1165] : memref<40x128xi32, #tpu.memory_space<vmem>> -> memref<1x128xi32, #tpu.memory_space<vmem>>
        %dma_wait3A_1167 = tpu.memref_squeeze %dma_wait3A_1166 : memref<1x128xi32, #tpu.memory_space<vmem>> -> memref<128xi32, #tpu.memory_space<vmem>>
        %dma_wait3A_1168 = arith.constant 0 : i32
        %dma_wait3A_1169 = arith.constant 0 : i32
        %dma_wait3A_1170 = tpu.memref_slice %arg12[%dma_wait3A_1168, %dma_wait3A_1169] : memref<53248x32xf32, #tpu.memory_space<vmem_shared>> -> memref<53248x32xf32, #tpu.memory_space<vmem_shared>>
        tpu.wait_indirect_dma semaphore(%run_scoped3A_1158 : memref<!tpu.dma_semaphore, #tpu.memory_space<semaphore_mem>>) src(%arg11 : memref<128x32xf32, #tpu.memory_space<vmem>>) dst(%dma_wait3A_1170 : memref<53248x32xf32, #tpu.memory_space<vmem_shared>>)
        tpu.yield
      }) : () -> ()
      %dma_start3A_674 = arith.constant 20 : i32
      %dma_start3A_675 = arith.constant 0 : i32
      %dma_start3A_676 = tpu.memref_slice %arg7[%dma_start3A_674, %dma_start3A_675] : memref<40x128xi32, #tpu.memory_space<vmem>> -> memref<1x128xi32, #tpu.memory_space<vmem>>
      %dma_start3A_677 = tpu.memref_squeeze %dma_start3A_676 : memref<1x128xi32, #tpu.memory_space<vmem>> -> memref<128xi32, #tpu.memory_space<vmem>>
      %dma_start3A_678 = arith.constant 0 : i32
      %dma_start3A_679 = arith.constant 0 : i32
      %dma_start3A_680 = tpu.memref_slice %arg2[%arg0, %dma_start3A_678, %dma_start3A_679] : memref<2x53248x32xf32, #tpu.memory_space<hbm>> -> memref<1x53248x32xf32, #tpu.memory_space<hbm>>
      %dma_start3A_681 = tpu.memref_squeeze %dma_start3A_680 : memref<1x53248x32xf32, #tpu.memory_space<hbm>> -> memref<53248x32xf32, #tpu.memory_space<hbm>>
      %dma_start3A_682 = arith.constant 0 : i32
      %dma_start3A_683 = arith.constant 0 : i32
      %dma_start3A_684 = tpu.memref_slice %dma_start3A_681[%dma_start3A_682, %dma_start3A_683] : memref<53248x32xf32, #tpu.memory_space<hbm>> -> memref<53248x32xf32, #tpu.memory_space<hbm>>
      tpu.enqueue_indirect_dma source(%dma_start3A_684 : memref<53248x32xf32, #tpu.memory_space<hbm>>) target(%arg11 : memref<128x32xf32, #tpu.memory_space<vmem>>) offsets(%dma_start3A_677 : memref<128xi32, #tpu.memory_space<vmem>>) semaphore(%arg17 : memref<!tpu.dma_semaphore, #tpu.memory_space<semaphore_mem>>)
      %dma_wait3A_685 = arith.constant 18 : i32
      %dma_wait3A_686 = arith.constant 0 : i32
      %dma_wait3A_687 = tpu.memref_slice %arg7[%dma_wait3A_685, %dma_wait3A_686] : memref<40x128xi32, #tpu.memory_space<vmem>> -> memref<1x128xi32, #tpu.memory_space<vmem>>
      %dma_wait3A_688 = tpu.memref_squeeze %dma_wait3A_687 : memref<1x128xi32, #tpu.memory_space<vmem>> -> memref<128xi32, #tpu.memory_space<vmem>>
      %dma_wait3A_689 = arith.constant 0 : i32
      %dma_wait3A_690 = arith.constant 0 : i32
      %dma_wait3A_691 = tpu.memref_slice %arg2[%arg0, %dma_wait3A_689, %dma_wait3A_690] : memref<2x53248x32xf32, #tpu.memory_space<hbm>> -> memref<1x53248x32xf32, #tpu.memory_space<hbm>>
      %dma_wait3A_692 = tpu.memref_squeeze %dma_wait3A_691 : memref<1x53248x32xf32, #tpu.memory_space<hbm>> -> memref<53248x32xf32, #tpu.memory_space<hbm>>
      %dma_wait3A_693 = arith.constant 0 : i32
      %dma_wait3A_694 = arith.constant 0 : i32
      %dma_wait3A_695 = tpu.memref_slice %dma_wait3A_692[%dma_wait3A_693, %dma_wait3A_694] : memref<53248x32xf32, #tpu.memory_space<hbm>> -> memref<53248x32xf32, #tpu.memory_space<hbm>>
      tpu.wait_indirect_dma semaphore(%arg15 : memref<!tpu.dma_semaphore, #tpu.memory_space<semaphore_mem>>) src(%dma_wait3A_695 : memref<53248x32xf32, #tpu.memory_space<hbm>>) dst(%arg9 : memref<128x32xf32, #tpu.memory_space<vmem>>)
      %run_scoped3A_696 = arith.constant 18 : i32
      "tpu.region"() ({
        %run_scoped3A_1158 = tpu.sem_alloc : memref<!tpu.dma_semaphore, #tpu.memory_space<semaphore_mem>>
        %dma_start3A_1159 = arith.constant 0 : i32
        %dma_start3A_1160 = tpu.memref_slice %arg8[%run_scoped3A_696, %dma_start3A_1159] : memref<40x128xi32, #tpu.memory_space<vmem>> -> memref<1x128xi32, #tpu.memory_space<vmem>>
        %dma_start3A_1161 = tpu.memref_squeeze %dma_start3A_1160 : memref<1x128xi32, #tpu.memory_space<vmem>> -> memref<128xi32, #tpu.memory_space<vmem>>
        %dma_start3A_1162 = arith.constant 0 : i32
        %dma_start3A_1163 = arith.constant 0 : i32
        %dma_start3A_1164 = tpu.memref_slice %arg12[%dma_start3A_1162, %dma_start3A_1163] : memref<53248x32xf32, #tpu.memory_space<vmem_shared>> -> memref<53248x32xf32, #tpu.memory_space<vmem_shared>>
        tpu.enqueue_indirect_dma source(%arg9 : memref<128x32xf32, #tpu.memory_space<vmem>>) target(%dma_start3A_1164 : memref<53248x32xf32, #tpu.memory_space<vmem_shared>>) offsets(%dma_start3A_1161 : memref<128xi32, #tpu.memory_space<vmem>>) semaphore(%run_scoped3A_1158 : memref<!tpu.dma_semaphore, #tpu.memory_space<semaphore_mem>>) {add = true}
        %dma_wait3A_1165 = arith.constant 0 : i32
        %dma_wait3A_1166 = tpu.memref_slice %arg8[%run_scoped3A_696, %dma_wait3A_1165] : memref<40x128xi32, #tpu.memory_space<vmem>> -> memref<1x128xi32, #tpu.memory_space<vmem>>
        %dma_wait3A_1167 = tpu.memref_squeeze %dma_wait3A_1166 : memref<1x128xi32, #tpu.memory_space<vmem>> -> memref<128xi32, #tpu.memory_space<vmem>>
        %dma_wait3A_1168 = arith.constant 0 : i32
        %dma_wait3A_1169 = arith.constant 0 : i32
        %dma_wait3A_1170 = tpu.memref_slice %arg12[%dma_wait3A_1168, %dma_wait3A_1169] : memref<53248x32xf32, #tpu.memory_space<vmem_shared>> -> memref<53248x32xf32, #tpu.memory_space<vmem_shared>>
        tpu.wait_indirect_dma semaphore(%run_scoped3A_1158 : memref<!tpu.dma_semaphore, #tpu.memory_space<semaphore_mem>>) src(%arg9 : memref<128x32xf32, #tpu.memory_space<vmem>>) dst(%dma_wait3A_1170 : memref<53248x32xf32, #tpu.memory_space<vmem_shared>>)
        tpu.yield
      }) : () -> ()
      %dma_start3A_697 = arith.constant 21 : i32
      %dma_start3A_698 = arith.constant 0 : i32
      %dma_start3A_699 = tpu.memref_slice %arg7[%dma_start3A_697, %dma_start3A_698] : memref<40x128xi32, #tpu.memory_space<vmem>> -> memref<1x128xi32, #tpu.memory_space<vmem>>
      %dma_start3A_700 = tpu.memref_squeeze %dma_start3A_699 : memref<1x128xi32, #tpu.memory_space<vmem>> -> memref<128xi32, #tpu.memory_space<vmem>>
      %dma_start3A_701 = arith.constant 0 : i32
      %dma_start3A_702 = arith.constant 0 : i32
      %dma_start3A_703 = tpu.memref_slice %arg2[%arg0, %dma_start3A_701, %dma_start3A_702] : memref<2x53248x32xf32, #tpu.memory_space<hbm>> -> memref<1x53248x32xf32, #tpu.memory_space<hbm>>
      %dma_start3A_704 = tpu.memref_squeeze %dma_start3A_703 : memref<1x53248x32xf32, #tpu.memory_space<hbm>> -> memref<53248x32xf32, #tpu.memory_space<hbm>>
      %dma_start3A_705 = arith.constant 0 : i32
      %dma_start3A_706 = arith.constant 0 : i32
      %dma_start3A_707 = tpu.memref_slice %dma_start3A_704[%dma_start3A_705, %dma_start3A_706] : memref<53248x32xf32, #tpu.memory_space<hbm>> -> memref<53248x32xf32, #tpu.memory_space<hbm>>
      tpu.enqueue_indirect_dma source(%dma_start3A_707 : memref<53248x32xf32, #tpu.memory_space<hbm>>) target(%arg9 : memref<128x32xf32, #tpu.memory_space<vmem>>) offsets(%dma_start3A_700 : memref<128xi32, #tpu.memory_space<vmem>>) semaphore(%arg15 : memref<!tpu.dma_semaphore, #tpu.memory_space<semaphore_mem>>)
      %dma_wait3A_708 = arith.constant 19 : i32
      %dma_wait3A_709 = arith.constant 0 : i32
      %dma_wait3A_710 = tpu.memref_slice %arg7[%dma_wait3A_708, %dma_wait3A_709] : memref<40x128xi32, #tpu.memory_space<vmem>> -> memref<1x128xi32, #tpu.memory_space<vmem>>
      %dma_wait3A_711 = tpu.memref_squeeze %dma_wait3A_710 : memref<1x128xi32, #tpu.memory_space<vmem>> -> memref<128xi32, #tpu.memory_space<vmem>>
      %dma_wait3A_712 = arith.constant 0 : i32
      %dma_wait3A_713 = arith.constant 0 : i32
      %dma_wait3A_714 = tpu.memref_slice %arg2[%arg0, %dma_wait3A_712, %dma_wait3A_713] : memref<2x53248x32xf32, #tpu.memory_space<hbm>> -> memref<1x53248x32xf32, #tpu.memory_space<hbm>>
      %dma_wait3A_715 = tpu.memref_squeeze %dma_wait3A_714 : memref<1x53248x32xf32, #tpu.memory_space<hbm>> -> memref<53248x32xf32, #tpu.memory_space<hbm>>
      %dma_wait3A_716 = arith.constant 0 : i32
      %dma_wait3A_717 = arith.constant 0 : i32
      %dma_wait3A_718 = tpu.memref_slice %dma_wait3A_715[%dma_wait3A_716, %dma_wait3A_717] : memref<53248x32xf32, #tpu.memory_space<hbm>> -> memref<53248x32xf32, #tpu.memory_space<hbm>>
      tpu.wait_indirect_dma semaphore(%arg16 : memref<!tpu.dma_semaphore, #tpu.memory_space<semaphore_mem>>) src(%dma_wait3A_718 : memref<53248x32xf32, #tpu.memory_space<hbm>>) dst(%arg10 : memref<128x32xf32, #tpu.memory_space<vmem>>)
      %run_scoped3A_719 = arith.constant 19 : i32
      "tpu.region"() ({
        %run_scoped3A_1158 = tpu.sem_alloc : memref<!tpu.dma_semaphore, #tpu.memory_space<semaphore_mem>>
        %dma_start3A_1159 = arith.constant 0 : i32
        %dma_start3A_1160 = tpu.memref_slice %arg8[%run_scoped3A_719, %dma_start3A_1159] : memref<40x128xi32, #tpu.memory_space<vmem>> -> memref<1x128xi32, #tpu.memory_space<vmem>>
        %dma_start3A_1161 = tpu.memref_squeeze %dma_start3A_1160 : memref<1x128xi32, #tpu.memory_space<vmem>> -> memref<128xi32, #tpu.memory_space<vmem>>
        %dma_start3A_1162 = arith.constant 0 : i32
        %dma_start3A_1163 = arith.constant 0 : i32
        %dma_start3A_1164 = tpu.memref_slice %arg12[%dma_start3A_1162, %dma_start3A_1163] : memref<53248x32xf32, #tpu.memory_space<vmem_shared>> -> memref<53248x32xf32, #tpu.memory_space<vmem_shared>>
        tpu.enqueue_indirect_dma source(%arg10 : memref<128x32xf32, #tpu.memory_space<vmem>>) target(%dma_start3A_1164 : memref<53248x32xf32, #tpu.memory_space<vmem_shared>>) offsets(%dma_start3A_1161 : memref<128xi32, #tpu.memory_space<vmem>>) semaphore(%run_scoped3A_1158 : memref<!tpu.dma_semaphore, #tpu.memory_space<semaphore_mem>>) {add = true}
        %dma_wait3A_1165 = arith.constant 0 : i32
        %dma_wait3A_1166 = tpu.memref_slice %arg8[%run_scoped3A_719, %dma_wait3A_1165] : memref<40x128xi32, #tpu.memory_space<vmem>> -> memref<1x128xi32, #tpu.memory_space<vmem>>
        %dma_wait3A_1167 = tpu.memref_squeeze %dma_wait3A_1166 : memref<1x128xi32, #tpu.memory_space<vmem>> -> memref<128xi32, #tpu.memory_space<vmem>>
        %dma_wait3A_1168 = arith.constant 0 : i32
        %dma_wait3A_1169 = arith.constant 0 : i32
        %dma_wait3A_1170 = tpu.memref_slice %arg12[%dma_wait3A_1168, %dma_wait3A_1169] : memref<53248x32xf32, #tpu.memory_space<vmem_shared>> -> memref<53248x32xf32, #tpu.memory_space<vmem_shared>>
        tpu.wait_indirect_dma semaphore(%run_scoped3A_1158 : memref<!tpu.dma_semaphore, #tpu.memory_space<semaphore_mem>>) src(%arg10 : memref<128x32xf32, #tpu.memory_space<vmem>>) dst(%dma_wait3A_1170 : memref<53248x32xf32, #tpu.memory_space<vmem_shared>>)
        tpu.yield
      }) : () -> ()
      %dma_start3A_720 = arith.constant 22 : i32
      %dma_start3A_721 = arith.constant 0 : i32
      %dma_start3A_722 = tpu.memref_slice %arg7[%dma_start3A_720, %dma_start3A_721] : memref<40x128xi32, #tpu.memory_space<vmem>> -> memref<1x128xi32, #tpu.memory_space<vmem>>
      %dma_start3A_723 = tpu.memref_squeeze %dma_start3A_722 : memref<1x128xi32, #tpu.memory_space<vmem>> -> memref<128xi32, #tpu.memory_space<vmem>>
      %dma_start3A_724 = arith.constant 0 : i32
      %dma_start3A_725 = arith.constant 0 : i32
      %dma_start3A_726 = tpu.memref_slice %arg2[%arg0, %dma_start3A_724, %dma_start3A_725] : memref<2x53248x32xf32, #tpu.memory_space<hbm>> -> memref<1x53248x32xf32, #tpu.memory_space<hbm>>
      %dma_start3A_727 = tpu.memref_squeeze %dma_start3A_726 : memref<1x53248x32xf32, #tpu.memory_space<hbm>> -> memref<53248x32xf32, #tpu.memory_space<hbm>>
      %dma_start3A_728 = arith.constant 0 : i32
      %dma_start3A_729 = arith.constant 0 : i32
      %dma_start3A_730 = tpu.memref_slice %dma_start3A_727[%dma_start3A_728, %dma_start3A_729] : memref<53248x32xf32, #tpu.memory_space<hbm>> -> memref<53248x32xf32, #tpu.memory_space<hbm>>
      tpu.enqueue_indirect_dma source(%dma_start3A_730 : memref<53248x32xf32, #tpu.memory_space<hbm>>) target(%arg10 : memref<128x32xf32, #tpu.memory_space<vmem>>) offsets(%dma_start3A_723 : memref<128xi32, #tpu.memory_space<vmem>>) semaphore(%arg16 : memref<!tpu.dma_semaphore, #tpu.memory_space<semaphore_mem>>)
      %dma_wait3A_731 = arith.constant 20 : i32
      %dma_wait3A_732 = arith.constant 0 : i32
      %dma_wait3A_733 = tpu.memref_slice %arg7[%dma_wait3A_731, %dma_wait3A_732] : memref<40x128xi32, #tpu.memory_space<vmem>> -> memref<1x128xi32, #tpu.memory_space<vmem>>
      %dma_wait3A_734 = tpu.memref_squeeze %dma_wait3A_733 : memref<1x128xi32, #tpu.memory_space<vmem>> -> memref<128xi32, #tpu.memory_space<vmem>>
      %dma_wait3A_735 = arith.constant 0 : i32
      %dma_wait3A_736 = arith.constant 0 : i32
      %dma_wait3A_737 = tpu.memref_slice %arg2[%arg0, %dma_wait3A_735, %dma_wait3A_736] : memref<2x53248x32xf32, #tpu.memory_space<hbm>> -> memref<1x53248x32xf32, #tpu.memory_space<hbm>>
      %dma_wait3A_738 = tpu.memref_squeeze %dma_wait3A_737 : memref<1x53248x32xf32, #tpu.memory_space<hbm>> -> memref<53248x32xf32, #tpu.memory_space<hbm>>
      %dma_wait3A_739 = arith.constant 0 : i32
      %dma_wait3A_740 = arith.constant 0 : i32
      %dma_wait3A_741 = tpu.memref_slice %dma_wait3A_738[%dma_wait3A_739, %dma_wait3A_740] : memref<53248x32xf32, #tpu.memory_space<hbm>> -> memref<53248x32xf32, #tpu.memory_space<hbm>>
      tpu.wait_indirect_dma semaphore(%arg17 : memref<!tpu.dma_semaphore, #tpu.memory_space<semaphore_mem>>) src(%dma_wait3A_741 : memref<53248x32xf32, #tpu.memory_space<hbm>>) dst(%arg11 : memref<128x32xf32, #tpu.memory_space<vmem>>)
      %run_scoped3A_742 = arith.constant 20 : i32
      "tpu.region"() ({
        %run_scoped3A_1158 = tpu.sem_alloc : memref<!tpu.dma_semaphore, #tpu.memory_space<semaphore_mem>>
        %dma_start3A_1159 = arith.constant 0 : i32
        %dma_start3A_1160 = tpu.memref_slice %arg8[%run_scoped3A_742, %dma_start3A_1159] : memref<40x128xi32, #tpu.memory_space<vmem>> -> memref<1x128xi32, #tpu.memory_space<vmem>>
        %dma_start3A_1161 = tpu.memref_squeeze %dma_start3A_1160 : memref<1x128xi32, #tpu.memory_space<vmem>> -> memref<128xi32, #tpu.memory_space<vmem>>
        %dma_start3A_1162 = arith.constant 0 : i32
        %dma_start3A_1163 = arith.constant 0 : i32
        %dma_start3A_1164 = tpu.memref_slice %arg12[%dma_start3A_1162, %dma_start3A_1163] : memref<53248x32xf32, #tpu.memory_space<vmem_shared>> -> memref<53248x32xf32, #tpu.memory_space<vmem_shared>>
        tpu.enqueue_indirect_dma source(%arg11 : memref<128x32xf32, #tpu.memory_space<vmem>>) target(%dma_start3A_1164 : memref<53248x32xf32, #tpu.memory_space<vmem_shared>>) offsets(%dma_start3A_1161 : memref<128xi32, #tpu.memory_space<vmem>>) semaphore(%run_scoped3A_1158 : memref<!tpu.dma_semaphore, #tpu.memory_space<semaphore_mem>>) {add = true}
        %dma_wait3A_1165 = arith.constant 0 : i32
        %dma_wait3A_1166 = tpu.memref_slice %arg8[%run_scoped3A_742, %dma_wait3A_1165] : memref<40x128xi32, #tpu.memory_space<vmem>> -> memref<1x128xi32, #tpu.memory_space<vmem>>
        %dma_wait3A_1167 = tpu.memref_squeeze %dma_wait3A_1166 : memref<1x128xi32, #tpu.memory_space<vmem>> -> memref<128xi32, #tpu.memory_space<vmem>>
        %dma_wait3A_1168 = arith.constant 0 : i32
        %dma_wait3A_1169 = arith.constant 0 : i32
        %dma_wait3A_1170 = tpu.memref_slice %arg12[%dma_wait3A_1168, %dma_wait3A_1169] : memref<53248x32xf32, #tpu.memory_space<vmem_shared>> -> memref<53248x32xf32, #tpu.memory_space<vmem_shared>>
        tpu.wait_indirect_dma semaphore(%run_scoped3A_1158 : memref<!tpu.dma_semaphore, #tpu.memory_space<semaphore_mem>>) src(%arg11 : memref<128x32xf32, #tpu.memory_space<vmem>>) dst(%dma_wait3A_1170 : memref<53248x32xf32, #tpu.memory_space<vmem_shared>>)
        tpu.yield
      }) : () -> ()
      %dma_start3A_743 = arith.constant 23 : i32
      %dma_start3A_744 = arith.constant 0 : i32
      %dma_start3A_745 = tpu.memref_slice %arg7[%dma_start3A_743, %dma_start3A_744] : memref<40x128xi32, #tpu.memory_space<vmem>> -> memref<1x128xi32, #tpu.memory_space<vmem>>
      %dma_start3A_746 = tpu.memref_squeeze %dma_start3A_745 : memref<1x128xi32, #tpu.memory_space<vmem>> -> memref<128xi32, #tpu.memory_space<vmem>>
      %dma_start3A_747 = arith.constant 0 : i32
      %dma_start3A_748 = arith.constant 0 : i32
      %dma_start3A_749 = tpu.memref_slice %arg2[%arg0, %dma_start3A_747, %dma_start3A_748] : memref<2x53248x32xf32, #tpu.memory_space<hbm>> -> memref<1x53248x32xf32, #tpu.memory_space<hbm>>
      %dma_start3A_750 = tpu.memref_squeeze %dma_start3A_749 : memref<1x53248x32xf32, #tpu.memory_space<hbm>> -> memref<53248x32xf32, #tpu.memory_space<hbm>>
      %dma_start3A_751 = arith.constant 0 : i32
      %dma_start3A_752 = arith.constant 0 : i32
      %dma_start3A_753 = tpu.memref_slice %dma_start3A_750[%dma_start3A_751, %dma_start3A_752] : memref<53248x32xf32, #tpu.memory_space<hbm>> -> memref<53248x32xf32, #tpu.memory_space<hbm>>
      tpu.enqueue_indirect_dma source(%dma_start3A_753 : memref<53248x32xf32, #tpu.memory_space<hbm>>) target(%arg11 : memref<128x32xf32, #tpu.memory_space<vmem>>) offsets(%dma_start3A_746 : memref<128xi32, #tpu.memory_space<vmem>>) semaphore(%arg17 : memref<!tpu.dma_semaphore, #tpu.memory_space<semaphore_mem>>)
      %dma_wait3A_754 = arith.constant 21 : i32
      %dma_wait3A_755 = arith.constant 0 : i32
      %dma_wait3A_756 = tpu.memref_slice %arg7[%dma_wait3A_754, %dma_wait3A_755] : memref<40x128xi32, #tpu.memory_space<vmem>> -> memref<1x128xi32, #tpu.memory_space<vmem>>
      %dma_wait3A_757 = tpu.memref_squeeze %dma_wait3A_756 : memref<1x128xi32, #tpu.memory_space<vmem>> -> memref<128xi32, #tpu.memory_space<vmem>>
      %dma_wait3A_758 = arith.constant 0 : i32
      %dma_wait3A_759 = arith.constant 0 : i32
      %dma_wait3A_760 = tpu.memref_slice %arg2[%arg0, %dma_wait3A_758, %dma_wait3A_759] : memref<2x53248x32xf32, #tpu.memory_space<hbm>> -> memref<1x53248x32xf32, #tpu.memory_space<hbm>>
      %dma_wait3A_761 = tpu.memref_squeeze %dma_wait3A_760 : memref<1x53248x32xf32, #tpu.memory_space<hbm>> -> memref<53248x32xf32, #tpu.memory_space<hbm>>
      %dma_wait3A_762 = arith.constant 0 : i32
      %dma_wait3A_763 = arith.constant 0 : i32
      %dma_wait3A_764 = tpu.memref_slice %dma_wait3A_761[%dma_wait3A_762, %dma_wait3A_763] : memref<53248x32xf32, #tpu.memory_space<hbm>> -> memref<53248x32xf32, #tpu.memory_space<hbm>>
      tpu.wait_indirect_dma semaphore(%arg15 : memref<!tpu.dma_semaphore, #tpu.memory_space<semaphore_mem>>) src(%dma_wait3A_764 : memref<53248x32xf32, #tpu.memory_space<hbm>>) dst(%arg9 : memref<128x32xf32, #tpu.memory_space<vmem>>)
      %run_scoped3A_765 = arith.constant 21 : i32
      "tpu.region"() ({
        %run_scoped3A_1158 = tpu.sem_alloc : memref<!tpu.dma_semaphore, #tpu.memory_space<semaphore_mem>>
        %dma_start3A_1159 = arith.constant 0 : i32
        %dma_start3A_1160 = tpu.memref_slice %arg8[%run_scoped3A_765, %dma_start3A_1159] : memref<40x128xi32, #tpu.memory_space<vmem>> -> memref<1x128xi32, #tpu.memory_space<vmem>>
        %dma_start3A_1161 = tpu.memref_squeeze %dma_start3A_1160 : memref<1x128xi32, #tpu.memory_space<vmem>> -> memref<128xi32, #tpu.memory_space<vmem>>
        %dma_start3A_1162 = arith.constant 0 : i32
        %dma_start3A_1163 = arith.constant 0 : i32
        %dma_start3A_1164 = tpu.memref_slice %arg12[%dma_start3A_1162, %dma_start3A_1163] : memref<53248x32xf32, #tpu.memory_space<vmem_shared>> -> memref<53248x32xf32, #tpu.memory_space<vmem_shared>>
        tpu.enqueue_indirect_dma source(%arg9 : memref<128x32xf32, #tpu.memory_space<vmem>>) target(%dma_start3A_1164 : memref<53248x32xf32, #tpu.memory_space<vmem_shared>>) offsets(%dma_start3A_1161 : memref<128xi32, #tpu.memory_space<vmem>>) semaphore(%run_scoped3A_1158 : memref<!tpu.dma_semaphore, #tpu.memory_space<semaphore_mem>>) {add = true}
        %dma_wait3A_1165 = arith.constant 0 : i32
        %dma_wait3A_1166 = tpu.memref_slice %arg8[%run_scoped3A_765, %dma_wait3A_1165] : memref<40x128xi32, #tpu.memory_space<vmem>> -> memref<1x128xi32, #tpu.memory_space<vmem>>
        %dma_wait3A_1167 = tpu.memref_squeeze %dma_wait3A_1166 : memref<1x128xi32, #tpu.memory_space<vmem>> -> memref<128xi32, #tpu.memory_space<vmem>>
        %dma_wait3A_1168 = arith.constant 0 : i32
        %dma_wait3A_1169 = arith.constant 0 : i32
        %dma_wait3A_1170 = tpu.memref_slice %arg12[%dma_wait3A_1168, %dma_wait3A_1169] : memref<53248x32xf32, #tpu.memory_space<vmem_shared>> -> memref<53248x32xf32, #tpu.memory_space<vmem_shared>>
        tpu.wait_indirect_dma semaphore(%run_scoped3A_1158 : memref<!tpu.dma_semaphore, #tpu.memory_space<semaphore_mem>>) src(%arg9 : memref<128x32xf32, #tpu.memory_space<vmem>>) dst(%dma_wait3A_1170 : memref<53248x32xf32, #tpu.memory_space<vmem_shared>>)
        tpu.yield
      }) : () -> ()
      %dma_start3A_766 = arith.constant 24 : i32
      %dma_start3A_767 = arith.constant 0 : i32
      %dma_start3A_768 = tpu.memref_slice %arg7[%dma_start3A_766, %dma_start3A_767] : memref<40x128xi32, #tpu.memory_space<vmem>> -> memref<1x128xi32, #tpu.memory_space<vmem>>
      %dma_start3A_769 = tpu.memref_squeeze %dma_start3A_768 : memref<1x128xi32, #tpu.memory_space<vmem>> -> memref<128xi32, #tpu.memory_space<vmem>>
      %dma_start3A_770 = arith.constant 0 : i32
      %dma_start3A_771 = arith.constant 0 : i32
      %dma_start3A_772 = tpu.memref_slice %arg2[%arg0, %dma_start3A_770, %dma_start3A_771] : memref<2x53248x32xf32, #tpu.memory_space<hbm>> -> memref<1x53248x32xf32, #tpu.memory_space<hbm>>
      %dma_start3A_773 = tpu.memref_squeeze %dma_start3A_772 : memref<1x53248x32xf32, #tpu.memory_space<hbm>> -> memref<53248x32xf32, #tpu.memory_space<hbm>>
      %dma_start3A_774 = arith.constant 0 : i32
      %dma_start3A_775 = arith.constant 0 : i32
      %dma_start3A_776 = tpu.memref_slice %dma_start3A_773[%dma_start3A_774, %dma_start3A_775] : memref<53248x32xf32, #tpu.memory_space<hbm>> -> memref<53248x32xf32, #tpu.memory_space<hbm>>
      tpu.enqueue_indirect_dma source(%dma_start3A_776 : memref<53248x32xf32, #tpu.memory_space<hbm>>) target(%arg9 : memref<128x32xf32, #tpu.memory_space<vmem>>) offsets(%dma_start3A_769 : memref<128xi32, #tpu.memory_space<vmem>>) semaphore(%arg15 : memref<!tpu.dma_semaphore, #tpu.memory_space<semaphore_mem>>)
      %dma_wait3A_777 = arith.constant 22 : i32
      %dma_wait3A_778 = arith.constant 0 : i32
      %dma_wait3A_779 = tpu.memref_slice %arg7[%dma_wait3A_777, %dma_wait3A_778] : memref<40x128xi32, #tpu.memory_space<vmem>> -> memref<1x128xi32, #tpu.memory_space<vmem>>
      %dma_wait3A_780 = tpu.memref_squeeze %dma_wait3A_779 : memref<1x128xi32, #tpu.memory_space<vmem>> -> memref<128xi32, #tpu.memory_space<vmem>>
      %dma_wait3A_781 = arith.constant 0 : i32
      %dma_wait3A_782 = arith.constant 0 : i32
      %dma_wait3A_783 = tpu.memref_slice %arg2[%arg0, %dma_wait3A_781, %dma_wait3A_782] : memref<2x53248x32xf32, #tpu.memory_space<hbm>> -> memref<1x53248x32xf32, #tpu.memory_space<hbm>>
      %dma_wait3A_784 = tpu.memref_squeeze %dma_wait3A_783 : memref<1x53248x32xf32, #tpu.memory_space<hbm>> -> memref<53248x32xf32, #tpu.memory_space<hbm>>
      %dma_wait3A_785 = arith.constant 0 : i32
      %dma_wait3A_786 = arith.constant 0 : i32
      %dma_wait3A_787 = tpu.memref_slice %dma_wait3A_784[%dma_wait3A_785, %dma_wait3A_786] : memref<53248x32xf32, #tpu.memory_space<hbm>> -> memref<53248x32xf32, #tpu.memory_space<hbm>>
      tpu.wait_indirect_dma semaphore(%arg16 : memref<!tpu.dma_semaphore, #tpu.memory_space<semaphore_mem>>) src(%dma_wait3A_787 : memref<53248x32xf32, #tpu.memory_space<hbm>>) dst(%arg10 : memref<128x32xf32, #tpu.memory_space<vmem>>)
      %run_scoped3A_788 = arith.constant 22 : i32
      "tpu.region"() ({
        %run_scoped3A_1158 = tpu.sem_alloc : memref<!tpu.dma_semaphore, #tpu.memory_space<semaphore_mem>>
        %dma_start3A_1159 = arith.constant 0 : i32
        %dma_start3A_1160 = tpu.memref_slice %arg8[%run_scoped3A_788, %dma_start3A_1159] : memref<40x128xi32, #tpu.memory_space<vmem>> -> memref<1x128xi32, #tpu.memory_space<vmem>>
        %dma_start3A_1161 = tpu.memref_squeeze %dma_start3A_1160 : memref<1x128xi32, #tpu.memory_space<vmem>> -> memref<128xi32, #tpu.memory_space<vmem>>
        %dma_start3A_1162 = arith.constant 0 : i32
        %dma_start3A_1163 = arith.constant 0 : i32
        %dma_start3A_1164 = tpu.memref_slice %arg12[%dma_start3A_1162, %dma_start3A_1163] : memref<53248x32xf32, #tpu.memory_space<vmem_shared>> -> memref<53248x32xf32, #tpu.memory_space<vmem_shared>>
        tpu.enqueue_indirect_dma source(%arg10 : memref<128x32xf32, #tpu.memory_space<vmem>>) target(%dma_start3A_1164 : memref<53248x32xf32, #tpu.memory_space<vmem_shared>>) offsets(%dma_start3A_1161 : memref<128xi32, #tpu.memory_space<vmem>>) semaphore(%run_scoped3A_1158 : memref<!tpu.dma_semaphore, #tpu.memory_space<semaphore_mem>>) {add = true}
        %dma_wait3A_1165 = arith.constant 0 : i32
        %dma_wait3A_1166 = tpu.memref_slice %arg8[%run_scoped3A_788, %dma_wait3A_1165] : memref<40x128xi32, #tpu.memory_space<vmem>> -> memref<1x128xi32, #tpu.memory_space<vmem>>
        %dma_wait3A_1167 = tpu.memref_squeeze %dma_wait3A_1166 : memref<1x128xi32, #tpu.memory_space<vmem>> -> memref<128xi32, #tpu.memory_space<vmem>>
        %dma_wait3A_1168 = arith.constant 0 : i32
        %dma_wait3A_1169 = arith.constant 0 : i32
        %dma_wait3A_1170 = tpu.memref_slice %arg12[%dma_wait3A_1168, %dma_wait3A_1169] : memref<53248x32xf32, #tpu.memory_space<vmem_shared>> -> memref<53248x32xf32, #tpu.memory_space<vmem_shared>>
        tpu.wait_indirect_dma semaphore(%run_scoped3A_1158 : memref<!tpu.dma_semaphore, #tpu.memory_space<semaphore_mem>>) src(%arg10 : memref<128x32xf32, #tpu.memory_space<vmem>>) dst(%dma_wait3A_1170 : memref<53248x32xf32, #tpu.memory_space<vmem_shared>>)
        tpu.yield
      }) : () -> ()
      %dma_start3A_789 = arith.constant 25 : i32
      %dma_start3A_790 = arith.constant 0 : i32
      %dma_start3A_791 = tpu.memref_slice %arg7[%dma_start3A_789, %dma_start3A_790] : memref<40x128xi32, #tpu.memory_space<vmem>> -> memref<1x128xi32, #tpu.memory_space<vmem>>
      %dma_start3A_792 = tpu.memref_squeeze %dma_start3A_791 : memref<1x128xi32, #tpu.memory_space<vmem>> -> memref<128xi32, #tpu.memory_space<vmem>>
      %dma_start3A_793 = arith.constant 0 : i32
      %dma_start3A_794 = arith.constant 0 : i32
      %dma_start3A_795 = tpu.memref_slice %arg2[%arg0, %dma_start3A_793, %dma_start3A_794] : memref<2x53248x32xf32, #tpu.memory_space<hbm>> -> memref<1x53248x32xf32, #tpu.memory_space<hbm>>
      %dma_start3A_796 = tpu.memref_squeeze %dma_start3A_795 : memref<1x53248x32xf32, #tpu.memory_space<hbm>> -> memref<53248x32xf32, #tpu.memory_space<hbm>>
      %dma_start3A_797 = arith.constant 0 : i32
      %dma_start3A_798 = arith.constant 0 : i32
      %dma_start3A_799 = tpu.memref_slice %dma_start3A_796[%dma_start3A_797, %dma_start3A_798] : memref<53248x32xf32, #tpu.memory_space<hbm>> -> memref<53248x32xf32, #tpu.memory_space<hbm>>
      tpu.enqueue_indirect_dma source(%dma_start3A_799 : memref<53248x32xf32, #tpu.memory_space<hbm>>) target(%arg10 : memref<128x32xf32, #tpu.memory_space<vmem>>) offsets(%dma_start3A_792 : memref<128xi32, #tpu.memory_space<vmem>>) semaphore(%arg16 : memref<!tpu.dma_semaphore, #tpu.memory_space<semaphore_mem>>)
      %dma_wait3A_800 = arith.constant 23 : i32
      %dma_wait3A_801 = arith.constant 0 : i32
      %dma_wait3A_802 = tpu.memref_slice %arg7[%dma_wait3A_800, %dma_wait3A_801] : memref<40x128xi32, #tpu.memory_space<vmem>> -> memref<1x128xi32, #tpu.memory_space<vmem>>
      %dma_wait3A_803 = tpu.memref_squeeze %dma_wait3A_802 : memref<1x128xi32, #tpu.memory_space<vmem>> -> memref<128xi32, #tpu.memory_space<vmem>>
      %dma_wait3A_804 = arith.constant 0 : i32
      %dma_wait3A_805 = arith.constant 0 : i32
      %dma_wait3A_806 = tpu.memref_slice %arg2[%arg0, %dma_wait3A_804, %dma_wait3A_805] : memref<2x53248x32xf32, #tpu.memory_space<hbm>> -> memref<1x53248x32xf32, #tpu.memory_space<hbm>>
      %dma_wait3A_807 = tpu.memref_squeeze %dma_wait3A_806 : memref<1x53248x32xf32, #tpu.memory_space<hbm>> -> memref<53248x32xf32, #tpu.memory_space<hbm>>
      %dma_wait3A_808 = arith.constant 0 : i32
      %dma_wait3A_809 = arith.constant 0 : i32
      %dma_wait3A_810 = tpu.memref_slice %dma_wait3A_807[%dma_wait3A_808, %dma_wait3A_809] : memref<53248x32xf32, #tpu.memory_space<hbm>> -> memref<53248x32xf32, #tpu.memory_space<hbm>>
      tpu.wait_indirect_dma semaphore(%arg17 : memref<!tpu.dma_semaphore, #tpu.memory_space<semaphore_mem>>) src(%dma_wait3A_810 : memref<53248x32xf32, #tpu.memory_space<hbm>>) dst(%arg11 : memref<128x32xf32, #tpu.memory_space<vmem>>)
      %run_scoped3A_811 = arith.constant 23 : i32
      "tpu.region"() ({
        %run_scoped3A_1158 = tpu.sem_alloc : memref<!tpu.dma_semaphore, #tpu.memory_space<semaphore_mem>>
        %dma_start3A_1159 = arith.constant 0 : i32
        %dma_start3A_1160 = tpu.memref_slice %arg8[%run_scoped3A_811, %dma_start3A_1159] : memref<40x128xi32, #tpu.memory_space<vmem>> -> memref<1x128xi32, #tpu.memory_space<vmem>>
        %dma_start3A_1161 = tpu.memref_squeeze %dma_start3A_1160 : memref<1x128xi32, #tpu.memory_space<vmem>> -> memref<128xi32, #tpu.memory_space<vmem>>
        %dma_start3A_1162 = arith.constant 0 : i32
        %dma_start3A_1163 = arith.constant 0 : i32
        %dma_start3A_1164 = tpu.memref_slice %arg12[%dma_start3A_1162, %dma_start3A_1163] : memref<53248x32xf32, #tpu.memory_space<vmem_shared>> -> memref<53248x32xf32, #tpu.memory_space<vmem_shared>>
        tpu.enqueue_indirect_dma source(%arg11 : memref<128x32xf32, #tpu.memory_space<vmem>>) target(%dma_start3A_1164 : memref<53248x32xf32, #tpu.memory_space<vmem_shared>>) offsets(%dma_start3A_1161 : memref<128xi32, #tpu.memory_space<vmem>>) semaphore(%run_scoped3A_1158 : memref<!tpu.dma_semaphore, #tpu.memory_space<semaphore_mem>>) {add = true}
        %dma_wait3A_1165 = arith.constant 0 : i32
        %dma_wait3A_1166 = tpu.memref_slice %arg8[%run_scoped3A_811, %dma_wait3A_1165] : memref<40x128xi32, #tpu.memory_space<vmem>> -> memref<1x128xi32, #tpu.memory_space<vmem>>
        %dma_wait3A_1167 = tpu.memref_squeeze %dma_wait3A_1166 : memref<1x128xi32, #tpu.memory_space<vmem>> -> memref<128xi32, #tpu.memory_space<vmem>>
        %dma_wait3A_1168 = arith.constant 0 : i32
        %dma_wait3A_1169 = arith.constant 0 : i32
        %dma_wait3A_1170 = tpu.memref_slice %arg12[%dma_wait3A_1168, %dma_wait3A_1169] : memref<53248x32xf32, #tpu.memory_space<vmem_shared>> -> memref<53248x32xf32, #tpu.memory_space<vmem_shared>>
        tpu.wait_indirect_dma semaphore(%run_scoped3A_1158 : memref<!tpu.dma_semaphore, #tpu.memory_space<semaphore_mem>>) src(%arg11 : memref<128x32xf32, #tpu.memory_space<vmem>>) dst(%dma_wait3A_1170 : memref<53248x32xf32, #tpu.memory_space<vmem_shared>>)
        tpu.yield
      }) : () -> ()
      %dma_start3A_812 = arith.constant 26 : i32
      %dma_start3A_813 = arith.constant 0 : i32
      %dma_start3A_814 = tpu.memref_slice %arg7[%dma_start3A_812, %dma_start3A_813] : memref<40x128xi32, #tpu.memory_space<vmem>> -> memref<1x128xi32, #tpu.memory_space<vmem>>
      %dma_start3A_815 = tpu.memref_squeeze %dma_start3A_814 : memref<1x128xi32, #tpu.memory_space<vmem>> -> memref<128xi32, #tpu.memory_space<vmem>>
      %dma_start3A_816 = arith.constant 0 : i32
      %dma_start3A_817 = arith.constant 0 : i32
      %dma_start3A_818 = tpu.memref_slice %arg2[%arg0, %dma_start3A_816, %dma_start3A_817] : memref<2x53248x32xf32, #tpu.memory_space<hbm>> -> memref<1x53248x32xf32, #tpu.memory_space<hbm>>
      %dma_start3A_819 = tpu.memref_squeeze %dma_start3A_818 : memref<1x53248x32xf32, #tpu.memory_space<hbm>> -> memref<53248x32xf32, #tpu.memory_space<hbm>>
      %dma_start3A_820 = arith.constant 0 : i32
      %dma_start3A_821 = arith.constant 0 : i32
      %dma_start3A_822 = tpu.memref_slice %dma_start3A_819[%dma_start3A_820, %dma_start3A_821] : memref<53248x32xf32, #tpu.memory_space<hbm>> -> memref<53248x32xf32, #tpu.memory_space<hbm>>
      tpu.enqueue_indirect_dma source(%dma_start3A_822 : memref<53248x32xf32, #tpu.memory_space<hbm>>) target(%arg11 : memref<128x32xf32, #tpu.memory_space<vmem>>) offsets(%dma_start3A_815 : memref<128xi32, #tpu.memory_space<vmem>>) semaphore(%arg17 : memref<!tpu.dma_semaphore, #tpu.memory_space<semaphore_mem>>)
      %dma_wait3A_823 = arith.constant 24 : i32
      %dma_wait3A_824 = arith.constant 0 : i32
      %dma_wait3A_825 = tpu.memref_slice %arg7[%dma_wait3A_823, %dma_wait3A_824] : memref<40x128xi32, #tpu.memory_space<vmem>> -> memref<1x128xi32, #tpu.memory_space<vmem>>
      %dma_wait3A_826 = tpu.memref_squeeze %dma_wait3A_825 : memref<1x128xi32, #tpu.memory_space<vmem>> -> memref<128xi32, #tpu.memory_space<vmem>>
      %dma_wait3A_827 = arith.constant 0 : i32
      %dma_wait3A_828 = arith.constant 0 : i32
      %dma_wait3A_829 = tpu.memref_slice %arg2[%arg0, %dma_wait3A_827, %dma_wait3A_828] : memref<2x53248x32xf32, #tpu.memory_space<hbm>> -> memref<1x53248x32xf32, #tpu.memory_space<hbm>>
      %dma_wait3A_830 = tpu.memref_squeeze %dma_wait3A_829 : memref<1x53248x32xf32, #tpu.memory_space<hbm>> -> memref<53248x32xf32, #tpu.memory_space<hbm>>
      %dma_wait3A_831 = arith.constant 0 : i32
      %dma_wait3A_832 = arith.constant 0 : i32
      %dma_wait3A_833 = tpu.memref_slice %dma_wait3A_830[%dma_wait3A_831, %dma_wait3A_832] : memref<53248x32xf32, #tpu.memory_space<hbm>> -> memref<53248x32xf32, #tpu.memory_space<hbm>>
      tpu.wait_indirect_dma semaphore(%arg15 : memref<!tpu.dma_semaphore, #tpu.memory_space<semaphore_mem>>) src(%dma_wait3A_833 : memref<53248x32xf32, #tpu.memory_space<hbm>>) dst(%arg9 : memref<128x32xf32, #tpu.memory_space<vmem>>)
      %run_scoped3A_834 = arith.constant 24 : i32
      "tpu.region"() ({
        %run_scoped3A_1158 = tpu.sem_alloc : memref<!tpu.dma_semaphore, #tpu.memory_space<semaphore_mem>>
        %dma_start3A_1159 = arith.constant 0 : i32
        %dma_start3A_1160 = tpu.memref_slice %arg8[%run_scoped3A_834, %dma_start3A_1159] : memref<40x128xi32, #tpu.memory_space<vmem>> -> memref<1x128xi32, #tpu.memory_space<vmem>>
        %dma_start3A_1161 = tpu.memref_squeeze %dma_start3A_1160 : memref<1x128xi32, #tpu.memory_space<vmem>> -> memref<128xi32, #tpu.memory_space<vmem>>
        %dma_start3A_1162 = arith.constant 0 : i32
        %dma_start3A_1163 = arith.constant 0 : i32
        %dma_start3A_1164 = tpu.memref_slice %arg12[%dma_start3A_1162, %dma_start3A_1163] : memref<53248x32xf32, #tpu.memory_space<vmem_shared>> -> memref<53248x32xf32, #tpu.memory_space<vmem_shared>>
        tpu.enqueue_indirect_dma source(%arg9 : memref<128x32xf32, #tpu.memory_space<vmem>>) target(%dma_start3A_1164 : memref<53248x32xf32, #tpu.memory_space<vmem_shared>>) offsets(%dma_start3A_1161 : memref<128xi32, #tpu.memory_space<vmem>>) semaphore(%run_scoped3A_1158 : memref<!tpu.dma_semaphore, #tpu.memory_space<semaphore_mem>>) {add = true}
        %dma_wait3A_1165 = arith.constant 0 : i32
        %dma_wait3A_1166 = tpu.memref_slice %arg8[%run_scoped3A_834, %dma_wait3A_1165] : memref<40x128xi32, #tpu.memory_space<vmem>> -> memref<1x128xi32, #tpu.memory_space<vmem>>
        %dma_wait3A_1167 = tpu.memref_squeeze %dma_wait3A_1166 : memref<1x128xi32, #tpu.memory_space<vmem>> -> memref<128xi32, #tpu.memory_space<vmem>>
        %dma_wait3A_1168 = arith.constant 0 : i32
        %dma_wait3A_1169 = arith.constant 0 : i32
        %dma_wait3A_1170 = tpu.memref_slice %arg12[%dma_wait3A_1168, %dma_wait3A_1169] : memref<53248x32xf32, #tpu.memory_space<vmem_shared>> -> memref<53248x32xf32, #tpu.memory_space<vmem_shared>>
        tpu.wait_indirect_dma semaphore(%run_scoped3A_1158 : memref<!tpu.dma_semaphore, #tpu.memory_space<semaphore_mem>>) src(%arg9 : memref<128x32xf32, #tpu.memory_space<vmem>>) dst(%dma_wait3A_1170 : memref<53248x32xf32, #tpu.memory_space<vmem_shared>>)
        tpu.yield
      }) : () -> ()
      %dma_start3A_835 = arith.constant 27 : i32
      %dma_start3A_836 = arith.constant 0 : i32
      %dma_start3A_837 = tpu.memref_slice %arg7[%dma_start3A_835, %dma_start3A_836] : memref<40x128xi32, #tpu.memory_space<vmem>> -> memref<1x128xi32, #tpu.memory_space<vmem>>
      %dma_start3A_838 = tpu.memref_squeeze %dma_start3A_837 : memref<1x128xi32, #tpu.memory_space<vmem>> -> memref<128xi32, #tpu.memory_space<vmem>>
      %dma_start3A_839 = arith.constant 0 : i32
      %dma_start3A_840 = arith.constant 0 : i32
      %dma_start3A_841 = tpu.memref_slice %arg2[%arg0, %dma_start3A_839, %dma_start3A_840] : memref<2x53248x32xf32, #tpu.memory_space<hbm>> -> memref<1x53248x32xf32, #tpu.memory_space<hbm>>
      %dma_start3A_842 = tpu.memref_squeeze %dma_start3A_841 : memref<1x53248x32xf32, #tpu.memory_space<hbm>> -> memref<53248x32xf32, #tpu.memory_space<hbm>>
      %dma_start3A_843 = arith.constant 0 : i32
      %dma_start3A_844 = arith.constant 0 : i32
      %dma_start3A_845 = tpu.memref_slice %dma_start3A_842[%dma_start3A_843, %dma_start3A_844] : memref<53248x32xf32, #tpu.memory_space<hbm>> -> memref<53248x32xf32, #tpu.memory_space<hbm>>
      tpu.enqueue_indirect_dma source(%dma_start3A_845 : memref<53248x32xf32, #tpu.memory_space<hbm>>) target(%arg9 : memref<128x32xf32, #tpu.memory_space<vmem>>) offsets(%dma_start3A_838 : memref<128xi32, #tpu.memory_space<vmem>>) semaphore(%arg15 : memref<!tpu.dma_semaphore, #tpu.memory_space<semaphore_mem>>)
      %dma_wait3A_846 = arith.constant 25 : i32
      %dma_wait3A_847 = arith.constant 0 : i32
      %dma_wait3A_848 = tpu.memref_slice %arg7[%dma_wait3A_846, %dma_wait3A_847] : memref<40x128xi32, #tpu.memory_space<vmem>> -> memref<1x128xi32, #tpu.memory_space<vmem>>
      %dma_wait3A_849 = tpu.memref_squeeze %dma_wait3A_848 : memref<1x128xi32, #tpu.memory_space<vmem>> -> memref<128xi32, #tpu.memory_space<vmem>>
      %dma_wait3A_850 = arith.constant 0 : i32
      %dma_wait3A_851 = arith.constant 0 : i32
      %dma_wait3A_852 = tpu.memref_slice %arg2[%arg0, %dma_wait3A_850, %dma_wait3A_851] : memref<2x53248x32xf32, #tpu.memory_space<hbm>> -> memref<1x53248x32xf32, #tpu.memory_space<hbm>>
      %dma_wait3A_853 = tpu.memref_squeeze %dma_wait3A_852 : memref<1x53248x32xf32, #tpu.memory_space<hbm>> -> memref<53248x32xf32, #tpu.memory_space<hbm>>
      %dma_wait3A_854 = arith.constant 0 : i32
      %dma_wait3A_855 = arith.constant 0 : i32
      %dma_wait3A_856 = tpu.memref_slice %dma_wait3A_853[%dma_wait3A_854, %dma_wait3A_855] : memref<53248x32xf32, #tpu.memory_space<hbm>> -> memref<53248x32xf32, #tpu.memory_space<hbm>>
      tpu.wait_indirect_dma semaphore(%arg16 : memref<!tpu.dma_semaphore, #tpu.memory_space<semaphore_mem>>) src(%dma_wait3A_856 : memref<53248x32xf32, #tpu.memory_space<hbm>>) dst(%arg10 : memref<128x32xf32, #tpu.memory_space<vmem>>)
      %run_scoped3A_857 = arith.constant 25 : i32
      "tpu.region"() ({
        %run_scoped3A_1158 = tpu.sem_alloc : memref<!tpu.dma_semaphore, #tpu.memory_space<semaphore_mem>>
        %dma_start3A_1159 = arith.constant 0 : i32
        %dma_start3A_1160 = tpu.memref_slice %arg8[%run_scoped3A_857, %dma_start3A_1159] : memref<40x128xi32, #tpu.memory_space<vmem>> -> memref<1x128xi32, #tpu.memory_space<vmem>>
        %dma_start3A_1161 = tpu.memref_squeeze %dma_start3A_1160 : memref<1x128xi32, #tpu.memory_space<vmem>> -> memref<128xi32, #tpu.memory_space<vmem>>
        %dma_start3A_1162 = arith.constant 0 : i32
        %dma_start3A_1163 = arith.constant 0 : i32
        %dma_start3A_1164 = tpu.memref_slice %arg12[%dma_start3A_1162, %dma_start3A_1163] : memref<53248x32xf32, #tpu.memory_space<vmem_shared>> -> memref<53248x32xf32, #tpu.memory_space<vmem_shared>>
        tpu.enqueue_indirect_dma source(%arg10 : memref<128x32xf32, #tpu.memory_space<vmem>>) target(%dma_start3A_1164 : memref<53248x32xf32, #tpu.memory_space<vmem_shared>>) offsets(%dma_start3A_1161 : memref<128xi32, #tpu.memory_space<vmem>>) semaphore(%run_scoped3A_1158 : memref<!tpu.dma_semaphore, #tpu.memory_space<semaphore_mem>>) {add = true}
        %dma_wait3A_1165 = arith.constant 0 : i32
        %dma_wait3A_1166 = tpu.memref_slice %arg8[%run_scoped3A_857, %dma_wait3A_1165] : memref<40x128xi32, #tpu.memory_space<vmem>> -> memref<1x128xi32, #tpu.memory_space<vmem>>
        %dma_wait3A_1167 = tpu.memref_squeeze %dma_wait3A_1166 : memref<1x128xi32, #tpu.memory_space<vmem>> -> memref<128xi32, #tpu.memory_space<vmem>>
        %dma_wait3A_1168 = arith.constant 0 : i32
        %dma_wait3A_1169 = arith.constant 0 : i32
        %dma_wait3A_1170 = tpu.memref_slice %arg12[%dma_wait3A_1168, %dma_wait3A_1169] : memref<53248x32xf32, #tpu.memory_space<vmem_shared>> -> memref<53248x32xf32, #tpu.memory_space<vmem_shared>>
        tpu.wait_indirect_dma semaphore(%run_scoped3A_1158 : memref<!tpu.dma_semaphore, #tpu.memory_space<semaphore_mem>>) src(%arg10 : memref<128x32xf32, #tpu.memory_space<vmem>>) dst(%dma_wait3A_1170 : memref<53248x32xf32, #tpu.memory_space<vmem_shared>>)
        tpu.yield
      }) : () -> ()
      %dma_start3A_858 = arith.constant 28 : i32
      %dma_start3A_859 = arith.constant 0 : i32
      %dma_start3A_860 = tpu.memref_slice %arg7[%dma_start3A_858, %dma_start3A_859] : memref<40x128xi32, #tpu.memory_space<vmem>> -> memref<1x128xi32, #tpu.memory_space<vmem>>
      %dma_start3A_861 = tpu.memref_squeeze %dma_start3A_860 : memref<1x128xi32, #tpu.memory_space<vmem>> -> memref<128xi32, #tpu.memory_space<vmem>>
      %dma_start3A_862 = arith.constant 0 : i32
      %dma_start3A_863 = arith.constant 0 : i32
      %dma_start3A_864 = tpu.memref_slice %arg2[%arg0, %dma_start3A_862, %dma_start3A_863] : memref<2x53248x32xf32, #tpu.memory_space<hbm>> -> memref<1x53248x32xf32, #tpu.memory_space<hbm>>
      %dma_start3A_865 = tpu.memref_squeeze %dma_start3A_864 : memref<1x53248x32xf32, #tpu.memory_space<hbm>> -> memref<53248x32xf32, #tpu.memory_space<hbm>>
      %dma_start3A_866 = arith.constant 0 : i32
      %dma_start3A_867 = arith.constant 0 : i32
      %dma_start3A_868 = tpu.memref_slice %dma_start3A_865[%dma_start3A_866, %dma_start3A_867] : memref<53248x32xf32, #tpu.memory_space<hbm>> -> memref<53248x32xf32, #tpu.memory_space<hbm>>
      tpu.enqueue_indirect_dma source(%dma_start3A_868 : memref<53248x32xf32, #tpu.memory_space<hbm>>) target(%arg10 : memref<128x32xf32, #tpu.memory_space<vmem>>) offsets(%dma_start3A_861 : memref<128xi32, #tpu.memory_space<vmem>>) semaphore(%arg16 : memref<!tpu.dma_semaphore, #tpu.memory_space<semaphore_mem>>)
      %dma_wait3A_869 = arith.constant 26 : i32
      %dma_wait3A_870 = arith.constant 0 : i32
      %dma_wait3A_871 = tpu.memref_slice %arg7[%dma_wait3A_869, %dma_wait3A_870] : memref<40x128xi32, #tpu.memory_space<vmem>> -> memref<1x128xi32, #tpu.memory_space<vmem>>
      %dma_wait3A_872 = tpu.memref_squeeze %dma_wait3A_871 : memref<1x128xi32, #tpu.memory_space<vmem>> -> memref<128xi32, #tpu.memory_space<vmem>>
      %dma_wait3A_873 = arith.constant 0 : i32
      %dma_wait3A_874 = arith.constant 0 : i32
      %dma_wait3A_875 = tpu.memref_slice %arg2[%arg0, %dma_wait3A_873, %dma_wait3A_874] : memref<2x53248x32xf32, #tpu.memory_space<hbm>> -> memref<1x53248x32xf32, #tpu.memory_space<hbm>>
      %dma_wait3A_876 = tpu.memref_squeeze %dma_wait3A_875 : memref<1x53248x32xf32, #tpu.memory_space<hbm>> -> memref<53248x32xf32, #tpu.memory_space<hbm>>
      %dma_wait3A_877 = arith.constant 0 : i32
      %dma_wait3A_878 = arith.constant 0 : i32
      %dma_wait3A_879 = tpu.memref_slice %dma_wait3A_876[%dma_wait3A_877, %dma_wait3A_878] : memref<53248x32xf32, #tpu.memory_space<hbm>> -> memref<53248x32xf32, #tpu.memory_space<hbm>>
      tpu.wait_indirect_dma semaphore(%arg17 : memref<!tpu.dma_semaphore, #tpu.memory_space<semaphore_mem>>) src(%dma_wait3A_879 : memref<53248x32xf32, #tpu.memory_space<hbm>>) dst(%arg11 : memref<128x32xf32, #tpu.memory_space<vmem>>)
      %run_scoped3A_880 = arith.constant 26 : i32
      "tpu.region"() ({
        %run_scoped3A_1158 = tpu.sem_alloc : memref<!tpu.dma_semaphore, #tpu.memory_space<semaphore_mem>>
        %dma_start3A_1159 = arith.constant 0 : i32
        %dma_start3A_1160 = tpu.memref_slice %arg8[%run_scoped3A_880, %dma_start3A_1159] : memref<40x128xi32, #tpu.memory_space<vmem>> -> memref<1x128xi32, #tpu.memory_space<vmem>>
        %dma_start3A_1161 = tpu.memref_squeeze %dma_start3A_1160 : memref<1x128xi32, #tpu.memory_space<vmem>> -> memref<128xi32, #tpu.memory_space<vmem>>
        %dma_start3A_1162 = arith.constant 0 : i32
        %dma_start3A_1163 = arith.constant 0 : i32
        %dma_start3A_1164 = tpu.memref_slice %arg12[%dma_start3A_1162, %dma_start3A_1163] : memref<53248x32xf32, #tpu.memory_space<vmem_shared>> -> memref<53248x32xf32, #tpu.memory_space<vmem_shared>>
        tpu.enqueue_indirect_dma source(%arg11 : memref<128x32xf32, #tpu.memory_space<vmem>>) target(%dma_start3A_1164 : memref<53248x32xf32, #tpu.memory_space<vmem_shared>>) offsets(%dma_start3A_1161 : memref<128xi32, #tpu.memory_space<vmem>>) semaphore(%run_scoped3A_1158 : memref<!tpu.dma_semaphore, #tpu.memory_space<semaphore_mem>>) {add = true}
        %dma_wait3A_1165 = arith.constant 0 : i32
        %dma_wait3A_1166 = tpu.memref_slice %arg8[%run_scoped3A_880, %dma_wait3A_1165] : memref<40x128xi32, #tpu.memory_space<vmem>> -> memref<1x128xi32, #tpu.memory_space<vmem>>
        %dma_wait3A_1167 = tpu.memref_squeeze %dma_wait3A_1166 : memref<1x128xi32, #tpu.memory_space<vmem>> -> memref<128xi32, #tpu.memory_space<vmem>>
        %dma_wait3A_1168 = arith.constant 0 : i32
        %dma_wait3A_1169 = arith.constant 0 : i32
        %dma_wait3A_1170 = tpu.memref_slice %arg12[%dma_wait3A_1168, %dma_wait3A_1169] : memref<53248x32xf32, #tpu.memory_space<vmem_shared>> -> memref<53248x32xf32, #tpu.memory_space<vmem_shared>>
        tpu.wait_indirect_dma semaphore(%run_scoped3A_1158 : memref<!tpu.dma_semaphore, #tpu.memory_space<semaphore_mem>>) src(%arg11 : memref<128x32xf32, #tpu.memory_space<vmem>>) dst(%dma_wait3A_1170 : memref<53248x32xf32, #tpu.memory_space<vmem_shared>>)
        tpu.yield
      }) : () -> ()
      %dma_start3A_881 = arith.constant 29 : i32
      %dma_start3A_882 = arith.constant 0 : i32
      %dma_start3A_883 = tpu.memref_slice %arg7[%dma_start3A_881, %dma_start3A_882] : memref<40x128xi32, #tpu.memory_space<vmem>> -> memref<1x128xi32, #tpu.memory_space<vmem>>
      %dma_start3A_884 = tpu.memref_squeeze %dma_start3A_883 : memref<1x128xi32, #tpu.memory_space<vmem>> -> memref<128xi32, #tpu.memory_space<vmem>>
      %dma_start3A_885 = arith.constant 0 : i32
      %dma_start3A_886 = arith.constant 0 : i32
      %dma_start3A_887 = tpu.memref_slice %arg2[%arg0, %dma_start3A_885, %dma_start3A_886] : memref<2x53248x32xf32, #tpu.memory_space<hbm>> -> memref<1x53248x32xf32, #tpu.memory_space<hbm>>
      %dma_start3A_888 = tpu.memref_squeeze %dma_start3A_887 : memref<1x53248x32xf32, #tpu.memory_space<hbm>> -> memref<53248x32xf32, #tpu.memory_space<hbm>>
      %dma_start3A_889 = arith.constant 0 : i32
      %dma_start3A_890 = arith.constant 0 : i32
      %dma_start3A_891 = tpu.memref_slice %dma_start3A_888[%dma_start3A_889, %dma_start3A_890] : memref<53248x32xf32, #tpu.memory_space<hbm>> -> memref<53248x32xf32, #tpu.memory_space<hbm>>
      tpu.enqueue_indirect_dma source(%dma_start3A_891 : memref<53248x32xf32, #tpu.memory_space<hbm>>) target(%arg11 : memref<128x32xf32, #tpu.memory_space<vmem>>) offsets(%dma_start3A_884 : memref<128xi32, #tpu.memory_space<vmem>>) semaphore(%arg17 : memref<!tpu.dma_semaphore, #tpu.memory_space<semaphore_mem>>)
      %dma_wait3A_892 = arith.constant 27 : i32
      %dma_wait3A_893 = arith.constant 0 : i32
      %dma_wait3A_894 = tpu.memref_slice %arg7[%dma_wait3A_892, %dma_wait3A_893] : memref<40x128xi32, #tpu.memory_space<vmem>> -> memref<1x128xi32, #tpu.memory_space<vmem>>
      %dma_wait3A_895 = tpu.memref_squeeze %dma_wait3A_894 : memref<1x128xi32, #tpu.memory_space<vmem>> -> memref<128xi32, #tpu.memory_space<vmem>>
      %dma_wait3A_896 = arith.constant 0 : i32
      %dma_wait3A_897 = arith.constant 0 : i32
      %dma_wait3A_898 = tpu.memref_slice %arg2[%arg0, %dma_wait3A_896, %dma_wait3A_897] : memref<2x53248x32xf32, #tpu.memory_space<hbm>> -> memref<1x53248x32xf32, #tpu.memory_space<hbm>>
      %dma_wait3A_899 = tpu.memref_squeeze %dma_wait3A_898 : memref<1x53248x32xf32, #tpu.memory_space<hbm>> -> memref<53248x32xf32, #tpu.memory_space<hbm>>
      %dma_wait3A_900 = arith.constant 0 : i32
      %dma_wait3A_901 = arith.constant 0 : i32
      %dma_wait3A_902 = tpu.memref_slice %dma_wait3A_899[%dma_wait3A_900, %dma_wait3A_901] : memref<53248x32xf32, #tpu.memory_space<hbm>> -> memref<53248x32xf32, #tpu.memory_space<hbm>>
      tpu.wait_indirect_dma semaphore(%arg15 : memref<!tpu.dma_semaphore, #tpu.memory_space<semaphore_mem>>) src(%dma_wait3A_902 : memref<53248x32xf32, #tpu.memory_space<hbm>>) dst(%arg9 : memref<128x32xf32, #tpu.memory_space<vmem>>)
      %run_scoped3A_903 = arith.constant 27 : i32
      "tpu.region"() ({
        %run_scoped3A_1158 = tpu.sem_alloc : memref<!tpu.dma_semaphore, #tpu.memory_space<semaphore_mem>>
        %dma_start3A_1159 = arith.constant 0 : i32
        %dma_start3A_1160 = tpu.memref_slice %arg8[%run_scoped3A_903, %dma_start3A_1159] : memref<40x128xi32, #tpu.memory_space<vmem>> -> memref<1x128xi32, #tpu.memory_space<vmem>>
        %dma_start3A_1161 = tpu.memref_squeeze %dma_start3A_1160 : memref<1x128xi32, #tpu.memory_space<vmem>> -> memref<128xi32, #tpu.memory_space<vmem>>
        %dma_start3A_1162 = arith.constant 0 : i32
        %dma_start3A_1163 = arith.constant 0 : i32
        %dma_start3A_1164 = tpu.memref_slice %arg12[%dma_start3A_1162, %dma_start3A_1163] : memref<53248x32xf32, #tpu.memory_space<vmem_shared>> -> memref<53248x32xf32, #tpu.memory_space<vmem_shared>>
        tpu.enqueue_indirect_dma source(%arg9 : memref<128x32xf32, #tpu.memory_space<vmem>>) target(%dma_start3A_1164 : memref<53248x32xf32, #tpu.memory_space<vmem_shared>>) offsets(%dma_start3A_1161 : memref<128xi32, #tpu.memory_space<vmem>>) semaphore(%run_scoped3A_1158 : memref<!tpu.dma_semaphore, #tpu.memory_space<semaphore_mem>>) {add = true}
        %dma_wait3A_1165 = arith.constant 0 : i32
        %dma_wait3A_1166 = tpu.memref_slice %arg8[%run_scoped3A_903, %dma_wait3A_1165] : memref<40x128xi32, #tpu.memory_space<vmem>> -> memref<1x128xi32, #tpu.memory_space<vmem>>
        %dma_wait3A_1167 = tpu.memref_squeeze %dma_wait3A_1166 : memref<1x128xi32, #tpu.memory_space<vmem>> -> memref<128xi32, #tpu.memory_space<vmem>>
        %dma_wait3A_1168 = arith.constant 0 : i32
        %dma_wait3A_1169 = arith.constant 0 : i32
        %dma_wait3A_1170 = tpu.memref_slice %arg12[%dma_wait3A_1168, %dma_wait3A_1169] : memref<53248x32xf32, #tpu.memory_space<vmem_shared>> -> memref<53248x32xf32, #tpu.memory_space<vmem_shared>>
        tpu.wait_indirect_dma semaphore(%run_scoped3A_1158 : memref<!tpu.dma_semaphore, #tpu.memory_space<semaphore_mem>>) src(%arg9 : memref<128x32xf32, #tpu.memory_space<vmem>>) dst(%dma_wait3A_1170 : memref<53248x32xf32, #tpu.memory_space<vmem_shared>>)
        tpu.yield
      }) : () -> ()
      %dma_start3A_904 = arith.constant 30 : i32
      %dma_start3A_905 = arith.constant 0 : i32
      %dma_start3A_906 = tpu.memref_slice %arg7[%dma_start3A_904, %dma_start3A_905] : memref<40x128xi32, #tpu.memory_space<vmem>> -> memref<1x128xi32, #tpu.memory_space<vmem>>
      %dma_start3A_907 = tpu.memref_squeeze %dma_start3A_906 : memref<1x128xi32, #tpu.memory_space<vmem>> -> memref<128xi32, #tpu.memory_space<vmem>>
      %dma_start3A_908 = arith.constant 0 : i32
      %dma_start3A_909 = arith.constant 0 : i32
      %dma_start3A_910 = tpu.memref_slice %arg2[%arg0, %dma_start3A_908, %dma_start3A_909] : memref<2x53248x32xf32, #tpu.memory_space<hbm>> -> memref<1x53248x32xf32, #tpu.memory_space<hbm>>
      %dma_start3A_911 = tpu.memref_squeeze %dma_start3A_910 : memref<1x53248x32xf32, #tpu.memory_space<hbm>> -> memref<53248x32xf32, #tpu.memory_space<hbm>>
      %dma_start3A_912 = arith.constant 0 : i32
      %dma_start3A_913 = arith.constant 0 : i32
      %dma_start3A_914 = tpu.memref_slice %dma_start3A_911[%dma_start3A_912, %dma_start3A_913] : memref<53248x32xf32, #tpu.memory_space<hbm>> -> memref<53248x32xf32, #tpu.memory_space<hbm>>
      tpu.enqueue_indirect_dma source(%dma_start3A_914 : memref<53248x32xf32, #tpu.memory_space<hbm>>) target(%arg9 : memref<128x32xf32, #tpu.memory_space<vmem>>) offsets(%dma_start3A_907 : memref<128xi32, #tpu.memory_space<vmem>>) semaphore(%arg15 : memref<!tpu.dma_semaphore, #tpu.memory_space<semaphore_mem>>)
      %dma_wait3A_915 = arith.constant 28 : i32
      %dma_wait3A_916 = arith.constant 0 : i32
      %dma_wait3A_917 = tpu.memref_slice %arg7[%dma_wait3A_915, %dma_wait3A_916] : memref<40x128xi32, #tpu.memory_space<vmem>> -> memref<1x128xi32, #tpu.memory_space<vmem>>
      %dma_wait3A_918 = tpu.memref_squeeze %dma_wait3A_917 : memref<1x128xi32, #tpu.memory_space<vmem>> -> memref<128xi32, #tpu.memory_space<vmem>>
      %dma_wait3A_919 = arith.constant 0 : i32
      %dma_wait3A_920 = arith.constant 0 : i32
      %dma_wait3A_921 = tpu.memref_slice %arg2[%arg0, %dma_wait3A_919, %dma_wait3A_920] : memref<2x53248x32xf32, #tpu.memory_space<hbm>> -> memref<1x53248x32xf32, #tpu.memory_space<hbm>>
      %dma_wait3A_922 = tpu.memref_squeeze %dma_wait3A_921 : memref<1x53248x32xf32, #tpu.memory_space<hbm>> -> memref<53248x32xf32, #tpu.memory_space<hbm>>
      %dma_wait3A_923 = arith.constant 0 : i32
      %dma_wait3A_924 = arith.constant 0 : i32
      %dma_wait3A_925 = tpu.memref_slice %dma_wait3A_922[%dma_wait3A_923, %dma_wait3A_924] : memref<53248x32xf32, #tpu.memory_space<hbm>> -> memref<53248x32xf32, #tpu.memory_space<hbm>>
      tpu.wait_indirect_dma semaphore(%arg16 : memref<!tpu.dma_semaphore, #tpu.memory_space<semaphore_mem>>) src(%dma_wait3A_925 : memref<53248x32xf32, #tpu.memory_space<hbm>>) dst(%arg10 : memref<128x32xf32, #tpu.memory_space<vmem>>)
      %run_scoped3A_926 = arith.constant 28 : i32
      "tpu.region"() ({
        %run_scoped3A_1158 = tpu.sem_alloc : memref<!tpu.dma_semaphore, #tpu.memory_space<semaphore_mem>>
        %dma_start3A_1159 = arith.constant 0 : i32
        %dma_start3A_1160 = tpu.memref_slice %arg8[%run_scoped3A_926, %dma_start3A_1159] : memref<40x128xi32, #tpu.memory_space<vmem>> -> memref<1x128xi32, #tpu.memory_space<vmem>>
        %dma_start3A_1161 = tpu.memref_squeeze %dma_start3A_1160 : memref<1x128xi32, #tpu.memory_space<vmem>> -> memref<128xi32, #tpu.memory_space<vmem>>
        %dma_start3A_1162 = arith.constant 0 : i32
        %dma_start3A_1163 = arith.constant 0 : i32
        %dma_start3A_1164 = tpu.memref_slice %arg12[%dma_start3A_1162, %dma_start3A_1163] : memref<53248x32xf32, #tpu.memory_space<vmem_shared>> -> memref<53248x32xf32, #tpu.memory_space<vmem_shared>>
        tpu.enqueue_indirect_dma source(%arg10 : memref<128x32xf32, #tpu.memory_space<vmem>>) target(%dma_start3A_1164 : memref<53248x32xf32, #tpu.memory_space<vmem_shared>>) offsets(%dma_start3A_1161 : memref<128xi32, #tpu.memory_space<vmem>>) semaphore(%run_scoped3A_1158 : memref<!tpu.dma_semaphore, #tpu.memory_space<semaphore_mem>>) {add = true}
        %dma_wait3A_1165 = arith.constant 0 : i32
        %dma_wait3A_1166 = tpu.memref_slice %arg8[%run_scoped3A_926, %dma_wait3A_1165] : memref<40x128xi32, #tpu.memory_space<vmem>> -> memref<1x128xi32, #tpu.memory_space<vmem>>
        %dma_wait3A_1167 = tpu.memref_squeeze %dma_wait3A_1166 : memref<1x128xi32, #tpu.memory_space<vmem>> -> memref<128xi32, #tpu.memory_space<vmem>>
        %dma_wait3A_1168 = arith.constant 0 : i32
        %dma_wait3A_1169 = arith.constant 0 : i32
        %dma_wait3A_1170 = tpu.memref_slice %arg12[%dma_wait3A_1168, %dma_wait3A_1169] : memref<53248x32xf32, #tpu.memory_space<vmem_shared>> -> memref<53248x32xf32, #tpu.memory_space<vmem_shared>>
        tpu.wait_indirect_dma semaphore(%run_scoped3A_1158 : memref<!tpu.dma_semaphore, #tpu.memory_space<semaphore_mem>>) src(%arg10 : memref<128x32xf32, #tpu.memory_space<vmem>>) dst(%dma_wait3A_1170 : memref<53248x32xf32, #tpu.memory_space<vmem_shared>>)
        tpu.yield
      }) : () -> ()
      %dma_start3A_927 = arith.constant 31 : i32
      %dma_start3A_928 = arith.constant 0 : i32
      %dma_start3A_929 = tpu.memref_slice %arg7[%dma_start3A_927, %dma_start3A_928] : memref<40x128xi32, #tpu.memory_space<vmem>> -> memref<1x128xi32, #tpu.memory_space<vmem>>
      %dma_start3A_930 = tpu.memref_squeeze %dma_start3A_929 : memref<1x128xi32, #tpu.memory_space<vmem>> -> memref<128xi32, #tpu.memory_space<vmem>>
      %dma_start3A_931 = arith.constant 0 : i32
      %dma_start3A_932 = arith.constant 0 : i32
      %dma_start3A_933 = tpu.memref_slice %arg2[%arg0, %dma_start3A_931, %dma_start3A_932] : memref<2x53248x32xf32, #tpu.memory_space<hbm>> -> memref<1x53248x32xf32, #tpu.memory_space<hbm>>
      %dma_start3A_934 = tpu.memref_squeeze %dma_start3A_933 : memref<1x53248x32xf32, #tpu.memory_space<hbm>> -> memref<53248x32xf32, #tpu.memory_space<hbm>>
      %dma_start3A_935 = arith.constant 0 : i32
      %dma_start3A_936 = arith.constant 0 : i32
      %dma_start3A_937 = tpu.memref_slice %dma_start3A_934[%dma_start3A_935, %dma_start3A_936] : memref<53248x32xf32, #tpu.memory_space<hbm>> -> memref<53248x32xf32, #tpu.memory_space<hbm>>
      tpu.enqueue_indirect_dma source(%dma_start3A_937 : memref<53248x32xf32, #tpu.memory_space<hbm>>) target(%arg10 : memref<128x32xf32, #tpu.memory_space<vmem>>) offsets(%dma_start3A_930 : memref<128xi32, #tpu.memory_space<vmem>>) semaphore(%arg16 : memref<!tpu.dma_semaphore, #tpu.memory_space<semaphore_mem>>)
      %dma_wait3A_938 = arith.constant 29 : i32
      %dma_wait3A_939 = arith.constant 0 : i32
      %dma_wait3A_940 = tpu.memref_slice %arg7[%dma_wait3A_938, %dma_wait3A_939] : memref<40x128xi32, #tpu.memory_space<vmem>> -> memref<1x128xi32, #tpu.memory_space<vmem>>
      %dma_wait3A_941 = tpu.memref_squeeze %dma_wait3A_940 : memref<1x128xi32, #tpu.memory_space<vmem>> -> memref<128xi32, #tpu.memory_space<vmem>>
      %dma_wait3A_942 = arith.constant 0 : i32
      %dma_wait3A_943 = arith.constant 0 : i32
      %dma_wait3A_944 = tpu.memref_slice %arg2[%arg0, %dma_wait3A_942, %dma_wait3A_943] : memref<2x53248x32xf32, #tpu.memory_space<hbm>> -> memref<1x53248x32xf32, #tpu.memory_space<hbm>>
      %dma_wait3A_945 = tpu.memref_squeeze %dma_wait3A_944 : memref<1x53248x32xf32, #tpu.memory_space<hbm>> -> memref<53248x32xf32, #tpu.memory_space<hbm>>
      %dma_wait3A_946 = arith.constant 0 : i32
      %dma_wait3A_947 = arith.constant 0 : i32
      %dma_wait3A_948 = tpu.memref_slice %dma_wait3A_945[%dma_wait3A_946, %dma_wait3A_947] : memref<53248x32xf32, #tpu.memory_space<hbm>> -> memref<53248x32xf32, #tpu.memory_space<hbm>>
      tpu.wait_indirect_dma semaphore(%arg17 : memref<!tpu.dma_semaphore, #tpu.memory_space<semaphore_mem>>) src(%dma_wait3A_948 : memref<53248x32xf32, #tpu.memory_space<hbm>>) dst(%arg11 : memref<128x32xf32, #tpu.memory_space<vmem>>)
      %run_scoped3A_949 = arith.constant 29 : i32
      "tpu.region"() ({
        %run_scoped3A_1158 = tpu.sem_alloc : memref<!tpu.dma_semaphore, #tpu.memory_space<semaphore_mem>>
        %dma_start3A_1159 = arith.constant 0 : i32
        %dma_start3A_1160 = tpu.memref_slice %arg8[%run_scoped3A_949, %dma_start3A_1159] : memref<40x128xi32, #tpu.memory_space<vmem>> -> memref<1x128xi32, #tpu.memory_space<vmem>>
        %dma_start3A_1161 = tpu.memref_squeeze %dma_start3A_1160 : memref<1x128xi32, #tpu.memory_space<vmem>> -> memref<128xi32, #tpu.memory_space<vmem>>
        %dma_start3A_1162 = arith.constant 0 : i32
        %dma_start3A_1163 = arith.constant 0 : i32
        %dma_start3A_1164 = tpu.memref_slice %arg12[%dma_start3A_1162, %dma_start3A_1163] : memref<53248x32xf32, #tpu.memory_space<vmem_shared>> -> memref<53248x32xf32, #tpu.memory_space<vmem_shared>>
        tpu.enqueue_indirect_dma source(%arg11 : memref<128x32xf32, #tpu.memory_space<vmem>>) target(%dma_start3A_1164 : memref<53248x32xf32, #tpu.memory_space<vmem_shared>>) offsets(%dma_start3A_1161 : memref<128xi32, #tpu.memory_space<vmem>>) semaphore(%run_scoped3A_1158 : memref<!tpu.dma_semaphore, #tpu.memory_space<semaphore_mem>>) {add = true}
        %dma_wait3A_1165 = arith.constant 0 : i32
        %dma_wait3A_1166 = tpu.memref_slice %arg8[%run_scoped3A_949, %dma_wait3A_1165] : memref<40x128xi32, #tpu.memory_space<vmem>> -> memref<1x128xi32, #tpu.memory_space<vmem>>
        %dma_wait3A_1167 = tpu.memref_squeeze %dma_wait3A_1166 : memref<1x128xi32, #tpu.memory_space<vmem>> -> memref<128xi32, #tpu.memory_space<vmem>>
        %dma_wait3A_1168 = arith.constant 0 : i32
        %dma_wait3A_1169 = arith.constant 0 : i32
        %dma_wait3A_1170 = tpu.memref_slice %arg12[%dma_wait3A_1168, %dma_wait3A_1169] : memref<53248x32xf32, #tpu.memory_space<vmem_shared>> -> memref<53248x32xf32, #tpu.memory_space<vmem_shared>>
        tpu.wait_indirect_dma semaphore(%run_scoped3A_1158 : memref<!tpu.dma_semaphore, #tpu.memory_space<semaphore_mem>>) src(%arg11 : memref<128x32xf32, #tpu.memory_space<vmem>>) dst(%dma_wait3A_1170 : memref<53248x32xf32, #tpu.memory_space<vmem_shared>>)
        tpu.yield
      }) : () -> ()
      %dma_start3A_950 = arith.constant 32 : i32
      %dma_start3A_951 = arith.constant 0 : i32
      %dma_start3A_952 = tpu.memref_slice %arg7[%dma_start3A_950, %dma_start3A_951] : memref<40x128xi32, #tpu.memory_space<vmem>> -> memref<1x128xi32, #tpu.memory_space<vmem>>
      %dma_start3A_953 = tpu.memref_squeeze %dma_start3A_952 : memref<1x128xi32, #tpu.memory_space<vmem>> -> memref<128xi32, #tpu.memory_space<vmem>>
      %dma_start3A_954 = arith.constant 0 : i32
      %dma_start3A_955 = arith.constant 0 : i32
      %dma_start3A_956 = tpu.memref_slice %arg2[%arg0, %dma_start3A_954, %dma_start3A_955] : memref<2x53248x32xf32, #tpu.memory_space<hbm>> -> memref<1x53248x32xf32, #tpu.memory_space<hbm>>
      %dma_start3A_957 = tpu.memref_squeeze %dma_start3A_956 : memref<1x53248x32xf32, #tpu.memory_space<hbm>> -> memref<53248x32xf32, #tpu.memory_space<hbm>>
      %dma_start3A_958 = arith.constant 0 : i32
      %dma_start3A_959 = arith.constant 0 : i32
      %dma_start3A_960 = tpu.memref_slice %dma_start3A_957[%dma_start3A_958, %dma_start3A_959] : memref<53248x32xf32, #tpu.memory_space<hbm>> -> memref<53248x32xf32, #tpu.memory_space<hbm>>
      tpu.enqueue_indirect_dma source(%dma_start3A_960 : memref<53248x32xf32, #tpu.memory_space<hbm>>) target(%arg11 : memref<128x32xf32, #tpu.memory_space<vmem>>) offsets(%dma_start3A_953 : memref<128xi32, #tpu.memory_space<vmem>>) semaphore(%arg17 : memref<!tpu.dma_semaphore, #tpu.memory_space<semaphore_mem>>)
      %dma_wait3A_961 = arith.constant 30 : i32
      %dma_wait3A_962 = arith.constant 0 : i32
      %dma_wait3A_963 = tpu.memref_slice %arg7[%dma_wait3A_961, %dma_wait3A_962] : memref<40x128xi32, #tpu.memory_space<vmem>> -> memref<1x128xi32, #tpu.memory_space<vmem>>
      %dma_wait3A_964 = tpu.memref_squeeze %dma_wait3A_963 : memref<1x128xi32, #tpu.memory_space<vmem>> -> memref<128xi32, #tpu.memory_space<vmem>>
      %dma_wait3A_965 = arith.constant 0 : i32
      %dma_wait3A_966 = arith.constant 0 : i32
      %dma_wait3A_967 = tpu.memref_slice %arg2[%arg0, %dma_wait3A_965, %dma_wait3A_966] : memref<2x53248x32xf32, #tpu.memory_space<hbm>> -> memref<1x53248x32xf32, #tpu.memory_space<hbm>>
      %dma_wait3A_968 = tpu.memref_squeeze %dma_wait3A_967 : memref<1x53248x32xf32, #tpu.memory_space<hbm>> -> memref<53248x32xf32, #tpu.memory_space<hbm>>
      %dma_wait3A_969 = arith.constant 0 : i32
      %dma_wait3A_970 = arith.constant 0 : i32
      %dma_wait3A_971 = tpu.memref_slice %dma_wait3A_968[%dma_wait3A_969, %dma_wait3A_970] : memref<53248x32xf32, #tpu.memory_space<hbm>> -> memref<53248x32xf32, #tpu.memory_space<hbm>>
      tpu.wait_indirect_dma semaphore(%arg15 : memref<!tpu.dma_semaphore, #tpu.memory_space<semaphore_mem>>) src(%dma_wait3A_971 : memref<53248x32xf32, #tpu.memory_space<hbm>>) dst(%arg9 : memref<128x32xf32, #tpu.memory_space<vmem>>)
      %run_scoped3A_972 = arith.constant 30 : i32
      "tpu.region"() ({
        %run_scoped3A_1158 = tpu.sem_alloc : memref<!tpu.dma_semaphore, #tpu.memory_space<semaphore_mem>>
        %dma_start3A_1159 = arith.constant 0 : i32
        %dma_start3A_1160 = tpu.memref_slice %arg8[%run_scoped3A_972, %dma_start3A_1159] : memref<40x128xi32, #tpu.memory_space<vmem>> -> memref<1x128xi32, #tpu.memory_space<vmem>>
        %dma_start3A_1161 = tpu.memref_squeeze %dma_start3A_1160 : memref<1x128xi32, #tpu.memory_space<vmem>> -> memref<128xi32, #tpu.memory_space<vmem>>
        %dma_start3A_1162 = arith.constant 0 : i32
        %dma_start3A_1163 = arith.constant 0 : i32
        %dma_start3A_1164 = tpu.memref_slice %arg12[%dma_start3A_1162, %dma_start3A_1163] : memref<53248x32xf32, #tpu.memory_space<vmem_shared>> -> memref<53248x32xf32, #tpu.memory_space<vmem_shared>>
        tpu.enqueue_indirect_dma source(%arg9 : memref<128x32xf32, #tpu.memory_space<vmem>>) target(%dma_start3A_1164 : memref<53248x32xf32, #tpu.memory_space<vmem_shared>>) offsets(%dma_start3A_1161 : memref<128xi32, #tpu.memory_space<vmem>>) semaphore(%run_scoped3A_1158 : memref<!tpu.dma_semaphore, #tpu.memory_space<semaphore_mem>>) {add = true}
        %dma_wait3A_1165 = arith.constant 0 : i32
        %dma_wait3A_1166 = tpu.memref_slice %arg8[%run_scoped3A_972, %dma_wait3A_1165] : memref<40x128xi32, #tpu.memory_space<vmem>> -> memref<1x128xi32, #tpu.memory_space<vmem>>
        %dma_wait3A_1167 = tpu.memref_squeeze %dma_wait3A_1166 : memref<1x128xi32, #tpu.memory_space<vmem>> -> memref<128xi32, #tpu.memory_space<vmem>>
        %dma_wait3A_1168 = arith.constant 0 : i32
        %dma_wait3A_1169 = arith.constant 0 : i32
        %dma_wait3A_1170 = tpu.memref_slice %arg12[%dma_wait3A_1168, %dma_wait3A_1169] : memref<53248x32xf32, #tpu.memory_space<vmem_shared>> -> memref<53248x32xf32, #tpu.memory_space<vmem_shared>>
        tpu.wait_indirect_dma semaphore(%run_scoped3A_1158 : memref<!tpu.dma_semaphore, #tpu.memory_space<semaphore_mem>>) src(%arg9 : memref<128x32xf32, #tpu.memory_space<vmem>>) dst(%dma_wait3A_1170 : memref<53248x32xf32, #tpu.memory_space<vmem_shared>>)
        tpu.yield
      }) : () -> ()
      %dma_start3A_973 = arith.constant 33 : i32
      %dma_start3A_974 = arith.constant 0 : i32
      %dma_start3A_975 = tpu.memref_slice %arg7[%dma_start3A_973, %dma_start3A_974] : memref<40x128xi32, #tpu.memory_space<vmem>> -> memref<1x128xi32, #tpu.memory_space<vmem>>
      %dma_start3A_976 = tpu.memref_squeeze %dma_start3A_975 : memref<1x128xi32, #tpu.memory_space<vmem>> -> memref<128xi32, #tpu.memory_space<vmem>>
      %dma_start3A_977 = arith.constant 0 : i32
      %dma_start3A_978 = arith.constant 0 : i32
      %dma_start3A_979 = tpu.memref_slice %arg2[%arg0, %dma_start3A_977, %dma_start3A_978] : memref<2x53248x32xf32, #tpu.memory_space<hbm>> -> memref<1x53248x32xf32, #tpu.memory_space<hbm>>
      %dma_start3A_980 = tpu.memref_squeeze %dma_start3A_979 : memref<1x53248x32xf32, #tpu.memory_space<hbm>> -> memref<53248x32xf32, #tpu.memory_space<hbm>>
      %dma_start3A_981 = arith.constant 0 : i32
      %dma_start3A_982 = arith.constant 0 : i32
      %dma_start3A_983 = tpu.memref_slice %dma_start3A_980[%dma_start3A_981, %dma_start3A_982] : memref<53248x32xf32, #tpu.memory_space<hbm>> -> memref<53248x32xf32, #tpu.memory_space<hbm>>
      tpu.enqueue_indirect_dma source(%dma_start3A_983 : memref<53248x32xf32, #tpu.memory_space<hbm>>) target(%arg9 : memref<128x32xf32, #tpu.memory_space<vmem>>) offsets(%dma_start3A_976 : memref<128xi32, #tpu.memory_space<vmem>>) semaphore(%arg15 : memref<!tpu.dma_semaphore, #tpu.memory_space<semaphore_mem>>)
      %dma_wait3A_984 = arith.constant 31 : i32
      %dma_wait3A_985 = arith.constant 0 : i32
      %dma_wait3A_986 = tpu.memref_slice %arg7[%dma_wait3A_984, %dma_wait3A_985] : memref<40x128xi32, #tpu.memory_space<vmem>> -> memref<1x128xi32, #tpu.memory_space<vmem>>
      %dma_wait3A_987 = tpu.memref_squeeze %dma_wait3A_986 : memref<1x128xi32, #tpu.memory_space<vmem>> -> memref<128xi32, #tpu.memory_space<vmem>>
      %dma_wait3A_988 = arith.constant 0 : i32
      %dma_wait3A_989 = arith.constant 0 : i32
      %dma_wait3A_990 = tpu.memref_slice %arg2[%arg0, %dma_wait3A_988, %dma_wait3A_989] : memref<2x53248x32xf32, #tpu.memory_space<hbm>> -> memref<1x53248x32xf32, #tpu.memory_space<hbm>>
      %dma_wait3A_991 = tpu.memref_squeeze %dma_wait3A_990 : memref<1x53248x32xf32, #tpu.memory_space<hbm>> -> memref<53248x32xf32, #tpu.memory_space<hbm>>
      %dma_wait3A_992 = arith.constant 0 : i32
      %dma_wait3A_993 = arith.constant 0 : i32
      %dma_wait3A_994 = tpu.memref_slice %dma_wait3A_991[%dma_wait3A_992, %dma_wait3A_993] : memref<53248x32xf32, #tpu.memory_space<hbm>> -> memref<53248x32xf32, #tpu.memory_space<hbm>>
      tpu.wait_indirect_dma semaphore(%arg16 : memref<!tpu.dma_semaphore, #tpu.memory_space<semaphore_mem>>) src(%dma_wait3A_994 : memref<53248x32xf32, #tpu.memory_space<hbm>>) dst(%arg10 : memref<128x32xf32, #tpu.memory_space<vmem>>)
      %run_scoped3A_995 = arith.constant 31 : i32
      "tpu.region"() ({
        %run_scoped3A_1158 = tpu.sem_alloc : memref<!tpu.dma_semaphore, #tpu.memory_space<semaphore_mem>>
        %dma_start3A_1159 = arith.constant 0 : i32
        %dma_start3A_1160 = tpu.memref_slice %arg8[%run_scoped3A_995, %dma_start3A_1159] : memref<40x128xi32, #tpu.memory_space<vmem>> -> memref<1x128xi32, #tpu.memory_space<vmem>>
        %dma_start3A_1161 = tpu.memref_squeeze %dma_start3A_1160 : memref<1x128xi32, #tpu.memory_space<vmem>> -> memref<128xi32, #tpu.memory_space<vmem>>
        %dma_start3A_1162 = arith.constant 0 : i32
        %dma_start3A_1163 = arith.constant 0 : i32
        %dma_start3A_1164 = tpu.memref_slice %arg12[%dma_start3A_1162, %dma_start3A_1163] : memref<53248x32xf32, #tpu.memory_space<vmem_shared>> -> memref<53248x32xf32, #tpu.memory_space<vmem_shared>>
        tpu.enqueue_indirect_dma source(%arg10 : memref<128x32xf32, #tpu.memory_space<vmem>>) target(%dma_start3A_1164 : memref<53248x32xf32, #tpu.memory_space<vmem_shared>>) offsets(%dma_start3A_1161 : memref<128xi32, #tpu.memory_space<vmem>>) semaphore(%run_scoped3A_1158 : memref<!tpu.dma_semaphore, #tpu.memory_space<semaphore_mem>>) {add = true}
        %dma_wait3A_1165 = arith.constant 0 : i32
        %dma_wait3A_1166 = tpu.memref_slice %arg8[%run_scoped3A_995, %dma_wait3A_1165] : memref<40x128xi32, #tpu.memory_space<vmem>> -> memref<1x128xi32, #tpu.memory_space<vmem>>
        %dma_wait3A_1167 = tpu.memref_squeeze %dma_wait3A_1166 : memref<1x128xi32, #tpu.memory_space<vmem>> -> memref<128xi32, #tpu.memory_space<vmem>>
        %dma_wait3A_1168 = arith.constant 0 : i32
        %dma_wait3A_1169 = arith.constant 0 : i32
        %dma_wait3A_1170 = tpu.memref_slice %arg12[%dma_wait3A_1168, %dma_wait3A_1169] : memref<53248x32xf32, #tpu.memory_space<vmem_shared>> -> memref<53248x32xf32, #tpu.memory_space<vmem_shared>>
        tpu.wait_indirect_dma semaphore(%run_scoped3A_1158 : memref<!tpu.dma_semaphore, #tpu.memory_space<semaphore_mem>>) src(%arg10 : memref<128x32xf32, #tpu.memory_space<vmem>>) dst(%dma_wait3A_1170 : memref<53248x32xf32, #tpu.memory_space<vmem_shared>>)
        tpu.yield
      }) : () -> ()
      %dma_start3A_996 = arith.constant 34 : i32
      %dma_start3A_997 = arith.constant 0 : i32
      %dma_start3A_998 = tpu.memref_slice %arg7[%dma_start3A_996, %dma_start3A_997] : memref<40x128xi32, #tpu.memory_space<vmem>> -> memref<1x128xi32, #tpu.memory_space<vmem>>
      %dma_start3A_999 = tpu.memref_squeeze %dma_start3A_998 : memref<1x128xi32, #tpu.memory_space<vmem>> -> memref<128xi32, #tpu.memory_space<vmem>>
      %dma_start3A_1000 = arith.constant 0 : i32
      %dma_start3A_1001 = arith.constant 0 : i32
      %dma_start3A_1002 = tpu.memref_slice %arg2[%arg0, %dma_start3A_1000, %dma_start3A_1001] : memref<2x53248x32xf32, #tpu.memory_space<hbm>> -> memref<1x53248x32xf32, #tpu.memory_space<hbm>>
      %dma_start3A_1003 = tpu.memref_squeeze %dma_start3A_1002 : memref<1x53248x32xf32, #tpu.memory_space<hbm>> -> memref<53248x32xf32, #tpu.memory_space<hbm>>
      %dma_start3A_1004 = arith.constant 0 : i32
      %dma_start3A_1005 = arith.constant 0 : i32
      %dma_start3A_1006 = tpu.memref_slice %dma_start3A_1003[%dma_start3A_1004, %dma_start3A_1005] : memref<53248x32xf32, #tpu.memory_space<hbm>> -> memref<53248x32xf32, #tpu.memory_space<hbm>>
      tpu.enqueue_indirect_dma source(%dma_start3A_1006 : memref<53248x32xf32, #tpu.memory_space<hbm>>) target(%arg10 : memref<128x32xf32, #tpu.memory_space<vmem>>) offsets(%dma_start3A_999 : memref<128xi32, #tpu.memory_space<vmem>>) semaphore(%arg16 : memref<!tpu.dma_semaphore, #tpu.memory_space<semaphore_mem>>)
      %dma_wait3A_1007 = arith.constant 32 : i32
      %dma_wait3A_1008 = arith.constant 0 : i32
      %dma_wait3A_1009 = tpu.memref_slice %arg7[%dma_wait3A_1007, %dma_wait3A_1008] : memref<40x128xi32, #tpu.memory_space<vmem>> -> memref<1x128xi32, #tpu.memory_space<vmem>>
      %dma_wait3A_1010 = tpu.memref_squeeze %dma_wait3A_1009 : memref<1x128xi32, #tpu.memory_space<vmem>> -> memref<128xi32, #tpu.memory_space<vmem>>
      %dma_wait3A_1011 = arith.constant 0 : i32
      %dma_wait3A_1012 = arith.constant 0 : i32
      %dma_wait3A_1013 = tpu.memref_slice %arg2[%arg0, %dma_wait3A_1011, %dma_wait3A_1012] : memref<2x53248x32xf32, #tpu.memory_space<hbm>> -> memref<1x53248x32xf32, #tpu.memory_space<hbm>>
      %dma_wait3A_1014 = tpu.memref_squeeze %dma_wait3A_1013 : memref<1x53248x32xf32, #tpu.memory_space<hbm>> -> memref<53248x32xf32, #tpu.memory_space<hbm>>
      %dma_wait3A_1015 = arith.constant 0 : i32
      %dma_wait3A_1016 = arith.constant 0 : i32
      %dma_wait3A_1017 = tpu.memref_slice %dma_wait3A_1014[%dma_wait3A_1015, %dma_wait3A_1016] : memref<53248x32xf32, #tpu.memory_space<hbm>> -> memref<53248x32xf32, #tpu.memory_space<hbm>>
      tpu.wait_indirect_dma semaphore(%arg17 : memref<!tpu.dma_semaphore, #tpu.memory_space<semaphore_mem>>) src(%dma_wait3A_1017 : memref<53248x32xf32, #tpu.memory_space<hbm>>) dst(%arg11 : memref<128x32xf32, #tpu.memory_space<vmem>>)
      %run_scoped3A_1018 = arith.constant 32 : i32
      "tpu.region"() ({
        %run_scoped3A_1158 = tpu.sem_alloc : memref<!tpu.dma_semaphore, #tpu.memory_space<semaphore_mem>>
        %dma_start3A_1159 = arith.constant 0 : i32
        %dma_start3A_1160 = tpu.memref_slice %arg8[%run_scoped3A_1018, %dma_start3A_1159] : memref<40x128xi32, #tpu.memory_space<vmem>> -> memref<1x128xi32, #tpu.memory_space<vmem>>
        %dma_start3A_1161 = tpu.memref_squeeze %dma_start3A_1160 : memref<1x128xi32, #tpu.memory_space<vmem>> -> memref<128xi32, #tpu.memory_space<vmem>>
        %dma_start3A_1162 = arith.constant 0 : i32
        %dma_start3A_1163 = arith.constant 0 : i32
        %dma_start3A_1164 = tpu.memref_slice %arg12[%dma_start3A_1162, %dma_start3A_1163] : memref<53248x32xf32, #tpu.memory_space<vmem_shared>> -> memref<53248x32xf32, #tpu.memory_space<vmem_shared>>
        tpu.enqueue_indirect_dma source(%arg11 : memref<128x32xf32, #tpu.memory_space<vmem>>) target(%dma_start3A_1164 : memref<53248x32xf32, #tpu.memory_space<vmem_shared>>) offsets(%dma_start3A_1161 : memref<128xi32, #tpu.memory_space<vmem>>) semaphore(%run_scoped3A_1158 : memref<!tpu.dma_semaphore, #tpu.memory_space<semaphore_mem>>) {add = true}
        %dma_wait3A_1165 = arith.constant 0 : i32
        %dma_wait3A_1166 = tpu.memref_slice %arg8[%run_scoped3A_1018, %dma_wait3A_1165] : memref<40x128xi32, #tpu.memory_space<vmem>> -> memref<1x128xi32, #tpu.memory_space<vmem>>
        %dma_wait3A_1167 = tpu.memref_squeeze %dma_wait3A_1166 : memref<1x128xi32, #tpu.memory_space<vmem>> -> memref<128xi32, #tpu.memory_space<vmem>>
        %dma_wait3A_1168 = arith.constant 0 : i32
        %dma_wait3A_1169 = arith.constant 0 : i32
        %dma_wait3A_1170 = tpu.memref_slice %arg12[%dma_wait3A_1168, %dma_wait3A_1169] : memref<53248x32xf32, #tpu.memory_space<vmem_shared>> -> memref<53248x32xf32, #tpu.memory_space<vmem_shared>>
        tpu.wait_indirect_dma semaphore(%run_scoped3A_1158 : memref<!tpu.dma_semaphore, #tpu.memory_space<semaphore_mem>>) src(%arg11 : memref<128x32xf32, #tpu.memory_space<vmem>>) dst(%dma_wait3A_1170 : memref<53248x32xf32, #tpu.memory_space<vmem_shared>>)
        tpu.yield
      }) : () -> ()
      %dma_start3A_1019 = arith.constant 35 : i32
      %dma_start3A_1020 = arith.constant 0 : i32
      %dma_start3A_1021 = tpu.memref_slice %arg7[%dma_start3A_1019, %dma_start3A_1020] : memref<40x128xi32, #tpu.memory_space<vmem>> -> memref<1x128xi32, #tpu.memory_space<vmem>>
      %dma_start3A_1022 = tpu.memref_squeeze %dma_start3A_1021 : memref<1x128xi32, #tpu.memory_space<vmem>> -> memref<128xi32, #tpu.memory_space<vmem>>
      %dma_start3A_1023 = arith.constant 0 : i32
      %dma_start3A_1024 = arith.constant 0 : i32
      %dma_start3A_1025 = tpu.memref_slice %arg2[%arg0, %dma_start3A_1023, %dma_start3A_1024] : memref<2x53248x32xf32, #tpu.memory_space<hbm>> -> memref<1x53248x32xf32, #tpu.memory_space<hbm>>
      %dma_start3A_1026 = tpu.memref_squeeze %dma_start3A_1025 : memref<1x53248x32xf32, #tpu.memory_space<hbm>> -> memref<53248x32xf32, #tpu.memory_space<hbm>>
      %dma_start3A_1027 = arith.constant 0 : i32
      %dma_start3A_1028 = arith.constant 0 : i32
      %dma_start3A_1029 = tpu.memref_slice %dma_start3A_1026[%dma_start3A_1027, %dma_start3A_1028] : memref<53248x32xf32, #tpu.memory_space<hbm>> -> memref<53248x32xf32, #tpu.memory_space<hbm>>
      tpu.enqueue_indirect_dma source(%dma_start3A_1029 : memref<53248x32xf32, #tpu.memory_space<hbm>>) target(%arg11 : memref<128x32xf32, #tpu.memory_space<vmem>>) offsets(%dma_start3A_1022 : memref<128xi32, #tpu.memory_space<vmem>>) semaphore(%arg17 : memref<!tpu.dma_semaphore, #tpu.memory_space<semaphore_mem>>)
      %dma_wait3A_1030 = arith.constant 33 : i32
      %dma_wait3A_1031 = arith.constant 0 : i32
      %dma_wait3A_1032 = tpu.memref_slice %arg7[%dma_wait3A_1030, %dma_wait3A_1031] : memref<40x128xi32, #tpu.memory_space<vmem>> -> memref<1x128xi32, #tpu.memory_space<vmem>>
      %dma_wait3A_1033 = tpu.memref_squeeze %dma_wait3A_1032 : memref<1x128xi32, #tpu.memory_space<vmem>> -> memref<128xi32, #tpu.memory_space<vmem>>
      %dma_wait3A_1034 = arith.constant 0 : i32
      %dma_wait3A_1035 = arith.constant 0 : i32
      %dma_wait3A_1036 = tpu.memref_slice %arg2[%arg0, %dma_wait3A_1034, %dma_wait3A_1035] : memref<2x53248x32xf32, #tpu.memory_space<hbm>> -> memref<1x53248x32xf32, #tpu.memory_space<hbm>>
      %dma_wait3A_1037 = tpu.memref_squeeze %dma_wait3A_1036 : memref<1x53248x32xf32, #tpu.memory_space<hbm>> -> memref<53248x32xf32, #tpu.memory_space<hbm>>
      %dma_wait3A_1038 = arith.constant 0 : i32
      %dma_wait3A_1039 = arith.constant 0 : i32
      %dma_wait3A_1040 = tpu.memref_slice %dma_wait3A_1037[%dma_wait3A_1038, %dma_wait3A_1039] : memref<53248x32xf32, #tpu.memory_space<hbm>> -> memref<53248x32xf32, #tpu.memory_space<hbm>>
      tpu.wait_indirect_dma semaphore(%arg15 : memref<!tpu.dma_semaphore, #tpu.memory_space<semaphore_mem>>) src(%dma_wait3A_1040 : memref<53248x32xf32, #tpu.memory_space<hbm>>) dst(%arg9 : memref<128x32xf32, #tpu.memory_space<vmem>>)
      %run_scoped3A_1041 = arith.constant 33 : i32
      "tpu.region"() ({
        %run_scoped3A_1158 = tpu.sem_alloc : memref<!tpu.dma_semaphore, #tpu.memory_space<semaphore_mem>>
        %dma_start3A_1159 = arith.constant 0 : i32
        %dma_start3A_1160 = tpu.memref_slice %arg8[%run_scoped3A_1041, %dma_start3A_1159] : memref<40x128xi32, #tpu.memory_space<vmem>> -> memref<1x128xi32, #tpu.memory_space<vmem>>
        %dma_start3A_1161 = tpu.memref_squeeze %dma_start3A_1160 : memref<1x128xi32, #tpu.memory_space<vmem>> -> memref<128xi32, #tpu.memory_space<vmem>>
        %dma_start3A_1162 = arith.constant 0 : i32
        %dma_start3A_1163 = arith.constant 0 : i32
        %dma_start3A_1164 = tpu.memref_slice %arg12[%dma_start3A_1162, %dma_start3A_1163] : memref<53248x32xf32, #tpu.memory_space<vmem_shared>> -> memref<53248x32xf32, #tpu.memory_space<vmem_shared>>
        tpu.enqueue_indirect_dma source(%arg9 : memref<128x32xf32, #tpu.memory_space<vmem>>) target(%dma_start3A_1164 : memref<53248x32xf32, #tpu.memory_space<vmem_shared>>) offsets(%dma_start3A_1161 : memref<128xi32, #tpu.memory_space<vmem>>) semaphore(%run_scoped3A_1158 : memref<!tpu.dma_semaphore, #tpu.memory_space<semaphore_mem>>) {add = true}
        %dma_wait3A_1165 = arith.constant 0 : i32
        %dma_wait3A_1166 = tpu.memref_slice %arg8[%run_scoped3A_1041, %dma_wait3A_1165] : memref<40x128xi32, #tpu.memory_space<vmem>> -> memref<1x128xi32, #tpu.memory_space<vmem>>
        %dma_wait3A_1167 = tpu.memref_squeeze %dma_wait3A_1166 : memref<1x128xi32, #tpu.memory_space<vmem>> -> memref<128xi32, #tpu.memory_space<vmem>>
        %dma_wait3A_1168 = arith.constant 0 : i32
        %dma_wait3A_1169 = arith.constant 0 : i32
        %dma_wait3A_1170 = tpu.memref_slice %arg12[%dma_wait3A_1168, %dma_wait3A_1169] : memref<53248x32xf32, #tpu.memory_space<vmem_shared>> -> memref<53248x32xf32, #tpu.memory_space<vmem_shared>>
        tpu.wait_indirect_dma semaphore(%run_scoped3A_1158 : memref<!tpu.dma_semaphore, #tpu.memory_space<semaphore_mem>>) src(%arg9 : memref<128x32xf32, #tpu.memory_space<vmem>>) dst(%dma_wait3A_1170 : memref<53248x32xf32, #tpu.memory_space<vmem_shared>>)
        tpu.yield
      }) : () -> ()
      %dma_start3A_1042 = arith.constant 36 : i32
      %dma_start3A_1043 = arith.constant 0 : i32
      %dma_start3A_1044 = tpu.memref_slice %arg7[%dma_start3A_1042, %dma_start3A_1043] : memref<40x128xi32, #tpu.memory_space<vmem>> -> memref<1x128xi32, #tpu.memory_space<vmem>>
      %dma_start3A_1045 = tpu.memref_squeeze %dma_start3A_1044 : memref<1x128xi32, #tpu.memory_space<vmem>> -> memref<128xi32, #tpu.memory_space<vmem>>
      %dma_start3A_1046 = arith.constant 0 : i32
      %dma_start3A_1047 = arith.constant 0 : i32
      %dma_start3A_1048 = tpu.memref_slice %arg2[%arg0, %dma_start3A_1046, %dma_start3A_1047] : memref<2x53248x32xf32, #tpu.memory_space<hbm>> -> memref<1x53248x32xf32, #tpu.memory_space<hbm>>
      %dma_start3A_1049 = tpu.memref_squeeze %dma_start3A_1048 : memref<1x53248x32xf32, #tpu.memory_space<hbm>> -> memref<53248x32xf32, #tpu.memory_space<hbm>>
      %dma_start3A_1050 = arith.constant 0 : i32
      %dma_start3A_1051 = arith.constant 0 : i32
      %dma_start3A_1052 = tpu.memref_slice %dma_start3A_1049[%dma_start3A_1050, %dma_start3A_1051] : memref<53248x32xf32, #tpu.memory_space<hbm>> -> memref<53248x32xf32, #tpu.memory_space<hbm>>
      tpu.enqueue_indirect_dma source(%dma_start3A_1052 : memref<53248x32xf32, #tpu.memory_space<hbm>>) target(%arg9 : memref<128x32xf32, #tpu.memory_space<vmem>>) offsets(%dma_start3A_1045 : memref<128xi32, #tpu.memory_space<vmem>>) semaphore(%arg15 : memref<!tpu.dma_semaphore, #tpu.memory_space<semaphore_mem>>)
      %dma_wait3A_1053 = arith.constant 34 : i32
      %dma_wait3A_1054 = arith.constant 0 : i32
      %dma_wait3A_1055 = tpu.memref_slice %arg7[%dma_wait3A_1053, %dma_wait3A_1054] : memref<40x128xi32, #tpu.memory_space<vmem>> -> memref<1x128xi32, #tpu.memory_space<vmem>>
      %dma_wait3A_1056 = tpu.memref_squeeze %dma_wait3A_1055 : memref<1x128xi32, #tpu.memory_space<vmem>> -> memref<128xi32, #tpu.memory_space<vmem>>
      %dma_wait3A_1057 = arith.constant 0 : i32
      %dma_wait3A_1058 = arith.constant 0 : i32
      %dma_wait3A_1059 = tpu.memref_slice %arg2[%arg0, %dma_wait3A_1057, %dma_wait3A_1058] : memref<2x53248x32xf32, #tpu.memory_space<hbm>> -> memref<1x53248x32xf32, #tpu.memory_space<hbm>>
      %dma_wait3A_1060 = tpu.memref_squeeze %dma_wait3A_1059 : memref<1x53248x32xf32, #tpu.memory_space<hbm>> -> memref<53248x32xf32, #tpu.memory_space<hbm>>
      %dma_wait3A_1061 = arith.constant 0 : i32
      %dma_wait3A_1062 = arith.constant 0 : i32
      %dma_wait3A_1063 = tpu.memref_slice %dma_wait3A_1060[%dma_wait3A_1061, %dma_wait3A_1062] : memref<53248x32xf32, #tpu.memory_space<hbm>> -> memref<53248x32xf32, #tpu.memory_space<hbm>>
      tpu.wait_indirect_dma semaphore(%arg16 : memref<!tpu.dma_semaphore, #tpu.memory_space<semaphore_mem>>) src(%dma_wait3A_1063 : memref<53248x32xf32, #tpu.memory_space<hbm>>) dst(%arg10 : memref<128x32xf32, #tpu.memory_space<vmem>>)
      %run_scoped3A_1064 = arith.constant 34 : i32
      "tpu.region"() ({
        %run_scoped3A_1158 = tpu.sem_alloc : memref<!tpu.dma_semaphore, #tpu.memory_space<semaphore_mem>>
        %dma_start3A_1159 = arith.constant 0 : i32
        %dma_start3A_1160 = tpu.memref_slice %arg8[%run_scoped3A_1064, %dma_start3A_1159] : memref<40x128xi32, #tpu.memory_space<vmem>> -> memref<1x128xi32, #tpu.memory_space<vmem>>
        %dma_start3A_1161 = tpu.memref_squeeze %dma_start3A_1160 : memref<1x128xi32, #tpu.memory_space<vmem>> -> memref<128xi32, #tpu.memory_space<vmem>>
        %dma_start3A_1162 = arith.constant 0 : i32
        %dma_start3A_1163 = arith.constant 0 : i32
        %dma_start3A_1164 = tpu.memref_slice %arg12[%dma_start3A_1162, %dma_start3A_1163] : memref<53248x32xf32, #tpu.memory_space<vmem_shared>> -> memref<53248x32xf32, #tpu.memory_space<vmem_shared>>
        tpu.enqueue_indirect_dma source(%arg10 : memref<128x32xf32, #tpu.memory_space<vmem>>) target(%dma_start3A_1164 : memref<53248x32xf32, #tpu.memory_space<vmem_shared>>) offsets(%dma_start3A_1161 : memref<128xi32, #tpu.memory_space<vmem>>) semaphore(%run_scoped3A_1158 : memref<!tpu.dma_semaphore, #tpu.memory_space<semaphore_mem>>) {add = true}
        %dma_wait3A_1165 = arith.constant 0 : i32
        %dma_wait3A_1166 = tpu.memref_slice %arg8[%run_scoped3A_1064, %dma_wait3A_1165] : memref<40x128xi32, #tpu.memory_space<vmem>> -> memref<1x128xi32, #tpu.memory_space<vmem>>
        %dma_wait3A_1167 = tpu.memref_squeeze %dma_wait3A_1166 : memref<1x128xi32, #tpu.memory_space<vmem>> -> memref<128xi32, #tpu.memory_space<vmem>>
        %dma_wait3A_1168 = arith.constant 0 : i32
        %dma_wait3A_1169 = arith.constant 0 : i32
        %dma_wait3A_1170 = tpu.memref_slice %arg12[%dma_wait3A_1168, %dma_wait3A_1169] : memref<53248x32xf32, #tpu.memory_space<vmem_shared>> -> memref<53248x32xf32, #tpu.memory_space<vmem_shared>>
        tpu.wait_indirect_dma semaphore(%run_scoped3A_1158 : memref<!tpu.dma_semaphore, #tpu.memory_space<semaphore_mem>>) src(%arg10 : memref<128x32xf32, #tpu.memory_space<vmem>>) dst(%dma_wait3A_1170 : memref<53248x32xf32, #tpu.memory_space<vmem_shared>>)
        tpu.yield
      }) : () -> ()
      %dma_start3A_1065 = arith.constant 37 : i32
      %dma_start3A_1066 = arith.constant 0 : i32
      %dma_start3A_1067 = tpu.memref_slice %arg7[%dma_start3A_1065, %dma_start3A_1066] : memref<40x128xi32, #tpu.memory_space<vmem>> -> memref<1x128xi32, #tpu.memory_space<vmem>>
      %dma_start3A_1068 = tpu.memref_squeeze %dma_start3A_1067 : memref<1x128xi32, #tpu.memory_space<vmem>> -> memref<128xi32, #tpu.memory_space<vmem>>
      %dma_start3A_1069 = arith.constant 0 : i32
      %dma_start3A_1070 = arith.constant 0 : i32
      %dma_start3A_1071 = tpu.memref_slice %arg2[%arg0, %dma_start3A_1069, %dma_start3A_1070] : memref<2x53248x32xf32, #tpu.memory_space<hbm>> -> memref<1x53248x32xf32, #tpu.memory_space<hbm>>
      %dma_start3A_1072 = tpu.memref_squeeze %dma_start3A_1071 : memref<1x53248x32xf32, #tpu.memory_space<hbm>> -> memref<53248x32xf32, #tpu.memory_space<hbm>>
      %dma_start3A_1073 = arith.constant 0 : i32
      %dma_start3A_1074 = arith.constant 0 : i32
      %dma_start3A_1075 = tpu.memref_slice %dma_start3A_1072[%dma_start3A_1073, %dma_start3A_1074] : memref<53248x32xf32, #tpu.memory_space<hbm>> -> memref<53248x32xf32, #tpu.memory_space<hbm>>
      tpu.enqueue_indirect_dma source(%dma_start3A_1075 : memref<53248x32xf32, #tpu.memory_space<hbm>>) target(%arg10 : memref<128x32xf32, #tpu.memory_space<vmem>>) offsets(%dma_start3A_1068 : memref<128xi32, #tpu.memory_space<vmem>>) semaphore(%arg16 : memref<!tpu.dma_semaphore, #tpu.memory_space<semaphore_mem>>)
      %dma_wait3A_1076 = arith.constant 35 : i32
      %dma_wait3A_1077 = arith.constant 0 : i32
      %dma_wait3A_1078 = tpu.memref_slice %arg7[%dma_wait3A_1076, %dma_wait3A_1077] : memref<40x128xi32, #tpu.memory_space<vmem>> -> memref<1x128xi32, #tpu.memory_space<vmem>>
      %dma_wait3A_1079 = tpu.memref_squeeze %dma_wait3A_1078 : memref<1x128xi32, #tpu.memory_space<vmem>> -> memref<128xi32, #tpu.memory_space<vmem>>
      %dma_wait3A_1080 = arith.constant 0 : i32
      %dma_wait3A_1081 = arith.constant 0 : i32
      %dma_wait3A_1082 = tpu.memref_slice %arg2[%arg0, %dma_wait3A_1080, %dma_wait3A_1081] : memref<2x53248x32xf32, #tpu.memory_space<hbm>> -> memref<1x53248x32xf32, #tpu.memory_space<hbm>>
      %dma_wait3A_1083 = tpu.memref_squeeze %dma_wait3A_1082 : memref<1x53248x32xf32, #tpu.memory_space<hbm>> -> memref<53248x32xf32, #tpu.memory_space<hbm>>
      %dma_wait3A_1084 = arith.constant 0 : i32
      %dma_wait3A_1085 = arith.constant 0 : i32
      %dma_wait3A_1086 = tpu.memref_slice %dma_wait3A_1083[%dma_wait3A_1084, %dma_wait3A_1085] : memref<53248x32xf32, #tpu.memory_space<hbm>> -> memref<53248x32xf32, #tpu.memory_space<hbm>>
      tpu.wait_indirect_dma semaphore(%arg17 : memref<!tpu.dma_semaphore, #tpu.memory_space<semaphore_mem>>) src(%dma_wait3A_1086 : memref<53248x32xf32, #tpu.memory_space<hbm>>) dst(%arg11 : memref<128x32xf32, #tpu.memory_space<vmem>>)
      %run_scoped3A_1087 = arith.constant 35 : i32
      "tpu.region"() ({
        %run_scoped3A_1158 = tpu.sem_alloc : memref<!tpu.dma_semaphore, #tpu.memory_space<semaphore_mem>>
        %dma_start3A_1159 = arith.constant 0 : i32
        %dma_start3A_1160 = tpu.memref_slice %arg8[%run_scoped3A_1087, %dma_start3A_1159] : memref<40x128xi32, #tpu.memory_space<vmem>> -> memref<1x128xi32, #tpu.memory_space<vmem>>
        %dma_start3A_1161 = tpu.memref_squeeze %dma_start3A_1160 : memref<1x128xi32, #tpu.memory_space<vmem>> -> memref<128xi32, #tpu.memory_space<vmem>>
        %dma_start3A_1162 = arith.constant 0 : i32
        %dma_start3A_1163 = arith.constant 0 : i32
        %dma_start3A_1164 = tpu.memref_slice %arg12[%dma_start3A_1162, %dma_start3A_1163] : memref<53248x32xf32, #tpu.memory_space<vmem_shared>> -> memref<53248x32xf32, #tpu.memory_space<vmem_shared>>
        tpu.enqueue_indirect_dma source(%arg11 : memref<128x32xf32, #tpu.memory_space<vmem>>) target(%dma_start3A_1164 : memref<53248x32xf32, #tpu.memory_space<vmem_shared>>) offsets(%dma_start3A_1161 : memref<128xi32, #tpu.memory_space<vmem>>) semaphore(%run_scoped3A_1158 : memref<!tpu.dma_semaphore, #tpu.memory_space<semaphore_mem>>) {add = true}
        %dma_wait3A_1165 = arith.constant 0 : i32
        %dma_wait3A_1166 = tpu.memref_slice %arg8[%run_scoped3A_1087, %dma_wait3A_1165] : memref<40x128xi32, #tpu.memory_space<vmem>> -> memref<1x128xi32, #tpu.memory_space<vmem>>
        %dma_wait3A_1167 = tpu.memref_squeeze %dma_wait3A_1166 : memref<1x128xi32, #tpu.memory_space<vmem>> -> memref<128xi32, #tpu.memory_space<vmem>>
        %dma_wait3A_1168 = arith.constant 0 : i32
        %dma_wait3A_1169 = arith.constant 0 : i32
        %dma_wait3A_1170 = tpu.memref_slice %arg12[%dma_wait3A_1168, %dma_wait3A_1169] : memref<53248x32xf32, #tpu.memory_space<vmem_shared>> -> memref<53248x32xf32, #tpu.memory_space<vmem_shared>>
        tpu.wait_indirect_dma semaphore(%run_scoped3A_1158 : memref<!tpu.dma_semaphore, #tpu.memory_space<semaphore_mem>>) src(%arg11 : memref<128x32xf32, #tpu.memory_space<vmem>>) dst(%dma_wait3A_1170 : memref<53248x32xf32, #tpu.memory_space<vmem_shared>>)
        tpu.yield
      }) : () -> ()
      %dma_start3A_1088 = arith.constant 38 : i32
      %dma_start3A_1089 = arith.constant 0 : i32
      %dma_start3A_1090 = tpu.memref_slice %arg7[%dma_start3A_1088, %dma_start3A_1089] : memref<40x128xi32, #tpu.memory_space<vmem>> -> memref<1x128xi32, #tpu.memory_space<vmem>>
      %dma_start3A_1091 = tpu.memref_squeeze %dma_start3A_1090 : memref<1x128xi32, #tpu.memory_space<vmem>> -> memref<128xi32, #tpu.memory_space<vmem>>
      %dma_start3A_1092 = arith.constant 0 : i32
      %dma_start3A_1093 = arith.constant 0 : i32
      %dma_start3A_1094 = tpu.memref_slice %arg2[%arg0, %dma_start3A_1092, %dma_start3A_1093] : memref<2x53248x32xf32, #tpu.memory_space<hbm>> -> memref<1x53248x32xf32, #tpu.memory_space<hbm>>
      %dma_start3A_1095 = tpu.memref_squeeze %dma_start3A_1094 : memref<1x53248x32xf32, #tpu.memory_space<hbm>> -> memref<53248x32xf32, #tpu.memory_space<hbm>>
      %dma_start3A_1096 = arith.constant 0 : i32
      %dma_start3A_1097 = arith.constant 0 : i32
      %dma_start3A_1098 = tpu.memref_slice %dma_start3A_1095[%dma_start3A_1096, %dma_start3A_1097] : memref<53248x32xf32, #tpu.memory_space<hbm>> -> memref<53248x32xf32, #tpu.memory_space<hbm>>
      tpu.enqueue_indirect_dma source(%dma_start3A_1098 : memref<53248x32xf32, #tpu.memory_space<hbm>>) target(%arg11 : memref<128x32xf32, #tpu.memory_space<vmem>>) offsets(%dma_start3A_1091 : memref<128xi32, #tpu.memory_space<vmem>>) semaphore(%arg17 : memref<!tpu.dma_semaphore, #tpu.memory_space<semaphore_mem>>)
      %dma_wait3A_1099 = arith.constant 36 : i32
      %dma_wait3A_1100 = arith.constant 0 : i32
      %dma_wait3A_1101 = tpu.memref_slice %arg7[%dma_wait3A_1099, %dma_wait3A_1100] : memref<40x128xi32, #tpu.memory_space<vmem>> -> memref<1x128xi32, #tpu.memory_space<vmem>>
      %dma_wait3A_1102 = tpu.memref_squeeze %dma_wait3A_1101 : memref<1x128xi32, #tpu.memory_space<vmem>> -> memref<128xi32, #tpu.memory_space<vmem>>
      %dma_wait3A_1103 = arith.constant 0 : i32
      %dma_wait3A_1104 = arith.constant 0 : i32
      %dma_wait3A_1105 = tpu.memref_slice %arg2[%arg0, %dma_wait3A_1103, %dma_wait3A_1104] : memref<2x53248x32xf32, #tpu.memory_space<hbm>> -> memref<1x53248x32xf32, #tpu.memory_space<hbm>>
      %dma_wait3A_1106 = tpu.memref_squeeze %dma_wait3A_1105 : memref<1x53248x32xf32, #tpu.memory_space<hbm>> -> memref<53248x32xf32, #tpu.memory_space<hbm>>
      %dma_wait3A_1107 = arith.constant 0 : i32
      %dma_wait3A_1108 = arith.constant 0 : i32
      %dma_wait3A_1109 = tpu.memref_slice %dma_wait3A_1106[%dma_wait3A_1107, %dma_wait3A_1108] : memref<53248x32xf32, #tpu.memory_space<hbm>> -> memref<53248x32xf32, #tpu.memory_space<hbm>>
      tpu.wait_indirect_dma semaphore(%arg15 : memref<!tpu.dma_semaphore, #tpu.memory_space<semaphore_mem>>) src(%dma_wait3A_1109 : memref<53248x32xf32, #tpu.memory_space<hbm>>) dst(%arg9 : memref<128x32xf32, #tpu.memory_space<vmem>>)
      %run_scoped3A_1110 = arith.constant 36 : i32
      "tpu.region"() ({
        %run_scoped3A_1158 = tpu.sem_alloc : memref<!tpu.dma_semaphore, #tpu.memory_space<semaphore_mem>>
        %dma_start3A_1159 = arith.constant 0 : i32
        %dma_start3A_1160 = tpu.memref_slice %arg8[%run_scoped3A_1110, %dma_start3A_1159] : memref<40x128xi32, #tpu.memory_space<vmem>> -> memref<1x128xi32, #tpu.memory_space<vmem>>
        %dma_start3A_1161 = tpu.memref_squeeze %dma_start3A_1160 : memref<1x128xi32, #tpu.memory_space<vmem>> -> memref<128xi32, #tpu.memory_space<vmem>>
        %dma_start3A_1162 = arith.constant 0 : i32
        %dma_start3A_1163 = arith.constant 0 : i32
        %dma_start3A_1164 = tpu.memref_slice %arg12[%dma_start3A_1162, %dma_start3A_1163] : memref<53248x32xf32, #tpu.memory_space<vmem_shared>> -> memref<53248x32xf32, #tpu.memory_space<vmem_shared>>
        tpu.enqueue_indirect_dma source(%arg9 : memref<128x32xf32, #tpu.memory_space<vmem>>) target(%dma_start3A_1164 : memref<53248x32xf32, #tpu.memory_space<vmem_shared>>) offsets(%dma_start3A_1161 : memref<128xi32, #tpu.memory_space<vmem>>) semaphore(%run_scoped3A_1158 : memref<!tpu.dma_semaphore, #tpu.memory_space<semaphore_mem>>) {add = true}
        %dma_wait3A_1165 = arith.constant 0 : i32
        %dma_wait3A_1166 = tpu.memref_slice %arg8[%run_scoped3A_1110, %dma_wait3A_1165] : memref<40x128xi32, #tpu.memory_space<vmem>> -> memref<1x128xi32, #tpu.memory_space<vmem>>
        %dma_wait3A_1167 = tpu.memref_squeeze %dma_wait3A_1166 : memref<1x128xi32, #tpu.memory_space<vmem>> -> memref<128xi32, #tpu.memory_space<vmem>>
        %dma_wait3A_1168 = arith.constant 0 : i32
        %dma_wait3A_1169 = arith.constant 0 : i32
        %dma_wait3A_1170 = tpu.memref_slice %arg12[%dma_wait3A_1168, %dma_wait3A_1169] : memref<53248x32xf32, #tpu.memory_space<vmem_shared>> -> memref<53248x32xf32, #tpu.memory_space<vmem_shared>>
        tpu.wait_indirect_dma semaphore(%run_scoped3A_1158 : memref<!tpu.dma_semaphore, #tpu.memory_space<semaphore_mem>>) src(%arg9 : memref<128x32xf32, #tpu.memory_space<vmem>>) dst(%dma_wait3A_1170 : memref<53248x32xf32, #tpu.memory_space<vmem_shared>>)
        tpu.yield
      }) : () -> ()
      %dma_start3A_1111 = arith.constant 39 : i32
      %dma_start3A_1112 = arith.constant 0 : i32
      %dma_start3A_1113 = tpu.memref_slice %arg7[%dma_start3A_1111, %dma_start3A_1112] : memref<40x128xi32, #tpu.memory_space<vmem>> -> memref<1x128xi32, #tpu.memory_space<vmem>>
      %dma_start3A_1114 = tpu.memref_squeeze %dma_start3A_1113 : memref<1x128xi32, #tpu.memory_space<vmem>> -> memref<128xi32, #tpu.memory_space<vmem>>
      %dma_start3A_1115 = arith.constant 0 : i32
      %dma_start3A_1116 = arith.constant 0 : i32
      %dma_start3A_1117 = tpu.memref_slice %arg2[%arg0, %dma_start3A_1115, %dma_start3A_1116] : memref<2x53248x32xf32, #tpu.memory_space<hbm>> -> memref<1x53248x32xf32, #tpu.memory_space<hbm>>
      %dma_start3A_1118 = tpu.memref_squeeze %dma_start3A_1117 : memref<1x53248x32xf32, #tpu.memory_space<hbm>> -> memref<53248x32xf32, #tpu.memory_space<hbm>>
      %dma_start3A_1119 = arith.constant 0 : i32
      %dma_start3A_1120 = arith.constant 0 : i32
      %dma_start3A_1121 = tpu.memref_slice %dma_start3A_1118[%dma_start3A_1119, %dma_start3A_1120] : memref<53248x32xf32, #tpu.memory_space<hbm>> -> memref<53248x32xf32, #tpu.memory_space<hbm>>
      tpu.enqueue_indirect_dma source(%dma_start3A_1121 : memref<53248x32xf32, #tpu.memory_space<hbm>>) target(%arg9 : memref<128x32xf32, #tpu.memory_space<vmem>>) offsets(%dma_start3A_1114 : memref<128xi32, #tpu.memory_space<vmem>>) semaphore(%arg15 : memref<!tpu.dma_semaphore, #tpu.memory_space<semaphore_mem>>)
      %dma_wait3A_1122 = arith.constant 37 : i32
      %dma_wait3A_1123 = arith.constant 0 : i32
      %dma_wait3A_1124 = tpu.memref_slice %arg7[%dma_wait3A_1122, %dma_wait3A_1123] : memref<40x128xi32, #tpu.memory_space<vmem>> -> memref<1x128xi32, #tpu.memory_space<vmem>>
      %dma_wait3A_1125 = tpu.memref_squeeze %dma_wait3A_1124 : memref<1x128xi32, #tpu.memory_space<vmem>> -> memref<128xi32, #tpu.memory_space<vmem>>
      %dma_wait3A_1126 = arith.constant 0 : i32
      %dma_wait3A_1127 = arith.constant 0 : i32
      %dma_wait3A_1128 = tpu.memref_slice %arg2[%arg0, %dma_wait3A_1126, %dma_wait3A_1127] : memref<2x53248x32xf32, #tpu.memory_space<hbm>> -> memref<1x53248x32xf32, #tpu.memory_space<hbm>>
      %dma_wait3A_1129 = tpu.memref_squeeze %dma_wait3A_1128 : memref<1x53248x32xf32, #tpu.memory_space<hbm>> -> memref<53248x32xf32, #tpu.memory_space<hbm>>
      %dma_wait3A_1130 = arith.constant 0 : i32
      %dma_wait3A_1131 = arith.constant 0 : i32
      %dma_wait3A_1132 = tpu.memref_slice %dma_wait3A_1129[%dma_wait3A_1130, %dma_wait3A_1131] : memref<53248x32xf32, #tpu.memory_space<hbm>> -> memref<53248x32xf32, #tpu.memory_space<hbm>>
      tpu.wait_indirect_dma semaphore(%arg16 : memref<!tpu.dma_semaphore, #tpu.memory_space<semaphore_mem>>) src(%dma_wait3A_1132 : memref<53248x32xf32, #tpu.memory_space<hbm>>) dst(%arg10 : memref<128x32xf32, #tpu.memory_space<vmem>>)
      %run_scoped3A_1133 = arith.constant 37 : i32
      "tpu.region"() ({
        %run_scoped3A_1158 = tpu.sem_alloc : memref<!tpu.dma_semaphore, #tpu.memory_space<semaphore_mem>>
        %dma_start3A_1159 = arith.constant 0 : i32
        %dma_start3A_1160 = tpu.memref_slice %arg8[%run_scoped3A_1133, %dma_start3A_1159] : memref<40x128xi32, #tpu.memory_space<vmem>> -> memref<1x128xi32, #tpu.memory_space<vmem>>
        %dma_start3A_1161 = tpu.memref_squeeze %dma_start3A_1160 : memref<1x128xi32, #tpu.memory_space<vmem>> -> memref<128xi32, #tpu.memory_space<vmem>>
        %dma_start3A_1162 = arith.constant 0 : i32
        %dma_start3A_1163 = arith.constant 0 : i32
        %dma_start3A_1164 = tpu.memref_slice %arg12[%dma_start3A_1162, %dma_start3A_1163] : memref<53248x32xf32, #tpu.memory_space<vmem_shared>> -> memref<53248x32xf32, #tpu.memory_space<vmem_shared>>
        tpu.enqueue_indirect_dma source(%arg10 : memref<128x32xf32, #tpu.memory_space<vmem>>) target(%dma_start3A_1164 : memref<53248x32xf32, #tpu.memory_space<vmem_shared>>) offsets(%dma_start3A_1161 : memref<128xi32, #tpu.memory_space<vmem>>) semaphore(%run_scoped3A_1158 : memref<!tpu.dma_semaphore, #tpu.memory_space<semaphore_mem>>) {add = true}
        %dma_wait3A_1165 = arith.constant 0 : i32
        %dma_wait3A_1166 = tpu.memref_slice %arg8[%run_scoped3A_1133, %dma_wait3A_1165] : memref<40x128xi32, #tpu.memory_space<vmem>> -> memref<1x128xi32, #tpu.memory_space<vmem>>
        %dma_wait3A_1167 = tpu.memref_squeeze %dma_wait3A_1166 : memref<1x128xi32, #tpu.memory_space<vmem>> -> memref<128xi32, #tpu.memory_space<vmem>>
        %dma_wait3A_1168 = arith.constant 0 : i32
        %dma_wait3A_1169 = arith.constant 0 : i32
        %dma_wait3A_1170 = tpu.memref_slice %arg12[%dma_wait3A_1168, %dma_wait3A_1169] : memref<53248x32xf32, #tpu.memory_space<vmem_shared>> -> memref<53248x32xf32, #tpu.memory_space<vmem_shared>>
        tpu.wait_indirect_dma semaphore(%run_scoped3A_1158 : memref<!tpu.dma_semaphore, #tpu.memory_space<semaphore_mem>>) src(%arg10 : memref<128x32xf32, #tpu.memory_space<vmem>>) dst(%dma_wait3A_1170 : memref<53248x32xf32, #tpu.memory_space<vmem_shared>>)
        tpu.yield
      }) : () -> ()
      %dma_wait3A_1134 = arith.constant 38 : i32
      %dma_wait3A_1135 = arith.constant 0 : i32
      %dma_wait3A_1136 = tpu.memref_slice %arg7[%dma_wait3A_1134, %dma_wait3A_1135] : memref<40x128xi32, #tpu.memory_space<vmem>> -> memref<1x128xi32, #tpu.memory_space<vmem>>
      %dma_wait3A_1137 = tpu.memref_squeeze %dma_wait3A_1136 : memref<1x128xi32, #tpu.memory_space<vmem>> -> memref<128xi32, #tpu.memory_space<vmem>>
      %dma_wait3A_1138 = arith.constant 0 : i32
      %dma_wait3A_1139 = arith.constant 0 : i32
      %dma_wait3A_1140 = tpu.memref_slice %arg2[%arg0, %dma_wait3A_1138, %dma_wait3A_1139] : memref<2x53248x32xf32, #tpu.memory_space<hbm>> -> memref<1x53248x32xf32, #tpu.memory_space<hbm>>
      %dma_wait3A_1141 = tpu.memref_squeeze %dma_wait3A_1140 : memref<1x53248x32xf32, #tpu.memory_space<hbm>> -> memref<53248x32xf32, #tpu.memory_space<hbm>>
      %dma_wait3A_1142 = arith.constant 0 : i32
      %dma_wait3A_1143 = arith.constant 0 : i32
      %dma_wait3A_1144 = tpu.memref_slice %dma_wait3A_1141[%dma_wait3A_1142, %dma_wait3A_1143] : memref<53248x32xf32, #tpu.memory_space<hbm>> -> memref<53248x32xf32, #tpu.memory_space<hbm>>
      tpu.wait_indirect_dma semaphore(%arg17 : memref<!tpu.dma_semaphore, #tpu.memory_space<semaphore_mem>>) src(%dma_wait3A_1144 : memref<53248x32xf32, #tpu.memory_space<hbm>>) dst(%arg11 : memref<128x32xf32, #tpu.memory_space<vmem>>)
      %run_scoped3A_1145 = arith.constant 38 : i32
      "tpu.region"() ({
        %run_scoped3A_1158 = tpu.sem_alloc : memref<!tpu.dma_semaphore, #tpu.memory_space<semaphore_mem>>
        %dma_start3A_1159 = arith.constant 0 : i32
        %dma_start3A_1160 = tpu.memref_slice %arg8[%run_scoped3A_1145, %dma_start3A_1159] : memref<40x128xi32, #tpu.memory_space<vmem>> -> memref<1x128xi32, #tpu.memory_space<vmem>>
        %dma_start3A_1161 = tpu.memref_squeeze %dma_start3A_1160 : memref<1x128xi32, #tpu.memory_space<vmem>> -> memref<128xi32, #tpu.memory_space<vmem>>
        %dma_start3A_1162 = arith.constant 0 : i32
        %dma_start3A_1163 = arith.constant 0 : i32
        %dma_start3A_1164 = tpu.memref_slice %arg12[%dma_start3A_1162, %dma_start3A_1163] : memref<53248x32xf32, #tpu.memory_space<vmem_shared>> -> memref<53248x32xf32, #tpu.memory_space<vmem_shared>>
        tpu.enqueue_indirect_dma source(%arg11 : memref<128x32xf32, #tpu.memory_space<vmem>>) target(%dma_start3A_1164 : memref<53248x32xf32, #tpu.memory_space<vmem_shared>>) offsets(%dma_start3A_1161 : memref<128xi32, #tpu.memory_space<vmem>>) semaphore(%run_scoped3A_1158 : memref<!tpu.dma_semaphore, #tpu.memory_space<semaphore_mem>>) {add = true}
        %dma_wait3A_1165 = arith.constant 0 : i32
        %dma_wait3A_1166 = tpu.memref_slice %arg8[%run_scoped3A_1145, %dma_wait3A_1165] : memref<40x128xi32, #tpu.memory_space<vmem>> -> memref<1x128xi32, #tpu.memory_space<vmem>>
        %dma_wait3A_1167 = tpu.memref_squeeze %dma_wait3A_1166 : memref<1x128xi32, #tpu.memory_space<vmem>> -> memref<128xi32, #tpu.memory_space<vmem>>
        %dma_wait3A_1168 = arith.constant 0 : i32
        %dma_wait3A_1169 = arith.constant 0 : i32
        %dma_wait3A_1170 = tpu.memref_slice %arg12[%dma_wait3A_1168, %dma_wait3A_1169] : memref<53248x32xf32, #tpu.memory_space<vmem_shared>> -> memref<53248x32xf32, #tpu.memory_space<vmem_shared>>
        tpu.wait_indirect_dma semaphore(%run_scoped3A_1158 : memref<!tpu.dma_semaphore, #tpu.memory_space<semaphore_mem>>) src(%arg11 : memref<128x32xf32, #tpu.memory_space<vmem>>) dst(%dma_wait3A_1170 : memref<53248x32xf32, #tpu.memory_space<vmem_shared>>)
        tpu.yield
      }) : () -> ()
      %dma_wait3A_1146 = arith.constant 39 : i32
      %dma_wait3A_1147 = arith.constant 0 : i32
      %dma_wait3A_1148 = tpu.memref_slice %arg7[%dma_wait3A_1146, %dma_wait3A_1147] : memref<40x128xi32, #tpu.memory_space<vmem>> -> memref<1x128xi32, #tpu.memory_space<vmem>>
      %dma_wait3A_1149 = tpu.memref_squeeze %dma_wait3A_1148 : memref<1x128xi32, #tpu.memory_space<vmem>> -> memref<128xi32, #tpu.memory_space<vmem>>
      %dma_wait3A_1150 = arith.constant 0 : i32
      %dma_wait3A_1151 = arith.constant 0 : i32
      %dma_wait3A_1152 = tpu.memref_slice %arg2[%arg0, %dma_wait3A_1150, %dma_wait3A_1151] : memref<2x53248x32xf32, #tpu.memory_space<hbm>> -> memref<1x53248x32xf32, #tpu.memory_space<hbm>>
      %dma_wait3A_1153 = tpu.memref_squeeze %dma_wait3A_1152 : memref<1x53248x32xf32, #tpu.memory_space<hbm>> -> memref<53248x32xf32, #tpu.memory_space<hbm>>
      %dma_wait3A_1154 = arith.constant 0 : i32
      %dma_wait3A_1155 = arith.constant 0 : i32
      %dma_wait3A_1156 = tpu.memref_slice %dma_wait3A_1153[%dma_wait3A_1154, %dma_wait3A_1155] : memref<53248x32xf32, #tpu.memory_space<hbm>> -> memref<53248x32xf32, #tpu.memory_space<hbm>>
      tpu.wait_indirect_dma semaphore(%arg15 : memref<!tpu.dma_semaphore, #tpu.memory_space<semaphore_mem>>) src(%dma_wait3A_1156 : memref<53248x32xf32, #tpu.memory_space<hbm>>) dst(%arg9 : memref<128x32xf32, #tpu.memory_space<vmem>>)
      %run_scoped3A_1157 = arith.constant 39 : i32
      "tpu.region"() ({
        %run_scoped3A_1158 = tpu.sem_alloc : memref<!tpu.dma_semaphore, #tpu.memory_space<semaphore_mem>>
        %dma_start3A_1159 = arith.constant 0 : i32
        %dma_start3A_1160 = tpu.memref_slice %arg8[%run_scoped3A_1157, %dma_start3A_1159] : memref<40x128xi32, #tpu.memory_space<vmem>> -> memref<1x128xi32, #tpu.memory_space<vmem>>
        %dma_start3A_1161 = tpu.memref_squeeze %dma_start3A_1160 : memref<1x128xi32, #tpu.memory_space<vmem>> -> memref<128xi32, #tpu.memory_space<vmem>>
        %dma_start3A_1162 = arith.constant 0 : i32
        %dma_start3A_1163 = arith.constant 0 : i32
        %dma_start3A_1164 = tpu.memref_slice %arg12[%dma_start3A_1162, %dma_start3A_1163] : memref<53248x32xf32, #tpu.memory_space<vmem_shared>> -> memref<53248x32xf32, #tpu.memory_space<vmem_shared>>
        tpu.enqueue_indirect_dma source(%arg9 : memref<128x32xf32, #tpu.memory_space<vmem>>) target(%dma_start3A_1164 : memref<53248x32xf32, #tpu.memory_space<vmem_shared>>) offsets(%dma_start3A_1161 : memref<128xi32, #tpu.memory_space<vmem>>) semaphore(%run_scoped3A_1158 : memref<!tpu.dma_semaphore, #tpu.memory_space<semaphore_mem>>) {add = true}
        %dma_wait3A_1165 = arith.constant 0 : i32
        %dma_wait3A_1166 = tpu.memref_slice %arg8[%run_scoped3A_1157, %dma_wait3A_1165] : memref<40x128xi32, #tpu.memory_space<vmem>> -> memref<1x128xi32, #tpu.memory_space<vmem>>
        %dma_wait3A_1167 = tpu.memref_squeeze %dma_wait3A_1166 : memref<1x128xi32, #tpu.memory_space<vmem>> -> memref<128xi32, #tpu.memory_space<vmem>>
        %dma_wait3A_1168 = arith.constant 0 : i32
        %dma_wait3A_1169 = arith.constant 0 : i32
        %dma_wait3A_1170 = tpu.memref_slice %arg12[%dma_wait3A_1168, %dma_wait3A_1169] : memref<53248x32xf32, #tpu.memory_space<vmem_shared>> -> memref<53248x32xf32, #tpu.memory_space<vmem_shared>>
        tpu.wait_indirect_dma semaphore(%run_scoped3A_1158 : memref<!tpu.dma_semaphore, #tpu.memory_space<semaphore_mem>>) src(%arg9 : memref<128x32xf32, #tpu.memory_space<vmem>>) dst(%dma_wait3A_1170 : memref<53248x32xf32, #tpu.memory_space<vmem_shared>>)
        tpu.yield
      }) : () -> ()
    }
    %scan3A_106 = arith.constant 10 : i32
    %barrier3A_107 = arith.constant 0 : index
    tpu.barrier barrier_id(%barrier3A_107)
    %mul3A_108 = arith.constant 3328 : i32
    %mul3A_109 = arith.muli %arg1, %mul3A_108 : i32
    %add3A_110 = arith.constant 0 : i32
    %add3A_111 = arith.addi %mul3A_109, %add3A_110 : i32
    "tpu.region"() ({
      %run_scoped3A = tpu.sem_alloc : memref<!tpu.dma_semaphore, #tpu.memory_space<semaphore_mem>>
      %dma_start3A = arith.constant 0 : i32
      %dma_start3A_212 = tpu.memref_slice %arg6[%arg0, %add3A_111, %dma_start3A] : memref<2x53248x32xf32, #tpu.memory_space<hbm>> -> memref<1x128x32xf32, #tpu.memory_space<hbm>>
      %dma_start3A_213 = tpu.memref_squeeze %dma_start3A_212 : memref<1x128x32xf32, #tpu.memory_space<hbm>> -> memref<128x32xf32, #tpu.memory_space<hbm>>
      %dma_start3A_214 = arith.constant 0 : i32
      %dma_start3A_215 = tpu.memref_slice %arg12[%add3A_111, %dma_start3A_214] : memref<53248x32xf32, #tpu.memory_space<vmem_shared>> -> memref<128x32xf32, #tpu.memory_space<vmem_shared>>
      tpu.enqueue_dma source(%dma_start3A_215 : memref<128x32xf32, #tpu.memory_space<vmem_shared>>) target(%dma_start3A_213 : memref<128x32xf32, #tpu.memory_space<hbm>>) target_semaphore(%run_scoped3A : memref<!tpu.dma_semaphore, #tpu.memory_space<semaphore_mem>>)
      %dma_wait3A = arith.constant 0 : i32
      %dma_wait3A_216 = tpu.memref_slice %arg6[%arg0, %add3A_111, %dma_wait3A] : memref<2x53248x32xf32, #tpu.memory_space<hbm>> -> memref<1x128x32xf32, #tpu.memory_space<hbm>>
      %dma_wait3A_217 = tpu.memref_squeeze %dma_wait3A_216 : memref<1x128x32xf32, #tpu.memory_space<hbm>> -> memref<128x32xf32, #tpu.memory_space<hbm>>
      %dma_wait3A_218 = arith.constant 0 : i32
      %dma_wait3A_219 = tpu.memref_slice %arg12[%add3A_111, %dma_wait3A_218] : memref<53248x32xf32, #tpu.memory_space<vmem_shared>> -> memref<128x32xf32, #tpu.memory_space<vmem_shared>>
      tpu.wait_dma2 semaphore(%run_scoped3A : memref<!tpu.dma_semaphore, #tpu.memory_space<semaphore_mem>>) src(%dma_wait3A_219 : memref<128x32xf32, #tpu.memory_space<vmem_shared>>) dst(%dma_wait3A_217 : memref<128x32xf32, #tpu.memory_space<hbm>>)
      tpu.yield
    }) : () -> ()
    %mul3A_112 = arith.constant 3328 : i32
    %mul3A_113 = arith.muli %arg1, %mul3A_112 : i32
    %add3A_114 = arith.constant 128 : i32
    %add3A_115 = arith.addi %mul3A_113, %add3A_114 : i32
    "tpu.region"() ({
      %run_scoped3A = tpu.sem_alloc : memref<!tpu.dma_semaphore, #tpu.memory_space<semaphore_mem>>
      %dma_start3A = arith.constant 0 : i32
      %dma_start3A_212 = tpu.memref_slice %arg6[%arg0, %add3A_115, %dma_start3A] : memref<2x53248x32xf32, #tpu.memory_space<hbm>> -> memref<1x128x32xf32, #tpu.memory_space<hbm>>
      %dma_start3A_213 = tpu.memref_squeeze %dma_start3A_212 : memref<1x128x32xf32, #tpu.memory_space<hbm>> -> memref<128x32xf32, #tpu.memory_space<hbm>>
      %dma_start3A_214 = arith.constant 0 : i32
      %dma_start3A_215 = tpu.memref_slice %arg12[%add3A_115, %dma_start3A_214] : memref<53248x32xf32, #tpu.memory_space<vmem_shared>> -> memref<128x32xf32, #tpu.memory_space<vmem_shared>>
      tpu.enqueue_dma source(%dma_start3A_215 : memref<128x32xf32, #tpu.memory_space<vmem_shared>>) target(%dma_start3A_213 : memref<128x32xf32, #tpu.memory_space<hbm>>) target_semaphore(%run_scoped3A : memref<!tpu.dma_semaphore, #tpu.memory_space<semaphore_mem>>)
      %dma_wait3A = arith.constant 0 : i32
      %dma_wait3A_216 = tpu.memref_slice %arg6[%arg0, %add3A_115, %dma_wait3A] : memref<2x53248x32xf32, #tpu.memory_space<hbm>> -> memref<1x128x32xf32, #tpu.memory_space<hbm>>
      %dma_wait3A_217 = tpu.memref_squeeze %dma_wait3A_216 : memref<1x128x32xf32, #tpu.memory_space<hbm>> -> memref<128x32xf32, #tpu.memory_space<hbm>>
      %dma_wait3A_218 = arith.constant 0 : i32
      %dma_wait3A_219 = tpu.memref_slice %arg12[%add3A_115, %dma_wait3A_218] : memref<53248x32xf32, #tpu.memory_space<vmem_shared>> -> memref<128x32xf32, #tpu.memory_space<vmem_shared>>
      tpu.wait_dma2 semaphore(%run_scoped3A : memref<!tpu.dma_semaphore, #tpu.memory_space<semaphore_mem>>) src(%dma_wait3A_219 : memref<128x32xf32, #tpu.memory_space<vmem_shared>>) dst(%dma_wait3A_217 : memref<128x32xf32, #tpu.memory_space<hbm>>)
      tpu.yield
    }) : () -> ()
    %mul3A_116 = arith.constant 3328 : i32
    %mul3A_117 = arith.muli %arg1, %mul3A_116 : i32
    %add3A_118 = arith.constant 256 : i32
    %add3A_119 = arith.addi %mul3A_117, %add3A_118 : i32
    "tpu.region"() ({
      %run_scoped3A = tpu.sem_alloc : memref<!tpu.dma_semaphore, #tpu.memory_space<semaphore_mem>>
      %dma_start3A = arith.constant 0 : i32
      %dma_start3A_212 = tpu.memref_slice %arg6[%arg0, %add3A_119, %dma_start3A] : memref<2x53248x32xf32, #tpu.memory_space<hbm>> -> memref<1x128x32xf32, #tpu.memory_space<hbm>>
      %dma_start3A_213 = tpu.memref_squeeze %dma_start3A_212 : memref<1x128x32xf32, #tpu.memory_space<hbm>> -> memref<128x32xf32, #tpu.memory_space<hbm>>
      %dma_start3A_214 = arith.constant 0 : i32
      %dma_start3A_215 = tpu.memref_slice %arg12[%add3A_119, %dma_start3A_214] : memref<53248x32xf32, #tpu.memory_space<vmem_shared>> -> memref<128x32xf32, #tpu.memory_space<vmem_shared>>
      tpu.enqueue_dma source(%dma_start3A_215 : memref<128x32xf32, #tpu.memory_space<vmem_shared>>) target(%dma_start3A_213 : memref<128x32xf32, #tpu.memory_space<hbm>>) target_semaphore(%run_scoped3A : memref<!tpu.dma_semaphore, #tpu.memory_space<semaphore_mem>>)
      %dma_wait3A = arith.constant 0 : i32
      %dma_wait3A_216 = tpu.memref_slice %arg6[%arg0, %add3A_119, %dma_wait3A] : memref<2x53248x32xf32, #tpu.memory_space<hbm>> -> memref<1x128x32xf32, #tpu.memory_space<hbm>>
      %dma_wait3A_217 = tpu.memref_squeeze %dma_wait3A_216 : memref<1x128x32xf32, #tpu.memory_space<hbm>> -> memref<128x32xf32, #tpu.memory_space<hbm>>
      %dma_wait3A_218 = arith.constant 0 : i32
      %dma_wait3A_219 = tpu.memref_slice %arg12[%add3A_119, %dma_wait3A_218] : memref<53248x32xf32, #tpu.memory_space<vmem_shared>> -> memref<128x32xf32, #tpu.memory_space<vmem_shared>>
      tpu.wait_dma2 semaphore(%run_scoped3A : memref<!tpu.dma_semaphore, #tpu.memory_space<semaphore_mem>>) src(%dma_wait3A_219 : memref<128x32xf32, #tpu.memory_space<vmem_shared>>) dst(%dma_wait3A_217 : memref<128x32xf32, #tpu.memory_space<hbm>>)
      tpu.yield
    }) : () -> ()
    %mul3A_120 = arith.constant 3328 : i32
    %mul3A_121 = arith.muli %arg1, %mul3A_120 : i32
    %add3A_122 = arith.constant 384 : i32
    %add3A_123 = arith.addi %mul3A_121, %add3A_122 : i32
    "tpu.region"() ({
      %run_scoped3A = tpu.sem_alloc : memref<!tpu.dma_semaphore, #tpu.memory_space<semaphore_mem>>
      %dma_start3A = arith.constant 0 : i32
      %dma_start3A_212 = tpu.memref_slice %arg6[%arg0, %add3A_123, %dma_start3A] : memref<2x53248x32xf32, #tpu.memory_space<hbm>> -> memref<1x128x32xf32, #tpu.memory_space<hbm>>
      %dma_start3A_213 = tpu.memref_squeeze %dma_start3A_212 : memref<1x128x32xf32, #tpu.memory_space<hbm>> -> memref<128x32xf32, #tpu.memory_space<hbm>>
      %dma_start3A_214 = arith.constant 0 : i32
      %dma_start3A_215 = tpu.memref_slice %arg12[%add3A_123, %dma_start3A_214] : memref<53248x32xf32, #tpu.memory_space<vmem_shared>> -> memref<128x32xf32, #tpu.memory_space<vmem_shared>>
      tpu.enqueue_dma source(%dma_start3A_215 : memref<128x32xf32, #tpu.memory_space<vmem_shared>>) target(%dma_start3A_213 : memref<128x32xf32, #tpu.memory_space<hbm>>) target_semaphore(%run_scoped3A : memref<!tpu.dma_semaphore, #tpu.memory_space<semaphore_mem>>)
      %dma_wait3A = arith.constant 0 : i32
      %dma_wait3A_216 = tpu.memref_slice %arg6[%arg0, %add3A_123, %dma_wait3A] : memref<2x53248x32xf32, #tpu.memory_space<hbm>> -> memref<1x128x32xf32, #tpu.memory_space<hbm>>
      %dma_wait3A_217 = tpu.memref_squeeze %dma_wait3A_216 : memref<1x128x32xf32, #tpu.memory_space<hbm>> -> memref<128x32xf32, #tpu.memory_space<hbm>>
      %dma_wait3A_218 = arith.constant 0 : i32
      %dma_wait3A_219 = tpu.memref_slice %arg12[%add3A_123, %dma_wait3A_218] : memref<53248x32xf32, #tpu.memory_space<vmem_shared>> -> memref<128x32xf32, #tpu.memory_space<vmem_shared>>
      tpu.wait_dma2 semaphore(%run_scoped3A : memref<!tpu.dma_semaphore, #tpu.memory_space<semaphore_mem>>) src(%dma_wait3A_219 : memref<128x32xf32, #tpu.memory_space<vmem_shared>>) dst(%dma_wait3A_217 : memref<128x32xf32, #tpu.memory_space<hbm>>)
      tpu.yield
    }) : () -> ()
    %mul3A_124 = arith.constant 3328 : i32
    %mul3A_125 = arith.muli %arg1, %mul3A_124 : i32
    %add3A_126 = arith.constant 512 : i32
    %add3A_127 = arith.addi %mul3A_125, %add3A_126 : i32
    "tpu.region"() ({
      %run_scoped3A = tpu.sem_alloc : memref<!tpu.dma_semaphore, #tpu.memory_space<semaphore_mem>>
      %dma_start3A = arith.constant 0 : i32
      %dma_start3A_212 = tpu.memref_slice %arg6[%arg0, %add3A_127, %dma_start3A] : memref<2x53248x32xf32, #tpu.memory_space<hbm>> -> memref<1x128x32xf32, #tpu.memory_space<hbm>>
      %dma_start3A_213 = tpu.memref_squeeze %dma_start3A_212 : memref<1x128x32xf32, #tpu.memory_space<hbm>> -> memref<128x32xf32, #tpu.memory_space<hbm>>
      %dma_start3A_214 = arith.constant 0 : i32
      %dma_start3A_215 = tpu.memref_slice %arg12[%add3A_127, %dma_start3A_214] : memref<53248x32xf32, #tpu.memory_space<vmem_shared>> -> memref<128x32xf32, #tpu.memory_space<vmem_shared>>
      tpu.enqueue_dma source(%dma_start3A_215 : memref<128x32xf32, #tpu.memory_space<vmem_shared>>) target(%dma_start3A_213 : memref<128x32xf32, #tpu.memory_space<hbm>>) target_semaphore(%run_scoped3A : memref<!tpu.dma_semaphore, #tpu.memory_space<semaphore_mem>>)
      %dma_wait3A = arith.constant 0 : i32
      %dma_wait3A_216 = tpu.memref_slice %arg6[%arg0, %add3A_127, %dma_wait3A] : memref<2x53248x32xf32, #tpu.memory_space<hbm>> -> memref<1x128x32xf32, #tpu.memory_space<hbm>>
      %dma_wait3A_217 = tpu.memref_squeeze %dma_wait3A_216 : memref<1x128x32xf32, #tpu.memory_space<hbm>> -> memref<128x32xf32, #tpu.memory_space<hbm>>
      %dma_wait3A_218 = arith.constant 0 : i32
      %dma_wait3A_219 = tpu.memref_slice %arg12[%add3A_127, %dma_wait3A_218] : memref<53248x32xf32, #tpu.memory_space<vmem_shared>> -> memref<128x32xf32, #tpu.memory_space<vmem_shared>>
      tpu.wait_dma2 semaphore(%run_scoped3A : memref<!tpu.dma_semaphore, #tpu.memory_space<semaphore_mem>>) src(%dma_wait3A_219 : memref<128x32xf32, #tpu.memory_space<vmem_shared>>) dst(%dma_wait3A_217 : memref<128x32xf32, #tpu.memory_space<hbm>>)
      tpu.yield
    }) : () -> ()
    %mul3A_128 = arith.constant 3328 : i32
    %mul3A_129 = arith.muli %arg1, %mul3A_128 : i32
    %add3A_130 = arith.constant 640 : i32
    %add3A_131 = arith.addi %mul3A_129, %add3A_130 : i32
    "tpu.region"() ({
      %run_scoped3A = tpu.sem_alloc : memref<!tpu.dma_semaphore, #tpu.memory_space<semaphore_mem>>
      %dma_start3A = arith.constant 0 : i32
      %dma_start3A_212 = tpu.memref_slice %arg6[%arg0, %add3A_131, %dma_start3A] : memref<2x53248x32xf32, #tpu.memory_space<hbm>> -> memref<1x128x32xf32, #tpu.memory_space<hbm>>
      %dma_start3A_213 = tpu.memref_squeeze %dma_start3A_212 : memref<1x128x32xf32, #tpu.memory_space<hbm>> -> memref<128x32xf32, #tpu.memory_space<hbm>>
      %dma_start3A_214 = arith.constant 0 : i32
      %dma_start3A_215 = tpu.memref_slice %arg12[%add3A_131, %dma_start3A_214] : memref<53248x32xf32, #tpu.memory_space<vmem_shared>> -> memref<128x32xf32, #tpu.memory_space<vmem_shared>>
      tpu.enqueue_dma source(%dma_start3A_215 : memref<128x32xf32, #tpu.memory_space<vmem_shared>>) target(%dma_start3A_213 : memref<128x32xf32, #tpu.memory_space<hbm>>) target_semaphore(%run_scoped3A : memref<!tpu.dma_semaphore, #tpu.memory_space<semaphore_mem>>)
      %dma_wait3A = arith.constant 0 : i32
      %dma_wait3A_216 = tpu.memref_slice %arg6[%arg0, %add3A_131, %dma_wait3A] : memref<2x53248x32xf32, #tpu.memory_space<hbm>> -> memref<1x128x32xf32, #tpu.memory_space<hbm>>
      %dma_wait3A_217 = tpu.memref_squeeze %dma_wait3A_216 : memref<1x128x32xf32, #tpu.memory_space<hbm>> -> memref<128x32xf32, #tpu.memory_space<hbm>>
      %dma_wait3A_218 = arith.constant 0 : i32
      %dma_wait3A_219 = tpu.memref_slice %arg12[%add3A_131, %dma_wait3A_218] : memref<53248x32xf32, #tpu.memory_space<vmem_shared>> -> memref<128x32xf32, #tpu.memory_space<vmem_shared>>
      tpu.wait_dma2 semaphore(%run_scoped3A : memref<!tpu.dma_semaphore, #tpu.memory_space<semaphore_mem>>) src(%dma_wait3A_219 : memref<128x32xf32, #tpu.memory_space<vmem_shared>>) dst(%dma_wait3A_217 : memref<128x32xf32, #tpu.memory_space<hbm>>)
      tpu.yield
    }) : () -> ()
    %mul3A_132 = arith.constant 3328 : i32
    %mul3A_133 = arith.muli %arg1, %mul3A_132 : i32
    %add3A_134 = arith.constant 768 : i32
    %add3A_135 = arith.addi %mul3A_133, %add3A_134 : i32
    "tpu.region"() ({
      %run_scoped3A = tpu.sem_alloc : memref<!tpu.dma_semaphore, #tpu.memory_space<semaphore_mem>>
      %dma_start3A = arith.constant 0 : i32
      %dma_start3A_212 = tpu.memref_slice %arg6[%arg0, %add3A_135, %dma_start3A] : memref<2x53248x32xf32, #tpu.memory_space<hbm>> -> memref<1x128x32xf32, #tpu.memory_space<hbm>>
      %dma_start3A_213 = tpu.memref_squeeze %dma_start3A_212 : memref<1x128x32xf32, #tpu.memory_space<hbm>> -> memref<128x32xf32, #tpu.memory_space<hbm>>
      %dma_start3A_214 = arith.constant 0 : i32
      %dma_start3A_215 = tpu.memref_slice %arg12[%add3A_135, %dma_start3A_214] : memref<53248x32xf32, #tpu.memory_space<vmem_shared>> -> memref<128x32xf32, #tpu.memory_space<vmem_shared>>
      tpu.enqueue_dma source(%dma_start3A_215 : memref<128x32xf32, #tpu.memory_space<vmem_shared>>) target(%dma_start3A_213 : memref<128x32xf32, #tpu.memory_space<hbm>>) target_semaphore(%run_scoped3A : memref<!tpu.dma_semaphore, #tpu.memory_space<semaphore_mem>>)
      %dma_wait3A = arith.constant 0 : i32
      %dma_wait3A_216 = tpu.memref_slice %arg6[%arg0, %add3A_135, %dma_wait3A] : memref<2x53248x32xf32, #tpu.memory_space<hbm>> -> memref<1x128x32xf32, #tpu.memory_space<hbm>>
      %dma_wait3A_217 = tpu.memref_squeeze %dma_wait3A_216 : memref<1x128x32xf32, #tpu.memory_space<hbm>> -> memref<128x32xf32, #tpu.memory_space<hbm>>
      %dma_wait3A_218 = arith.constant 0 : i32
      %dma_wait3A_219 = tpu.memref_slice %arg12[%add3A_135, %dma_wait3A_218] : memref<53248x32xf32, #tpu.memory_space<vmem_shared>> -> memref<128x32xf32, #tpu.memory_space<vmem_shared>>
      tpu.wait_dma2 semaphore(%run_scoped3A : memref<!tpu.dma_semaphore, #tpu.memory_space<semaphore_mem>>) src(%dma_wait3A_219 : memref<128x32xf32, #tpu.memory_space<vmem_shared>>) dst(%dma_wait3A_217 : memref<128x32xf32, #tpu.memory_space<hbm>>)
      tpu.yield
    }) : () -> ()
    %mul3A_136 = arith.constant 3328 : i32
    %mul3A_137 = arith.muli %arg1, %mul3A_136 : i32
    %add3A_138 = arith.constant 896 : i32
    %add3A_139 = arith.addi %mul3A_137, %add3A_138 : i32
    "tpu.region"() ({
      %run_scoped3A = tpu.sem_alloc : memref<!tpu.dma_semaphore, #tpu.memory_space<semaphore_mem>>
      %dma_start3A = arith.constant 0 : i32
      %dma_start3A_212 = tpu.memref_slice %arg6[%arg0, %add3A_139, %dma_start3A] : memref<2x53248x32xf32, #tpu.memory_space<hbm>> -> memref<1x128x32xf32, #tpu.memory_space<hbm>>
      %dma_start3A_213 = tpu.memref_squeeze %dma_start3A_212 : memref<1x128x32xf32, #tpu.memory_space<hbm>> -> memref<128x32xf32, #tpu.memory_space<hbm>>
      %dma_start3A_214 = arith.constant 0 : i32
      %dma_start3A_215 = tpu.memref_slice %arg12[%add3A_139, %dma_start3A_214] : memref<53248x32xf32, #tpu.memory_space<vmem_shared>> -> memref<128x32xf32, #tpu.memory_space<vmem_shared>>
      tpu.enqueue_dma source(%dma_start3A_215 : memref<128x32xf32, #tpu.memory_space<vmem_shared>>) target(%dma_start3A_213 : memref<128x32xf32, #tpu.memory_space<hbm>>) target_semaphore(%run_scoped3A : memref<!tpu.dma_semaphore, #tpu.memory_space<semaphore_mem>>)
      %dma_wait3A = arith.constant 0 : i32
      %dma_wait3A_216 = tpu.memref_slice %arg6[%arg0, %add3A_139, %dma_wait3A] : memref<2x53248x32xf32, #tpu.memory_space<hbm>> -> memref<1x128x32xf32, #tpu.memory_space<hbm>>
      %dma_wait3A_217 = tpu.memref_squeeze %dma_wait3A_216 : memref<1x128x32xf32, #tpu.memory_space<hbm>> -> memref<128x32xf32, #tpu.memory_space<hbm>>
      %dma_wait3A_218 = arith.constant 0 : i32
      %dma_wait3A_219 = tpu.memref_slice %arg12[%add3A_139, %dma_wait3A_218] : memref<53248x32xf32, #tpu.memory_space<vmem_shared>> -> memref<128x32xf32, #tpu.memory_space<vmem_shared>>
      tpu.wait_dma2 semaphore(%run_scoped3A : memref<!tpu.dma_semaphore, #tpu.memory_space<semaphore_mem>>) src(%dma_wait3A_219 : memref<128x32xf32, #tpu.memory_space<vmem_shared>>) dst(%dma_wait3A_217 : memref<128x32xf32, #tpu.memory_space<hbm>>)
      tpu.yield
    }) : () -> ()
    %mul3A_140 = arith.constant 3328 : i32
    %mul3A_141 = arith.muli %arg1, %mul3A_140 : i32
    %add3A_142 = arith.constant 1024 : i32
    %add3A_143 = arith.addi %mul3A_141, %add3A_142 : i32
    "tpu.region"() ({
      %run_scoped3A = tpu.sem_alloc : memref<!tpu.dma_semaphore, #tpu.memory_space<semaphore_mem>>
      %dma_start3A = arith.constant 0 : i32
      %dma_start3A_212 = tpu.memref_slice %arg6[%arg0, %add3A_143, %dma_start3A] : memref<2x53248x32xf32, #tpu.memory_space<hbm>> -> memref<1x128x32xf32, #tpu.memory_space<hbm>>
      %dma_start3A_213 = tpu.memref_squeeze %dma_start3A_212 : memref<1x128x32xf32, #tpu.memory_space<hbm>> -> memref<128x32xf32, #tpu.memory_space<hbm>>
      %dma_start3A_214 = arith.constant 0 : i32
      %dma_start3A_215 = tpu.memref_slice %arg12[%add3A_143, %dma_start3A_214] : memref<53248x32xf32, #tpu.memory_space<vmem_shared>> -> memref<128x32xf32, #tpu.memory_space<vmem_shared>>
      tpu.enqueue_dma source(%dma_start3A_215 : memref<128x32xf32, #tpu.memory_space<vmem_shared>>) target(%dma_start3A_213 : memref<128x32xf32, #tpu.memory_space<hbm>>) target_semaphore(%run_scoped3A : memref<!tpu.dma_semaphore, #tpu.memory_space<semaphore_mem>>)
      %dma_wait3A = arith.constant 0 : i32
      %dma_wait3A_216 = tpu.memref_slice %arg6[%arg0, %add3A_143, %dma_wait3A] : memref<2x53248x32xf32, #tpu.memory_space<hbm>> -> memref<1x128x32xf32, #tpu.memory_space<hbm>>
      %dma_wait3A_217 = tpu.memref_squeeze %dma_wait3A_216 : memref<1x128x32xf32, #tpu.memory_space<hbm>> -> memref<128x32xf32, #tpu.memory_space<hbm>>
      %dma_wait3A_218 = arith.constant 0 : i32
      %dma_wait3A_219 = tpu.memref_slice %arg12[%add3A_143, %dma_wait3A_218] : memref<53248x32xf32, #tpu.memory_space<vmem_shared>> -> memref<128x32xf32, #tpu.memory_space<vmem_shared>>
      tpu.wait_dma2 semaphore(%run_scoped3A : memref<!tpu.dma_semaphore, #tpu.memory_space<semaphore_mem>>) src(%dma_wait3A_219 : memref<128x32xf32, #tpu.memory_space<vmem_shared>>) dst(%dma_wait3A_217 : memref<128x32xf32, #tpu.memory_space<hbm>>)
      tpu.yield
    }) : () -> ()
    %mul3A_144 = arith.constant 3328 : i32
    %mul3A_145 = arith.muli %arg1, %mul3A_144 : i32
    %add3A_146 = arith.constant 1152 : i32
    %add3A_147 = arith.addi %mul3A_145, %add3A_146 : i32
    "tpu.region"() ({
      %run_scoped3A = tpu.sem_alloc : memref<!tpu.dma_semaphore, #tpu.memory_space<semaphore_mem>>
      %dma_start3A = arith.constant 0 : i32
      %dma_start3A_212 = tpu.memref_slice %arg6[%arg0, %add3A_147, %dma_start3A] : memref<2x53248x32xf32, #tpu.memory_space<hbm>> -> memref<1x128x32xf32, #tpu.memory_space<hbm>>
      %dma_start3A_213 = tpu.memref_squeeze %dma_start3A_212 : memref<1x128x32xf32, #tpu.memory_space<hbm>> -> memref<128x32xf32, #tpu.memory_space<hbm>>
      %dma_start3A_214 = arith.constant 0 : i32
      %dma_start3A_215 = tpu.memref_slice %arg12[%add3A_147, %dma_start3A_214] : memref<53248x32xf32, #tpu.memory_space<vmem_shared>> -> memref<128x32xf32, #tpu.memory_space<vmem_shared>>
      tpu.enqueue_dma source(%dma_start3A_215 : memref<128x32xf32, #tpu.memory_space<vmem_shared>>) target(%dma_start3A_213 : memref<128x32xf32, #tpu.memory_space<hbm>>) target_semaphore(%run_scoped3A : memref<!tpu.dma_semaphore, #tpu.memory_space<semaphore_mem>>)
      %dma_wait3A = arith.constant 0 : i32
      %dma_wait3A_216 = tpu.memref_slice %arg6[%arg0, %add3A_147, %dma_wait3A] : memref<2x53248x32xf32, #tpu.memory_space<hbm>> -> memref<1x128x32xf32, #tpu.memory_space<hbm>>
      %dma_wait3A_217 = tpu.memref_squeeze %dma_wait3A_216 : memref<1x128x32xf32, #tpu.memory_space<hbm>> -> memref<128x32xf32, #tpu.memory_space<hbm>>
      %dma_wait3A_218 = arith.constant 0 : i32
      %dma_wait3A_219 = tpu.memref_slice %arg12[%add3A_147, %dma_wait3A_218] : memref<53248x32xf32, #tpu.memory_space<vmem_shared>> -> memref<128x32xf32, #tpu.memory_space<vmem_shared>>
      tpu.wait_dma2 semaphore(%run_scoped3A : memref<!tpu.dma_semaphore, #tpu.memory_space<semaphore_mem>>) src(%dma_wait3A_219 : memref<128x32xf32, #tpu.memory_space<vmem_shared>>) dst(%dma_wait3A_217 : memref<128x32xf32, #tpu.memory_space<hbm>>)
      tpu.yield
    }) : () -> ()
    %mul3A_148 = arith.constant 3328 : i32
    %mul3A_149 = arith.muli %arg1, %mul3A_148 : i32
    %add3A_150 = arith.constant 1280 : i32
    %add3A_151 = arith.addi %mul3A_149, %add3A_150 : i32
    "tpu.region"() ({
      %run_scoped3A = tpu.sem_alloc : memref<!tpu.dma_semaphore, #tpu.memory_space<semaphore_mem>>
      %dma_start3A = arith.constant 0 : i32
      %dma_start3A_212 = tpu.memref_slice %arg6[%arg0, %add3A_151, %dma_start3A] : memref<2x53248x32xf32, #tpu.memory_space<hbm>> -> memref<1x128x32xf32, #tpu.memory_space<hbm>>
      %dma_start3A_213 = tpu.memref_squeeze %dma_start3A_212 : memref<1x128x32xf32, #tpu.memory_space<hbm>> -> memref<128x32xf32, #tpu.memory_space<hbm>>
      %dma_start3A_214 = arith.constant 0 : i32
      %dma_start3A_215 = tpu.memref_slice %arg12[%add3A_151, %dma_start3A_214] : memref<53248x32xf32, #tpu.memory_space<vmem_shared>> -> memref<128x32xf32, #tpu.memory_space<vmem_shared>>
      tpu.enqueue_dma source(%dma_start3A_215 : memref<128x32xf32, #tpu.memory_space<vmem_shared>>) target(%dma_start3A_213 : memref<128x32xf32, #tpu.memory_space<hbm>>) target_semaphore(%run_scoped3A : memref<!tpu.dma_semaphore, #tpu.memory_space<semaphore_mem>>)
      %dma_wait3A = arith.constant 0 : i32
      %dma_wait3A_216 = tpu.memref_slice %arg6[%arg0, %add3A_151, %dma_wait3A] : memref<2x53248x32xf32, #tpu.memory_space<hbm>> -> memref<1x128x32xf32, #tpu.memory_space<hbm>>
      %dma_wait3A_217 = tpu.memref_squeeze %dma_wait3A_216 : memref<1x128x32xf32, #tpu.memory_space<hbm>> -> memref<128x32xf32, #tpu.memory_space<hbm>>
      %dma_wait3A_218 = arith.constant 0 : i32
      %dma_wait3A_219 = tpu.memref_slice %arg12[%add3A_151, %dma_wait3A_218] : memref<53248x32xf32, #tpu.memory_space<vmem_shared>> -> memref<128x32xf32, #tpu.memory_space<vmem_shared>>
      tpu.wait_dma2 semaphore(%run_scoped3A : memref<!tpu.dma_semaphore, #tpu.memory_space<semaphore_mem>>) src(%dma_wait3A_219 : memref<128x32xf32, #tpu.memory_space<vmem_shared>>) dst(%dma_wait3A_217 : memref<128x32xf32, #tpu.memory_space<hbm>>)
      tpu.yield
    }) : () -> ()
    %mul3A_152 = arith.constant 3328 : i32
    %mul3A_153 = arith.muli %arg1, %mul3A_152 : i32
    %add3A_154 = arith.constant 1408 : i32
    %add3A_155 = arith.addi %mul3A_153, %add3A_154 : i32
    "tpu.region"() ({
      %run_scoped3A = tpu.sem_alloc : memref<!tpu.dma_semaphore, #tpu.memory_space<semaphore_mem>>
      %dma_start3A = arith.constant 0 : i32
      %dma_start3A_212 = tpu.memref_slice %arg6[%arg0, %add3A_155, %dma_start3A] : memref<2x53248x32xf32, #tpu.memory_space<hbm>> -> memref<1x128x32xf32, #tpu.memory_space<hbm>>
      %dma_start3A_213 = tpu.memref_squeeze %dma_start3A_212 : memref<1x128x32xf32, #tpu.memory_space<hbm>> -> memref<128x32xf32, #tpu.memory_space<hbm>>
      %dma_start3A_214 = arith.constant 0 : i32
      %dma_start3A_215 = tpu.memref_slice %arg12[%add3A_155, %dma_start3A_214] : memref<53248x32xf32, #tpu.memory_space<vmem_shared>> -> memref<128x32xf32, #tpu.memory_space<vmem_shared>>
      tpu.enqueue_dma source(%dma_start3A_215 : memref<128x32xf32, #tpu.memory_space<vmem_shared>>) target(%dma_start3A_213 : memref<128x32xf32, #tpu.memory_space<hbm>>) target_semaphore(%run_scoped3A : memref<!tpu.dma_semaphore, #tpu.memory_space<semaphore_mem>>)
      %dma_wait3A = arith.constant 0 : i32
      %dma_wait3A_216 = tpu.memref_slice %arg6[%arg0, %add3A_155, %dma_wait3A] : memref<2x53248x32xf32, #tpu.memory_space<hbm>> -> memref<1x128x32xf32, #tpu.memory_space<hbm>>
      %dma_wait3A_217 = tpu.memref_squeeze %dma_wait3A_216 : memref<1x128x32xf32, #tpu.memory_space<hbm>> -> memref<128x32xf32, #tpu.memory_space<hbm>>
      %dma_wait3A_218 = arith.constant 0 : i32
      %dma_wait3A_219 = tpu.memref_slice %arg12[%add3A_155, %dma_wait3A_218] : memref<53248x32xf32, #tpu.memory_space<vmem_shared>> -> memref<128x32xf32, #tpu.memory_space<vmem_shared>>
      tpu.wait_dma2 semaphore(%run_scoped3A : memref<!tpu.dma_semaphore, #tpu.memory_space<semaphore_mem>>) src(%dma_wait3A_219 : memref<128x32xf32, #tpu.memory_space<vmem_shared>>) dst(%dma_wait3A_217 : memref<128x32xf32, #tpu.memory_space<hbm>>)
      tpu.yield
    }) : () -> ()
    %mul3A_156 = arith.constant 3328 : i32
    %mul3A_157 = arith.muli %arg1, %mul3A_156 : i32
    %add3A_158 = arith.constant 1536 : i32
    %add3A_159 = arith.addi %mul3A_157, %add3A_158 : i32
    "tpu.region"() ({
      %run_scoped3A = tpu.sem_alloc : memref<!tpu.dma_semaphore, #tpu.memory_space<semaphore_mem>>
      %dma_start3A = arith.constant 0 : i32
      %dma_start3A_212 = tpu.memref_slice %arg6[%arg0, %add3A_159, %dma_start3A] : memref<2x53248x32xf32, #tpu.memory_space<hbm>> -> memref<1x128x32xf32, #tpu.memory_space<hbm>>
      %dma_start3A_213 = tpu.memref_squeeze %dma_start3A_212 : memref<1x128x32xf32, #tpu.memory_space<hbm>> -> memref<128x32xf32, #tpu.memory_space<hbm>>
      %dma_start3A_214 = arith.constant 0 : i32
      %dma_start3A_215 = tpu.memref_slice %arg12[%add3A_159, %dma_start3A_214] : memref<53248x32xf32, #tpu.memory_space<vmem_shared>> -> memref<128x32xf32, #tpu.memory_space<vmem_shared>>
      tpu.enqueue_dma source(%dma_start3A_215 : memref<128x32xf32, #tpu.memory_space<vmem_shared>>) target(%dma_start3A_213 : memref<128x32xf32, #tpu.memory_space<hbm>>) target_semaphore(%run_scoped3A : memref<!tpu.dma_semaphore, #tpu.memory_space<semaphore_mem>>)
      %dma_wait3A = arith.constant 0 : i32
      %dma_wait3A_216 = tpu.memref_slice %arg6[%arg0, %add3A_159, %dma_wait3A] : memref<2x53248x32xf32, #tpu.memory_space<hbm>> -> memref<1x128x32xf32, #tpu.memory_space<hbm>>
      %dma_wait3A_217 = tpu.memref_squeeze %dma_wait3A_216 : memref<1x128x32xf32, #tpu.memory_space<hbm>> -> memref<128x32xf32, #tpu.memory_space<hbm>>
      %dma_wait3A_218 = arith.constant 0 : i32
      %dma_wait3A_219 = tpu.memref_slice %arg12[%add3A_159, %dma_wait3A_218] : memref<53248x32xf32, #tpu.memory_space<vmem_shared>> -> memref<128x32xf32, #tpu.memory_space<vmem_shared>>
      tpu.wait_dma2 semaphore(%run_scoped3A : memref<!tpu.dma_semaphore, #tpu.memory_space<semaphore_mem>>) src(%dma_wait3A_219 : memref<128x32xf32, #tpu.memory_space<vmem_shared>>) dst(%dma_wait3A_217 : memref<128x32xf32, #tpu.memory_space<hbm>>)
      tpu.yield
    }) : () -> ()
    %mul3A_160 = arith.constant 3328 : i32
    %mul3A_161 = arith.muli %arg1, %mul3A_160 : i32
    %add3A_162 = arith.constant 1664 : i32
    %add3A_163 = arith.addi %mul3A_161, %add3A_162 : i32
    "tpu.region"() ({
      %run_scoped3A = tpu.sem_alloc : memref<!tpu.dma_semaphore, #tpu.memory_space<semaphore_mem>>
      %dma_start3A = arith.constant 0 : i32
      %dma_start3A_212 = tpu.memref_slice %arg6[%arg0, %add3A_163, %dma_start3A] : memref<2x53248x32xf32, #tpu.memory_space<hbm>> -> memref<1x128x32xf32, #tpu.memory_space<hbm>>
      %dma_start3A_213 = tpu.memref_squeeze %dma_start3A_212 : memref<1x128x32xf32, #tpu.memory_space<hbm>> -> memref<128x32xf32, #tpu.memory_space<hbm>>
      %dma_start3A_214 = arith.constant 0 : i32
      %dma_start3A_215 = tpu.memref_slice %arg12[%add3A_163, %dma_start3A_214] : memref<53248x32xf32, #tpu.memory_space<vmem_shared>> -> memref<128x32xf32, #tpu.memory_space<vmem_shared>>
      tpu.enqueue_dma source(%dma_start3A_215 : memref<128x32xf32, #tpu.memory_space<vmem_shared>>) target(%dma_start3A_213 : memref<128x32xf32, #tpu.memory_space<hbm>>) target_semaphore(%run_scoped3A : memref<!tpu.dma_semaphore, #tpu.memory_space<semaphore_mem>>)
      %dma_wait3A = arith.constant 0 : i32
      %dma_wait3A_216 = tpu.memref_slice %arg6[%arg0, %add3A_163, %dma_wait3A] : memref<2x53248x32xf32, #tpu.memory_space<hbm>> -> memref<1x128x32xf32, #tpu.memory_space<hbm>>
      %dma_wait3A_217 = tpu.memref_squeeze %dma_wait3A_216 : memref<1x128x32xf32, #tpu.memory_space<hbm>> -> memref<128x32xf32, #tpu.memory_space<hbm>>
      %dma_wait3A_218 = arith.constant 0 : i32
      %dma_wait3A_219 = tpu.memref_slice %arg12[%add3A_163, %dma_wait3A_218] : memref<53248x32xf32, #tpu.memory_space<vmem_shared>> -> memref<128x32xf32, #tpu.memory_space<vmem_shared>>
      tpu.wait_dma2 semaphore(%run_scoped3A : memref<!tpu.dma_semaphore, #tpu.memory_space<semaphore_mem>>) src(%dma_wait3A_219 : memref<128x32xf32, #tpu.memory_space<vmem_shared>>) dst(%dma_wait3A_217 : memref<128x32xf32, #tpu.memory_space<hbm>>)
      tpu.yield
    }) : () -> ()
    %mul3A_164 = arith.constant 3328 : i32
    %mul3A_165 = arith.muli %arg1, %mul3A_164 : i32
    %add3A_166 = arith.constant 1792 : i32
    %add3A_167 = arith.addi %mul3A_165, %add3A_166 : i32
    "tpu.region"() ({
      %run_scoped3A = tpu.sem_alloc : memref<!tpu.dma_semaphore, #tpu.memory_space<semaphore_mem>>
      %dma_start3A = arith.constant 0 : i32
      %dma_start3A_212 = tpu.memref_slice %arg6[%arg0, %add3A_167, %dma_start3A] : memref<2x53248x32xf32, #tpu.memory_space<hbm>> -> memref<1x128x32xf32, #tpu.memory_space<hbm>>
      %dma_start3A_213 = tpu.memref_squeeze %dma_start3A_212 : memref<1x128x32xf32, #tpu.memory_space<hbm>> -> memref<128x32xf32, #tpu.memory_space<hbm>>
      %dma_start3A_214 = arith.constant 0 : i32
      %dma_start3A_215 = tpu.memref_slice %arg12[%add3A_167, %dma_start3A_214] : memref<53248x32xf32, #tpu.memory_space<vmem_shared>> -> memref<128x32xf32, #tpu.memory_space<vmem_shared>>
      tpu.enqueue_dma source(%dma_start3A_215 : memref<128x32xf32, #tpu.memory_space<vmem_shared>>) target(%dma_start3A_213 : memref<128x32xf32, #tpu.memory_space<hbm>>) target_semaphore(%run_scoped3A : memref<!tpu.dma_semaphore, #tpu.memory_space<semaphore_mem>>)
      %dma_wait3A = arith.constant 0 : i32
      %dma_wait3A_216 = tpu.memref_slice %arg6[%arg0, %add3A_167, %dma_wait3A] : memref<2x53248x32xf32, #tpu.memory_space<hbm>> -> memref<1x128x32xf32, #tpu.memory_space<hbm>>
      %dma_wait3A_217 = tpu.memref_squeeze %dma_wait3A_216 : memref<1x128x32xf32, #tpu.memory_space<hbm>> -> memref<128x32xf32, #tpu.memory_space<hbm>>
      %dma_wait3A_218 = arith.constant 0 : i32
      %dma_wait3A_219 = tpu.memref_slice %arg12[%add3A_167, %dma_wait3A_218] : memref<53248x32xf32, #tpu.memory_space<vmem_shared>> -> memref<128x32xf32, #tpu.memory_space<vmem_shared>>
      tpu.wait_dma2 semaphore(%run_scoped3A : memref<!tpu.dma_semaphore, #tpu.memory_space<semaphore_mem>>) src(%dma_wait3A_219 : memref<128x32xf32, #tpu.memory_space<vmem_shared>>) dst(%dma_wait3A_217 : memref<128x32xf32, #tpu.memory_space<hbm>>)
      tpu.yield
    }) : () -> ()
    %mul3A_168 = arith.constant 3328 : i32
    %mul3A_169 = arith.muli %arg1, %mul3A_168 : i32
    %add3A_170 = arith.constant 1920 : i32
    %add3A_171 = arith.addi %mul3A_169, %add3A_170 : i32
    "tpu.region"() ({
      %run_scoped3A = tpu.sem_alloc : memref<!tpu.dma_semaphore, #tpu.memory_space<semaphore_mem>>
      %dma_start3A = arith.constant 0 : i32
      %dma_start3A_212 = tpu.memref_slice %arg6[%arg0, %add3A_171, %dma_start3A] : memref<2x53248x32xf32, #tpu.memory_space<hbm>> -> memref<1x128x32xf32, #tpu.memory_space<hbm>>
      %dma_start3A_213 = tpu.memref_squeeze %dma_start3A_212 : memref<1x128x32xf32, #tpu.memory_space<hbm>> -> memref<128x32xf32, #tpu.memory_space<hbm>>
      %dma_start3A_214 = arith.constant 0 : i32
      %dma_start3A_215 = tpu.memref_slice %arg12[%add3A_171, %dma_start3A_214] : memref<53248x32xf32, #tpu.memory_space<vmem_shared>> -> memref<128x32xf32, #tpu.memory_space<vmem_shared>>
      tpu.enqueue_dma source(%dma_start3A_215 : memref<128x32xf32, #tpu.memory_space<vmem_shared>>) target(%dma_start3A_213 : memref<128x32xf32, #tpu.memory_space<hbm>>) target_semaphore(%run_scoped3A : memref<!tpu.dma_semaphore, #tpu.memory_space<semaphore_mem>>)
      %dma_wait3A = arith.constant 0 : i32
      %dma_wait3A_216 = tpu.memref_slice %arg6[%arg0, %add3A_171, %dma_wait3A] : memref<2x53248x32xf32, #tpu.memory_space<hbm>> -> memref<1x128x32xf32, #tpu.memory_space<hbm>>
      %dma_wait3A_217 = tpu.memref_squeeze %dma_wait3A_216 : memref<1x128x32xf32, #tpu.memory_space<hbm>> -> memref<128x32xf32, #tpu.memory_space<hbm>>
      %dma_wait3A_218 = arith.constant 0 : i32
      %dma_wait3A_219 = tpu.memref_slice %arg12[%add3A_171, %dma_wait3A_218] : memref<53248x32xf32, #tpu.memory_space<vmem_shared>> -> memref<128x32xf32, #tpu.memory_space<vmem_shared>>
      tpu.wait_dma2 semaphore(%run_scoped3A : memref<!tpu.dma_semaphore, #tpu.memory_space<semaphore_mem>>) src(%dma_wait3A_219 : memref<128x32xf32, #tpu.memory_space<vmem_shared>>) dst(%dma_wait3A_217 : memref<128x32xf32, #tpu.memory_space<hbm>>)
      tpu.yield
    }) : () -> ()
    %mul3A_172 = arith.constant 3328 : i32
    %mul3A_173 = arith.muli %arg1, %mul3A_172 : i32
    %add3A_174 = arith.constant 2048 : i32
    %add3A_175 = arith.addi %mul3A_173, %add3A_174 : i32
    "tpu.region"() ({
      %run_scoped3A = tpu.sem_alloc : memref<!tpu.dma_semaphore, #tpu.memory_space<semaphore_mem>>
      %dma_start3A = arith.constant 0 : i32
      %dma_start3A_212 = tpu.memref_slice %arg6[%arg0, %add3A_175, %dma_start3A] : memref<2x53248x32xf32, #tpu.memory_space<hbm>> -> memref<1x128x32xf32, #tpu.memory_space<hbm>>
      %dma_start3A_213 = tpu.memref_squeeze %dma_start3A_212 : memref<1x128x32xf32, #tpu.memory_space<hbm>> -> memref<128x32xf32, #tpu.memory_space<hbm>>
      %dma_start3A_214 = arith.constant 0 : i32
      %dma_start3A_215 = tpu.memref_slice %arg12[%add3A_175, %dma_start3A_214] : memref<53248x32xf32, #tpu.memory_space<vmem_shared>> -> memref<128x32xf32, #tpu.memory_space<vmem_shared>>
      tpu.enqueue_dma source(%dma_start3A_215 : memref<128x32xf32, #tpu.memory_space<vmem_shared>>) target(%dma_start3A_213 : memref<128x32xf32, #tpu.memory_space<hbm>>) target_semaphore(%run_scoped3A : memref<!tpu.dma_semaphore, #tpu.memory_space<semaphore_mem>>)
      %dma_wait3A = arith.constant 0 : i32
      %dma_wait3A_216 = tpu.memref_slice %arg6[%arg0, %add3A_175, %dma_wait3A] : memref<2x53248x32xf32, #tpu.memory_space<hbm>> -> memref<1x128x32xf32, #tpu.memory_space<hbm>>
      %dma_wait3A_217 = tpu.memref_squeeze %dma_wait3A_216 : memref<1x128x32xf32, #tpu.memory_space<hbm>> -> memref<128x32xf32, #tpu.memory_space<hbm>>
      %dma_wait3A_218 = arith.constant 0 : i32
      %dma_wait3A_219 = tpu.memref_slice %arg12[%add3A_175, %dma_wait3A_218] : memref<53248x32xf32, #tpu.memory_space<vmem_shared>> -> memref<128x32xf32, #tpu.memory_space<vmem_shared>>
      tpu.wait_dma2 semaphore(%run_scoped3A : memref<!tpu.dma_semaphore, #tpu.memory_space<semaphore_mem>>) src(%dma_wait3A_219 : memref<128x32xf32, #tpu.memory_space<vmem_shared>>) dst(%dma_wait3A_217 : memref<128x32xf32, #tpu.memory_space<hbm>>)
      tpu.yield
    }) : () -> ()
    %mul3A_176 = arith.constant 3328 : i32
    %mul3A_177 = arith.muli %arg1, %mul3A_176 : i32
    %add3A_178 = arith.constant 2176 : i32
    %add3A_179 = arith.addi %mul3A_177, %add3A_178 : i32
    "tpu.region"() ({
      %run_scoped3A = tpu.sem_alloc : memref<!tpu.dma_semaphore, #tpu.memory_space<semaphore_mem>>
      %dma_start3A = arith.constant 0 : i32
      %dma_start3A_212 = tpu.memref_slice %arg6[%arg0, %add3A_179, %dma_start3A] : memref<2x53248x32xf32, #tpu.memory_space<hbm>> -> memref<1x128x32xf32, #tpu.memory_space<hbm>>
      %dma_start3A_213 = tpu.memref_squeeze %dma_start3A_212 : memref<1x128x32xf32, #tpu.memory_space<hbm>> -> memref<128x32xf32, #tpu.memory_space<hbm>>
      %dma_start3A_214 = arith.constant 0 : i32
      %dma_start3A_215 = tpu.memref_slice %arg12[%add3A_179, %dma_start3A_214] : memref<53248x32xf32, #tpu.memory_space<vmem_shared>> -> memref<128x32xf32, #tpu.memory_space<vmem_shared>>
      tpu.enqueue_dma source(%dma_start3A_215 : memref<128x32xf32, #tpu.memory_space<vmem_shared>>) target(%dma_start3A_213 : memref<128x32xf32, #tpu.memory_space<hbm>>) target_semaphore(%run_scoped3A : memref<!tpu.dma_semaphore, #tpu.memory_space<semaphore_mem>>)
      %dma_wait3A = arith.constant 0 : i32
      %dma_wait3A_216 = tpu.memref_slice %arg6[%arg0, %add3A_179, %dma_wait3A] : memref<2x53248x32xf32, #tpu.memory_space<hbm>> -> memref<1x128x32xf32, #tpu.memory_space<hbm>>
      %dma_wait3A_217 = tpu.memref_squeeze %dma_wait3A_216 : memref<1x128x32xf32, #tpu.memory_space<hbm>> -> memref<128x32xf32, #tpu.memory_space<hbm>>
      %dma_wait3A_218 = arith.constant 0 : i32
      %dma_wait3A_219 = tpu.memref_slice %arg12[%add3A_179, %dma_wait3A_218] : memref<53248x32xf32, #tpu.memory_space<vmem_shared>> -> memref<128x32xf32, #tpu.memory_space<vmem_shared>>
      tpu.wait_dma2 semaphore(%run_scoped3A : memref<!tpu.dma_semaphore, #tpu.memory_space<semaphore_mem>>) src(%dma_wait3A_219 : memref<128x32xf32, #tpu.memory_space<vmem_shared>>) dst(%dma_wait3A_217 : memref<128x32xf32, #tpu.memory_space<hbm>>)
      tpu.yield
    }) : () -> ()
    %mul3A_180 = arith.constant 3328 : i32
    %mul3A_181 = arith.muli %arg1, %mul3A_180 : i32
    %add3A_182 = arith.constant 2304 : i32
    %add3A_183 = arith.addi %mul3A_181, %add3A_182 : i32
    "tpu.region"() ({
      %run_scoped3A = tpu.sem_alloc : memref<!tpu.dma_semaphore, #tpu.memory_space<semaphore_mem>>
      %dma_start3A = arith.constant 0 : i32
      %dma_start3A_212 = tpu.memref_slice %arg6[%arg0, %add3A_183, %dma_start3A] : memref<2x53248x32xf32, #tpu.memory_space<hbm>> -> memref<1x128x32xf32, #tpu.memory_space<hbm>>
      %dma_start3A_213 = tpu.memref_squeeze %dma_start3A_212 : memref<1x128x32xf32, #tpu.memory_space<hbm>> -> memref<128x32xf32, #tpu.memory_space<hbm>>
      %dma_start3A_214 = arith.constant 0 : i32
      %dma_start3A_215 = tpu.memref_slice %arg12[%add3A_183, %dma_start3A_214] : memref<53248x32xf32, #tpu.memory_space<vmem_shared>> -> memref<128x32xf32, #tpu.memory_space<vmem_shared>>
      tpu.enqueue_dma source(%dma_start3A_215 : memref<128x32xf32, #tpu.memory_space<vmem_shared>>) target(%dma_start3A_213 : memref<128x32xf32, #tpu.memory_space<hbm>>) target_semaphore(%run_scoped3A : memref<!tpu.dma_semaphore, #tpu.memory_space<semaphore_mem>>)
      %dma_wait3A = arith.constant 0 : i32
      %dma_wait3A_216 = tpu.memref_slice %arg6[%arg0, %add3A_183, %dma_wait3A] : memref<2x53248x32xf32, #tpu.memory_space<hbm>> -> memref<1x128x32xf32, #tpu.memory_space<hbm>>
      %dma_wait3A_217 = tpu.memref_squeeze %dma_wait3A_216 : memref<1x128x32xf32, #tpu.memory_space<hbm>> -> memref<128x32xf32, #tpu.memory_space<hbm>>
      %dma_wait3A_218 = arith.constant 0 : i32
      %dma_wait3A_219 = tpu.memref_slice %arg12[%add3A_183, %dma_wait3A_218] : memref<53248x32xf32, #tpu.memory_space<vmem_shared>> -> memref<128x32xf32, #tpu.memory_space<vmem_shared>>
      tpu.wait_dma2 semaphore(%run_scoped3A : memref<!tpu.dma_semaphore, #tpu.memory_space<semaphore_mem>>) src(%dma_wait3A_219 : memref<128x32xf32, #tpu.memory_space<vmem_shared>>) dst(%dma_wait3A_217 : memref<128x32xf32, #tpu.memory_space<hbm>>)
      tpu.yield
    }) : () -> ()
    %mul3A_184 = arith.constant 3328 : i32
    %mul3A_185 = arith.muli %arg1, %mul3A_184 : i32
    %add3A_186 = arith.constant 2432 : i32
    %add3A_187 = arith.addi %mul3A_185, %add3A_186 : i32
    "tpu.region"() ({
      %run_scoped3A = tpu.sem_alloc : memref<!tpu.dma_semaphore, #tpu.memory_space<semaphore_mem>>
      %dma_start3A = arith.constant 0 : i32
      %dma_start3A_212 = tpu.memref_slice %arg6[%arg0, %add3A_187, %dma_start3A] : memref<2x53248x32xf32, #tpu.memory_space<hbm>> -> memref<1x128x32xf32, #tpu.memory_space<hbm>>
      %dma_start3A_213 = tpu.memref_squeeze %dma_start3A_212 : memref<1x128x32xf32, #tpu.memory_space<hbm>> -> memref<128x32xf32, #tpu.memory_space<hbm>>
      %dma_start3A_214 = arith.constant 0 : i32
      %dma_start3A_215 = tpu.memref_slice %arg12[%add3A_187, %dma_start3A_214] : memref<53248x32xf32, #tpu.memory_space<vmem_shared>> -> memref<128x32xf32, #tpu.memory_space<vmem_shared>>
      tpu.enqueue_dma source(%dma_start3A_215 : memref<128x32xf32, #tpu.memory_space<vmem_shared>>) target(%dma_start3A_213 : memref<128x32xf32, #tpu.memory_space<hbm>>) target_semaphore(%run_scoped3A : memref<!tpu.dma_semaphore, #tpu.memory_space<semaphore_mem>>)
      %dma_wait3A = arith.constant 0 : i32
      %dma_wait3A_216 = tpu.memref_slice %arg6[%arg0, %add3A_187, %dma_wait3A] : memref<2x53248x32xf32, #tpu.memory_space<hbm>> -> memref<1x128x32xf32, #tpu.memory_space<hbm>>
      %dma_wait3A_217 = tpu.memref_squeeze %dma_wait3A_216 : memref<1x128x32xf32, #tpu.memory_space<hbm>> -> memref<128x32xf32, #tpu.memory_space<hbm>>
      %dma_wait3A_218 = arith.constant 0 : i32
      %dma_wait3A_219 = tpu.memref_slice %arg12[%add3A_187, %dma_wait3A_218] : memref<53248x32xf32, #tpu.memory_space<vmem_shared>> -> memref<128x32xf32, #tpu.memory_space<vmem_shared>>
      tpu.wait_dma2 semaphore(%run_scoped3A : memref<!tpu.dma_semaphore, #tpu.memory_space<semaphore_mem>>) src(%dma_wait3A_219 : memref<128x32xf32, #tpu.memory_space<vmem_shared>>) dst(%dma_wait3A_217 : memref<128x32xf32, #tpu.memory_space<hbm>>)
      tpu.yield
    }) : () -> ()
    %mul3A_188 = arith.constant 3328 : i32
    %mul3A_189 = arith.muli %arg1, %mul3A_188 : i32
    %add3A_190 = arith.constant 2560 : i32
    %add3A_191 = arith.addi %mul3A_189, %add3A_190 : i32
    "tpu.region"() ({
      %run_scoped3A = tpu.sem_alloc : memref<!tpu.dma_semaphore, #tpu.memory_space<semaphore_mem>>
      %dma_start3A = arith.constant 0 : i32
      %dma_start3A_212 = tpu.memref_slice %arg6[%arg0, %add3A_191, %dma_start3A] : memref<2x53248x32xf32, #tpu.memory_space<hbm>> -> memref<1x128x32xf32, #tpu.memory_space<hbm>>
      %dma_start3A_213 = tpu.memref_squeeze %dma_start3A_212 : memref<1x128x32xf32, #tpu.memory_space<hbm>> -> memref<128x32xf32, #tpu.memory_space<hbm>>
      %dma_start3A_214 = arith.constant 0 : i32
      %dma_start3A_215 = tpu.memref_slice %arg12[%add3A_191, %dma_start3A_214] : memref<53248x32xf32, #tpu.memory_space<vmem_shared>> -> memref<128x32xf32, #tpu.memory_space<vmem_shared>>
      tpu.enqueue_dma source(%dma_start3A_215 : memref<128x32xf32, #tpu.memory_space<vmem_shared>>) target(%dma_start3A_213 : memref<128x32xf32, #tpu.memory_space<hbm>>) target_semaphore(%run_scoped3A : memref<!tpu.dma_semaphore, #tpu.memory_space<semaphore_mem>>)
      %dma_wait3A = arith.constant 0 : i32
      %dma_wait3A_216 = tpu.memref_slice %arg6[%arg0, %add3A_191, %dma_wait3A] : memref<2x53248x32xf32, #tpu.memory_space<hbm>> -> memref<1x128x32xf32, #tpu.memory_space<hbm>>
      %dma_wait3A_217 = tpu.memref_squeeze %dma_wait3A_216 : memref<1x128x32xf32, #tpu.memory_space<hbm>> -> memref<128x32xf32, #tpu.memory_space<hbm>>
      %dma_wait3A_218 = arith.constant 0 : i32
      %dma_wait3A_219 = tpu.memref_slice %arg12[%add3A_191, %dma_wait3A_218] : memref<53248x32xf32, #tpu.memory_space<vmem_shared>> -> memref<128x32xf32, #tpu.memory_space<vmem_shared>>
      tpu.wait_dma2 semaphore(%run_scoped3A : memref<!tpu.dma_semaphore, #tpu.memory_space<semaphore_mem>>) src(%dma_wait3A_219 : memref<128x32xf32, #tpu.memory_space<vmem_shared>>) dst(%dma_wait3A_217 : memref<128x32xf32, #tpu.memory_space<hbm>>)
      tpu.yield
    }) : () -> ()
    %mul3A_192 = arith.constant 3328 : i32
    %mul3A_193 = arith.muli %arg1, %mul3A_192 : i32
    %add3A_194 = arith.constant 2688 : i32
    %add3A_195 = arith.addi %mul3A_193, %add3A_194 : i32
    "tpu.region"() ({
      %run_scoped3A = tpu.sem_alloc : memref<!tpu.dma_semaphore, #tpu.memory_space<semaphore_mem>>
      %dma_start3A = arith.constant 0 : i32
      %dma_start3A_212 = tpu.memref_slice %arg6[%arg0, %add3A_195, %dma_start3A] : memref<2x53248x32xf32, #tpu.memory_space<hbm>> -> memref<1x128x32xf32, #tpu.memory_space<hbm>>
      %dma_start3A_213 = tpu.memref_squeeze %dma_start3A_212 : memref<1x128x32xf32, #tpu.memory_space<hbm>> -> memref<128x32xf32, #tpu.memory_space<hbm>>
      %dma_start3A_214 = arith.constant 0 : i32
      %dma_start3A_215 = tpu.memref_slice %arg12[%add3A_195, %dma_start3A_214] : memref<53248x32xf32, #tpu.memory_space<vmem_shared>> -> memref<128x32xf32, #tpu.memory_space<vmem_shared>>
      tpu.enqueue_dma source(%dma_start3A_215 : memref<128x32xf32, #tpu.memory_space<vmem_shared>>) target(%dma_start3A_213 : memref<128x32xf32, #tpu.memory_space<hbm>>) target_semaphore(%run_scoped3A : memref<!tpu.dma_semaphore, #tpu.memory_space<semaphore_mem>>)
      %dma_wait3A = arith.constant 0 : i32
      %dma_wait3A_216 = tpu.memref_slice %arg6[%arg0, %add3A_195, %dma_wait3A] : memref<2x53248x32xf32, #tpu.memory_space<hbm>> -> memref<1x128x32xf32, #tpu.memory_space<hbm>>
      %dma_wait3A_217 = tpu.memref_squeeze %dma_wait3A_216 : memref<1x128x32xf32, #tpu.memory_space<hbm>> -> memref<128x32xf32, #tpu.memory_space<hbm>>
      %dma_wait3A_218 = arith.constant 0 : i32
      %dma_wait3A_219 = tpu.memref_slice %arg12[%add3A_195, %dma_wait3A_218] : memref<53248x32xf32, #tpu.memory_space<vmem_shared>> -> memref<128x32xf32, #tpu.memory_space<vmem_shared>>
      tpu.wait_dma2 semaphore(%run_scoped3A : memref<!tpu.dma_semaphore, #tpu.memory_space<semaphore_mem>>) src(%dma_wait3A_219 : memref<128x32xf32, #tpu.memory_space<vmem_shared>>) dst(%dma_wait3A_217 : memref<128x32xf32, #tpu.memory_space<hbm>>)
      tpu.yield
    }) : () -> ()
    %mul3A_196 = arith.constant 3328 : i32
    %mul3A_197 = arith.muli %arg1, %mul3A_196 : i32
    %add3A_198 = arith.constant 2816 : i32
    %add3A_199 = arith.addi %mul3A_197, %add3A_198 : i32
    "tpu.region"() ({
      %run_scoped3A = tpu.sem_alloc : memref<!tpu.dma_semaphore, #tpu.memory_space<semaphore_mem>>
      %dma_start3A = arith.constant 0 : i32
      %dma_start3A_212 = tpu.memref_slice %arg6[%arg0, %add3A_199, %dma_start3A] : memref<2x53248x32xf32, #tpu.memory_space<hbm>> -> memref<1x128x32xf32, #tpu.memory_space<hbm>>
      %dma_start3A_213 = tpu.memref_squeeze %dma_start3A_212 : memref<1x128x32xf32, #tpu.memory_space<hbm>> -> memref<128x32xf32, #tpu.memory_space<hbm>>
      %dma_start3A_214 = arith.constant 0 : i32
      %dma_start3A_215 = tpu.memref_slice %arg12[%add3A_199, %dma_start3A_214] : memref<53248x32xf32, #tpu.memory_space<vmem_shared>> -> memref<128x32xf32, #tpu.memory_space<vmem_shared>>
      tpu.enqueue_dma source(%dma_start3A_215 : memref<128x32xf32, #tpu.memory_space<vmem_shared>>) target(%dma_start3A_213 : memref<128x32xf32, #tpu.memory_space<hbm>>) target_semaphore(%run_scoped3A : memref<!tpu.dma_semaphore, #tpu.memory_space<semaphore_mem>>)
      %dma_wait3A = arith.constant 0 : i32
      %dma_wait3A_216 = tpu.memref_slice %arg6[%arg0, %add3A_199, %dma_wait3A] : memref<2x53248x32xf32, #tpu.memory_space<hbm>> -> memref<1x128x32xf32, #tpu.memory_space<hbm>>
      %dma_wait3A_217 = tpu.memref_squeeze %dma_wait3A_216 : memref<1x128x32xf32, #tpu.memory_space<hbm>> -> memref<128x32xf32, #tpu.memory_space<hbm>>
      %dma_wait3A_218 = arith.constant 0 : i32
      %dma_wait3A_219 = tpu.memref_slice %arg12[%add3A_199, %dma_wait3A_218] : memref<53248x32xf32, #tpu.memory_space<vmem_shared>> -> memref<128x32xf32, #tpu.memory_space<vmem_shared>>
      tpu.wait_dma2 semaphore(%run_scoped3A : memref<!tpu.dma_semaphore, #tpu.memory_space<semaphore_mem>>) src(%dma_wait3A_219 : memref<128x32xf32, #tpu.memory_space<vmem_shared>>) dst(%dma_wait3A_217 : memref<128x32xf32, #tpu.memory_space<hbm>>)
      tpu.yield
    }) : () -> ()
    %mul3A_200 = arith.constant 3328 : i32
    %mul3A_201 = arith.muli %arg1, %mul3A_200 : i32
    %add3A_202 = arith.constant 2944 : i32
    %add3A_203 = arith.addi %mul3A_201, %add3A_202 : i32
    "tpu.region"() ({
      %run_scoped3A = tpu.sem_alloc : memref<!tpu.dma_semaphore, #tpu.memory_space<semaphore_mem>>
      %dma_start3A = arith.constant 0 : i32
      %dma_start3A_212 = tpu.memref_slice %arg6[%arg0, %add3A_203, %dma_start3A] : memref<2x53248x32xf32, #tpu.memory_space<hbm>> -> memref<1x128x32xf32, #tpu.memory_space<hbm>>
      %dma_start3A_213 = tpu.memref_squeeze %dma_start3A_212 : memref<1x128x32xf32, #tpu.memory_space<hbm>> -> memref<128x32xf32, #tpu.memory_space<hbm>>
      %dma_start3A_214 = arith.constant 0 : i32
      %dma_start3A_215 = tpu.memref_slice %arg12[%add3A_203, %dma_start3A_214] : memref<53248x32xf32, #tpu.memory_space<vmem_shared>> -> memref<128x32xf32, #tpu.memory_space<vmem_shared>>
      tpu.enqueue_dma source(%dma_start3A_215 : memref<128x32xf32, #tpu.memory_space<vmem_shared>>) target(%dma_start3A_213 : memref<128x32xf32, #tpu.memory_space<hbm>>) target_semaphore(%run_scoped3A : memref<!tpu.dma_semaphore, #tpu.memory_space<semaphore_mem>>)
      %dma_wait3A = arith.constant 0 : i32
      %dma_wait3A_216 = tpu.memref_slice %arg6[%arg0, %add3A_203, %dma_wait3A] : memref<2x53248x32xf32, #tpu.memory_space<hbm>> -> memref<1x128x32xf32, #tpu.memory_space<hbm>>
      %dma_wait3A_217 = tpu.memref_squeeze %dma_wait3A_216 : memref<1x128x32xf32, #tpu.memory_space<hbm>> -> memref<128x32xf32, #tpu.memory_space<hbm>>
      %dma_wait3A_218 = arith.constant 0 : i32
      %dma_wait3A_219 = tpu.memref_slice %arg12[%add3A_203, %dma_wait3A_218] : memref<53248x32xf32, #tpu.memory_space<vmem_shared>> -> memref<128x32xf32, #tpu.memory_space<vmem_shared>>
      tpu.wait_dma2 semaphore(%run_scoped3A : memref<!tpu.dma_semaphore, #tpu.memory_space<semaphore_mem>>) src(%dma_wait3A_219 : memref<128x32xf32, #tpu.memory_space<vmem_shared>>) dst(%dma_wait3A_217 : memref<128x32xf32, #tpu.memory_space<hbm>>)
      tpu.yield
    }) : () -> ()
    %mul3A_204 = arith.constant 3328 : i32
    %mul3A_205 = arith.muli %arg1, %mul3A_204 : i32
    %add3A_206 = arith.constant 3072 : i32
    %add3A_207 = arith.addi %mul3A_205, %add3A_206 : i32
    "tpu.region"() ({
      %run_scoped3A = tpu.sem_alloc : memref<!tpu.dma_semaphore, #tpu.memory_space<semaphore_mem>>
      %dma_start3A = arith.constant 0 : i32
      %dma_start3A_212 = tpu.memref_slice %arg6[%arg0, %add3A_207, %dma_start3A] : memref<2x53248x32xf32, #tpu.memory_space<hbm>> -> memref<1x128x32xf32, #tpu.memory_space<hbm>>
      %dma_start3A_213 = tpu.memref_squeeze %dma_start3A_212 : memref<1x128x32xf32, #tpu.memory_space<hbm>> -> memref<128x32xf32, #tpu.memory_space<hbm>>
      %dma_start3A_214 = arith.constant 0 : i32
      %dma_start3A_215 = tpu.memref_slice %arg12[%add3A_207, %dma_start3A_214] : memref<53248x32xf32, #tpu.memory_space<vmem_shared>> -> memref<128x32xf32, #tpu.memory_space<vmem_shared>>
      tpu.enqueue_dma source(%dma_start3A_215 : memref<128x32xf32, #tpu.memory_space<vmem_shared>>) target(%dma_start3A_213 : memref<128x32xf32, #tpu.memory_space<hbm>>) target_semaphore(%run_scoped3A : memref<!tpu.dma_semaphore, #tpu.memory_space<semaphore_mem>>)
      %dma_wait3A = arith.constant 0 : i32
      %dma_wait3A_216 = tpu.memref_slice %arg6[%arg0, %add3A_207, %dma_wait3A] : memref<2x53248x32xf32, #tpu.memory_space<hbm>> -> memref<1x128x32xf32, #tpu.memory_space<hbm>>
      %dma_wait3A_217 = tpu.memref_squeeze %dma_wait3A_216 : memref<1x128x32xf32, #tpu.memory_space<hbm>> -> memref<128x32xf32, #tpu.memory_space<hbm>>
      %dma_wait3A_218 = arith.constant 0 : i32
      %dma_wait3A_219 = tpu.memref_slice %arg12[%add3A_207, %dma_wait3A_218] : memref<53248x32xf32, #tpu.memory_space<vmem_shared>> -> memref<128x32xf32, #tpu.memory_space<vmem_shared>>
      tpu.wait_dma2 semaphore(%run_scoped3A : memref<!tpu.dma_semaphore, #tpu.memory_space<semaphore_mem>>) src(%dma_wait3A_219 : memref<128x32xf32, #tpu.memory_space<vmem_shared>>) dst(%dma_wait3A_217 : memref<128x32xf32, #tpu.memory_space<hbm>>)
      tpu.yield
    }) : () -> ()
    %mul3A_208 = arith.constant 3328 : i32
    %mul3A_209 = arith.muli %arg1, %mul3A_208 : i32
    %add3A_210 = arith.constant 3200 : i32
    %add3A_211 = arith.addi %mul3A_209, %add3A_210 : i32
    "tpu.region"() ({
      %run_scoped3A = tpu.sem_alloc : memref<!tpu.dma_semaphore, #tpu.memory_space<semaphore_mem>>
      %dma_start3A = arith.constant 0 : i32
      %dma_start3A_212 = tpu.memref_slice %arg6[%arg0, %add3A_211, %dma_start3A] : memref<2x53248x32xf32, #tpu.memory_space<hbm>> -> memref<1x128x32xf32, #tpu.memory_space<hbm>>
      %dma_start3A_213 = tpu.memref_squeeze %dma_start3A_212 : memref<1x128x32xf32, #tpu.memory_space<hbm>> -> memref<128x32xf32, #tpu.memory_space<hbm>>
      %dma_start3A_214 = arith.constant 0 : i32
      %dma_start3A_215 = tpu.memref_slice %arg12[%add3A_211, %dma_start3A_214] : memref<53248x32xf32, #tpu.memory_space<vmem_shared>> -> memref<128x32xf32, #tpu.memory_space<vmem_shared>>
      tpu.enqueue_dma source(%dma_start3A_215 : memref<128x32xf32, #tpu.memory_space<vmem_shared>>) target(%dma_start3A_213 : memref<128x32xf32, #tpu.memory_space<hbm>>) target_semaphore(%run_scoped3A : memref<!tpu.dma_semaphore, #tpu.memory_space<semaphore_mem>>)
      %dma_wait3A = arith.constant 0 : i32
      %dma_wait3A_216 = tpu.memref_slice %arg6[%arg0, %add3A_211, %dma_wait3A] : memref<2x53248x32xf32, #tpu.memory_space<hbm>> -> memref<1x128x32xf32, #tpu.memory_space<hbm>>
      %dma_wait3A_217 = tpu.memref_squeeze %dma_wait3A_216 : memref<1x128x32xf32, #tpu.memory_space<hbm>> -> memref<128x32xf32, #tpu.memory_space<hbm>>
      %dma_wait3A_218 = arith.constant 0 : i32
      %dma_wait3A_219 = tpu.memref_slice %arg12[%add3A_211, %dma_wait3A_218] : memref<53248x32xf32, #tpu.memory_space<vmem_shared>> -> memref<128x32xf32, #tpu.memory_space<vmem_shared>>
      tpu.wait_dma2 semaphore(%run_scoped3A : memref<!tpu.dma_semaphore, #tpu.memory_space<semaphore_mem>>) src(%dma_wait3A_219 : memref<128x32xf32, #tpu.memory_space<vmem_shared>>) dst(%dma_wait3A_217 : memref<128x32xf32, #tpu.memory_space<hbm>>)
      tpu.yield
    }) : () -> ()
    return
  }
}

module attributes {stable_mosaic.version = 14 : i64} {
  func.func @body(%arg0: i32, %arg1: memref<512x16xf32, #tpu.memory_space<vmem>>, %arg2: memref<16x64xf32, #tpu.memory_space<vmem>>, %arg3: memref<512x64xf32, #tpu.memory_space<vmem>>, %arg4: memref<2x512x32xf32, #tpu.memory_space<vmem>>) attributes {dimension_semantics = [#tpu.dimension_semantics<arbitrary>], iteration_bounds = array<i64: 104>, scalar_prefetch = 0 : i64, scratch_operands = 0 : i64, tpu.core_type = #tpu.core_type<tc>, window_params = [{transform_indices = @transform_0, window_bounds = array<i64: 512, 16>}, {pipeline_mode = #tpu.pipeline_mode<synchronous>, transform_indices = @transform_1, window_bounds = array<i64: 16, 64>}, {transform_indices = @transform_2, window_bounds = array<i64: 512, 64>}, {transform_indices = @transform_3, window_bounds = array<i64: 2, 512, 32>}]} {
    %get3A = arith.constant 0 : index
    %get3A_0 = arith.constant 0 : index
    %get3A_1 = vector.load %arg1[%get3A, %get3A_0] : memref<512x16xf32, #tpu.memory_space<vmem>>, vector<512x16xf32>
    %get3A_2 = arith.constant 0 : index
    %get3A_3 = arith.constant 0 : index
    %get3A_4 = vector.load %arg2[%get3A_2, %get3A_3] : memref<16x64xf32, #tpu.memory_space<vmem>>, vector<16x64xf32>
    %dot_general3A = arith.constant dense<0.000000e+00> : vector<512x64xf32>
    %dot_general3A_5 = tpu.matmul %get3A_1, %get3A_4, %dot_general3A {dimension_numbers = #tpu.dot_dimension_numbers<[1], [0], [0], [1], [0, 0, 1, 1], [], []>, transpose_lhs_hint = false} : vector<512x16xf32>, vector<16x64xf32>, vector<512x64xf32> -> vector<512x64xf32>
    %swap3A = arith.constant 0 : index
    %swap3A_6 = arith.constant 0 : index
    %swap3A_7 = vector.load %arg3[%swap3A, %swap3A_6] : memref<512x64xf32, #tpu.memory_space<vmem>>, vector<512x64xf32>
    tpu.vector_store %arg3[%swap3A, %swap3A_6], %dot_general3A_5 {strides = array<i32>} : memref<512x64xf32, #tpu.memory_space<vmem>>, vector<512x64xf32>,
    %slice3A = vector.extract_strided_slice %dot_general3A_5 {offsets = [0, 0], sizes = [512, 32], strides = [1, 1]} : vector<512x64xf32> to vector<512x32xf32>
    %swap3A_8 = arith.constant 0 : index
    %swap3A_9 = arith.constant 0 : index
    %swap3A_10 = arith.constant 0 : index
    %swap3A_11 = vector.load %arg4[%swap3A_8, %swap3A_9, %swap3A_10] : memref<2x512x32xf32, #tpu.memory_space<vmem>>, vector<1x512x32xf32>
    %swap3A_12 = vector.shape_cast %swap3A_11 : vector<1x512x32xf32> to vector<512x32xf32>
    %swap3A_13 = vector.shape_cast %slice3A : vector<512x32xf32> to vector<1x512x32xf32>
    tpu.vector_store %arg4[%swap3A_8, %swap3A_9, %swap3A_10], %swap3A_13 {strides = array<i32>} : memref<2x512x32xf32, #tpu.memory_space<vmem>>, vector<1x512x32xf32>,
    %slice3A_14 = vector.extract_strided_slice %dot_general3A_5 {offsets = [0, 32], sizes = [512, 32], strides = [1, 1]} : vector<512x64xf32> to vector<512x32xf32>
    %swap3A_15 = arith.constant 1 : index
    %swap3A_16 = arith.constant 0 : index
    %swap3A_17 = arith.constant 0 : index
    %swap3A_18 = vector.load %arg4[%swap3A_15, %swap3A_16, %swap3A_17] : memref<2x512x32xf32, #tpu.memory_space<vmem>>, vector<1x512x32xf32>
    %swap3A_19 = vector.shape_cast %swap3A_18 : vector<1x512x32xf32> to vector<512x32xf32>
    %swap3A_20 = vector.shape_cast %slice3A_14 : vector<512x32xf32> to vector<1x512x32xf32>
    tpu.vector_store %arg4[%swap3A_15, %swap3A_16, %swap3A_17], %swap3A_20 {strides = array<i32>} : memref<2x512x32xf32, #tpu.memory_space<vmem>>, vector<1x512x32xf32>,
    return
  }
  func.func @transform_0(%arg0: i32) -> (i32, i32) {
    %c0_i32 = arith.constant 0 : i32
    %c0_i32_0 = arith.constant 0 : i32
    return %arg0, %c0_i32 : i32, i32
  }
  func.func @transform_1(%arg0: i32) -> (i32, i32) {
    %c0_i32 = arith.constant 0 : i32
    %c0_i32_0 = arith.constant 0 : i32
    %c0_i32_1 = arith.constant 0 : i32
    return %c0_i32, %c0_i32_0 : i32, i32
  }
  func.func @transform_2(%arg0: i32) -> (i32, i32) {
    %c0_i32 = arith.constant 0 : i32
    %c0_i32_0 = arith.constant 0 : i32
    return %arg0, %c0_i32 : i32, i32
  }
  func.func @transform_3(%arg0: i32) -> (i32, i32, i32) {
    %c0_i32 = arith.constant 0 : i32
    %c0_i32_0 = arith.constant 0 : i32
    %c0_i32_1 = arith.constant 0 : i32
    return %c0_i32, %arg0, %c0_i32_0 : i32, i32, i32
  }
}

module attributes {stable_mosaic.version = 14 : i64} {
  func.func @body(%arg0: i32, %arg1: memref<512x64xf32, #tpu.memory_space<vmem>>, %arg2: memref<64x64xf32, #tpu.memory_space<vmem>>, %arg3: memref<512x64xf32, #tpu.memory_space<vmem>>) attributes {dimension_semantics = [#tpu.dimension_semantics<arbitrary>], iteration_bounds = array<i64: 104>, scalar_prefetch = 0 : i64, scratch_operands = 0 : i64, tpu.core_type = #tpu.core_type<tc>, window_params = [{transform_indices = @transform_0, window_bounds = array<i64: 512, 64>}, {pipeline_mode = #tpu.pipeline_mode<synchronous>, transform_indices = @transform_1, window_bounds = array<i64: 64, 64>}, {transform_indices = @transform_2, window_bounds = array<i64: 512, 64>}]} {
    %get3A = arith.constant 0 : index
    %get3A_0 = arith.constant 0 : index
    %get3A_1 = vector.load %arg1[%get3A, %get3A_0] : memref<512x64xf32, #tpu.memory_space<vmem>>, vector<512x64xf32>
    %get3A_2 = arith.constant 0 : index
    %get3A_3 = arith.constant 0 : index
    %get3A_4 = vector.load %arg2[%get3A_2, %get3A_3] : memref<64x64xf32, #tpu.memory_space<vmem>>, vector<64x64xf32>
    %dot_general3A = arith.constant dense<0.000000e+00> : vector<512x64xf32>
    %dot_general3A_5 = tpu.matmul %get3A_1, %get3A_4, %dot_general3A {dimension_numbers = #tpu.dot_dimension_numbers<[1], [0], [0], [1], [0, 0, 1, 1], [], []>, transpose_lhs_hint = false} : vector<512x64xf32>, vector<64x64xf32>, vector<512x64xf32> -> vector<512x64xf32>
    %swap3A = arith.constant 0 : index
    %swap3A_6 = arith.constant 0 : index
    %swap3A_7 = vector.load %arg3[%swap3A, %swap3A_6] : memref<512x64xf32, #tpu.memory_space<vmem>>, vector<512x64xf32>
    tpu.vector_store %arg3[%swap3A, %swap3A_6], %dot_general3A_5 {strides = array<i32>} : memref<512x64xf32, #tpu.memory_space<vmem>>, vector<512x64xf32>,
    return
  }
  func.func @transform_0(%arg0: i32) -> (i32, i32) {
    %c0_i32 = arith.constant 0 : i32
    %c0_i32_0 = arith.constant 0 : i32
    return %arg0, %c0_i32 : i32, i32
  }
  func.func @transform_1(%arg0: i32) -> (i32, i32) {
    %c0_i32 = arith.constant 0 : i32
    %c0_i32_0 = arith.constant 0 : i32
    %c0_i32_1 = arith.constant 0 : i32
    return %c0_i32, %c0_i32_0 : i32, i32
  }
  func.func @transform_2(%arg0: i32) -> (i32, i32) {
    %c0_i32 = arith.constant 0 : i32
    %c0_i32_0 = arith.constant 0 : i32
    return %arg0, %c0_i32 : i32, i32
  }
}

module attributes {stable_mosaic.version = 14 : i64} {
  func.func @body(%arg0: i32, %arg1: memref<512x64xf32, #tpu.memory_space<vmem>>, %arg2: memref<1x1x512xi32, #tpu.memory_space<vmem>>, %arg3: memref<128x64xf32, #tpu.memory_space<vmem>>, %arg4: memref<128x128xf32, #tpu.memory_space<vmem>>) attributes {dimension_semantics = [#tpu.dimension_semantics<arbitrary>], iteration_bounds = array<i64: 104>, scalar_prefetch = 0 : i64, scratch_operands = 0 : i64, tpu.core_type = #tpu.core_type<tc>, window_params = [{transform_indices = @transform_0, window_bounds = array<i64: 512, 64>}, {transform_indices = @transform_1, window_bounds = array<i64: 1, 1, 512>}, {pipeline_mode = #tpu.pipeline_mode<synchronous>, transform_indices = @transform_2, window_bounds = array<i64: 128, 64>}, {pipeline_mode = #tpu.pipeline_mode<synchronous>, transform_indices = @transform_3, window_bounds = array<i64: 128, 128>}]} {
    %eq3A = arith.constant 0 : i32
    %eq3A_0 = arith.cmpi eq, %arg0, %eq3A : i32
    %convert_element_type3A = arith.extui %eq3A_0 : i1 to i32
    %cond3A = arith.constant 0 : i32
    %cond3A_1 = arith.cmpi ne, %convert_element_type3A, %cond3A : i32
    scf.if %cond3A_1 {
      %broadcast_in_dim3A_29 = arith.constant 0.000000e+00 : f32
      %broadcast_in_dim3A_30 = vector.broadcast %broadcast_in_dim3A_29 : f32 to vector<128x64xf32>
      %swap3A_31 = arith.constant 0 : index
      %swap3A_32 = arith.constant 0 : index
      %swap3A_33 = vector.load %arg3[%swap3A_31, %swap3A_32] : memref<128x64xf32, #tpu.memory_space<vmem>>, vector<128x64xf32>
      tpu.vector_store %arg3[%swap3A_31, %swap3A_32], %broadcast_in_dim3A_30 {strides = array<i32>} : memref<128x64xf32, #tpu.memory_space<vmem>>, vector<128x64xf32>,
      %broadcast_in_dim3A_34 = arith.constant 0.000000e+00 : f32
      %broadcast_in_dim3A_35 = vector.broadcast %broadcast_in_dim3A_34 : f32 to vector<128x128xf32>
      %swap3A_36 = arith.constant 0 : index
      %swap3A_37 = arith.constant 0 : index
      %swap3A_38 = vector.load %arg4[%swap3A_36, %swap3A_37] : memref<128x128xf32, #tpu.memory_space<vmem>>, vector<128x128xf32>
      tpu.vector_store %arg4[%swap3A_36, %swap3A_37], %broadcast_in_dim3A_35 {strides = array<i32>} : memref<128x128xf32, #tpu.memory_space<vmem>>, vector<128x128xf32>,
    } else {
    }
    %get3A = arith.constant 0 : index
    %get3A_2 = arith.constant 0 : index
    %get3A_3 = arith.constant 0 : index
    %get3A_4 = vector.load %arg2[%get3A, %get3A_2, %get3A_3] : memref<1x1x512xi32, #tpu.memory_space<vmem>>, vector<1x1x512xi32>
    %reshape3A = vector.shape_cast %get3A_4 : vector<1x1x512xi32> to vector<512xi32>
    %iota3A = tpu.iota {dimensions = array<i32: 0>} : vector<128x512xi32>
    %broadcast_in_dim3A = vector.shape_cast %reshape3A : vector<512xi32> to vector<1x512xi32>
    %eq3A_5 = vector.broadcast %broadcast_in_dim3A : vector<1x512xi32> to vector<128x512xi32>
    %eq3A_6 = arith.cmpi eq, %iota3A, %eq3A_5 : vector<128x512xi32>
    %convert_element_type3A_7 = arith.extui %eq3A_6 : vector<128x512xi1> to vector<128x512xi32>
    %convert_element_type3A_8 = arith.sitofp %convert_element_type3A_7 : vector<128x512xi32> to vector<128x512xf32>
    %get3A_9 = arith.constant 0 : index
    %get3A_10 = arith.constant 0 : index
    %get3A_11 = vector.load %arg3[%get3A_9, %get3A_10] : memref<128x64xf32, #tpu.memory_space<vmem>>, vector<128x64xf32>
    %get3A_12 = arith.constant 0 : index
    %get3A_13 = arith.constant 0 : index
    %get3A_14 = vector.load %arg1[%get3A_12, %get3A_13] : memref<512x64xf32, #tpu.memory_space<vmem>>, vector<512x64xf32>
    %dot_general3A = arith.constant dense<0.000000e+00> : vector<128x64xf32>
    %dot_general3A_15 = tpu.matmul %convert_element_type3A_8, %get3A_14, %dot_general3A {dimension_numbers = #tpu.dot_dimension_numbers<[1], [0], [0], [1], [0, 0, 1, 1], [], []>, transpose_lhs_hint = false} : vector<128x512xf32>, vector<512x64xf32>, vector<128x64xf32> -> vector<128x64xf32>
    %add3A = arith.addf %get3A_11, %dot_general3A_15 : vector<128x64xf32>
    %swap3A = arith.constant 0 : index
    %swap3A_16 = arith.constant 0 : index
    %swap3A_17 = vector.load %arg3[%swap3A, %swap3A_16] : memref<128x64xf32, #tpu.memory_space<vmem>>, vector<128x64xf32>
    tpu.vector_store %arg3[%swap3A, %swap3A_16], %add3A {strides = array<i32>} : memref<128x64xf32, #tpu.memory_space<vmem>>, vector<128x64xf32>,
    %get3A_18 = arith.constant 0 : index
    %get3A_19 = arith.constant 0 : index
    %get3A_20 = vector.load %arg4[%get3A_18, %get3A_19] : memref<128x128xf32, #tpu.memory_space<vmem>>, vector<128x128xf32>
    %reduce_sum3A = arith.constant dense<0.000000e+00> : vector<128xf32>
    %reduce_sum3A_21 = vector.multi_reduction <add>, %convert_element_type3A_8, %reduce_sum3A [1] : vector<128x512xf32> to vector<128xf32>
    %broadcast_in_dim3A_22 = vector.shape_cast %reduce_sum3A_21 : vector<128xf32> to vector<128x1xf32>
    %broadcast_in_dim3A_23 = vector.shape_cast %broadcast_in_dim3A_22 : vector<128x1xf32> to vector<128x1xf32>
    %broadcast_in_dim3A_24 = vector.broadcast %broadcast_in_dim3A_23 : vector<128x1xf32> to vector<128x128xf32>
    %add3A_25 = arith.addf %get3A_20, %broadcast_in_dim3A_24 : vector<128x128xf32>
    %swap3A_26 = arith.constant 0 : index
    %swap3A_27 = arith.constant 0 : index
    %swap3A_28 = vector.load %arg4[%swap3A_26, %swap3A_27] : memref<128x128xf32, #tpu.memory_space<vmem>>, vector<128x128xf32>
    tpu.vector_store %arg4[%swap3A_26, %swap3A_27], %add3A_25 {strides = array<i32>} : memref<128x128xf32, #tpu.memory_space<vmem>>, vector<128x128xf32>,
    return
  }
  func.func @transform_0(%arg0: i32) -> (i32, i32) {
    %c0_i32 = arith.constant 0 : i32
    %c0_i32_0 = arith.constant 0 : i32
    return %arg0, %c0_i32 : i32, i32
  }
  func.func @transform_1(%arg0: i32) -> (i32, i32, i32) {
    %c0_i32 = arith.constant 0 : i32
    %c0_i32_0 = arith.constant 0 : i32
    %c0_i32_1 = arith.constant 0 : i32
    return %arg0, %c0_i32, %c0_i32_0 : i32, i32, i32
  }
  func.func @transform_2(%arg0: i32) -> (i32, i32) {
    %c0_i32 = arith.constant 0 : i32
    %c0_i32_0 = arith.constant 0 : i32
    %c0_i32_1 = arith.constant 0 : i32
    return %c0_i32, %c0_i32_0 : i32, i32
  }
  func.func @transform_3(%arg0: i32) -> (i32, i32) {
    %c0_i32 = arith.constant 0 : i32
    %c0_i32_0 = arith.constant 0 : i32
    %c0_i32_1 = arith.constant 0 : i32
    return %c0_i32, %c0_i32_0 : i32, i32
  }
}

module attributes {stable_mosaic.version = 14 : i64} {
  func.func @body(%arg0: i32, %arg1: memref<512x64xf32, #tpu.memory_space<vmem>>, %arg2: memref<2x512x32xf32, #tpu.memory_space<vmem>>, %arg3: memref<64x64xf32, #tpu.memory_space<vmem>>, %arg4: memref<64x64xf32, #tpu.memory_space<vmem>>, %arg5: memref<8x64xf32, #tpu.memory_space<vmem>>, %arg6: memref<512x64xf32, #tpu.memory_space<vmem>>, %arg7: memref<2x512x32xf32, #tpu.memory_space<vmem>>) attributes {dimension_semantics = [#tpu.dimension_semantics<arbitrary>], iteration_bounds = array<i64: 104>, scalar_prefetch = 0 : i64, scratch_operands = 0 : i64, tpu.core_type = #tpu.core_type<tc>, window_params = [{transform_indices = @transform_0, window_bounds = array<i64: 512, 64>}, {transform_indices = @transform_1, window_bounds = array<i64: 2, 512, 32>}, {pipeline_mode = #tpu.pipeline_mode<synchronous>, transform_indices = @transform_2, window_bounds = array<i64: 64, 64>}, {pipeline_mode = #tpu.pipeline_mode<synchronous>, transform_indices = @transform_3, window_bounds = array<i64: 64, 64>}, {pipeline_mode = #tpu.pipeline_mode<synchronous>, transform_indices = @transform_4, window_bounds = array<i64: 8, 64>}, {transform_indices = @transform_5, window_bounds = array<i64: 512, 64>}, {transform_indices = @transform_6, window_bounds = array<i64: 2, 512, 32>}]} {
    %get3A = arith.constant 0 : index
    %get3A_0 = arith.constant 0 : index
    %get3A_1 = vector.load %arg5[%get3A, %get3A_0] : memref<8x64xf32, #tpu.memory_space<vmem>>, vector<8x64xf32>
    %slice3A = vector.extract_strided_slice %get3A_1 {offsets = [0, 0], sizes = [1, 64], strides = [1, 1]} : vector<8x64xf32> to vector<1x64xf32>
    %slice3A_2 = vector.extract_strided_slice %get3A_1 {offsets = [1, 0], sizes = [1, 64], strides = [1, 1]} : vector<8x64xf32> to vector<1x64xf32>
    %slice3A_3 = vector.extract_strided_slice %get3A_1 {offsets = [2, 0], sizes = [1, 64], strides = [1, 1]} : vector<8x64xf32> to vector<1x64xf32>
    %slice3A_4 = vector.extract_strided_slice %get3A_1 {offsets = [3, 0], sizes = [1, 64], strides = [1, 1]} : vector<8x64xf32> to vector<1x64xf32>
    %get3A_5 = arith.constant 0 : index
    %get3A_6 = arith.constant 0 : index
    %get3A_7 = vector.load %arg1[%get3A_5, %get3A_6] : memref<512x64xf32, #tpu.memory_space<vmem>>, vector<512x64xf32>
    %get3A_8 = arith.constant 0 : index
    %get3A_9 = arith.constant 0 : index
    %get3A_10 = arith.constant 0 : index
    %get3A_11 = vector.load %arg2[%get3A_8, %get3A_9, %get3A_10] : memref<2x512x32xf32, #tpu.memory_space<vmem>>, vector<1x512x32xf32>
    %get3A_12 = vector.shape_cast %get3A_11 : vector<1x512x32xf32> to vector<512x32xf32>
    %get3A_13 = arith.constant 0 : index
    %get3A_14 = arith.constant 0 : index
    %get3A_15 = vector.load %arg3[%get3A_13, %get3A_14] : memref<64x64xf32, #tpu.memory_space<vmem>>, vector<32x64xf32>
    %dot_general3A = arith.constant dense<0.000000e+00> : vector<512x64xf32>
    %dot_general3A_16 = tpu.matmul %get3A_12, %get3A_15, %dot_general3A {dimension_numbers = #tpu.dot_dimension_numbers<[1], [0], [0], [1], [0, 0, 1, 1], [], []>, transpose_lhs_hint = false} : vector<512x32xf32>, vector<32x64xf32>, vector<512x64xf32> -> vector<512x64xf32>
    %add3A = arith.addf %get3A_7, %dot_general3A_16 : vector<512x64xf32>
    %get3A_17 = arith.constant 1 : index
    %get3A_18 = arith.constant 0 : index
    %get3A_19 = arith.constant 0 : index
    %get3A_20 = vector.load %arg2[%get3A_17, %get3A_18, %get3A_19] : memref<2x512x32xf32, #tpu.memory_space<vmem>>, vector<1x512x32xf32>
    %get3A_21 = vector.shape_cast %get3A_20 : vector<1x512x32xf32> to vector<512x32xf32>
    %get3A_22 = arith.constant 32 : index
    %get3A_23 = arith.constant 0 : index
    %get3A_24 = vector.load %arg3[%get3A_22, %get3A_23] : memref<64x64xf32, #tpu.memory_space<vmem>>, vector<32x64xf32>
    %dot_general3A_25 = arith.constant dense<0.000000e+00> : vector<512x64xf32>
    %dot_general3A_26 = tpu.matmul %get3A_21, %get3A_24, %dot_general3A_25 {dimension_numbers = #tpu.dot_dimension_numbers<[1], [0], [0], [1], [0, 0, 1, 1], [], []>, transpose_lhs_hint = false} : vector<512x32xf32>, vector<32x64xf32>, vector<512x64xf32> -> vector<512x64xf32>
    %add3A_27 = arith.addf %add3A, %dot_general3A_26 : vector<512x64xf32>
    %add3A_28 = vector.broadcast %slice3A : vector<1x64xf32> to vector<512x64xf32>
    %add3A_29 = arith.addf %add3A_27, %add3A_28 : vector<512x64xf32>
    %max3A = arith.constant 0.000000e+00 : f32
    %max3A_30 = vector.broadcast %max3A : f32 to vector<512x64xf32>
    %max3A_31 = arith.maximumf %add3A_29, %max3A_30 : vector<512x64xf32>
    %get3A_32 = arith.constant 0 : index
    %get3A_33 = arith.constant 0 : index
    %get3A_34 = vector.load %arg4[%get3A_32, %get3A_33] : memref<64x64xf32, #tpu.memory_space<vmem>>, vector<64x64xf32>
    %dot_general3A_35 = arith.constant dense<0.000000e+00> : vector<512x64xf32>
    %dot_general3A_36 = tpu.matmul %max3A_31, %get3A_34, %dot_general3A_35 {dimension_numbers = #tpu.dot_dimension_numbers<[1], [0], [0], [1], [0, 0, 1, 1], [], []>, transpose_lhs_hint = false} : vector<512x64xf32>, vector<64x64xf32>, vector<512x64xf32> -> vector<512x64xf32>
    %add3A_37 = vector.broadcast %slice3A_2 : vector<1x64xf32> to vector<512x64xf32>
    %add3A_38 = arith.addf %dot_general3A_36, %add3A_37 : vector<512x64xf32>
    %max3A_39 = arith.constant 0.000000e+00 : f32
    %max3A_40 = vector.broadcast %max3A_39 : f32 to vector<512x64xf32>
    %max3A_41 = arith.maximumf %add3A_38, %max3A_40 : vector<512x64xf32>
    %mul3A = vector.broadcast %slice3A_3 : vector<1x64xf32> to vector<512x64xf32>
    %mul3A_42 = arith.mulf %max3A_41, %mul3A : vector<512x64xf32>
    %add3A_43 = vector.broadcast %slice3A_4 : vector<1x64xf32> to vector<512x64xf32>
    %add3A_44 = arith.addf %mul3A_42, %add3A_43 : vector<512x64xf32>
    %swap3A = arith.constant 0 : index
    %swap3A_45 = arith.constant 0 : index
    %swap3A_46 = vector.load %arg6[%swap3A, %swap3A_45] : memref<512x64xf32, #tpu.memory_space<vmem>>, vector<512x64xf32>
    tpu.vector_store %arg6[%swap3A, %swap3A_45], %add3A_44 {strides = array<i32>} : memref<512x64xf32, #tpu.memory_space<vmem>>, vector<512x64xf32>,
    %slice3A_47 = vector.extract_strided_slice %add3A_44 {offsets = [0, 0], sizes = [512, 32], strides = [1, 1]} : vector<512x64xf32> to vector<512x32xf32>
    %swap3A_48 = arith.constant 0 : index
    %swap3A_49 = arith.constant 0 : index
    %swap3A_50 = arith.constant 0 : index
    %swap3A_51 = vector.load %arg7[%swap3A_48, %swap3A_49, %swap3A_50] : memref<2x512x32xf32, #tpu.memory_space<vmem>>, vector<1x512x32xf32>
    %swap3A_52 = vector.shape_cast %swap3A_51 : vector<1x512x32xf32> to vector<512x32xf32>
    %swap3A_53 = vector.shape_cast %slice3A_47 : vector<512x32xf32> to vector<1x512x32xf32>
    tpu.vector_store %arg7[%swap3A_48, %swap3A_49, %swap3A_50], %swap3A_53 {strides = array<i32>} : memref<2x512x32xf32, #tpu.memory_space<vmem>>, vector<1x512x32xf32>,
    %slice3A_54 = vector.extract_strided_slice %add3A_44 {offsets = [0, 32], sizes = [512, 32], strides = [1, 1]} : vector<512x64xf32> to vector<512x32xf32>
    %swap3A_55 = arith.constant 1 : index
    %swap3A_56 = arith.constant 0 : index
    %swap3A_57 = arith.constant 0 : index
    %swap3A_58 = vector.load %arg7[%swap3A_55, %swap3A_56, %swap3A_57] : memref<2x512x32xf32, #tpu.memory_space<vmem>>, vector<1x512x32xf32>
    %swap3A_59 = vector.shape_cast %swap3A_58 : vector<1x512x32xf32> to vector<512x32xf32>
    %swap3A_60 = vector.shape_cast %slice3A_54 : vector<512x32xf32> to vector<1x512x32xf32>
    tpu.vector_store %arg7[%swap3A_55, %swap3A_56, %swap3A_57], %swap3A_60 {strides = array<i32>} : memref<2x512x32xf32, #tpu.memory_space<vmem>>, vector<1x512x32xf32>,
    return
  }
  func.func @transform_0(%arg0: i32) -> (i32, i32) {
    %c0_i32 = arith.constant 0 : i32
    %c0_i32_0 = arith.constant 0 : i32
    return %arg0, %c0_i32 : i32, i32
  }
  func.func @transform_1(%arg0: i32) -> (i32, i32, i32) {
    %c0_i32 = arith.constant 0 : i32
    %c0_i32_0 = arith.constant 0 : i32
    %c0_i32_1 = arith.constant 0 : i32
    return %c0_i32, %arg0, %c0_i32_0 : i32, i32, i32
  }
  func.func @transform_2(%arg0: i32) -> (i32, i32) {
    %c0_i32 = arith.constant 0 : i32
    %c0_i32_0 = arith.constant 0 : i32
    %c0_i32_1 = arith.constant 0 : i32
    return %c0_i32, %c0_i32_0 : i32, i32
  }
  func.func @transform_3(%arg0: i32) -> (i32, i32) {
    %c0_i32 = arith.constant 0 : i32
    %c0_i32_0 = arith.constant 0 : i32
    %c0_i32_1 = arith.constant 0 : i32
    return %c0_i32, %c0_i32_0 : i32, i32
  }
  func.func @transform_4(%arg0: i32) -> (i32, i32) {
    %c0_i32 = arith.constant 0 : i32
    %c0_i32_0 = arith.constant 0 : i32
    %c0_i32_1 = arith.constant 0 : i32
    return %c0_i32, %c0_i32_0 : i32, i32
  }
  func.func @transform_5(%arg0: i32) -> (i32, i32) {
    %c0_i32 = arith.constant 0 : i32
    %c0_i32_0 = arith.constant 0 : i32
    return %arg0, %c0_i32 : i32, i32
  }
  func.func @transform_6(%arg0: i32) -> (i32, i32, i32) {
    %c0_i32 = arith.constant 0 : i32
    %c0_i32_0 = arith.constant 0 : i32
    %c0_i32_1 = arith.constant 0 : i32
    return %c0_i32, %arg0, %c0_i32_0 : i32, i32, i32
  }
}

module attributes {stable_mosaic.version = 14 : i64} {
  func.func @body(%arg0: memref<128x64xf32, #tpu.memory_space<vmem>>, %arg1: memref<128x128xf32, #tpu.memory_space<vmem>>, %arg2: memref<64x64xf32, #tpu.memory_space<vmem>>, %arg3: memref<8x64xf32, #tpu.memory_space<vmem>>, %arg4: memref<64x128xf32, #tpu.memory_space<vmem>>, %arg5: memref<8x128xf32, #tpu.memory_space<vmem>>, %arg6: memref<128x3xf32, #tpu.memory_space<vmem>>) attributes {dimension_semantics = [], scalar_prefetch = 0 : i64, scratch_operands = 0 : i64, tpu.core_type = #tpu.core_type<tc>} {
    %get3A = arith.constant 0 : index
    %get3A_0 = arith.constant 0 : index
    %get3A_1 = vector.load %arg0[%get3A, %get3A_0] : memref<128x64xf32, #tpu.memory_space<vmem>>, vector<128x64xf32>
    %get3A_2 = arith.constant 0 : index
    %get3A_3 = arith.constant 0 : index
    %get3A_4 = vector.load %arg1[%get3A_2, %get3A_3] : memref<128x128xf32, #tpu.memory_space<vmem>>, vector<128x128xf32>
    %slice3A = vector.extract_strided_slice %get3A_4 {offsets = [0, 0], sizes = [128, 1], strides = [1, 1]} : vector<128x128xf32> to vector<128x1xf32>
    %max3A = arith.constant 1.000000e+00 : f32
    %max3A_5 = vector.broadcast %max3A : f32 to vector<128x1xf32>
    %max3A_6 = arith.maximumf %slice3A, %max3A_5 : vector<128x1xf32>
    %div3A = vector.broadcast %max3A_6 : vector<128x1xf32> to vector<128x64xf32>
    %div3A_7 = arith.divf %get3A_1, %div3A : vector<128x64xf32>
    %get3A_8 = arith.constant 0 : index
    %get3A_9 = arith.constant 0 : index
    %get3A_10 = vector.load %arg3[%get3A_8, %get3A_9] : memref<8x64xf32, #tpu.memory_space<vmem>>, vector<8x64xf32>
    %slice3A_11 = vector.extract_strided_slice %get3A_10 {offsets = [0, 0], sizes = [1, 64], strides = [1, 1]} : vector<8x64xf32> to vector<1x64xf32>
    %get3A_12 = arith.constant 0 : index
    %get3A_13 = arith.constant 0 : index
    %get3A_14 = vector.load %arg5[%get3A_12, %get3A_13] : memref<8x128xf32, #tpu.memory_space<vmem>>, vector<8x128xf32>
    %slice3A_15 = vector.extract_strided_slice %get3A_14 {offsets = [0, 0], sizes = [1, 128], strides = [1, 1]} : vector<8x128xf32> to vector<1x128xf32>
    %get3A_16 = arith.constant 0 : index
    %get3A_17 = arith.constant 0 : index
    %get3A_18 = vector.load %arg2[%get3A_16, %get3A_17] : memref<64x64xf32, #tpu.memory_space<vmem>>, vector<64x64xf32>
    %dot_general3A = arith.constant dense<0.000000e+00> : vector<128x64xf32>
    %dot_general3A_19 = tpu.matmul %div3A_7, %get3A_18, %dot_general3A {dimension_numbers = #tpu.dot_dimension_numbers<[1], [0], [0], [1], [0, 0, 1, 1], [], []>, transpose_lhs_hint = false} : vector<128x64xf32>, vector<64x64xf32>, vector<128x64xf32> -> vector<128x64xf32>
    %add3A = vector.broadcast %slice3A_11 : vector<1x64xf32> to vector<128x64xf32>
    %add3A_20 = arith.addf %dot_general3A_19, %add3A : vector<128x64xf32>
    %max3A_21 = arith.constant 0.000000e+00 : f32
    %max3A_22 = vector.broadcast %max3A_21 : f32 to vector<128x64xf32>
    %max3A_23 = arith.maximumf %add3A_20, %max3A_22 : vector<128x64xf32>
    %get3A_24 = arith.constant 0 : index
    %get3A_25 = arith.constant 0 : index
    %get3A_26 = vector.load %arg4[%get3A_24, %get3A_25] : memref<64x128xf32, #tpu.memory_space<vmem>>, vector<64x128xf32>
    %dot_general3A_27 = arith.constant dense<0.000000e+00> : vector<128x128xf32>
    %dot_general3A_28 = tpu.matmul %max3A_23, %get3A_26, %dot_general3A_27 {dimension_numbers = #tpu.dot_dimension_numbers<[1], [0], [0], [1], [0, 0, 1, 1], [], []>, transpose_lhs_hint = false} : vector<128x64xf32>, vector<64x128xf32>, vector<128x128xf32> -> vector<128x128xf32>
    %add3A_29 = vector.broadcast %slice3A_15 : vector<1x128xf32> to vector<128x128xf32>
    %add3A_30 = arith.addf %dot_general3A_28, %add3A_29 : vector<128x128xf32>
    %iota3A = tpu.iota {dimensions = array<i32: 1>} : vector<128x128xi32>
    %lt3A = arith.constant 3 : i32
    %lt3A_31 = vector.broadcast %lt3A : i32 to vector<128x128xi32>
    %lt3A_32 = arith.cmpi slt, %iota3A, %lt3A_31 : vector<128x128xi32>
    %jit3A = arith.constant -1.000000e+30 : f32
    %broadcast_in_dim3A = vector.broadcast %jit3A : f32 to vector<128x128xf32>
    %select_n3A = arith.select %lt3A_32, %add3A_30, %broadcast_in_dim3A : vector<128x128xi1>, vector<128x128xf32>
    %reduce_max3A = arith.constant dense<0xFF800000> : vector<128xf32>
    %reduce_max3A_33 = vector.multi_reduction <maximumf>, %select_n3A, %reduce_max3A [1] : vector<128x128xf32> to vector<128xf32>
    %broadcast_in_dim3A_34 = vector.shape_cast %reduce_max3A_33 : vector<128xf32> to vector<128x1xf32>
    %sub3A = vector.broadcast %broadcast_in_dim3A_34 : vector<128x1xf32> to vector<128x128xf32>
    %sub3A_35 = arith.subf %add3A_30, %sub3A : vector<128x128xf32>
    %exp3A = math.exp %sub3A_35 : vector<128x128xf32>
    %jit3A_36 = arith.constant 0.000000e+00 : f32
    %broadcast_in_dim3A_37 = vector.broadcast %jit3A_36 : f32 to vector<128x128xf32>
    %select_n3A_38 = arith.select %lt3A_32, %exp3A, %broadcast_in_dim3A_37 : vector<128x128xi1>, vector<128x128xf32>
    %reduce_sum3A = arith.constant dense<0.000000e+00> : vector<128xf32>
    %reduce_sum3A_39 = vector.multi_reduction <add>, %select_n3A_38, %reduce_sum3A [1] : vector<128x128xf32> to vector<128xf32>
    %broadcast_in_dim3A_40 = vector.shape_cast %reduce_sum3A_39 : vector<128xf32> to vector<128x1xf32>
    %log3A = math.log %broadcast_in_dim3A_40 : vector<128x1xf32>
    %sub3A_41 = vector.broadcast %broadcast_in_dim3A_34 : vector<128x1xf32> to vector<128x128xf32>
    %sub3A_42 = arith.subf %add3A_30, %sub3A_41 : vector<128x128xf32>
    %sub3A_43 = vector.broadcast %log3A : vector<128x1xf32> to vector<128x128xf32>
    %sub3A_44 = arith.subf %sub3A_42, %sub3A_43 : vector<128x128xf32>
    %slice3A_45 = vector.extract_strided_slice %sub3A_44 {offsets = [0, 0], sizes = [128, 3], strides = [1, 1]} : vector<128x128xf32> to vector<128x3xf32>
    %swap3A = arith.constant 0 : index
    %swap3A_46 = arith.constant 0 : index
    %swap3A_47 = vector.load %arg6[%swap3A, %swap3A_46] : memref<128x3xf32, #tpu.memory_space<vmem>>, vector<128x3xf32>
    tpu.vector_store %arg6[%swap3A, %swap3A_46], %slice3A_45 {strides = array<i32>} : memref<128x3xf32, #tpu.memory_space<vmem>>, vector<128x3xf32>,
    return
  }
}

</mosaic_0001>

<sc_bundles>
// kernel: body.11.cloned.1.call-start
scs
__scs_entry_jumppad:
0x0: {  	(pc) =	sbr.rel $0x88, $3  }
0x1: {  	(tag) =	ssettag $0x0;
	lr =	simm.s32 $0x1  }
0x2: {  	[smem:$0x3F82] =	sst lr;
	_ =	strace $0xD0000000  }
0x3: {  	_ = 	snop  }
0x4: {  	_ = 	snop  }
0x5: {  	_ = 	snop  }
0x6: {  	_ = 	snop  }
0x7: {  	_ = 	snop  }
__scs_overlays_trampoline_lowered:
0x8: {  	[smem:$0x3F91] =	sst s0  }
0x9: {  	[smem:$0x3F92] =	sst s1  }
0xa: {  	[smem:$0x3F93] =	sst s2  }
0xb: {  	[smem:$0x3F94] =	sst s3  }
0xc: {  	[smem:$0x3F95] =	sst s4  }
0xd: {  	[smem:$0x3F96] =	sst s5  }
0xe: {  	[smem:$0x3F97] =	sst s6  }
0xf: {  	[smem:$0x3F98] =	sst s7  }
0x10: {  	[smem:$0x3F99] =	sst s8  }
0x11: {  	[smem:$0x3F9A] =	sst s9;
	s0 =	simm.s32 @!p0 $0x0  }
0x12: {  	s1 =	sld [smem:$0x3F80];
	s0 =	simm.s32 @p0 $0x1  }
0x13: {  	[smem:$0x3F9B] =	sst s0;
	s0 =	simm.s32 @!p1 $0x0  }
0x14: {  	s2 =	sld [smem:$0x3F7F];
	s0 =	simm.s32 @p1 $0x1  }
0x15: {  	[smem:$0x3F9C] =	sst s0;
	s0 =	simm.s32 @!p2 $0x0  }
0x16: {  	s3 =	sld [smem:$0x3FDB];
	s0 =	simm.s32 @p2 $0x1  }
0x17: {  	s4 =	simm.s32 $0x1BF5;
	[smem:$0x3F9E] =	sst s0  }
0x18: {  	s0 =	sld [smem:$0x3F81];
	_ =	swait.ge [sflag:s4], $0x0  }
0x19: {  	s7 =	sld [smem:$0x3F82]  }
0x1a: {  	s8 =	sadd.s32 $0xFFFFE003, lr  }
0x1b: {  	s9 =	sadd.s32 $0xFFFFFEF7, lr;
	s5 =	simm.s32 $0xFFFFFFFF;
	p2 =	slt.u32 s8, $0xFFFFF086  }
0x1c: {  	p1 =	slt.u32 s9, $0xF7A;
	s5 =	simm.s32 @!p2 $0x0  }
0x1d: {  	s5 =	simm.s32 @p1 $0x1;
	p0 =	seq.s32 s7, s2  }
0x1e: {  	s7 =	smul.u32 @!p0 $0xF7A, s2;
	p2 =	seq.s32 @!p0 s5, $0x0  }
0x1f: {  	s9 =	smul.u32 $0xF7A, s1;
	s8 =	simm.s32 @!p0 $0x1BF5;
	p2 =	por !p2, p0  }
0x20: {  	[sflag:s8] =	ssyncset.s32 @!p0 $0xFFFFF086;
	s6 =	sadd.s32 @!p0 s3, s7;
	s7 =	simm.s32 @!p0 $0x108  }
0x21: {  	s3 =	sadd.s32 s3, s9;
	s6 =	sadd.s32 @!p0 $0x88, s6;
	s7 =	simm.s32 @p2 $0x1082  }
0x22: {  	[simem:s7], [sflag:s8] =	dma.local @!p0 [hbm:s6], $0xF7A  }
0x23: {  	s9 =	sor.u32 $0xD0000000, s2;
	s6 =	simm.s32 $0x108;
	_ =	swait.ge @!p0 [sflag:s8], $0x0  }
0x24: {  	s3 =	sadd.s32 $0x88, s3;
	s6 =	simm.s32 @!p1 $0x1082;
	[sflag:s4] =	ssyncset.s32 $0xFFFFF086  }
0x25: {  	[simem:s6], [sflag:s4] =	dma.local [hbm:s3], $0xF7A  }
0x26: {  	[smem:$0x3F82] =	sst s1;
	(tag) =	ssettag s2;
	_ =	strace s9  }
0x27: {  	s1 =	sld [smem:$0x3F92]  }
0x28: {  	s2 =	sld [smem:$0x3F93]  }
0x29: {  	s4 =	sld [smem:$0x3F95]  }
0x2a: {  	p0 =	seq.s32 s5, $0x0;
	s5 =	sld [smem:$0x3F96]  }
0x2b: {  	s6 =	sld [smem:$0x3F97]  }
0x2c: {  	s7 =	sld [smem:$0x3F98]  }
0x2d: {  	s3 =	simm.s32 $0x108;
	s8 =	sld [smem:$0x3F99]  }
0x2e: {  	s3 =	simm.s32 @!p0 $0x1082;
	s9 =	sld [smem:$0x3F9A]  }
0x2f: {  	lr =	sadd.s32 s0, s3;
	s0 =	sld [smem:$0x3F91]  }
0x30: {  	s3 =	sld [smem:$0x3F94]  }
0x31: {  	[smem:$0x3F9D] =	sst s10  }
0x32: {  	s10 =	sld [smem:$0x3F9B];
	_ =	sdelay $0x3  }
0x33: {  	p0 =	seq.s32 s10, $0x1;
	s10 =	sld [smem:$0x3F9D];
	_ =	sdelay $0x3  }
0x34: {  	[smem:$0x3F9D] =	sst s10  }
0x35: {  	s10 =	sld [smem:$0x3F9C];
	_ =	sdelay $0x3  }
0x36: {  	p1 =	seq.s32 s10, $0x1;
	s10 =	sld [smem:$0x3F9D];
	_ =	sdelay $0x3  }
0x37: {  	[smem:$0x3F9D] =	sst s10  }
0x38: {  	s10 =	sld [smem:$0x3F9E]  }
0x39: {  	_ = 	snop;
	(pc) =	sbr.ind lr, $3  }
0x3a: {  	_ = 	snop  }
0x3b: {  	_ = 	snop  }
0x3c: {  	p2 =	seq.s32 s10, $0x1;
	s10 =	sld [smem:$0x3F9D]  }
0x3d: {  	_ =	shalt  }
0x3e: {  	_ =	shalt  }
0x3f: {  	_ =	shalt  }
0x40: {  	_ =	shalt  }
0x41: {  	_ =	shalt  }
0x42: {  	_ =	shalt  }
0x43: {  	_ =	shalt  }
0x44: {  	_ =	shalt  }
0x45: {  	_ =	shalt  }
0x46: {  	_ =	shalt  }
0x47: {  	_ =	shalt  }
0x48: {  	_ =	shalt  }
0x49: {  	_ =	shalt  }
0x4a: {  	_ =	shalt  }
0x4b: {  	_ =	shalt  }
0x4c: {  	_ =	shalt  }
0x4d: {  	_ =	shalt  }
0x4e: {  	_ =	shalt  }
0x4f: {  	_ =	shalt  }
0x50: {  	_ =	shalt  }
0x51: {  	_ =	shalt  }
0x52: {  	_ =	shalt  }
0x53: {  	_ =	shalt  }
0x54: {  	_ =	shalt  }
0x55: {  	_ =	shalt  }
0x56: {  	_ =	shalt  }
0x57: {  	_ =	shalt  }
0x58: {  	_ =	shalt  }
0x59: {  	_ =	shalt  }
0x5a: {  	_ =	shalt  }
0x5b: {  	_ =	shalt  }
0x5c: {  	_ =	shalt  }
0x5d: {  	_ =	shalt  }
0x5e: {  	_ =	shalt  }
0x5f: {  	_ =	shalt  }
0x60: {  	_ =	shalt  }
0x61: {  	_ =	shalt  }
0x62: {  	_ =	shalt  }
0x63: {  	_ =	shalt  }
0x64: {  	_ =	shalt  }
0x65: {  	_ =	shalt  }
0x66: {  	_ =	shalt  }
0x67: {  	_ =	shalt  }
0x68: {  	_ =	shalt  }
0x69: {  	_ =	shalt  }
0x6a: {  	_ =	shalt  }
0x6b: {  	_ =	shalt  }
0x6c: {  	_ =	shalt  }
0x6d: {  	_ =	shalt  }
0x6e: {  	_ =	shalt  }
0x6f: {  	_ =	shalt  }
0x70: {  	_ =	shalt  }
0x71: {  	_ =	shalt  }
0x72: {  	_ =	shalt  }
0x73: {  	_ =	shalt  }
0x74: {  	_ =	shalt  }
0x75: {  	_ =	shalt  }
0x76: {  	_ =	shalt  }
0x77: {  	_ =	shalt  }
0x78: {  	_ =	shalt  }
0x79: {  	_ =	shalt  }
0x7a: {  	_ =	shalt  }
0x7b: {  	_ =	shalt  }
0x7c: {  	_ =	shalt  }
0x7d: {  	_ =	shalt  }
0x7e: {  	_ =	shalt  }
0x7f: {  	_ =	shalt  }
0x80: {  	_ =	shalt  }
0x81: {  	_ =	shalt  }
0x82: {  	_ =	shalt  }
0x83: {  	_ =	shalt  }
0x84: {  	_ =	shalt  }
0x85: {  	_ =	shalt  }
0x86: {  	_ =	shalt  }
0x87: {  	_ =	shalt  }
.Lfunc_end0:
.L_simem_size_0:
called_computation_lowered:
.L_overlay_start_0:
0x88: {  	s2 =	sld [smem:$0x3FD9]  }
0x89: {  	s3 =	sld [smem:$0x3FFE];
	_ =	sdelay $0x1  }
0x8a: {  	s1 =	srdreg.scid  }
0x8b: {  	s0 =	sand.u32 $0x1, s1  }
0x8c: {  	s16 =	sshll.u32 s0, $0xA;
	s2 =	sadd.s32 s3, s2  }
0x8d: {  	s2 =	sadd.s32 s2, s16  }
0x8e: {  	[smem:$0x3FA9] =	sst s2  }
0x8f: {  	_ = 	snop  }
0x90: {  	(tm) =	ssettm $0x1  }
0x91: {  	s17 =	sld [smem:$0x3FFB];
	_ =	sdelay $0x3  }
0x92: {  	_ =	strace s17  }
0x93: {  	s2 =	sld [smem:$0x3FFC];
	_ =	sdelay $0x3  }
0x94: {  	_ =	strace s2  }
0x95: {  	s2 =	sld [smem:$0x3FFD];
	_ =	sdelay $0x3  }
0x96: {  	_ =	strace s2  }
0x97: {  	_ =	strace $0x8FFFFFFF  }
0x98: {  	s18 =	sld [smem:$0x3FDB];
	_ =	sdelay $0x1  }
0x99: {  	s19 =	simm.s32 $_scs_section_size  }
0x9a: {  	s4 =	simm.s32 $_size__tile_overlayer_lowered;
	s5 =	simm.s32 $_tile_overlayer_lowered  }
0x9b: {  	s22 =	simm.s32 $0x1BFF;
	s21 =	sshll.u32 s5, $0x1;
	s2 =	sadd.s32 s19, s18  }
0x9c: {  	s6 =	simm.s32 $0x0;
	s20 =	sshll.u32 s4, $0x1;
	s4 =	sadd.s32 s21, s2  }
0x9d: {  	[timem:s6], [sflag:s22] =	dma.local [hbm:s4], s20  }
0x9e: {  	_ =	swait.ge [sflag:s22], s20  }
0x9f: {  	s3 =	ssub.s32 $0x0, s20;
	[sflag:s22] =	ssyncset.done $0x0  }
0xa0: {  	[sflag:s22] =	ssyncadd.s32 s3;
	_ =	sdelay $0x1  }
0xa1: {  	s23 =	simm.s32 $0x1B8B  }
0xa2: {  	_ =	swait.ge [sflag:s23], $0x1  }
0xa3: {  	[sflag:s23] =	ssyncset.done $0x0  }
0xa4: {  	s25 =	simm.s32 $0x1B8E;
	s24 =	sld [smem:$0x3FFE];
	[sflag:s23] =	ssyncadd.s32 $0xFFFFFFFF  }
0xa5: {  	s26 =	simm.s32 $execute0_lowered;
	[smem:$0x3FD2] =	sst s25  }
0xa6: {  	s4 =	sshll.u32 s26, $0x1;
	_ =	strace $0x80000046;
	[dreg:$0x1] =	wrdreg $0xFFFFFFFF  }
0xa7: {  	s28 =	simm.s32 $_size_execute0_lowered;
	s2 =	sadd.s32 s2, s4;
	[dreg:$0x0] =	wrdreg $0x0  }
0xa8: {  	s4 =	sshll.u32 s28, $0x1;
	[dreg:$0x2] =	wrdreg s2  }
0xa9: {  	[dreg:$0x3] =	wrdreg s4  }
0xaa: {  	[dreg:$0x4] =	wrdreg $0xC0  }
0xab: {  	_ =	task [dreg:s6], $0x5FFFF  }
0xac: {  	[dreg:$0x1] =	wrdreg $0xFFFFFFFF  }
0xad: {  	[dreg:$0x0] =	wrdreg $0x60  }
0xae: {  	[dreg:$0x2] =	wrdreg s24  }
0xaf: {  	[dreg:$0x3] =	wrdreg $0x58000  }
0xb0: {  	[dreg:$0x4] =	wrdreg $0x9  }
0xb1: {  	_ =	task.clear_ibuf [dreg:s6], $0x5FFFF;
	_ =	strace $0x90000046  }
0xb2: {  	s29 =	simm.s32 $0x9;
	_ =	strace $0x80000048  }
0xb3: {  	_ =	swait.ge [sflag:s29], $0x1  }
0xb4: {  	[sflag:s29] =	ssyncadd.s32 $0xFFFFFFFF  }
0xb5: {  	_ =	strace $0x90000048  }
0xb6: {  	_ =	sfence  }
0xb7: {  	s30 =	sld [smem:$0x0];
	_ =	sdelay $0x2  }
0xb8: {  	s31 =	sshll.u32 s1, $0xD;
	s1 =	sshrl.u32 s1, $0x2  }
0xb9: {  	s3 =	sand.u32 $0x4000, s31;
	s1 =	sadd.s32 s1, s30  }
0xba: {  	s0 =	sor.u32 s3, s0;
	s1 =	sshll.u32 s1, $0x11  }
0xbb: {  	s0 =	sor.u32 s1, s0  }
0xbc: {  	s0 =	sadd.s32 $0x8F2B, s0  }
0xbd: {  	[sflag:s0] =	ssyncadd.remote.s32 $0x1  }
0xbe: {  	_ =	sfence.sel $0xFFFF  }
0xbf: {  	[dreg:$0x0] =	wrdreg $0xFFFFFFFF;
	(pc) =	sbr.abs _section_cstart, $3  }
0xc0: {  	[dreg:$0x1] =	wrdreg $0xFFFFFFFF  }
0xc1: {  	_ =	task.clear_ibuf [dreg:s6], $0x2FFFF;
	_ =	strace $0x9FFFFFFF  }
0xc2: {  	(tm) =	ssettm $0x7FFFFFFF  }
0xc3: {  	_ =	shalt  }
tec
execute0_lowered:
.L_overlay_start_1:
0x0: {  	(tag) =	ssettag $0x1  }
0x1: {  	s5 =	rddreg [dreg:$0x0]  }
0x2: {  	s2 =	rddreg [dreg:$0x1];
	s3 =	simm.s32 $0x0  }
0x3: {  	s17 =	simm.s32 $0x100;
	[smem:$0x7FF] =	sst s3  }
0x4: {  	s18 =	simm.s32 $0x180;
	_ =	strace $0x80000047;
	[dreg:$0x5] =	wrdreg s17  }
0x5: {  	s19 =	simm.s32 $0x1480;
	[dreg:$0x6] =	wrdreg s18  }
0x6: {  	s20 =	simm.s32 $0x200;
	[dreg:$0x7] =	wrdreg s19  }
0x7: {  	s21 =	simm.s32 $0x1500;
	[dreg:$0x8] =	wrdreg s20  }
0x8: {  	s22 =	simm.s32 $0x280;
	[dreg:$0x9] =	wrdreg s21  }
0x9: {  	s23 =	simm.s32 $0x1580;
	[dreg:$0xa] =	wrdreg s22  }
0xa: {  	s24 =	simm.s32 $0x300;
	[dreg:$0xb] =	wrdreg s23  }
0xb: {  	s25 =	simm.s32 $0x1600;
	[dreg:$0xc] =	wrdreg s24  }
0xc: {  	s26 =	simm.s32 $0x380;
	[dreg:$0xd] =	wrdreg s25  }
0xd: {  	s29 =	simm.s32 $0x1680;
	[dreg:$0xe] =	wrdreg s26  }
0xe: {  	s31 =	simm.s32 $0x400;
	[dreg:$0xf] =	wrdreg s29  }
0xf: {  	s6 =	simm.s32 $0x480;
	[dreg:$0x10] =	wrdreg s31  }
0x10: {  	s7 =	simm.s32 $0x1780;
	[dreg:$0x12] =	wrdreg s6  }
0x11: {  	s8 =	simm.s32 $0x500;
	[dreg:$0x13] =	wrdreg s7  }
0x12: {  	s9 =	simm.s32 $0x1800;
	[dreg:$0x14] =	wrdreg s8  }
0x13: {  	s10 =	simm.s32 $0x580;
	[dreg:$0x15] =	wrdreg s9  }
0x14: {  	s11 =	simm.s32 $0x1880;
	[dreg:$0x16] =	wrdreg s10  }
0x15: {  	s12 =	simm.s32 $0x600;
	[dreg:$0x17] =	wrdreg s11  }
0x16: {  	s13 =	simm.s32 $0x1900;
	[dreg:$0x18] =	wrdreg s12  }
0x17: {  	s14 =	simm.s32 $0x680;
	[dreg:$0x19] =	wrdreg s13  }
0x18: {  	s15 =	simm.s32 $0x1980;
	[dreg:$0x1a] =	wrdreg s14  }
0x19: {  	s16 =	simm.s32 $0x700;
	[dreg:$0x1b] =	wrdreg s15  }
0x1a: {  	[dreg:$0x1c] =	wrdreg s16;
	s17 =	simm.s32 $0x1A00  }
0x1b: {  	s18 =	simm.s32 $0x780;
	[dreg:$0x1d] =	wrdreg s17  }
0x1c: {  	s19 =	simm.s32 $0x1A80;
	[dreg:$0x1e] =	wrdreg s18  }
0x1d: {  	s20 =	simm.s32 $0x800;
	[dreg:$0x1f] =	wrdreg s19  }
0x1e: {  	s21 =	simm.s32 $0x1B00;
	[smem:$0x79F] =	sst s20  }
0x1f: {  	s23 =	simm.s32 $0x880;
	[smem:$0x7A0] =	sst s21  }
0x20: {  	s24 =	simm.s32 $0x1B80;
	[smem:$0x7A1] =	sst s23  }
0x21: {  	s25 =	simm.s32 $0x900;
	[smem:$0x7A2] =	sst s24  }
0x22: {  	s26 =	simm.s32 $0x1C00;
	[smem:$0x7A3] =	sst s25  }
0x23: {  	s29 =	simm.s32 $0x980;
	[smem:$0x7A4] =	sst s26  }
0x24: {  	s31 =	simm.s32 $0x1C80;
	[smem:$0x7A5] =	sst s29  }
0x25: {  	s9 =	simm.s32 $0xA00;
	[smem:$0x7A6] =	sst s31  }
0x26: {  	s10 =	simm.s32 $0x1D80;
	[smem:$0x7A7] =	sst s9  }
0x27: {  	s11 =	simm.s32 $0xB00;
	[smem:$0x7AA] =	sst s10  }
0x28: {  	s12 =	simm.s32 $0x1E00;
	[smem:$0x7AB] =	sst s11  }
0x29: {  	s0 =	stileid.u32;
	s13 =	simm.s32 $0xB80;
	[smem:$0x7AC] =	sst s12  }
0x2a: {  	s1 =	smul.u32 $0x1900, s0;
	s15 =	simm.s32 $0x1E80;
	[smem:$0x7AD] =	sst s13  }
0x2b: {  	s0 =	stileid.u32;
	s16 =	simm.s32 $0xC00;
	[smem:$0x7AE] =	sst s15  }
0x2c: {  	s6 =	smul.u32 $0x1A000, s0;
	s0 =	simm.s32 $0xE00;
	[smem:$0x7AF] =	sst s16  }
0x2d: {  	s18 =	simm.s32 $0xA80;
	[smem:$0x7B9] =	sst s0  }
0x2e: {  	s19 =	simm.s32 $0x1F00;
	[smem:$0x7A9] =	sst s18  }
0x2f: {  	s22 =	srdreg.scid;
	s20 =	simm.s32 $0xC80;
	[smem:$0x7B0] =	sst s19  }
0x30: {  	s1 =	sadd.s32 s1, s5;
	s21 =	simm.s32 $0x1F80;
	[smem:$0x7B1] =	sst s20  }
0x31: {  	s14 =	sand.u32 $0x1, s22;
	s22 =	simm.s32 $0xD00;
	[smem:$0x7B2] =	sst s21  }
0x32: {  	s5 =	sadd.s32 $0x271E00, s5;
	s24 =	simm.s32 $0x2000;
	[smem:$0x7B4] =	sst s22  }
0x33: {  	s26 =	simm.s32 $0xD80;
	s29 =	simm.s32 $0x2080;
	[smem:$0x7B5] =	sst s24  }
0x34: {  	s4 =	sadd.s32 $0x1E00, s1;
	s1 =	sadd.s32 $0x1B000, s1;
	[smem:$0x7B6] =	sst s26  }
0x35: {  	s7 =	ssub.s32 $0x2, s14;
	s9 =	sadd.s32 $0x3000, s6;
	[smem:$0x7B8] =	sst s29  }
0x36: {  	s10 =	sadd.s32 $0x4000, s6;
	s11 =	sadd.s32 $0x5000, s6;
	[dreg:$0x3] =	wrdreg s4  }
0x37: {  	s12 =	sadd.s32 $0x6000, s6;
	s18 =	simm.s32 $0x2180;
	[dreg:$0x4] =	wrdreg s1  }
0x38: {  	s13 =	sadd.s32 $0x7000, s6;
	s20 =	simm.s32 $0xF00;
	[smem:$0x7BD] =	sst s18  }
0x39: {  	s15 =	smul.u32 $0x1A0000, s14;
	s21 =	simm.s32 $0x2200;
	[smem:$0x7BE] =	sst s20  }
0x3a: {  	s26 =	simm.s32 $0x1000;
	s28 =	sadd.s32 $0x13000, s6;
	[smem:$0x7C0] =	sst s21  }
0x3b: {  	s4 =	simm.s32 $0x1700;
	s8 =	sshrl.u32 s7, $0x1;
	[smem:$0x7C4] =	sst s26  }
0x3c: {  	[dreg:$0x11] =	wrdreg s4;
	s4 =	smul.u32 $0x34000, s14;
	s1 =	ssub.s32 s7, s8  }
0x3d: {  	s7 =	sor.u32 $0x1000, s6;
	s8 =	sadd.s32 $0x2000, s6;
	[smem:$0x7FB] =	sst s1  }
0x3e: {  	s19 =	sadd.s32 s15, s9;
	s9 =	sadd.s32 s9, s2;
	[smem:$0x7E1] =	sst s7  }
0x3f: {  	s24 =	sadd.s32 s15, s10;
	s10 =	sadd.s32 s10, s2;
	[smem:$0x7E4] =	sst s9  }
0x40: {  	s0 =	sadd.s32 s15, s11;
	s11 =	sadd.s32 s11, s2;
	[smem:$0x7E5] =	sst s10  }
0x41: {  	s17 =	sadd.s32 s6, s15;
	s18 =	sadd.s32 s15, s12;
	[smem:$0x7E6] =	sst s11  }
0x42: {  	s25 =	sadd.s32 s15, s7;
	s7 =	simm.s32 $0xE80;
	[smem:$0x7DE] =	sst s4  }
0x43: {  	s1 =	sadd.s32 s15, s8;
	s8 =	sadd.s32 s8, s2;
	[smem:$0x7BC] =	sst s7  }
0x44: {  	s17 =	sshrl.u32 s17, $0x3;
	s4 =	simm.s32 $0x1D00;
	[smem:$0x7E3] =	sst s8  }
0x45: {  	s20 =	sshrl.u32 s18, $0x3;
	s23 =	sadd.s32 s5, s17;
	[smem:$0x7A8] =	sst s4  }
0x46: {  	s17 =	sshrl.u32 s25, $0x3;
	s25 =	simm.s32 $0x2280;
	[smem:$0x7B3] =	sst s23  }
0x47: {  	s14 =	sadd.s32 $0x8000, s6;
	s21 =	sadd.s32 s5, s20;
	[smem:$0x7C2] =	sst s25  }
0x48: {  	s18 =	sadd.s32 $0xB000, s6;
	s8 =	sadd.s32 s14, s2;
	[smem:$0x7C9] =	sst s21  }
0x49: {  	s30 =	sadd.s32 $0x14000, s6;
	s11 =	sadd.s32 s18, s2;
	[smem:$0x7E9] =	sst s8  }
0x4a: {  	s7 =	sadd.s32 s15, s13;
	s31 =	sadd.s32 s5, s17;
	[smem:$0x7EC] =	sst s11  }
0x4b: {  	s4 =	simm.s32 $0x2100;
	s17 =	sshrl.u32 s1, $0x3;
	[smem:$0x7B7] =	sst s31  }
0x4c: {  	s23 =	simm.s32 $0xF80;
	s1 =	simm.s32 $0x1080;
	[smem:$0x7BA] =	sst s4  }
0x4d: {  	s16 =	sshrl.u32 s7, $0x3;
	s8 =	simm.s32 $0x2800;
	[smem:$0x7C1] =	sst s23  }
0x4e: {  	s11 =	simm.s32 $0x4800;
	s17 =	sadd.s32 s5, s17;
	[smem:$0x7C6] =	sst s1  }
0x4f: {  	s31 =	simm.s32 $0x2300;
	s4 =	simm.s32 $0x2380;
	[smem:$0x7BB] =	sst s17  }
0x50: {  	s23 =	sadd.s32 s15, s14;
	s17 =	sshrl.u32 s19, $0x3;
	[smem:$0x7C5] =	sst s31  }
0x51: {  	[smem:$0x7C7] =	sst s4;
	s22 =	sadd.s32 s5, s17;
	s17 =	sshrl.u32 s24, $0x3  }
0x52: {  	s24 =	sshrl.u32 s23, $0x3;
	[smem:$0x7BF] =	sst s22;
	s29 =	sadd.s32 s5, s17  }
0x53: {  	s17 =	sshrl.u32 s0, $0x3;
	s22 =	sadd.s32 s5, s16;
	s16 =	sadd.s32 $0x9000, s6  }
0x54: {  	s25 =	sadd.s32 s5, s24;
	s0 =	sadd.s32 s15, s18;
	[smem:$0x7C3] =	sst s29  }
0x55: {  	s19 =	sadd.s32 s5, s17;
	[smem:$0x7CA] =	sst s22;
	s17 =	sadd.s32 $0xA000, s6  }
0x56: {  	[smem:$0x7CB] =	sst s25;
	s26 =	sadd.s32 s15, s16;
	s21 =	sshrl.u32 s0, $0x3  }
0x57: {  	s9 =	sadd.s32 s16, s2;
	[smem:$0x7C8] =	sst s19;
	s19 =	sadd.s32 s15, s17  }
0x58: {  	s20 =	sshrl.u32 s26, $0x3;
	s1 =	sadd.s32 s5, s21;
	s21 =	sadd.s32 $0xE000, s6  }
0x59: {  	[smem:$0x7EA] =	sst s9;
	s10 =	sadd.s32 s17, s2;
	s19 =	sshrl.u32 s19, $0x3  }
0x5a: {  	s29 =	sadd.s32 s5, s20;
	s20 =	sadd.s32 $0xD000, s6;
	[smem:$0x7CE] =	sst s1  }
0x5b: {  	s24 =	sadd.s32 s15, s21;
	[smem:$0x7EB] =	sst s10;
	s14 =	sadd.s32 s21, s2  }
0x5c: {  	s21 =	sadd.s32 s30, s2;
	[smem:$0x7CC] =	sst s29;
	s31 =	sadd.s32 s5, s19  }
0x5d: {  	s19 =	sadd.s32 $0xC000, s6;
	s22 =	sadd.s32 s15, s20;
	[smem:$0x7EF] =	sst s14  }
0x5e: {  	s24 =	sshrl.u32 s24, $0x3;
	[smem:$0x7F5] =	sst s21;
	s4 =	sadd.s32 s15, s19  }
0x5f: {  	[smem:$0x7CD] =	sst s31;
	s25 =	sadd.s32 s5, s24;
	s23 =	sshrl.u32 s4, $0x3  }
0x60: {  	s22 =	sshrl.u32 s22, $0x3;
	[smem:$0x7D1] =	sst s25;
	s7 =	sadd.s32 s5, s23  }
0x61: {  	s0 =	sadd.s32 s15, s30;
	s23 =	sadd.s32 s5, s22;
	[smem:$0x7CF] =	sst s7  }
0x62: {  	s9 =	simm.s32 $0x3800;
	s22 =	sadd.s32 $0xF000, s6;
	[smem:$0x7D0] =	sst s23  }
0x63: {  	s23 =	sadd.s32 $0x10000, s6;
	s26 =	sadd.s32 s15, s22;
	s16 =	sadd.s32 s22, s2  }
0x64: {  	s25 =	sadd.s32 s15, s23;
	s24 =	sshrl.u32 s26, $0x3;
	s26 =	sadd.s32 $0x11000, s6  }
0x65: {  	[smem:$0x7F0] =	sst s16;
	s17 =	sadd.s32 s23, s2;
	s25 =	sshrl.u32 s25, $0x3  }
0x66: {  	s29 =	sadd.s32 s5, s24;
	s1 =	sadd.s32 s15, s26;
	[smem:$0x7F1] =	sst s17  }
0x67: {  	s18 =	sadd.s32 s26, s2;
	[smem:$0x7D2] =	sst s29;
	s31 =	sadd.s32 s5, s25  }
0x68: {  	s24 =	sshrl.u32 s1, $0x3;
	s25 =	sadd.s32 $0x12000, s6;
	[smem:$0x7F2] =	sst s18  }
0x69: {  	s29 =	sadd.s32 s15, s28;
	[smem:$0x7D3] =	sst s31;
	s4 =	sadd.s32 s5, s24  }
0x6a: {  	s7 =	sadd.s32 s15, s25;
	s29 =	sshrl.u32 s29, $0x3;
	[smem:$0x7D4] =	sst s4  }
0x6b: {  	s24 =	sshrl.u32 s7, $0x3;
	s31 =	sadd.s32 s5, s29;
	s29 =	sadd.s32 $0x15000, s6  }
0x6c: {  	s24 =	sadd.s32 s5, s24;
	[smem:$0x7D6] =	sst s31;
	s31 =	sadd.s32 $0x16000, s6  }
0x6d: {  	s4 =	sadd.s32 s15, s29;
	s22 =	sadd.s32 s29, s2;
	[smem:$0x7D5] =	sst s24  }
0x6e: {  	s24 =	sshrl.u32 s0, $0x3;
	s7 =	sadd.s32 s15, s31;
	[smem:$0x7F6] =	sst s22  }
0x6f: {  	s23 =	sadd.s32 s31, s2;
	s31 =	sld [smem:$0x7FB];
	s1 =	sadd.s32 s5, s24  }
0x70: {  	s24 =	sshrl.u32 s4, $0x3;
	s0 =	sshrl.u32 s7, $0x3;
	[smem:$0x7F7] =	sst s23  }
0x71: {  	s4 =	sadd.s32 $0x17000, s6;
	[smem:$0x7D7] =	sst s1;
	s24 =	sadd.s32 s5, s24  }
0x72: {  	s0 =	sadd.s32 s5, s0;
	s1 =	sadd.s32 s15, s4;
	[smem:$0x7D8] =	sst s24  }
0x73: {  	s10 =	simm.s32 $0x2;
	[smem:$0x7D9] =	sst s0;
	s0 =	sshrl.u32 s1, $0x3  }
0x74: {  	s24 =	sadd.s32 $0x18000, s6;
	s1 =	sadd.s32 $0x19000, s6;
	s6 =	sadd.s32 s6, s2  }
0x75: {  	s14 =	simm.s32 $0x5;
	s0 =	sadd.s32 s5, s0;
	[smem:$0x7E0] =	sst s6  }
0x76: {  	s21 =	simm.s32 $0x2580;
	s6 =	sadd.s32 s12, s2;
	[smem:$0x7DA] =	sst s0  }
0x77: {  	s16 =	simm.s32 $0x1180;
	s12 =	sadd.s32 s19, s2;
	[smem:$0x7E7] =	sst s6  }
0x78: {  	s17 =	simm.s32 $0x2480;
	s19 =	sadd.s32 s25, s2;
	[smem:$0x7ED] =	sst s12  }
0x79: {  	s18 =	simm.s32 $0x1200;
	s25 =	sadd.s32 s4, s2;
	[smem:$0x7F3] =	sst s19  }
0x7a: {  	s7 =	sadd.s32 s15, s24;
	s26 =	sadd.s32 s24, s2;
	[smem:$0x7F8] =	sst s25  }
0x7b: {  	s15 =	sadd.s32 s15, s1;
	s29 =	sadd.s32 s1, s2;
	[smem:$0x7F9] =	sst s26  }
0x7c: {  	s0 =	sshrl.u32 s7, $0x3;
	s7 =	simm.s32 $0x1100;
	[smem:$0x7FA] =	sst s29  }
0x7d: {  	s22 =	simm.s32 $0x1300;
	s15 =	sshrl.u32 s15, $0x3;
	[smem:$0x7DD] =	sst s7  }
0x7e: {  	s0 =	sadd.s32 s5, s0;
	s5 =	sadd.s32 s5, s15;
	s15 =	rddreg [dreg:$0x0]  }
0x7f: {  	s23 =	simm.s32 $0x2600;
	s4 =	simm.s32 $0x6;
	s7 =	sld [smem:$0x7DE]  }
0x80: {  	s24 =	simm.s32 $0x1380;
	s1 =	simm.s32 $0x0;
	[smem:$0x7DB] =	sst s0  }
0x81: {  	s6 =	simm.s32 $0x1;
	[smem:$0x7DC] =	sst s5;
	s0 =	sadd.s32 $0x9C000, s15  }
0x82: {  	s5 =	sadd.s32 s7, s15;
	s15 =	stileid.u32;
	s7 =	sld [smem:$0x7E1]  }
0x83: {  	s12 =	simm.s32 $0x3;
	[smem:$0x7DF] =	sst s0;
	s0 =	sshll.u32 s15, $0x6  }
0x84: {  	s19 =	simm.s32 $0x2500;
	s25 =	simm.s32 $0x2680;
	s15 =	sor.u32 $0x1C06, s0  }
0x85: {  	s26 =	simm.s32 $0x2700;
	s0 =	sadd.s32 s7, s2;
	[smem:$0x7FD] =	sst s15  }
0x86: {  	s30 =	sadd.s32 $0x34000, s5;
	s7 =	sadd.s32 s13, s2;
	[smem:$0x7E2] =	sst s0  }
0x87: {  	s5 =	simm.s32 $0x1400;
	s13 =	sadd.s32 s20, s2;
	[smem:$0x7E8] =	sst s7  }
0x88: {  	s20 =	sadd.s32 s28, s2;
	s28 =	simm.s32 $0x2780;
	[smem:$0x7EE] =	sst s13  }
0x89: {  	[smem:$0x7F4] =	sst s20;
	s0 =	smax.u32 s31, $0x1;
	s7 =	simm.s32 $0x80  }
0x8a: {  	s13 =	simm.s32 $0x4;
	s20 =	simm.s32 $0x1280;
	[smem:$0x7FC] =	sst s0  }
.LBB2_1:
0x8b: {  	s0 =	sld [smem:$0x7E0];
	_ =	sdelay $0x1  }
0x8c: {  	[smem:$0x784] =	sst s1  }
0x8d: {  	s1 =	sshrl.u32 s0, $0x3;
	s0 =	sld [smem:$0x7DF];
	_ =	sdelay $0x1  }
0x8e: {  	[smem:$0x785] =	sst s1  }
0x8f: {  	[spmem:s1], [sflag:s15] =	dma.local [hbm:s0], $0x200  }
0x90: {  	_ =	swait.ge [sflag:s4], $0x200  }
0x91: {  	s1 =	sld [smem:$0x7E2];
	_ =	sdelay $0x2  }
0x92: {  	[sflag:s4] =	ssyncset.done $0x0;
	s1 =	sshrl.u32 s1, $0x3  }
0x93: {  	[sflag:s4] =	ssyncadd.s32 $0xFFFFFE00;
	[smem:$0x786] =	sst s1  }
0x94: {  	[spmem:s1], [sflag:s15] =	dma.local [hbm:s0], $0x200  }
0x95: {  	_ =	swait.ge [sflag:s4], $0x200  }
0x96: {  	s1 =	sld [smem:$0x7E3];
	_ =	sdelay $0x2  }
0x97: {  	[sflag:s4] =	ssyncset.done $0x0;
	s1 =	sshrl.u32 s1, $0x3  }
0x98: {  	[sflag:s4] =	ssyncadd.s32 $0xFFFFFE00;
	[smem:$0x787] =	sst s1  }
0x99: {  	[spmem:s1], [sflag:s15] =	dma.local [hbm:s0], $0x200  }
0x9a: {  	_ =	swait.ge [sflag:s4], $0x200  }
0x9b: {  	s1 =	sld [smem:$0x7E4];
	_ =	sdelay $0x2  }
0x9c: {  	[sflag:s4] =	ssyncset.done $0x0;
	s1 =	sshrl.u32 s1, $0x3  }
0x9d: {  	[sflag:s4] =	ssyncadd.s32 $0xFFFFFE00;
	[smem:$0x788] =	sst s1  }
0x9e: {  	[spmem:s1], [sflag:s15] =	dma.local [hbm:s0], $0x200  }
0x9f: {  	_ =	swait.ge [sflag:s4], $0x200  }
0xa0: {  	s1 =	sld [smem:$0x7E5];
	_ =	sdelay $0x2  }
0xa1: {  	[sflag:s4] =	ssyncset.done $0x0;
	s1 =	sshrl.u32 s1, $0x3  }
0xa2: {  	[sflag:s4] =	ssyncadd.s32 $0xFFFFFE00;
	[smem:$0x789] =	sst s1  }
0xa3: {  	[spmem:s1], [sflag:s15] =	dma.local [hbm:s0], $0x200  }
0xa4: {  	_ =	swait.ge [sflag:s4], $0x200  }
0xa5: {  	s1 =	sld [smem:$0x7E6];
	_ =	sdelay $0x2  }
0xa6: {  	[sflag:s4] =	ssyncset.done $0x0;
	s1 =	sshrl.u32 s1, $0x3  }
0xa7: {  	[sflag:s4] =	ssyncadd.s32 $0xFFFFFE00;
	[smem:$0x78A] =	sst s1  }
0xa8: {  	[spmem:s1], [sflag:s15] =	dma.local [hbm:s0], $0x200  }
0xa9: {  	_ =	swait.ge [sflag:s4], $0x200  }
0xaa: {  	s1 =	sld [smem:$0x7E7];
	_ =	sdelay $0x2  }
0xab: {  	[sflag:s4] =	ssyncset.done $0x0;
	s1 =	sshrl.u32 s1, $0x3  }
0xac: {  	[sflag:s4] =	ssyncadd.s32 $0xFFFFFE00;
	[smem:$0x78B] =	sst s1  }
0xad: {  	[spmem:s1], [sflag:s15] =	dma.local [hbm:s0], $0x200  }
0xae: {  	_ =	swait.ge [sflag:s4], $0x200  }
0xaf: {  	s1 =	sld [smem:$0x7E8];
	_ =	sdelay $0x2  }
0xb0: {  	[sflag:s4] =	ssyncset.done $0x0;
	s1 =	sshrl.u32 s1, $0x3  }
0xb1: {  	[sflag:s4] =	ssyncadd.s32 $0xFFFFFE00;
	[smem:$0x78C] =	sst s1  }
0xb2: {  	[spmem:s1], [sflag:s15] =	dma.local [hbm:s0], $0x200  }
0xb3: {  	_ =	swait.ge [sflag:s4], $0x200  }
0xb4: {  	s1 =	sld [smem:$0x7E9];
	_ =	sdelay $0x2  }
0xb5: {  	[sflag:s4] =	ssyncset.done $0x0;
	s1 =	sshrl.u32 s1, $0x3  }
0xb6: {  	[sflag:s4] =	ssyncadd.s32 $0xFFFFFE00;
	[smem:$0x78D] =	sst s1  }
0xb7: {  	[spmem:s1], [sflag:s15] =	dma.local [hbm:s0], $0x200  }
0xb8: {  	_ =	swait.ge [sflag:s4], $0x200  }
0xb9: {  	s1 =	sld [smem:$0x7EA];
	_ =	sdelay $0x2  }
0xba: {  	[sflag:s4] =	ssyncset.done $0x0;
	s1 =	sshrl.u32 s1, $0x3  }
0xbb: {  	[sflag:s4] =	ssyncadd.s32 $0xFFFFFE00;
	[smem:$0x78E] =	sst s1  }
0xbc: {  	[spmem:s1], [sflag:s15] =	dma.local [hbm:s0], $0x200  }
0xbd: {  	_ =	swait.ge [sflag:s4], $0x200  }
0xbe: {  	s1 =	sld [smem:$0x7EB];
	_ =	sdelay $0x2  }
0xbf: {  	[sflag:s4] =	ssyncset.done $0x0;
	s1 =	sshrl.u32 s1, $0x3  }
0xc0: {  	[sflag:s4] =	ssyncadd.s32 $0xFFFFFE00;
	[smem:$0x78F] =	sst s1  }
0xc1: {  	[spmem:s1], [sflag:s15] =	dma.local [hbm:s0], $0x200  }
0xc2: {  	_ =	swait.ge [sflag:s4], $0x200  }
0xc3: {  	s1 =	sld [smem:$0x7EC];
	_ =	sdelay $0x2  }
0xc4: {  	[sflag:s4] =	ssyncset.done $0x0;
	s1 =	sshrl.u32 s1, $0x3  }
0xc5: {  	[sflag:s4] =	ssyncadd.s32 $0xFFFFFE00;
	[smem:$0x790] =	sst s1  }
0xc6: {  	[spmem:s1], [sflag:s15] =	dma.local [hbm:s0], $0x200  }
0xc7: {  	_ =	swait.ge [sflag:s4], $0x200  }
0xc8: {  	s1 =	sld [smem:$0x7ED];
	_ =	sdelay $0x2  }
0xc9: {  	[sflag:s4] =	ssyncset.done $0x0;
	s1 =	sshrl.u32 s1, $0x3  }
0xca: {  	[sflag:s4] =	ssyncadd.s32 $0xFFFFFE00;
	[smem:$0x791] =	sst s1  }
0xcb: {  	[spmem:s1], [sflag:s15] =	dma.local [hbm:s0], $0x200  }
0xcc: {  	_ =	swait.ge [sflag:s4], $0x200  }
0xcd: {  	s1 =	sld [smem:$0x7EE];
	_ =	sdelay $0x2  }
0xce: {  	[sflag:s4] =	ssyncset.done $0x0;
	s1 =	sshrl.u32 s1, $0x3  }
0xcf: {  	[sflag:s4] =	ssyncadd.s32 $0xFFFFFE00;
	[smem:$0x792] =	sst s1  }
0xd0: {  	[spmem:s1], [sflag:s15] =	dma.local [hbm:s0], $0x200  }
0xd1: {  	_ =	swait.ge [sflag:s4], $0x200  }
0xd2: {  	s1 =	sld [smem:$0x7EF];
	_ =	sdelay $0x2  }
0xd3: {  	[sflag:s4] =	ssyncset.done $0x0;
	s1 =	sshrl.u32 s1, $0x3  }
0xd4: {  	[sflag:s4] =	ssyncadd.s32 $0xFFFFFE00;
	[smem:$0x793] =	sst s1  }
0xd5: {  	[spmem:s1], [sflag:s15] =	dma.local [hbm:s0], $0x200  }
0xd6: {  	_ =	swait.ge [sflag:s4], $0x200  }
0xd7: {  	s1 =	sld [smem:$0x7F0];
	_ =	sdelay $0x2  }
0xd8: {  	[sflag:s4] =	ssyncset.done $0x0;
	s1 =	sshrl.u32 s1, $0x3  }
0xd9: {  	[sflag:s4] =	ssyncadd.s32 $0xFFFFFE00;
	[smem:$0x794] =	sst s1  }
0xda: {  	[spmem:s1], [sflag:s15] =	dma.local [hbm:s0], $0x200  }
0xdb: {  	_ =	swait.ge [sflag:s4], $0x200  }
0xdc: {  	s1 =	sld [smem:$0x7F1];
	_ =	sdelay $0x2  }
0xdd: {  	[sflag:s4] =	ssyncset.done $0x0;
	s1 =	sshrl.u32 s1, $0x3  }
0xde: {  	[sflag:s4] =	ssyncadd.s32 $0xFFFFFE00;
	[smem:$0x795] =	sst s1  }
0xdf: {  	[spmem:s1], [sflag:s15] =	dma.local [hbm:s0], $0x200  }
0xe0: {  	_ =	swait.ge [sflag:s4], $0x200  }
0xe1: {  	s1 =	sld [smem:$0x7F2];
	_ =	sdelay $0x2  }
0xe2: {  	[sflag:s4] =	ssyncset.done $0x0;
	s1 =	sshrl.u32 s1, $0x3  }
0xe3: {  	[sflag:s4] =	ssyncadd.s32 $0xFFFFFE00;
	[smem:$0x796] =	sst s1  }
0xe4: {  	[spmem:s1], [sflag:s15] =	dma.local [hbm:s0], $0x200  }
0xe5: {  	_ =	swait.ge [sflag:s4], $0x200  }
0xe6: {  	s1 =	sld [smem:$0x7F3];
	_ =	sdelay $0x2  }
0xe7: {  	[sflag:s4] =	ssyncset.done $0x0;
	s1 =	sshrl.u32 s1, $0x3  }
0xe8: {  	[sflag:s4] =	ssyncadd.s32 $0xFFFFFE00;
	[smem:$0x797] =	sst s1  }
0xe9: {  	[spmem:s1], [sflag:s15] =	dma.local [hbm:s0], $0x200  }
0xea: {  	_ =	swait.ge [sflag:s4], $0x200  }
0xeb: {  	s1 =	sld [smem:$0x7F4];
	_ =	sdelay $0x2  }
0xec: {  	[sflag:s4] =	ssyncset.done $0x0;
	s1 =	sshrl.u32 s1, $0x3  }
0xed: {  	[sflag:s4] =	ssyncadd.s32 $0xFFFFFE00;
	[smem:$0x798] =	sst s1  }
0xee: {  	[spmem:s1], [sflag:s15] =	dma.local [hbm:s0], $0x200  }
0xef: {  	_ =	swait.ge [sflag:s4], $0x200  }
0xf0: {  	s1 =	sld [smem:$0x7F5];
	_ =	sdelay $0x2  }
0xf1: {  	[sflag:s4] =	ssyncset.done $0x0;
	s1 =	sshrl.u32 s1, $0x3  }
0xf2: {  	[sflag:s4] =	ssyncadd.s32 $0xFFFFFE00;
	[smem:$0x799] =	sst s1  }
0xf3: {  	[spmem:s1], [sflag:s15] =	dma.local [hbm:s0], $0x200  }
0xf4: {  	_ =	swait.ge [sflag:s4], $0x200  }
0xf5: {  	s1 =	sld [smem:$0x7F6];
	_ =	sdelay $0x2  }
0xf6: {  	[sflag:s4] =	ssyncset.done $0x0;
	s1 =	sshrl.u32 s1, $0x3  }
0xf7: {  	[sflag:s4] =	ssyncadd.s32 $0xFFFFFE00;
	[smem:$0x79A] =	sst s1  }
0xf8: {  	[spmem:s1], [sflag:s15] =	dma.local [hbm:s0], $0x200  }
0xf9: {  	_ =	swait.ge [sflag:s4], $0x200  }
0xfa: {  	s1 =	sld [smem:$0x7F7];
	_ =	sdelay $0x2  }
0xfb: {  	[sflag:s4] =	ssyncset.done $0x0;
	s1 =	sshrl.u32 s1, $0x3  }
0xfc: {  	[sflag:s4] =	ssyncadd.s32 $0xFFFFFE00;
	[smem:$0x79B] =	sst s1  }
0xfd: {  	[spmem:s1], [sflag:s15] =	dma.local [hbm:s0], $0x200  }
0xfe: {  	_ =	swait.ge [sflag:s4], $0x200  }
0xff: {  	s1 =	sld [smem:$0x7F8];
	_ =	sdelay $0x2  }
0x100: {  	[sflag:s4] =	ssyncset.done $0x0;
	s1 =	sshrl.u32 s1, $0x3  }
0x101: {  	[sflag:s4] =	ssyncadd.s32 $0xFFFFFE00;
	[smem:$0x79C] =	sst s1  }
0x102: {  	[spmem:s1], [sflag:s15] =	dma.local [hbm:s0], $0x200  }
0x103: {  	_ =	swait.ge [sflag:s4], $0x200  }
0x104: {  	s1 =	sld [smem:$0x7F9];
	_ =	sdelay $0x2  }
0x105: {  	[sflag:s4] =	ssyncset.done $0x0;
	s1 =	sshrl.u32 s1, $0x3  }
0x106: {  	[sflag:s4] =	ssyncadd.s32 $0xFFFFFE00;
	[smem:$0x79D] =	sst s1  }
0x107: {  	[spmem:s1], [sflag:s15] =	dma.local [hbm:s0], $0x200  }
0x108: {  	_ =	swait.ge [sflag:s4], $0x200  }
0x109: {  	s1 =	sld [smem:$0x7FA];
	_ =	sdelay $0x2  }
0x10a: {  	[sflag:s4] =	ssyncset.done $0x0;
	s1 =	sshrl.u32 s1, $0x3  }
0x10b: {  	[sflag:s4] =	ssyncadd.s32 $0xFFFFFE00;
	[smem:$0x79E] =	sst s1  }
0x10c: {  	[spmem:s1], [sflag:s15] =	dma.local [hbm:s0], $0x200  }
0x10d: {  	_ =	swait.ge [sflag:s4], $0x200  }
0x10e: {  	[sflag:s4] =	ssyncset.done $0x0  }
0x10f: {  	[sflag:s4] =	ssyncadd.s32 $0xFFFFFE00  }
0x110: {  	[bflag:$0x0] =	sbarrier.arrive $0xFFFF  }
0x111: {  	s15 =	rddreg [dreg:$0x4]  }
0x112: {  	s29 =	rddreg [dreg:$0x3];
	s1 =	sadd.s32 $0x0, s15  }
0x113: {  	[tilespmem:s3], [sflag:$0x1] =	stream.linear.gather [hbm4b:s1+s3], $0x1400, $0x38;
	[tilespmem:$0x1F800] =	vst v63  }
0x114: {  	s0 =	sadd.s32 $0x0, s29  }
0x115: {  	[tilespmem:s5], [sflag:$0x2] =	stream.linear.gather [hbm4b:s0+s3], $0x1400, $0x38;
	[tilespmem:$0x1F800] =	vst v63  }
0x116: {  	_ =	swait.ge [sflag:s6], $0x1400  }
0x117: {  	[sflag:s6] =	ssyncset.done $0x0  }
0x118: {  	[sflag:s6] =	ssyncadd.s32 $0xFFFFEC00  }
0x119: {  	[tilespmem:s8], [sflag:$0x3] =	stream.indirect.gather [hbm4b:s30+s7], $0x20, s3, s7, $0xb8;
	[tilespmem:$0x1F800] =	vst v63  }
0x11a: {  	_ = 	snop  }
0x11b: {  	[tilespmem:s9], [sflag:$0x4] =	stream.indirect.gather [hbm4b:s30+s7], $0x20, s7, s7, $0xb8;
	[tilespmem:$0x1F800] =	vst v63  }
0x11c: {  	_ =	swait.ge [sflag:s10], $0x1400  }
0x11d: {  	[sflag:s10] =	ssyncset.done $0x0  }
0x11e: {  	s15 =	rddreg [dreg:$0x5];
	[sflag:s10] =	ssyncadd.s32 $0xFFFFEC00  }
0x11f: {  	[tilespmem:s11], [sflag:$0x5] =	stream.indirect.gather [hbm4b:s30+s7], $0x20, s15, s7, $0xb8;
	[tilespmem:$0x1F800] =	vst v63  }
0x120: {  	_ =	swait.ge [sflag:s12], $0x1000  }
0x121: {  	[sflag:s12] =	ssyncset.done $0x0  }
0x122: {  	[sflag:s12] =	ssyncadd.s32 $0xFFFFF000  }
0x123: {  	[spmem:s2] =	stream.indirect.scatter.add.f32 [tilespmem:s8], [sflag:$0x6], $0x20, s5, s7, $0xb8;
	[tilespmem:$0x1F800] =	vst v63  }
0x124: {  	_ =	swait.ge [sflag:s4], $0x1000  }
0x125: {  	[sflag:s4] =	ssyncset.done $0x0  }
0x126: {  	s0 =	rddreg [dreg:$0x6];
	[sflag:s4] =	ssyncadd.s32 $0xFFFFF000  }
0x127: {  	[tilespmem:s8], [sflag:$0x3] =	stream.indirect.gather [hbm4b:s30+s7], $0x20, s0, s7, $0xb8;
	[tilespmem:$0x1F800] =	vst v63  }
0x128: {  	_ =	swait.ge [sflag:s13], $0x1000  }
0x129: {  	[sflag:s13] =	ssyncset.done $0x0  }
0x12a: {  	s15 =	rddreg [dreg:$0x7];
	[sflag:s13] =	ssyncadd.s32 $0xFFFFF000  }
0x12b: {  	[spmem:s2] =	stream.indirect.scatter.add.f32 [tilespmem:s9], [sflag:$0x6], $0x20, s15, s7, $0xb8;
	[tilespmem:$0x1F800] =	vst v63  }
0x12c: {  	_ =	swait.ge [sflag:s4], $0x1000  }
0x12d: {  	[sflag:s4] =	ssyncset.done $0x0  }
0x12e: {  	s0 =	rddreg [dreg:$0x8];
	[sflag:s4] =	ssyncadd.s32 $0xFFFFF000  }
0x12f: {  	[tilespmem:s9], [sflag:$0x4] =	stream.indirect.gather [hbm4b:s30+s7], $0x20, s0, s7, $0xb8;
	[tilespmem:$0x1F800] =	vst v63  }
0x130: {  	_ =	swait.ge [sflag:s14], $0x1000  }
0x131: {  	[sflag:s14] =	ssyncset.done $0x0  }
0x132: {  	s15 =	rddreg [dreg:$0x9];
	[sflag:s14] =	ssyncadd.s32 $0xFFFFF000  }
0x133: {  	[spmem:s2] =	stream.indirect.scatter.add.f32 [tilespmem:s11], [sflag:$0x6], $0x20, s15, s7, $0xb8;
	[tilespmem:$0x1F800] =	vst v63  }
0x134: {  	_ =	swait.ge [sflag:s4], $0x1000  }
0x135: {  	[sflag:s4] =	ssyncset.done $0x0  }
0x136: {  	s0 =	rddreg [dreg:$0xa];
	[sflag:s4] =	ssyncadd.s32 $0xFFFFF000  }
0x137: {  	[tilespmem:s11], [sflag:$0x5] =	stream.indirect.gather [hbm4b:s30+s7], $0x20, s0, s7, $0xb8;
	[tilespmem:$0x1F800] =	vst v63  }
0x138: {  	_ =	swait.ge [sflag:s12], $0x1000  }
0x139: {  	[sflag:s12] =	ssyncset.done $0x0  }
0x13a: {  	s15 =	rddreg [dreg:$0xb];
	[sflag:s12] =	ssyncadd.s32 $0xFFFFF000  }
0x13b: {  	[spmem:s2] =	stream.indirect.scatter.add.f32 [tilespmem:s8], [sflag:$0x6], $0x20, s15, s7, $0xb8;
	[tilespmem:$0x1F800] =	vst v63  }
0x13c: {  	_ =	swait.ge [sflag:s4], $0x1000  }
0x13d: {  	[sflag:s4] =	ssyncset.done $0x0  }
0x13e: {  	s0 =	rddreg [dreg:$0xc];
	[sflag:s4] =	ssyncadd.s32 $0xFFFFF000  }
0x13f: {  	[tilespmem:s8], [sflag:$0x3] =	stream.indirect.gather [hbm4b:s30+s7], $0x20, s0, s7, $0xb8;
	[tilespmem:$0x1F800] =	vst v63  }
0x140: {  	_ =	swait.ge [sflag:s13], $0x1000  }
0x141: {  	[sflag:s13] =	ssyncset.done $0x0  }
0x142: {  	s15 =	rddreg [dreg:$0xd];
	[sflag:s13] =	ssyncadd.s32 $0xFFFFF000  }
0x143: {  	[spmem:s2] =	stream.indirect.scatter.add.f32 [tilespmem:s9], [sflag:$0x6], $0x20, s15, s7, $0xb8;
	[tilespmem:$0x1F800] =	vst v63  }
0x144: {  	_ =	swait.ge [sflag:s4], $0x1000  }
0x145: {  	[sflag:s4] =	ssyncset.done $0x0  }
0x146: {  	s0 =	rddreg [dreg:$0xe];
	[sflag:s4] =	ssyncadd.s32 $0xFFFFF000  }
0x147: {  	[tilespmem:s9], [sflag:$0x4] =	stream.indirect.gather [hbm4b:s30+s7], $0x20, s0, s7, $0xb8;
	[tilespmem:$0x1F800] =	vst v63  }
0x148: {  	_ =	swait.ge [sflag:s14], $0x1000  }
0x149: {  	[sflag:s14] =	ssyncset.done $0x0  }
0x14a: {  	s15 =	rddreg [dreg:$0xf];
	[sflag:s14] =	ssyncadd.s32 $0xFFFFF000  }
0x14b: {  	[spmem:s2] =	stream.indirect.scatter.add.f32 [tilespmem:s11], [sflag:$0x6], $0x20, s15, s7, $0xb8;
	[tilespmem:$0x1F800] =	vst v63  }
0x14c: {  	_ =	swait.ge [sflag:s4], $0x1000  }
0x14d: {  	[sflag:s4] =	ssyncset.done $0x0  }
0x14e: {  	s0 =	rddreg [dreg:$0x10];
	[sflag:s4] =	ssyncadd.s32 $0xFFFFF000  }
0x14f: {  	[tilespmem:s11], [sflag:$0x5] =	stream.indirect.gather [hbm4b:s30+s7], $0x20, s0, s7, $0xb8;
	[tilespmem:$0x1F800] =	vst v63  }
0x150: {  	_ =	swait.ge [sflag:s12], $0x1000  }
0x151: {  	[sflag:s12] =	ssyncset.done $0x0  }
0x152: {  	s15 =	rddreg [dreg:$0x11];
	[sflag:s12] =	ssyncadd.s32 $0xFFFFF000  }
0x153: {  	[spmem:s2] =	stream.indirect.scatter.add.f32 [tilespmem:s8], [sflag:$0x6], $0x20, s15, s7, $0xb8;
	[tilespmem:$0x1F800] =	vst v63  }
0x154: {  	_ =	swait.ge [sflag:s4], $0x1000  }
0x155: {  	[sflag:s4] =	ssyncset.done $0x0  }
0x156: {  	s0 =	rddreg [dreg:$0x12];
	[sflag:s4] =	ssyncadd.s32 $0xFFFFF000  }
0x157: {  	[tilespmem:s8], [sflag:$0x3] =	stream.indirect.gather [hbm4b:s30+s7], $0x20, s0, s7, $0xb8;
	[tilespmem:$0x1F800] =	vst v63  }
0x158: {  	_ =	swait.ge [sflag:s13], $0x1000  }
0x159: {  	[sflag:s13] =	ssyncset.done $0x0  }
0x15a: {  	s15 =	rddreg [dreg:$0x13];
	[sflag:s13] =	ssyncadd.s32 $0xFFFFF000  }
0x15b: {  	[spmem:s2] =	stream.indirect.scatter.add.f32 [tilespmem:s9], [sflag:$0x6], $0x20, s15, s7, $0xb8;
	[tilespmem:$0x1F800] =	vst v63  }
0x15c: {  	_ =	swait.ge [sflag:s4], $0x1000  }
0x15d: {  	[sflag:s4] =	ssyncset.done $0x0  }
0x15e: {  	s0 =	rddreg [dreg:$0x14];
	[sflag:s4] =	ssyncadd.s32 $0xFFFFF000  }
0x15f: {  	[tilespmem:s9], [sflag:$0x4] =	stream.indirect.gather [hbm4b:s30+s7], $0x20, s0, s7, $0xb8;
	[tilespmem:$0x1F800] =	vst v63  }
0x160: {  	_ =	swait.ge [sflag:s14], $0x1000  }
0x161: {  	[sflag:s14] =	ssyncset.done $0x0  }
0x162: {  	s15 =	rddreg [dreg:$0x15];
	[sflag:s14] =	ssyncadd.s32 $0xFFFFF000  }
0x163: {  	[spmem:s2] =	stream.indirect.scatter.add.f32 [tilespmem:s11], [sflag:$0x6], $0x20, s15, s7, $0xb8;
	[tilespmem:$0x1F800] =	vst v63  }
0x164: {  	_ =	swait.ge [sflag:s4], $0x1000  }
0x165: {  	[sflag:s4] =	ssyncset.done $0x0  }
0x166: {  	s0 =	rddreg [dreg:$0x16];
	[sflag:s4] =	ssyncadd.s32 $0xFFFFF000  }
0x167: {  	[tilespmem:s11], [sflag:$0x5] =	stream.indirect.gather [hbm4b:s30+s7], $0x20, s0, s7, $0xb8;
	[tilespmem:$0x1F800] =	vst v63  }
0x168: {  	_ =	swait.ge [sflag:s12], $0x1000  }
0x169: {  	[sflag:s12] =	ssyncset.done $0x0  }
0x16a: {  	s15 =	rddreg [dreg:$0x17];
	[sflag:s12] =	ssyncadd.s32 $0xFFFFF000  }
0x16b: {  	[spmem:s2] =	stream.indirect.scatter.add.f32 [tilespmem:s8], [sflag:$0x6], $0x20, s15, s7, $0xb8;
	[tilespmem:$0x1F800] =	vst v63  }
0x16c: {  	_ =	swait.ge [sflag:s4], $0x1000  }
0x16d: {  	[sflag:s4] =	ssyncset.done $0x0  }
0x16e: {  	s0 =	rddreg [dreg:$0x18];
	[sflag:s4] =	ssyncadd.s32 $0xFFFFF000  }
0x16f: {  	[tilespmem:s8], [sflag:$0x3] =	stream.indirect.gather [hbm4b:s30+s7], $0x20, s0, s7, $0xb8;
	[tilespmem:$0x1F800] =	vst v63  }
0x170: {  	_ =	swait.ge [sflag:s13], $0x1000  }
0x171: {  	[sflag:s13] =	ssyncset.done $0x0  }
0x172: {  	s15 =	rddreg [dreg:$0x19];
	[sflag:s13] =	ssyncadd.s32 $0xFFFFF000  }
0x173: {  	[spmem:s2] =	stream.indirect.scatter.add.f32 [tilespmem:s9], [sflag:$0x6], $0x20, s15, s7, $0xb8;
	[tilespmem:$0x1F800] =	vst v63  }
0x174: {  	_ =	swait.ge [sflag:s4], $0x1000  }
0x175: {  	[sflag:s4] =	ssyncset.done $0x0  }
0x176: {  	s0 =	rddreg [dreg:$0x1a];
	[sflag:s4] =	ssyncadd.s32 $0xFFFFF000  }
0x177: {  	[tilespmem:s9], [sflag:$0x4] =	stream.indirect.gather [hbm4b:s30+s7], $0x20, s0, s7, $0xb8;
	[tilespmem:$0x1F800] =	vst v63  }
0x178: {  	_ =	swait.ge [sflag:s14], $0x1000  }
0x179: {  	[sflag:s14] =	ssyncset.done $0x0  }
0x17a: {  	s15 =	rddreg [dreg:$0x1b];
	[sflag:s14] =	ssyncadd.s32 $0xFFFFF000  }
0x17b: {  	[spmem:s2] =	stream.indirect.scatter.add.f32 [tilespmem:s11], [sflag:$0x6], $0x20, s15, s7, $0xb8;
	[tilespmem:$0x1F800] =	vst v63  }
0x17c: {  	_ =	swait.ge [sflag:s4], $0x1000  }
0x17d: {  	[sflag:s4] =	ssyncset.done $0x0  }
0x17e: {  	s0 =	rddreg [dreg:$0x1c];
	[sflag:s4] =	ssyncadd.s32 $0xFFFFF000  }
0x17f: {  	[tilespmem:s11], [sflag:$0x5] =	stream.indirect.gather [hbm4b:s30+s7], $0x20, s0, s7, $0xb8;
	[tilespmem:$0x1F800] =	vst v63  }
0x180: {  	_ =	swait.ge [sflag:s12], $0x1000  }
0x181: {  	[sflag:s12] =	ssyncset.done $0x0  }
0x182: {  	s15 =	rddreg [dreg:$0x1d];
	[sflag:s12] =	ssyncadd.s32 $0xFFFFF000  }
0x183: {  	[spmem:s2] =	stream.indirect.scatter.add.f32 [tilespmem:s8], [sflag:$0x6], $0x20, s15, s7, $0xb8;
	[tilespmem:$0x1F800] =	vst v63  }
0x184: {  	_ =	swait.ge [sflag:s4], $0x1000  }
0x185: {  	[sflag:s4] =	ssyncset.done $0x0  }
0x186: {  	s0 =	rddreg [dreg:$0x1e];
	[sflag:s4] =	ssyncadd.s32 $0xFFFFF000  }
0x187: {  	[tilespmem:s8], [sflag:$0x3] =	stream.indirect.gather [hbm4b:s30+s7], $0x20, s0, s7, $0xb8;
	[tilespmem:$0x1F800] =	vst v63  }
0x188: {  	_ =	swait.ge [sflag:s13], $0x1000  }
0x189: {  	[sflag:s13] =	ssyncset.done $0x0  }
0x18a: {  	s15 =	rddreg [dreg:$0x1f];
	[sflag:s13] =	ssyncadd.s32 $0xFFFFF000  }
0x18b: {  	[spmem:s2] =	stream.indirect.scatter.add.f32 [tilespmem:s9], [sflag:$0x6], $0x20, s15, s7, $0xb8;
	[tilespmem:$0x1F800] =	vst v63  }
0x18c: {  	_ =	swait.ge [sflag:s4], $0x1000  }
0x18d: {  	s0 =	sld [smem:$0x79F]  }
0x18e: {  	[sflag:s4] =	ssyncset.done $0x0  }
0x18f: {  	[sflag:s4] =	ssyncadd.s32 $0xFFFFF000  }
0x190: {  	[tilespmem:s9], [sflag:$0x4] =	stream.indirect.gather [hbm4b:s30+s7], $0x20, s0, s7, $0xb8;
	[tilespmem:$0x1F800] =	vst v63  }
0x191: {  	_ =	swait.ge [sflag:s14], $0x1000  }
0x192: {  	s15 =	sld [smem:$0x7A0]  }
0x193: {  	[sflag:s14] =	ssyncset.done $0x0  }
0x194: {  	[sflag:s14] =	ssyncadd.s32 $0xFFFFF000  }
0x195: {  	[spmem:s2] =	stream.indirect.scatter.add.f32 [tilespmem:s11], [sflag:$0x6], $0x20, s15, s7, $0xb8;
	[tilespmem:$0x1F800] =	vst v63  }
0x196: {  	_ =	swait.ge [sflag:s4], $0x1000  }
0x197: {  	s0 =	sld [smem:$0x7A1]  }
0x198: {  	[sflag:s4] =	ssyncset.done $0x0  }
0x199: {  	[sflag:s4] =	ssyncadd.s32 $0xFFFFF000  }
0x19a: {  	[tilespmem:s11], [sflag:$0x5] =	stream.indirect.gather [hbm4b:s30+s7], $0x20, s0, s7, $0xb8;
	[tilespmem:$0x1F800] =	vst v63  }
0x19b: {  	_ =	swait.ge [sflag:s12], $0x1000  }
0x19c: {  	s15 =	sld [smem:$0x7A2]  }
0x19d: {  	[sflag:s12] =	ssyncset.done $0x0  }
0x19e: {  	[sflag:s12] =	ssyncadd.s32 $0xFFFFF000  }
0x19f: {  	[spmem:s2] =	stream.indirect.scatter.add.f32 [tilespmem:s8], [sflag:$0x6], $0x20, s15, s7, $0xb8;
	[tilespmem:$0x1F800] =	vst v63  }
0x1a0: {  	_ =	swait.ge [sflag:s4], $0x1000  }
0x1a1: {  	s0 =	sld [smem:$0x7A3]  }
0x1a2: {  	[sflag:s4] =	ssyncset.done $0x0  }
0x1a3: {  	[sflag:s4] =	ssyncadd.s32 $0xFFFFF000  }
0x1a4: {  	[tilespmem:s8], [sflag:$0x3] =	stream.indirect.gather [hbm4b:s30+s7], $0x20, s0, s7, $0xb8;
	[tilespmem:$0x1F800] =	vst v63  }
0x1a5: {  	_ =	swait.ge [sflag:s13], $0x1000  }
0x1a6: {  	s15 =	sld [smem:$0x7A4]  }
0x1a7: {  	[sflag:s13] =	ssyncset.done $0x0  }
0x1a8: {  	[sflag:s13] =	ssyncadd.s32 $0xFFFFF000  }
0x1a9: {  	[spmem:s2] =	stream.indirect.scatter.add.f32 [tilespmem:s9], [sflag:$0x6], $0x20, s15, s7, $0xb8;
	[tilespmem:$0x1F800] =	vst v63  }
0x1aa: {  	_ =	swait.ge [sflag:s4], $0x1000  }
0x1ab: {  	s0 =	sld [smem:$0x7A5]  }
0x1ac: {  	[sflag:s4] =	ssyncset.done $0x0  }
0x1ad: {  	[sflag:s4] =	ssyncadd.s32 $0xFFFFF000  }
0x1ae: {  	[tilespmem:s9], [sflag:$0x4] =	stream.indirect.gather [hbm4b:s30+s7], $0x20, s0, s7, $0xb8;
	[tilespmem:$0x1F800] =	vst v63  }
0x1af: {  	_ =	swait.ge [sflag:s14], $0x1000  }
0x1b0: {  	s15 =	sld [smem:$0x7A6]  }
0x1b1: {  	[sflag:s14] =	ssyncset.done $0x0  }
0x1b2: {  	[sflag:s14] =	ssyncadd.s32 $0xFFFFF000  }
0x1b3: {  	[spmem:s2] =	stream.indirect.scatter.add.f32 [tilespmem:s11], [sflag:$0x6], $0x20, s15, s7, $0xb8;
	[tilespmem:$0x1F800] =	vst v63  }
0x1b4: {  	_ =	swait.ge [sflag:s4], $0x1000  }
0x1b5: {  	s0 =	sld [smem:$0x7A7]  }
0x1b6: {  	[sflag:s4] =	ssyncset.done $0x0  }
0x1b7: {  	[sflag:s4] =	ssyncadd.s32 $0xFFFFF000  }
0x1b8: {  	[tilespmem:s11], [sflag:$0x5] =	stream.indirect.gather [hbm4b:s30+s7], $0x20, s0, s7, $0xb8;
	[tilespmem:$0x1F800] =	vst v63  }
0x1b9: {  	_ =	swait.ge [sflag:s12], $0x1000  }
0x1ba: {  	s15 =	sld [smem:$0x7A8]  }
0x1bb: {  	[sflag:s12] =	ssyncset.done $0x0  }
0x1bc: {  	[sflag:s12] =	ssyncadd.s32 $0xFFFFF000  }
0x1bd: {  	[spmem:s2] =	stream.indirect.scatter.add.f32 [tilespmem:s8], [sflag:$0x6], $0x20, s15, s7, $0xb8;
	[tilespmem:$0x1F800] =	vst v63  }
0x1be: {  	_ =	swait.ge [sflag:s4], $0x1000  }
0x1bf: {  	s0 =	sld [smem:$0x7A9]  }
0x1c0: {  	[sflag:s4] =	ssyncset.done $0x0  }
0x1c1: {  	[sflag:s4] =	ssyncadd.s32 $0xFFFFF000  }
0x1c2: {  	[tilespmem:s8], [sflag:$0x3] =	stream.indirect.gather [hbm4b:s30+s7], $0x20, s0, s7, $0xb8;
	[tilespmem:$0x1F800] =	vst v63  }
0x1c3: {  	_ =	swait.ge [sflag:s13], $0x1000  }
0x1c4: {  	s15 =	sld [smem:$0x7AA]  }
0x1c5: {  	[sflag:s13] =	ssyncset.done $0x0  }
0x1c6: {  	[sflag:s13] =	ssyncadd.s32 $0xFFFFF000  }
0x1c7: {  	[spmem:s2] =	stream.indirect.scatter.add.f32 [tilespmem:s9], [sflag:$0x6], $0x20, s15, s7, $0xb8;
	[tilespmem:$0x1F800] =	vst v63  }
0x1c8: {  	_ =	swait.ge [sflag:s4], $0x1000  }
0x1c9: {  	s0 =	sld [smem:$0x7AB]  }
0x1ca: {  	[sflag:s4] =	ssyncset.done $0x0  }
0x1cb: {  	[sflag:s4] =	ssyncadd.s32 $0xFFFFF000  }
0x1cc: {  	[tilespmem:s9], [sflag:$0x4] =	stream.indirect.gather [hbm4b:s30+s7], $0x20, s0, s7, $0xb8;
	[tilespmem:$0x1F800] =	vst v63  }
0x1cd: {  	_ =	swait.ge [sflag:s14], $0x1000  }
0x1ce: {  	s15 =	sld [smem:$0x7AC]  }
0x1cf: {  	[sflag:s14] =	ssyncset.done $0x0  }
0x1d0: {  	[sflag:s14] =	ssyncadd.s32 $0xFFFFF000  }
0x1d1: {  	[spmem:s2] =	stream.indirect.scatter.add.f32 [tilespmem:s11], [sflag:$0x6], $0x20, s15, s7, $0xb8;
	[tilespmem:$0x1F800] =	vst v63  }
0x1d2: {  	_ =	swait.ge [sflag:s4], $0x1000  }
0x1d3: {  	s0 =	sld [smem:$0x7AD]  }
0x1d4: {  	[sflag:s4] =	ssyncset.done $0x0  }
0x1d5: {  	[sflag:s4] =	ssyncadd.s32 $0xFFFFF000  }
0x1d6: {  	[tilespmem:s11], [sflag:$0x5] =	stream.indirect.gather [hbm4b:s30+s7], $0x20, s0, s7, $0xb8;
	[tilespmem:$0x1F800] =	vst v63  }
0x1d7: {  	_ =	swait.ge [sflag:s12], $0x1000  }
0x1d8: {  	s15 =	sld [smem:$0x7AE]  }
0x1d9: {  	[sflag:s12] =	ssyncset.done $0x0  }
0x1da: {  	[sflag:s12] =	ssyncadd.s32 $0xFFFFF000  }
0x1db: {  	[spmem:s2] =	stream.indirect.scatter.add.f32 [tilespmem:s8], [sflag:$0x6], $0x20, s15, s7, $0xb8;
	[tilespmem:$0x1F800] =	vst v63  }
0x1dc: {  	_ =	swait.ge [sflag:s4], $0x1000  }
0x1dd: {  	s0 =	sld [smem:$0x7AF]  }
0x1de: {  	[sflag:s4] =	ssyncset.done $0x0  }
0x1df: {  	[sflag:s4] =	ssyncadd.s32 $0xFFFFF000  }
0x1e0: {  	[tilespmem:s8], [sflag:$0x3] =	stream.indirect.gather [hbm4b:s30+s7], $0x20, s0, s7, $0xb8;
	[tilespmem:$0x1F800] =	vst v63  }
0x1e1: {  	_ =	swait.ge [sflag:s13], $0x1000  }
0x1e2: {  	s15 =	sld [smem:$0x7B0]  }
0x1e3: {  	[sflag:s13] =	ssyncset.done $0x0  }
0x1e4: {  	[sflag:s13] =	ssyncadd.s32 $0xFFFFF000  }
0x1e5: {  	[spmem:s2] =	stream.indirect.scatter.add.f32 [tilespmem:s9], [sflag:$0x6], $0x20, s15, s7, $0xb8;
	[tilespmem:$0x1F800] =	vst v63  }
0x1e6: {  	_ =	swait.ge [sflag:s4], $0x1000  }
0x1e7: {  	s0 =	sld [smem:$0x7B1]  }
0x1e8: {  	[sflag:s4] =	ssyncset.done $0x0  }
0x1e9: {  	[sflag:s4] =	ssyncadd.s32 $0xFFFFF000  }
0x1ea: {  	[tilespmem:s9], [sflag:$0x4] =	stream.indirect.gather [hbm4b:s30+s7], $0x20, s0, s7, $0xb8;
	[tilespmem:$0x1F800] =	vst v63  }
0x1eb: {  	_ =	swait.ge [sflag:s14], $0x1000  }
0x1ec: {  	s15 =	sld [smem:$0x7B2]  }
0x1ed: {  	[sflag:s14] =	ssyncset.done $0x0  }
0x1ee: {  	[sflag:s14] =	ssyncadd.s32 $0xFFFFF000  }
0x1ef: {  	[spmem:s2] =	stream.indirect.scatter.add.f32 [tilespmem:s11], [sflag:$0x6], $0x20, s15, s7, $0xb8;
	[tilespmem:$0x1F800] =	vst v63  }
0x1f0: {  	_ =	swait.ge [sflag:s4], $0x1000  }
0x1f1: {  	s0 =	sld [smem:$0x7B4]  }
0x1f2: {  	[sflag:s4] =	ssyncset.done $0x0  }
0x1f3: {  	[sflag:s4] =	ssyncadd.s32 $0xFFFFF000  }
0x1f4: {  	[tilespmem:s11], [sflag:$0x5] =	stream.indirect.gather [hbm4b:s30+s7], $0x20, s0, s7, $0xb8;
	[tilespmem:$0x1F800] =	vst v63  }
0x1f5: {  	_ =	swait.ge [sflag:s12], $0x1000  }
0x1f6: {  	s15 =	sld [smem:$0x7B5]  }
0x1f7: {  	[sflag:s12] =	ssyncset.done $0x0  }
0x1f8: {  	[sflag:s12] =	ssyncadd.s32 $0xFFFFF000  }
0x1f9: {  	[spmem:s2] =	stream.indirect.scatter.add.f32 [tilespmem:s8], [sflag:$0x6], $0x20, s15, s7, $0xb8;
	[tilespmem:$0x1F800] =	vst v63  }
0x1fa: {  	_ =	swait.ge [sflag:s4], $0x1000  }
0x1fb: {  	s0 =	sld [smem:$0x7B6]  }
0x1fc: {  	[sflag:s4] =	ssyncset.done $0x0  }
0x1fd: {  	[sflag:s4] =	ssyncadd.s32 $0xFFFFF000  }
0x1fe: {  	[tilespmem:s8], [sflag:$0x3] =	stream.indirect.gather [hbm4b:s30+s7], $0x20, s0, s7, $0xb8;
	[tilespmem:$0x1F800] =	vst v63  }
0x1ff: {  	_ =	swait.ge [sflag:s13], $0x1000  }
0x200: {  	s15 =	sld [smem:$0x7B8]  }
0x201: {  	[sflag:s13] =	ssyncset.done $0x0  }
0x202: {  	[sflag:s13] =	ssyncadd.s32 $0xFFFFF000  }
0x203: {  	[spmem:s2] =	stream.indirect.scatter.add.f32 [tilespmem:s9], [sflag:$0x6], $0x20, s15, s7, $0xb8;
	[tilespmem:$0x1F800] =	vst v63  }
0x204: {  	_ =	swait.ge [sflag:s4], $0x1000  }
0x205: {  	s0 =	sld [smem:$0x7B9]  }
0x206: {  	[sflag:s4] =	ssyncset.done $0x0  }
0x207: {  	[sflag:s4] =	ssyncadd.s32 $0xFFFFF000  }
0x208: {  	[tilespmem:s9], [sflag:$0x4] =	stream.indirect.gather [hbm4b:s30+s7], $0x20, s0, s7, $0xb8;
	[tilespmem:$0x1F800] =	vst v63  }
0x209: {  	_ =	swait.ge [sflag:s14], $0x1000  }
0x20a: {  	s15 =	sld [smem:$0x7BA]  }
0x20b: {  	[sflag:s14] =	ssyncset.done $0x0  }
0x20c: {  	[sflag:s14] =	ssyncadd.s32 $0xFFFFF000  }
0x20d: {  	[spmem:s2] =	stream.indirect.scatter.add.f32 [tilespmem:s11], [sflag:$0x6], $0x20, s15, s7, $0xb8;
	[tilespmem:$0x1F800] =	vst v63  }
0x20e: {  	_ =	swait.ge [sflag:s4], $0x1000  }
0x20f: {  	s0 =	sld [smem:$0x7BC]  }
0x210: {  	[sflag:s4] =	ssyncset.done $0x0  }
0x211: {  	[sflag:s4] =	ssyncadd.s32 $0xFFFFF000  }
0x212: {  	[tilespmem:s11], [sflag:$0x5] =	stream.indirect.gather [hbm4b:s30+s7], $0x20, s0, s7, $0xb8;
	[tilespmem:$0x1F800] =	vst v63  }
0x213: {  	_ =	swait.ge [sflag:s12], $0x1000  }
0x214: {  	s15 =	sld [smem:$0x7BD]  }
0x215: {  	[sflag:s12] =	ssyncset.done $0x0  }
0x216: {  	[sflag:s12] =	ssyncadd.s32 $0xFFFFF000  }
0x217: {  	[spmem:s2] =	stream.indirect.scatter.add.f32 [tilespmem:s8], [sflag:$0x6], $0x20, s15, s7, $0xb8;
	[tilespmem:$0x1F800] =	vst v63  }
0x218: {  	_ =	swait.ge [sflag:s4], $0x1000  }
0x219: {  	s0 =	sld [smem:$0x7BE]  }
0x21a: {  	[sflag:s4] =	ssyncset.done $0x0  }
0x21b: {  	[sflag:s4] =	ssyncadd.s32 $0xFFFFF000  }
0x21c: {  	[tilespmem:s8], [sflag:$0x3] =	stream.indirect.gather [hbm4b:s30+s7], $0x20, s0, s7, $0xb8;
	[tilespmem:$0x1F800] =	vst v63  }
0x21d: {  	_ =	swait.ge [sflag:s13], $0x1000  }
0x21e: {  	s15 =	sld [smem:$0x7C0]  }
0x21f: {  	[sflag:s13] =	ssyncset.done $0x0  }
0x220: {  	[sflag:s13] =	ssyncadd.s32 $0xFFFFF000  }
0x221: {  	[spmem:s2] =	stream.indirect.scatter.add.f32 [tilespmem:s9], [sflag:$0x6], $0x20, s15, s7, $0xb8;
	[tilespmem:$0x1F800] =	vst v63  }
0x222: {  	_ =	swait.ge [sflag:s4], $0x1000  }
0x223: {  	s0 =	sld [smem:$0x7C1]  }
0x224: {  	[sflag:s4] =	ssyncset.done $0x0  }
0x225: {  	[sflag:s4] =	ssyncadd.s32 $0xFFFFF000  }
0x226: {  	[tilespmem:s9], [sflag:$0x4] =	stream.indirect.gather [hbm4b:s30+s7], $0x20, s0, s7, $0xb8;
	[tilespmem:$0x1F800] =	vst v63  }
0x227: {  	_ =	swait.ge [sflag:s14], $0x1000  }
0x228: {  	s15 =	sld [smem:$0x7C2]  }
0x229: {  	[sflag:s14] =	ssyncset.done $0x0  }
0x22a: {  	[sflag:s14] =	ssyncadd.s32 $0xFFFFF000  }
0x22b: {  	[spmem:s2] =	stream.indirect.scatter.add.f32 [tilespmem:s11], [sflag:$0x6], $0x20, s15, s7, $0xb8;
	[tilespmem:$0x1F800] =	vst v63  }
0x22c: {  	_ =	swait.ge [sflag:s4], $0x1000  }
0x22d: {  	s0 =	sld [smem:$0x7C4]  }
0x22e: {  	[sflag:s4] =	ssyncset.done $0x0  }
0x22f: {  	[sflag:s4] =	ssyncadd.s32 $0xFFFFF000  }
0x230: {  	[tilespmem:s11], [sflag:$0x5] =	stream.indirect.gather [hbm4b:s30+s7], $0x20, s0, s7, $0xb8;
	[tilespmem:$0x1F800] =	vst v63  }
0x231: {  	_ =	swait.ge [sflag:s12], $0x1000  }
0x232: {  	s15 =	sld [smem:$0x7C5]  }
0x233: {  	[sflag:s12] =	ssyncset.done $0x0  }
0x234: {  	[sflag:s12] =	ssyncadd.s32 $0xFFFFF000  }
0x235: {  	[spmem:s2] =	stream.indirect.scatter.add.f32 [tilespmem:s8], [sflag:$0x6], $0x20, s15, s7, $0xb8;
	[tilespmem:$0x1F800] =	vst v63  }
0x236: {  	_ =	swait.ge [sflag:s4], $0x1000  }
0x237: {  	s0 =	sld [smem:$0x7C6]  }
0x238: {  	[sflag:s4] =	ssyncset.done $0x0  }
0x239: {  	[sflag:s4] =	ssyncadd.s32 $0xFFFFF000  }
0x23a: {  	[tilespmem:s8], [sflag:$0x3] =	stream.indirect.gather [hbm4b:s30+s7], $0x20, s0, s7, $0xb8;
	[tilespmem:$0x1F800] =	vst v63  }
0x23b: {  	_ =	swait.ge [sflag:s13], $0x1000  }
0x23c: {  	s15 =	sld [smem:$0x7C7]  }
0x23d: {  	[sflag:s13] =	ssyncset.done $0x0  }
0x23e: {  	[sflag:s13] =	ssyncadd.s32 $0xFFFFF000  }
0x23f: {  	[spmem:s2] =	stream.indirect.scatter.add.f32 [tilespmem:s9], [sflag:$0x6], $0x20, s15, s7, $0xb8;
	[tilespmem:$0x1F800] =	vst v63  }
0x240: {  	_ =	swait.ge [sflag:s4], $0x1000  }
0x241: {  	s0 =	sld [smem:$0x7DD]  }
0x242: {  	[sflag:s4] =	ssyncset.done $0x0  }
0x243: {  	[sflag:s4] =	ssyncadd.s32 $0xFFFFF000  }
0x244: {  	[tilespmem:s9], [sflag:$0x4] =	stream.indirect.gather [hbm4b:s30+s7], $0x20, s0, s7, $0xb8;
	[tilespmem:$0x1F800] =	vst v63  }
0x245: {  	_ =	swait.ge [sflag:s14], $0x1000  }
0x246: {  	[sflag:s14] =	ssyncset.done $0x0  }
0x247: {  	s15 =	simm.s32 $0x2400;
	[sflag:s14] =	ssyncadd.s32 $0xFFFFF000  }
0x248: {  	[spmem:s2] =	stream.indirect.scatter.add.f32 [tilespmem:s11], [sflag:$0x6], $0x20, s15, s7, $0xb8;
	[tilespmem:$0x1F800] =	vst v63  }
0x249: {  	_ =	swait.ge [sflag:s4], $0x1000  }
0x24a: {  	[sflag:s4] =	ssyncset.done $0x0  }
0x24b: {  	[sflag:s4] =	ssyncadd.s32 $0xFFFFF000  }
0x24c: {  	[tilespmem:s11], [sflag:$0x5] =	stream.indirect.gather [hbm4b:s30+s7], $0x20, s16, s7, $0xb8;
	[tilespmem:$0x1F800] =	vst v63  }
0x24d: {  	_ =	swait.ge [sflag:s12], $0x1000  }
0x24e: {  	[sflag:s12] =	ssyncset.done $0x0  }
0x24f: {  	[sflag:s12] =	ssyncadd.s32 $0xFFFFF000  }
0x250: {  	[spmem:s2] =	stream.indirect.scatter.add.f32 [tilespmem:s8], [sflag:$0x6], $0x20, s17, s7, $0xb8;
	[tilespmem:$0x1F800] =	vst v63  }
0x251: {  	_ =	swait.ge [sflag:s4], $0x1000  }
0x252: {  	[sflag:s4] =	ssyncset.done $0x0  }
0x253: {  	[sflag:s4] =	ssyncadd.s32 $0xFFFFF000  }
0x254: {  	[tilespmem:s8], [sflag:$0x3] =	stream.indirect.gather [hbm4b:s30+s7], $0x20, s18, s7, $0xb8;
	[tilespmem:$0x1F800] =	vst v63  }
0x255: {  	_ =	swait.ge [sflag:s13], $0x1000  }
0x256: {  	[sflag:s13] =	ssyncset.done $0x0  }
0x257: {  	[sflag:s13] =	ssyncadd.s32 $0xFFFFF000  }
0x258: {  	[spmem:s2] =	stream.indirect.scatter.add.f32 [tilespmem:s9], [sflag:$0x6], $0x20, s19, s7, $0xb8;
	[tilespmem:$0x1F800] =	vst v63  }
0x259: {  	_ =	swait.ge [sflag:s4], $0x1000  }
0x25a: {  	[sflag:s4] =	ssyncset.done $0x0  }
0x25b: {  	[sflag:s4] =	ssyncadd.s32 $0xFFFFF000  }
0x25c: {  	[tilespmem:s9], [sflag:$0x4] =	stream.indirect.gather [hbm4b:s30+s7], $0x20, s20, s7, $0xb8;
	[tilespmem:$0x1F800] =	vst v63  }
0x25d: {  	_ =	swait.ge [sflag:s14], $0x1000  }
0x25e: {  	[sflag:s14] =	ssyncset.done $0x0  }
0x25f: {  	[sflag:s14] =	ssyncadd.s32 $0xFFFFF000  }
0x260: {  	[spmem:s2] =	stream.indirect.scatter.add.f32 [tilespmem:s11], [sflag:$0x6], $0x20, s21, s7, $0xb8;
	[tilespmem:$0x1F800] =	vst v63  }
0x261: {  	_ =	swait.ge [sflag:s4], $0x1000  }
0x262: {  	[sflag:s4] =	ssyncset.done $0x0  }
0x263: {  	[sflag:s4] =	ssyncadd.s32 $0xFFFFF000  }
0x264: {  	[tilespmem:s11], [sflag:$0x5] =	stream.indirect.gather [hbm4b:s30+s7], $0x20, s22, s7, $0xb8;
	[tilespmem:$0x1F800] =	vst v63  }
0x265: {  	_ =	swait.ge [sflag:s12], $0x1000  }
0x266: {  	[sflag:s12] =	ssyncset.done $0x0  }
0x267: {  	[sflag:s12] =	ssyncadd.s32 $0xFFFFF000  }
0x268: {  	[spmem:s2] =	stream.indirect.scatter.add.f32 [tilespmem:s8], [sflag:$0x6], $0x20, s23, s7, $0xb8;
	[tilespmem:$0x1F800] =	vst v63  }
0x269: {  	_ =	swait.ge [sflag:s4], $0x1000  }
0x26a: {  	[sflag:s4] =	ssyncset.done $0x0  }
0x26b: {  	[sflag:s4] =	ssyncadd.s32 $0xFFFFF000  }
0x26c: {  	[tilespmem:s8], [sflag:$0x3] =	stream.indirect.gather [hbm4b:s30+s7], $0x20, s24, s7, $0xb8;
	[tilespmem:$0x1F800] =	vst v63  }
0x26d: {  	_ =	swait.ge [sflag:s13], $0x1000  }
0x26e: {  	[sflag:s13] =	ssyncset.done $0x0  }
0x26f: {  	[sflag:s13] =	ssyncadd.s32 $0xFFFFF000  }
0x270: {  	[spmem:s2] =	stream.indirect.scatter.add.f32 [tilespmem:s9], [sflag:$0x6], $0x20, s25, s7, $0xb8;
	[tilespmem:$0x1F800] =	vst v63  }
0x271: {  	_ =	swait.ge [sflag:s4], $0x1000  }
0x272: {  	[sflag:s4] =	ssyncset.done $0x0  }
0x273: {  	[sflag:s4] =	ssyncadd.s32 $0xFFFFF000  }
0x274: {  	_ =	swait.ge [sflag:s14], $0x1000  }
0x275: {  	[sflag:s14] =	ssyncset.done $0x0  }
0x276: {  	[sflag:s14] =	ssyncadd.s32 $0xFFFFF000  }
0x277: {  	[spmem:s2] =	stream.indirect.scatter.add.f32 [tilespmem:s11], [sflag:$0x6], $0x20, s26, s7, $0xb8;
	[tilespmem:$0x1F800] =	vst v63  }
0x278: {  	_ =	swait.ge [sflag:s4], $0x1000  }
0x279: {  	[sflag:s4] =	ssyncset.done $0x0  }
0x27a: {  	[sflag:s4] =	ssyncadd.s32 $0xFFFFF000  }
0x27b: {  	_ =	swait.ge [sflag:s12], $0x1000  }
0x27c: {  	[sflag:s12] =	ssyncset.done $0x0  }
0x27d: {  	[sflag:s12] =	ssyncadd.s32 $0xFFFFF000  }
0x27e: {  	[spmem:s2] =	stream.indirect.scatter.add.f32 [tilespmem:s8], [sflag:$0x6], $0x20, s28, s7, $0xb8;
	[tilespmem:$0x1F800] =	vst v63  }
0x27f: {  	s29 =	simm.s32 $0x500;
	_ =	swait.ge [sflag:s4], $0x1000  }
0x280: {  	s1 =	simm.s32 $0x280;
	[sflag:s4] =	ssyncset.done $0x0;
	s31 =	rddreg [dreg:$0x4]  }
.LBB2_2:
0x281: {  	[sflag:s4] =	ssyncadd.s32 $0xFFFFF000;
	s15 =	rddreg [dreg:$0x3];
	s31 =	sadd.s32 s1, s31  }
0x282: {  	[tilespmem:s3], [sflag:$0x1] =	stream.linear.gather [hbm4b:s31+s3], $0x1400, $0x38;
	[tilespmem:$0x1F800] =	vst v63  }
0x283: {  	s15 =	sadd.s32 s1, s15  }
0x284: {  	[tilespmem:s5], [sflag:$0x2] =	stream.linear.gather [hbm4b:s15+s3], $0x1400, $0x38;
	[tilespmem:$0x1F800] =	vst v63  }
0x285: {  	_ =	swait.ge [sflag:s6], $0x1400  }
0x286: {  	[sflag:s6] =	ssyncset.done $0x0  }
0x287: {  	[sflag:s6] =	ssyncadd.s32 $0xFFFFEC00  }
0x288: {  	[tilespmem:s8], [sflag:$0x3] =	stream.indirect.gather [hbm4b:s30+s7], $0x20, s3, s7, $0xb8;
	[tilespmem:$0x1F800] =	vst v63  }
0x289: {  	_ = 	snop  }
0x28a: {  	[tilespmem:s9], [sflag:$0x4] =	stream.indirect.gather [hbm4b:s30+s7], $0x20, s7, s7, $0xb8;
	[tilespmem:$0x1F800] =	vst v63  }
0x28b: {  	_ =	swait.ge [sflag:s10], $0x1400  }
0x28c: {  	[sflag:s10] =	ssyncset.done $0x0  }
0x28d: {  	s15 =	rddreg [dreg:$0x5];
	[sflag:s10] =	ssyncadd.s32 $0xFFFFEC00  }
0x28e: {  	[tilespmem:s11], [sflag:$0x5] =	stream.indirect.gather [hbm4b:s30+s7], $0x20, s15, s7, $0xb8;
	[tilespmem:$0x1F800] =	vst v63  }
0x28f: {  	_ =	swait.ge [sflag:s12], $0x1000  }
0x290: {  	[sflag:s12] =	ssyncset.done $0x0  }
0x291: {  	[sflag:s12] =	ssyncadd.s32 $0xFFFFF000  }
0x292: {  	[spmem:s2] =	stream.indirect.scatter.add.f32 [tilespmem:s8], [sflag:$0x6], $0x20, s5, s7, $0xb8;
	[tilespmem:$0x1F800] =	vst v63  }
0x293: {  	_ =	swait.ge [sflag:s4], $0x1000  }
0x294: {  	[sflag:s4] =	ssyncset.done $0x0  }
0x295: {  	s15 =	rddreg [dreg:$0x6];
	[sflag:s4] =	ssyncadd.s32 $0xFFFFF000  }
0x296: {  	[tilespmem:s8], [sflag:$0x3] =	stream.indirect.gather [hbm4b:s30+s7], $0x20, s15, s7, $0xb8;
	[tilespmem:$0x1F800] =	vst v63  }
0x297: {  	_ =	swait.ge [sflag:s13], $0x1000  }
0x298: {  	[sflag:s13] =	ssyncset.done $0x0  }
0x299: {  	s15 =	rddreg [dreg:$0x7];
	[sflag:s13] =	ssyncadd.s32 $0xFFFFF000  }
0x29a: {  	[spmem:s2] =	stream.indirect.scatter.add.f32 [tilespmem:s9], [sflag:$0x6], $0x20, s15, s7, $0xb8;
	[tilespmem:$0x1F800] =	vst v63  }
0x29b: {  	_ =	swait.ge [sflag:s4], $0x1000  }
0x29c: {  	[sflag:s4] =	ssyncset.done $0x0  }
0x29d: {  	s15 =	rddreg [dreg:$0x8];
	[sflag:s4] =	ssyncadd.s32 $0xFFFFF000  }
0x29e: {  	[tilespmem:s9], [sflag:$0x4] =	stream.indirect.gather [hbm4b:s30+s7], $0x20, s15, s7, $0xb8;
	[tilespmem:$0x1F800] =	vst v63  }
0x29f: {  	_ =	swait.ge [sflag:s14], $0x1000  }
0x2a0: {  	[sflag:s14] =	ssyncset.done $0x0  }
0x2a1: {  	s15 =	rddreg [dreg:$0x9];
	[sflag:s14] =	ssyncadd.s32 $0xFFFFF000  }
0x2a2: {  	[spmem:s2] =	stream.indirect.scatter.add.f32 [tilespmem:s11], [sflag:$0x6], $0x20, s15, s7, $0xb8;
	[tilespmem:$0x1F800] =	vst v63  }
0x2a3: {  	_ =	swait.ge [sflag:s4], $0x1000  }
0x2a4: {  	[sflag:s4] =	ssyncset.done $0x0  }
0x2a5: {  	s15 =	rddreg [dreg:$0xa];
	[sflag:s4] =	ssyncadd.s32 $0xFFFFF000  }
0x2a6: {  	[tilespmem:s11], [sflag:$0x5] =	stream.indirect.gather [hbm4b:s30+s7], $0x20, s15, s7, $0xb8;
	[tilespmem:$0x1F800] =	vst v63  }
0x2a7: {  	_ =	swait.ge [sflag:s12], $0x1000  }
0x2a8: {  	[sflag:s12] =	ssyncset.done $0x0  }
0x2a9: {  	s15 =	rddreg [dreg:$0xb];
	[sflag:s12] =	ssyncadd.s32 $0xFFFFF000  }
0x2aa: {  	[spmem:s2] =	stream.indirect.scatter.add.f32 [tilespmem:s8], [sflag:$0x6], $0x20, s15, s7, $0xb8;
	[tilespmem:$0x1F800] =	vst v63  }
0x2ab: {  	_ =	swait.ge [sflag:s4], $0x1000  }
0x2ac: {  	[sflag:s4] =	ssyncset.done $0x0  }
0x2ad: {  	s15 =	rddreg [dreg:$0xc];
	[sflag:s4] =	ssyncadd.s32 $0xFFFFF000  }
0x2ae: {  	[tilespmem:s8], [sflag:$0x3] =	stream.indirect.gather [hbm4b:s30+s7], $0x20, s15, s7, $0xb8;
	[tilespmem:$0x1F800] =	vst v63  }
0x2af: {  	_ =	swait.ge [sflag:s13], $0x1000  }
0x2b0: {  	[sflag:s13] =	ssyncset.done $0x0  }
0x2b1: {  	s15 =	rddreg [dreg:$0xd];
	[sflag:s13] =	ssyncadd.s32 $0xFFFFF000  }
0x2b2: {  	[spmem:s2] =	stream.indirect.scatter.add.f32 [tilespmem:s9], [sflag:$0x6], $0x20, s15, s7, $0xb8;
	[tilespmem:$0x1F800] =	vst v63  }
0x2b3: {  	_ =	swait.ge [sflag:s4], $0x1000  }
0x2b4: {  	[sflag:s4] =	ssyncset.done $0x0  }
0x2b5: {  	s15 =	rddreg [dreg:$0xe];
	[sflag:s4] =	ssyncadd.s32 $0xFFFFF000  }
0x2b6: {  	[tilespmem:s9], [sflag:$0x4] =	stream.indirect.gather [hbm4b:s30+s7], $0x20, s15, s7, $0xb8;
	[tilespmem:$0x1F800] =	vst v63  }
0x2b7: {  	_ =	swait.ge [sflag:s14], $0x1000  }
0x2b8: {  	[sflag:s14] =	ssyncset.done $0x0  }
0x2b9: {  	s15 =	rddreg [dreg:$0xf];
	[sflag:s14] =	ssyncadd.s32 $0xFFFFF000  }
0x2ba: {  	[spmem:s2] =	stream.indirect.scatter.add.f32 [tilespmem:s11], [sflag:$0x6], $0x20, s15, s7, $0xb8;
	[tilespmem:$0x1F800] =	vst v63  }
0x2bb: {  	_ =	swait.ge [sflag:s4], $0x1000  }
0x2bc: {  	[sflag:s4] =	ssyncset.done $0x0  }
0x2bd: {  	s15 =	rddreg [dreg:$0x10];
	[sflag:s4] =	ssyncadd.s32 $0xFFFFF000  }
0x2be: {  	[tilespmem:s11], [sflag:$0x5] =	stream.indirect.gather [hbm4b:s30+s7], $0x20, s15, s7, $0xb8;
	[tilespmem:$0x1F800] =	vst v63  }
0x2bf: {  	_ =	swait.ge [sflag:s12], $0x1000  }
0x2c0: {  	[sflag:s12] =	ssyncset.done $0x0  }
0x2c1: {  	s15 =	rddreg [dreg:$0x11];
	[sflag:s12] =	ssyncadd.s32 $0xFFFFF000  }
0x2c2: {  	[spmem:s2] =	stream.indirect.scatter.add.f32 [tilespmem:s8], [sflag:$0x6], $0x20, s15, s7, $0xb8;
	[tilespmem:$0x1F800] =	vst v63  }
0x2c3: {  	_ =	swait.ge [sflag:s4], $0x1000  }
0x2c4: {  	[sflag:s4] =	ssyncset.done $0x0  }
0x2c5: {  	s15 =	rddreg [dreg:$0x12];
	[sflag:s4] =	ssyncadd.s32 $0xFFFFF000  }
0x2c6: {  	[tilespmem:s8], [sflag:$0x3] =	stream.indirect.gather [hbm4b:s30+s7], $0x20, s15, s7, $0xb8;
	[tilespmem:$0x1F800] =	vst v63  }
0x2c7: {  	_ =	swait.ge [sflag:s13], $0x1000  }
0x2c8: {  	[sflag:s13] =	ssyncset.done $0x0  }
0x2c9: {  	s15 =	rddreg [dreg:$0x13];
	[sflag:s13] =	ssyncadd.s32 $0xFFFFF000  }
0x2ca: {  	[spmem:s2] =	stream.indirect.scatter.add.f32 [tilespmem:s9], [sflag:$0x6], $0x20, s15, s7, $0xb8;
	[tilespmem:$0x1F800] =	vst v63  }
0x2cb: {  	_ =	swait.ge [sflag:s4], $0x1000  }
0x2cc: {  	[sflag:s4] =	ssyncset.done $0x0  }
0x2cd: {  	s15 =	rddreg [dreg:$0x14];
	[sflag:s4] =	ssyncadd.s32 $0xFFFFF000  }
0x2ce: {  	[tilespmem:s9], [sflag:$0x4] =	stream.indirect.gather [hbm4b:s30+s7], $0x20, s15, s7, $0xb8;
	[tilespmem:$0x1F800] =	vst v63  }
0x2cf: {  	_ =	swait.ge [sflag:s14], $0x1000  }
0x2d0: {  	[sflag:s14] =	ssyncset.done $0x0  }
0x2d1: {  	s15 =	rddreg [dreg:$0x15];
	[sflag:s14] =	ssyncadd.s32 $0xFFFFF000  }
0x2d2: {  	[spmem:s2] =	stream.indirect.scatter.add.f32 [tilespmem:s11], [sflag:$0x6], $0x20, s15, s7, $0xb8;
	[tilespmem:$0x1F800] =	vst v63  }
0x2d3: {  	_ =	swait.ge [sflag:s4], $0x1000  }
0x2d4: {  	[sflag:s4] =	ssyncset.done $0x0  }
0x2d5: {  	s15 =	rddreg [dreg:$0x16];
	[sflag:s4] =	ssyncadd.s32 $0xFFFFF000  }
0x2d6: {  	[tilespmem:s11], [sflag:$0x5] =	stream.indirect.gather [hbm4b:s30+s7], $0x20, s15, s7, $0xb8;
	[tilespmem:$0x1F800] =	vst v63  }
0x2d7: {  	_ =	swait.ge [sflag:s12], $0x1000  }
0x2d8: {  	[sflag:s12] =	ssyncset.done $0x0  }
0x2d9: {  	s15 =	rddreg [dreg:$0x17];
	[sflag:s12] =	ssyncadd.s32 $0xFFFFF000  }
0x2da: {  	[spmem:s2] =	stream.indirect.scatter.add.f32 [tilespmem:s8], [sflag:$0x6], $0x20, s15, s7, $0xb8;
	[tilespmem:$0x1F800] =	vst v63  }
0x2db: {  	_ =	swait.ge [sflag:s4], $0x1000  }
0x2dc: {  	[sflag:s4] =	ssyncset.done $0x0  }
0x2dd: {  	s15 =	rddreg [dreg:$0x18];
	[sflag:s4] =	ssyncadd.s32 $0xFFFFF000  }
0x2de: {  	[tilespmem:s8], [sflag:$0x3] =	stream.indirect.gather [hbm4b:s30+s7], $0x20, s15, s7, $0xb8;
	[tilespmem:$0x1F800] =	vst v63  }
0x2df: {  	_ =	swait.ge [sflag:s13], $0x1000  }
0x2e0: {  	[sflag:s13] =	ssyncset.done $0x0  }
0x2e1: {  	s15 =	rddreg [dreg:$0x19];
	[sflag:s13] =	ssyncadd.s32 $0xFFFFF000  }
0x2e2: {  	[spmem:s2] =	stream.indirect.scatter.add.f32 [tilespmem:s9], [sflag:$0x6], $0x20, s15, s7, $0xb8;
	[tilespmem:$0x1F800] =	vst v63  }
0x2e3: {  	_ =	swait.ge [sflag:s4], $0x1000  }
0x2e4: {  	[sflag:s4] =	ssyncset.done $0x0  }
0x2e5: {  	s15 =	rddreg [dreg:$0x1a];
	[sflag:s4] =	ssyncadd.s32 $0xFFFFF000  }
0x2e6: {  	[tilespmem:s9], [sflag:$0x4] =	stream.indirect.gather [hbm4b:s30+s7], $0x20, s15, s7, $0xb8;
	[tilespmem:$0x1F800] =	vst v63  }
0x2e7: {  	_ =	swait.ge [sflag:s14], $0x1000  }
0x2e8: {  	[sflag:s14] =	ssyncset.done $0x0  }
0x2e9: {  	s15 =	rddreg [dreg:$0x1b];
	[sflag:s14] =	ssyncadd.s32 $0xFFFFF000  }
0x2ea: {  	[spmem:s2] =	stream.indirect.scatter.add.f32 [tilespmem:s11], [sflag:$0x6], $0x20, s15, s7, $0xb8;
	[tilespmem:$0x1F800] =	vst v63  }
0x2eb: {  	_ =	swait.ge [sflag:s4], $0x1000  }
0x2ec: {  	[sflag:s4] =	ssyncset.done $0x0  }
0x2ed: {  	s15 =	rddreg [dreg:$0x1c];
	[sflag:s4] =	ssyncadd.s32 $0xFFFFF000  }
0x2ee: {  	[tilespmem:s11], [sflag:$0x5] =	stream.indirect.gather [hbm4b:s30+s7], $0x20, s15, s7, $0xb8;
	[tilespmem:$0x1F800] =	vst v63  }
0x2ef: {  	_ =	swait.ge [sflag:s12], $0x1000  }
0x2f0: {  	[sflag:s12] =	ssyncset.done $0x0  }
0x2f1: {  	s15 =	rddreg [dreg:$0x1d];
	[sflag:s12] =	ssyncadd.s32 $0xFFFFF000  }
0x2f2: {  	[spmem:s2] =	stream.indirect.scatter.add.f32 [tilespmem:s8], [sflag:$0x6], $0x20, s15, s7, $0xb8;
	[tilespmem:$0x1F800] =	vst v63  }
0x2f3: {  	_ =	swait.ge [sflag:s4], $0x1000  }
0x2f4: {  	[sflag:s4] =	ssyncset.done $0x0  }
0x2f5: {  	s15 =	rddreg [dreg:$0x1e];
	[sflag:s4] =	ssyncadd.s32 $0xFFFFF000  }
0x2f6: {  	[tilespmem:s8], [sflag:$0x3] =	stream.indirect.gather [hbm4b:s30+s7], $0x20, s15, s7, $0xb8;
	[tilespmem:$0x1F800] =	vst v63  }
0x2f7: {  	_ =	swait.ge [sflag:s13], $0x1000  }
0x2f8: {  	[sflag:s13] =	ssyncset.done $0x0  }
0x2f9: {  	s15 =	rddreg [dreg:$0x1f];
	[sflag:s13] =	ssyncadd.s32 $0xFFFFF000  }
0x2fa: {  	[spmem:s2] =	stream.indirect.scatter.add.f32 [tilespmem:s9], [sflag:$0x6], $0x20, s15, s7, $0xb8;
	[tilespmem:$0x1F800] =	vst v63  }
0x2fb: {  	_ =	swait.ge [sflag:s4], $0x1000  }
0x2fc: {  	s15 =	sld [smem:$0x79F]  }
0x2fd: {  	[sflag:s4] =	ssyncset.done $0x0  }
0x2fe: {  	[sflag:s4] =	ssyncadd.s32 $0xFFFFF000  }
0x2ff: {  	[tilespmem:s9], [sflag:$0x4] =	stream.indirect.gather [hbm4b:s30+s7], $0x20, s15, s7, $0xb8;
	[tilespmem:$0x1F800] =	vst v63  }
0x300: {  	_ =	swait.ge [sflag:s14], $0x1000  }
0x301: {  	s15 =	sld [smem:$0x7A0]  }
0x302: {  	[sflag:s14] =	ssyncset.done $0x0  }
0x303: {  	[sflag:s14] =	ssyncadd.s32 $0xFFFFF000  }
0x304: {  	[spmem:s2] =	stream.indirect.scatter.add.f32 [tilespmem:s11], [sflag:$0x6], $0x20, s15, s7, $0xb8;
	[tilespmem:$0x1F800] =	vst v63  }
0x305: {  	_ =	swait.ge [sflag:s4], $0x1000  }
0x306: {  	s15 =	sld [smem:$0x7A1]  }
0x307: {  	[sflag:s4] =	ssyncset.done $0x0  }
0x308: {  	[sflag:s4] =	ssyncadd.s32 $0xFFFFF000  }
0x309: {  	[tilespmem:s11], [sflag:$0x5] =	stream.indirect.gather [hbm4b:s30+s7], $0x20, s15, s7, $0xb8;
	[tilespmem:$0x1F800] =	vst v63  }
0x30a: {  	_ =	swait.ge [sflag:s12], $0x1000  }
0x30b: {  	s15 =	sld [smem:$0x7A2]  }
0x30c: {  	[sflag:s12] =	ssyncset.done $0x0  }
0x30d: {  	[sflag:s12] =	ssyncadd.s32 $0xFFFFF000  }
0x30e: {  	[spmem:s2] =	stream.indirect.scatter.add.f32 [tilespmem:s8], [sflag:$0x6], $0x20, s15, s7, $0xb8;
	[tilespmem:$0x1F800] =	vst v63  }
0x30f: {  	_ =	swait.ge [sflag:s4], $0x1000  }
0x310: {  	s15 =	sld [smem:$0x7A3]  }
0x311: {  	[sflag:s4] =	ssyncset.done $0x0  }
0x312: {  	[sflag:s4] =	ssyncadd.s32 $0xFFFFF000  }
0x313: {  	[tilespmem:s8], [sflag:$0x3] =	stream.indirect.gather [hbm4b:s30+s7], $0x20, s15, s7, $0xb8;
	[tilespmem:$0x1F800] =	vst v63  }
0x314: {  	_ =	swait.ge [sflag:s13], $0x1000  }
0x315: {  	s15 =	sld [smem:$0x7A4]  }
0x316: {  	[sflag:s13] =	ssyncset.done $0x0  }
0x317: {  	[sflag:s13] =	ssyncadd.s32 $0xFFFFF000  }
0x318: {  	[spmem:s2] =	stream.indirect.scatter.add.f32 [tilespmem:s9], [sflag:$0x6], $0x20, s15, s7, $0xb8;
	[tilespmem:$0x1F800] =	vst v63  }
0x319: {  	_ =	swait.ge [sflag:s4], $0x1000  }
0x31a: {  	s15 =	sld [smem:$0x7A5]  }
0x31b: {  	[sflag:s4] =	ssyncset.done $0x0  }
0x31c: {  	[sflag:s4] =	ssyncadd.s32 $0xFFFFF000  }
0x31d: {  	[tilespmem:s9], [sflag:$0x4] =	stream.indirect.gather [hbm4b:s30+s7], $0x20, s15, s7, $0xb8;
	[tilespmem:$0x1F800] =	vst v63  }
0x31e: {  	_ =	swait.ge [sflag:s14], $0x1000  }
0x31f: {  	s15 =	sld [smem:$0x7A6]  }
0x320: {  	[sflag:s14] =	ssyncset.done $0x0  }
0x321: {  	[sflag:s14] =	ssyncadd.s32 $0xFFFFF000  }
0x322: {  	[spmem:s2] =	stream.indirect.scatter.add.f32 [tilespmem:s11], [sflag:$0x6], $0x20, s15, s7, $0xb8;
	[tilespmem:$0x1F800] =	vst v63  }
0x323: {  	_ =	swait.ge [sflag:s4], $0x1000  }
0x324: {  	s15 =	sld [smem:$0x7A7]  }
0x325: {  	[sflag:s4] =	ssyncset.done $0x0  }
0x326: {  	[sflag:s4] =	ssyncadd.s32 $0xFFFFF000  }
0x327: {  	[tilespmem:s11], [sflag:$0x5] =	stream.indirect.gather [hbm4b:s30+s7], $0x20, s15, s7, $0xb8;
	[tilespmem:$0x1F800] =	vst v63  }
0x328: {  	_ =	swait.ge [sflag:s12], $0x1000  }
0x329: {  	s15 =	sld [smem:$0x7A8]  }
0x32a: {  	[sflag:s12] =	ssyncset.done $0x0  }
0x32b: {  	[sflag:s12] =	ssyncadd.s32 $0xFFFFF000  }
0x32c: {  	[spmem:s2] =	stream.indirect.scatter.add.f32 [tilespmem:s8], [sflag:$0x6], $0x20, s15, s7, $0xb8;
	[tilespmem:$0x1F800] =	vst v63  }
0x32d: {  	_ =	swait.ge [sflag:s4], $0x1000  }
0x32e: {  	s15 =	sld [smem:$0x7A9]  }
0x32f: {  	[sflag:s4] =	ssyncset.done $0x0  }
0x330: {  	[sflag:s4] =	ssyncadd.s32 $0xFFFFF000  }
0x331: {  	[tilespmem:s8], [sflag:$0x3] =	stream.indirect.gather [hbm4b:s30+s7], $0x20, s15, s7, $0xb8;
	[tilespmem:$0x1F800] =	vst v63  }
0x332: {  	_ =	swait.ge [sflag:s13], $0x1000  }
0x333: {  	s15 =	sld [smem:$0x7AA]  }
0x334: {  	[sflag:s13] =	ssyncset.done $0x0  }
0x335: {  	[sflag:s13] =	ssyncadd.s32 $0xFFFFF000  }
0x336: {  	[spmem:s2] =	stream.indirect.scatter.add.f32 [tilespmem:s9], [sflag:$0x6], $0x20, s15, s7, $0xb8;
	[tilespmem:$0x1F800] =	vst v63  }
0x337: {  	_ =	swait.ge [sflag:s4], $0x1000  }
0x338: {  	s15 =	sld [smem:$0x7AB]  }
0x339: {  	[sflag:s4] =	ssyncset.done $0x0  }
0x33a: {  	[sflag:s4] =	ssyncadd.s32 $0xFFFFF000  }
0x33b: {  	[tilespmem:s9], [sflag:$0x4] =	stream.indirect.gather [hbm4b:s30+s7], $0x20, s15, s7, $0xb8;
	[tilespmem:$0x1F800] =	vst v63  }
0x33c: {  	_ =	swait.ge [sflag:s14], $0x1000  }
0x33d: {  	s15 =	sld [smem:$0x7AC]  }
0x33e: {  	[sflag:s14] =	ssyncset.done $0x0  }
0x33f: {  	[sflag:s14] =	ssyncadd.s32 $0xFFFFF000  }
0x340: {  	[spmem:s2] =	stream.indirect.scatter.add.f32 [tilespmem:s11], [sflag:$0x6], $0x20, s15, s7, $0xb8;
	[tilespmem:$0x1F800] =	vst v63  }
0x341: {  	_ =	swait.ge [sflag:s4], $0x1000  }
0x342: {  	s15 =	sld [smem:$0x7AD]  }
0x343: {  	[sflag:s4] =	ssyncset.done $0x0  }
0x344: {  	[sflag:s4] =	ssyncadd.s32 $0xFFFFF000  }
0x345: {  	[tilespmem:s11], [sflag:$0x5] =	stream.indirect.gather [hbm4b:s30+s7], $0x20, s15, s7, $0xb8;
	[tilespmem:$0x1F800] =	vst v63  }
0x346: {  	_ =	swait.ge [sflag:s12], $0x1000  }
0x347: {  	s15 =	sld [smem:$0x7AE]  }
0x348: {  	[sflag:s12] =	ssyncset.done $0x0  }
0x349: {  	[sflag:s12] =	ssyncadd.s32 $0xFFFFF000  }
0x34a: {  	[spmem:s2] =	stream.indirect.scatter.add.f32 [tilespmem:s8], [sflag:$0x6], $0x20, s15, s7, $0xb8;
	[tilespmem:$0x1F800] =	vst v63  }
0x34b: {  	_ =	swait.ge [sflag:s4], $0x1000  }
0x34c: {  	s15 =	sld [smem:$0x7AF]  }
0x34d: {  	[sflag:s4] =	ssyncset.done $0x0  }
0x34e: {  	[sflag:s4] =	ssyncadd.s32 $0xFFFFF000  }
0x34f: {  	[tilespmem:s8], [sflag:$0x3] =	stream.indirect.gather [hbm4b:s30+s7], $0x20, s15, s7, $0xb8;
	[tilespmem:$0x1F800] =	vst v63  }
0x350: {  	_ =	swait.ge [sflag:s13], $0x1000  }
0x351: {  	s15 =	sld [smem:$0x7B0]  }
0x352: {  	[sflag:s13] =	ssyncset.done $0x0  }
0x353: {  	[sflag:s13] =	ssyncadd.s32 $0xFFFFF000  }
0x354: {  	[spmem:s2] =	stream.indirect.scatter.add.f32 [tilespmem:s9], [sflag:$0x6], $0x20, s15, s7, $0xb8;
	[tilespmem:$0x1F800] =	vst v63  }
0x355: {  	_ =	swait.ge [sflag:s4], $0x1000  }
0x356: {  	s15 =	sld [smem:$0x7B1]  }
0x357: {  	[sflag:s4] =	ssyncset.done $0x0  }
0x358: {  	[sflag:s4] =	ssyncadd.s32 $0xFFFFF000  }
0x359: {  	[tilespmem:s9], [sflag:$0x4] =	stream.indirect.gather [hbm4b:s30+s7], $0x20, s15, s7, $0xb8;
	[tilespmem:$0x1F800] =	vst v63  }
0x35a: {  	_ =	swait.ge [sflag:s14], $0x1000  }
0x35b: {  	s15 =	sld [smem:$0x7B2]  }
0x35c: {  	[sflag:s14] =	ssyncset.done $0x0  }
0x35d: {  	[sflag:s14] =	ssyncadd.s32 $0xFFFFF000  }
0x35e: {  	[spmem:s2] =	stream.indirect.scatter.add.f32 [tilespmem:s11], [sflag:$0x6], $0x20, s15, s7, $0xb8;
	[tilespmem:$0x1F800] =	vst v63  }
0x35f: {  	_ =	swait.ge [sflag:s4], $0x1000  }
0x360: {  	s15 =	sld [smem:$0x7B4]  }
0x361: {  	[sflag:s4] =	ssyncset.done $0x0  }
0x362: {  	[sflag:s4] =	ssyncadd.s32 $0xFFFFF000  }
0x363: {  	[tilespmem:s11], [sflag:$0x5] =	stream.indirect.gather [hbm4b:s30+s7], $0x20, s15, s7, $0xb8;
	[tilespmem:$0x1F800] =	vst v63  }
0x364: {  	_ =	swait.ge [sflag:s12], $0x1000  }
0x365: {  	s15 =	sld [smem:$0x7B5]  }
0x366: {  	[sflag:s12] =	ssyncset.done $0x0  }
0x367: {  	[sflag:s12] =	ssyncadd.s32 $0xFFFFF000  }
0x368: {  	[spmem:s2] =	stream.indirect.scatter.add.f32 [tilespmem:s8], [sflag:$0x6], $0x20, s15, s7, $0xb8;
	[tilespmem:$0x1F800] =	vst v63  }
0x369: {  	_ =	swait.ge [sflag:s4], $0x1000  }
0x36a: {  	s15 =	sld [smem:$0x7B6]  }
0x36b: {  	[sflag:s4] =	ssyncset.done $0x0  }
0x36c: {  	[sflag:s4] =	ssyncadd.s32 $0xFFFFF000  }
0x36d: {  	[tilespmem:s8], [sflag:$0x3] =	stream.indirect.gather [hbm4b:s30+s7], $0x20, s15, s7, $0xb8;
	[tilespmem:$0x1F800] =	vst v63  }
0x36e: {  	_ =	swait.ge [sflag:s13], $0x1000  }
0x36f: {  	s15 =	sld [smem:$0x7B8]  }
0x370: {  	[sflag:s13] =	ssyncset.done $0x0  }
0x371: {  	[sflag:s13] =	ssyncadd.s32 $0xFFFFF000  }
0x372: {  	[spmem:s2] =	stream.indirect.scatter.add.f32 [tilespmem:s9], [sflag:$0x6], $0x20, s15, s7, $0xb8;
	[tilespmem:$0x1F800] =	vst v63  }
0x373: {  	_ =	swait.ge [sflag:s4], $0x1000  }
0x374: {  	s15 =	sld [smem:$0x7B9]  }
0x375: {  	[sflag:s4] =	ssyncset.done $0x0  }
0x376: {  	[sflag:s4] =	ssyncadd.s32 $0xFFFFF000  }
0x377: {  	[tilespmem:s9], [sflag:$0x4] =	stream.indirect.gather [hbm4b:s30+s7], $0x20, s15, s7, $0xb8;
	[tilespmem:$0x1F800] =	vst v63  }
0x378: {  	_ =	swait.ge [sflag:s14], $0x1000  }
0x379: {  	s15 =	sld [smem:$0x7BA]  }
0x37a: {  	[sflag:s14] =	ssyncset.done $0x0  }
0x37b: {  	[sflag:s14] =	ssyncadd.s32 $0xFFFFF000  }
0x37c: {  	[spmem:s2] =	stream.indirect.scatter.add.f32 [tilespmem:s11], [sflag:$0x6], $0x20, s15, s7, $0xb8;
	[tilespmem:$0x1F800] =	vst v63  }
0x37d: {  	_ =	swait.ge [sflag:s4], $0x1000  }
0x37e: {  	s15 =	sld [smem:$0x7BC]  }
0x37f: {  	[sflag:s4] =	ssyncset.done $0x0  }
0x380: {  	[sflag:s4] =	ssyncadd.s32 $0xFFFFF000  }
0x381: {  	[tilespmem:s11], [sflag:$0x5] =	stream.indirect.gather [hbm4b:s30+s7], $0x20, s15, s7, $0xb8;
	[tilespmem:$0x1F800] =	vst v63  }
0x382: {  	_ =	swait.ge [sflag:s12], $0x1000  }
0x383: {  	s15 =	sld [smem:$0x7BD]  }
0x384: {  	[sflag:s12] =	ssyncset.done $0x0  }
0x385: {  	[sflag:s12] =	ssyncadd.s32 $0xFFFFF000  }
0x386: {  	[spmem:s2] =	stream.indirect.scatter.add.f32 [tilespmem:s8], [sflag:$0x6], $0x20, s15, s7, $0xb8;
	[tilespmem:$0x1F800] =	vst v63  }
0x387: {  	_ =	swait.ge [sflag:s4], $0x1000  }
0x388: {  	s15 =	sld [smem:$0x7BE]  }
0x389: {  	[sflag:s4] =	ssyncset.done $0x0  }
0x38a: {  	[sflag:s4] =	ssyncadd.s32 $0xFFFFF000  }
0x38b: {  	[tilespmem:s8], [sflag:$0x3] =	stream.indirect.gather [hbm4b:s30+s7], $0x20, s15, s7, $0xb8;
	[tilespmem:$0x1F800] =	vst v63  }
0x38c: {  	_ =	swait.ge [sflag:s13], $0x1000  }
0x38d: {  	s15 =	sld [smem:$0x7C0]  }
0x38e: {  	[sflag:s13] =	ssyncset.done $0x0  }
0x38f: {  	[sflag:s13] =	ssyncadd.s32 $0xFFFFF000  }
0x390: {  	[spmem:s2] =	stream.indirect.scatter.add.f32 [tilespmem:s9], [sflag:$0x6], $0x20, s15, s7, $0xb8;
	[tilespmem:$0x1F800] =	vst v63  }
0x391: {  	_ =	swait.ge [sflag:s4], $0x1000  }
0x392: {  	s15 =	sld [smem:$0x7C1]  }
0x393: {  	[sflag:s4] =	ssyncset.done $0x0  }
0x394: {  	[sflag:s4] =	ssyncadd.s32 $0xFFFFF000  }
0x395: {  	[tilespmem:s9], [sflag:$0x4] =	stream.indirect.gather [hbm4b:s30+s7], $0x20, s15, s7, $0xb8;
	[tilespmem:$0x1F800] =	vst v63  }
0x396: {  	_ =	swait.ge [sflag:s14], $0x1000  }
0x397: {  	s15 =	sld [smem:$0x7C2]  }
0x398: {  	[sflag:s14] =	ssyncset.done $0x0  }
0x399: {  	[sflag:s14] =	ssyncadd.s32 $0xFFFFF000  }
0x39a: {  	[spmem:s2] =	stream.indirect.scatter.add.f32 [tilespmem:s11], [sflag:$0x6], $0x20, s15, s7, $0xb8;
	[tilespmem:$0x1F800] =	vst v63  }
0x39b: {  	_ =	swait.ge [sflag:s4], $0x1000  }
0x39c: {  	s15 =	sld [smem:$0x7C4]  }
0x39d: {  	[sflag:s4] =	ssyncset.done $0x0  }
0x39e: {  	[sflag:s4] =	ssyncadd.s32 $0xFFFFF000  }
0x39f: {  	[tilespmem:s11], [sflag:$0x5] =	stream.indirect.gather [hbm4b:s30+s7], $0x20, s15, s7, $0xb8;
	[tilespmem:$0x1F800] =	vst v63  }
0x3a0: {  	_ =	swait.ge [sflag:s12], $0x1000  }
0x3a1: {  	s15 =	sld [smem:$0x7C5]  }
0x3a2: {  	[sflag:s12] =	ssyncset.done $0x0  }
0x3a3: {  	[sflag:s12] =	ssyncadd.s32 $0xFFFFF000  }
0x3a4: {  	[spmem:s2] =	stream.indirect.scatter.add.f32 [tilespmem:s8], [sflag:$0x6], $0x20, s15, s7, $0xb8;
	[tilespmem:$0x1F800] =	vst v63  }
0x3a5: {  	_ =	swait.ge [sflag:s4], $0x1000  }
0x3a6: {  	s15 =	sld [smem:$0x7C6]  }
0x3a7: {  	[sflag:s4] =	ssyncset.done $0x0  }
0x3a8: {  	[sflag:s4] =	ssyncadd.s32 $0xFFFFF000  }
0x3a9: {  	[tilespmem:s8], [sflag:$0x3] =	stream.indirect.gather [hbm4b:s30+s7], $0x20, s15, s7, $0xb8;
	[tilespmem:$0x1F800] =	vst v63  }
0x3aa: {  	_ =	swait.ge [sflag:s13], $0x1000  }
0x3ab: {  	s15 =	sld [smem:$0x7C7]  }
0x3ac: {  	[sflag:s13] =	ssyncset.done $0x0  }
0x3ad: {  	[sflag:s13] =	ssyncadd.s32 $0xFFFFF000  }
0x3ae: {  	[spmem:s2] =	stream.indirect.scatter.add.f32 [tilespmem:s9], [sflag:$0x6], $0x20, s15, s7, $0xb8;
	[tilespmem:$0x1F800] =	vst v63  }
0x3af: {  	_ =	swait.ge [sflag:s4], $0x1000  }
0x3b0: {  	s15 =	sld [smem:$0x7DD]  }
0x3b1: {  	[sflag:s4] =	ssyncset.done $0x0  }
0x3b2: {  	[sflag:s4] =	ssyncadd.s32 $0xFFFFF000  }
0x3b3: {  	[tilespmem:s9], [sflag:$0x4] =	stream.indirect.gather [hbm4b:s30+s7], $0x20, s15, s7, $0xb8;
	[tilespmem:$0x1F800] =	vst v63  }
0x3b4: {  	_ =	swait.ge [sflag:s14], $0x1000  }
0x3b5: {  	[sflag:s14] =	ssyncset.done $0x0  }
0x3b6: {  	s15 =	simm.s32 $0x2400;
	[sflag:s14] =	ssyncadd.s32 $0xFFFFF000  }
0x3b7: {  	[spmem:s2] =	stream.indirect.scatter.add.f32 [tilespmem:s11], [sflag:$0x6], $0x20, s15, s7, $0xb8;
	[tilespmem:$0x1F800] =	vst v63  }
0x3b8: {  	_ =	swait.ge [sflag:s4], $0x1000  }
0x3b9: {  	[sflag:s4] =	ssyncset.done $0x0  }
0x3ba: {  	[sflag:s4] =	ssyncadd.s32 $0xFFFFF000  }
0x3bb: {  	[tilespmem:s11], [sflag:$0x5] =	stream.indirect.gather [hbm4b:s30+s7], $0x20, s16, s7, $0xb8;
	[tilespmem:$0x1F800] =	vst v63  }
0x3bc: {  	_ =	swait.ge [sflag:s12], $0x1000  }
0x3bd: {  	[sflag:s12] =	ssyncset.done $0x0  }
0x3be: {  	[sflag:s12] =	ssyncadd.s32 $0xFFFFF000  }
0x3bf: {  	[spmem:s2] =	stream.indirect.scatter.add.f32 [tilespmem:s8], [sflag:$0x6], $0x20, s17, s7, $0xb8;
	[tilespmem:$0x1F800] =	vst v63  }
0x3c0: {  	_ =	swait.ge [sflag:s4], $0x1000  }
0x3c1: {  	[sflag:s4] =	ssyncset.done $0x0  }
0x3c2: {  	[sflag:s4] =	ssyncadd.s32 $0xFFFFF000  }
0x3c3: {  	[tilespmem:s8], [sflag:$0x3] =	stream.indirect.gather [hbm4b:s30+s7], $0x20, s18, s7, $0xb8;
	[tilespmem:$0x1F800] =	vst v63  }
0x3c4: {  	_ =	swait.ge [sflag:s13], $0x1000  }
0x3c5: {  	[sflag:s13] =	ssyncset.done $0x0  }
0x3c6: {  	[sflag:s13] =	ssyncadd.s32 $0xFFFFF000  }
0x3c7: {  	[spmem:s2] =	stream.indirect.scatter.add.f32 [tilespmem:s9], [sflag:$0x6], $0x20, s19, s7, $0xb8;
	[tilespmem:$0x1F800] =	vst v63  }
0x3c8: {  	_ =	swait.ge [sflag:s4], $0x1000  }
0x3c9: {  	[sflag:s4] =	ssyncset.done $0x0  }
0x3ca: {  	[sflag:s4] =	ssyncadd.s32 $0xFFFFF000  }
0x3cb: {  	[tilespmem:s9], [sflag:$0x4] =	stream.indirect.gather [hbm4b:s30+s7], $0x20, s20, s7, $0xb8;
	[tilespmem:$0x1F800] =	vst v63  }
0x3cc: {  	_ =	swait.ge [sflag:s14], $0x1000  }
0x3cd: {  	[sflag:s14] =	ssyncset.done $0x0  }
0x3ce: {  	[sflag:s14] =	ssyncadd.s32 $0xFFFFF000  }
0x3cf: {  	[spmem:s2] =	stream.indirect.scatter.add.f32 [tilespmem:s11], [sflag:$0x6], $0x20, s21, s7, $0xb8;
	[tilespmem:$0x1F800] =	vst v63  }
0x3d0: {  	_ =	swait.ge [sflag:s4], $0x1000  }
0x3d1: {  	[sflag:s4] =	ssyncset.done $0x0  }
0x3d2: {  	[sflag:s4] =	ssyncadd.s32 $0xFFFFF000  }
0x3d3: {  	[tilespmem:s11], [sflag:$0x5] =	stream.indirect.gather [hbm4b:s30+s7], $0x20, s22, s7, $0xb8;
	[tilespmem:$0x1F800] =	vst v63  }
0x3d4: {  	_ =	swait.ge [sflag:s12], $0x1000  }
0x3d5: {  	[sflag:s12] =	ssyncset.done $0x0  }
0x3d6: {  	[sflag:s12] =	ssyncadd.s32 $0xFFFFF000  }
0x3d7: {  	[spmem:s2] =	stream.indirect.scatter.add.f32 [tilespmem:s8], [sflag:$0x6], $0x20, s23, s7, $0xb8;
	[tilespmem:$0x1F800] =	vst v63  }
0x3d8: {  	_ =	swait.ge [sflag:s4], $0x1000  }
0x3d9: {  	[sflag:s4] =	ssyncset.done $0x0  }
0x3da: {  	[sflag:s4] =	ssyncadd.s32 $0xFFFFF000  }
0x3db: {  	[tilespmem:s8], [sflag:$0x3] =	stream.indirect.gather [hbm4b:s30+s7], $0x20, s24, s7, $0xb8;
	[tilespmem:$0x1F800] =	vst v63  }
0x3dc: {  	_ =	swait.ge [sflag:s13], $0x1000  }
0x3dd: {  	[sflag:s13] =	ssyncset.done $0x0  }
0x3de: {  	[sflag:s13] =	ssyncadd.s32 $0xFFFFF000  }
0x3df: {  	[spmem:s2] =	stream.indirect.scatter.add.f32 [tilespmem:s9], [sflag:$0x6], $0x20, s25, s7, $0xb8;
	[tilespmem:$0x1F800] =	vst v63  }
0x3e0: {  	_ =	swait.ge [sflag:s4], $0x1000  }
0x3e1: {  	[sflag:s4] =	ssyncset.done $0x0  }
0x3e2: {  	[sflag:s4] =	ssyncadd.s32 $0xFFFFF000  }
0x3e3: {  	_ =	swait.ge [sflag:s14], $0x1000  }
0x3e4: {  	[sflag:s14] =	ssyncset.done $0x0  }
0x3e5: {  	[sflag:s14] =	ssyncadd.s32 $0xFFFFF000  }
0x3e6: {  	[spmem:s2] =	stream.indirect.scatter.add.f32 [tilespmem:s11], [sflag:$0x6], $0x20, s26, s7, $0xb8;
	[tilespmem:$0x1F800] =	vst v63  }
0x3e7: {  	_ =	swait.ge [sflag:s4], $0x1000  }
0x3e8: {  	[sflag:s4] =	ssyncset.done $0x0  }
0x3e9: {  	[sflag:s4] =	ssyncadd.s32 $0xFFFFF000  }
0x3ea: {  	p0 =	sne.s32 s29, $0x1680;
	_ =	swait.ge [sflag:s12], $0x1000  }
.Ltmp0:
0x3eb: {  	[sflag:s12] =	ssyncset.done $0x0;
	(pc) =	sbr.rel @p0 .LBB2_2-.Ltmp0, $4  }
0x3ec: {  	[sflag:s12] =	ssyncadd.s32 $0xFFFFF000  }
0x3ed: {  	[spmem:s2] =	stream.indirect.scatter.add.f32 [tilespmem:s8], [sflag:$0x6], $0x20, s28, s7, $0xb8;
	[tilespmem:$0x1F800] =	vst v63  }
0x3ee: {  	s0 =	smov.u32 s29;
	s29 =	sadd.s32 $0x280, s29;
	_ =	swait.ge [sflag:s4], $0x1000  }
0x3ef: {  	s1 =	smov.u32 s0;
	s31 =	rddreg [dreg:$0x4];
	[sflag:s4] =	ssyncset.done $0x0  }
0x3f0: {  	s0 =	rddreg [dreg:$0x3];
	[sflag:s4] =	ssyncadd.s32 $0xFFFFF000;
	s15 =	sadd.s32 s1, s31  }
0x3f1: {  	[tilespmem:s3], [sflag:$0x1] =	stream.linear.gather [hbm4b:s15+s3], $0x1400, $0x38;
	[tilespmem:$0x1F800] =	vst v63  }
0x3f2: {  	s0 =	sadd.s32 s1, s0  }
0x3f3: {  	[tilespmem:s5], [sflag:$0x2] =	stream.linear.gather [hbm4b:s0+s3], $0x1400, $0x38;
	[tilespmem:$0x1F800] =	vst v63  }
0x3f4: {  	_ =	swait.ge [sflag:s6], $0x1400  }
0x3f5: {  	[sflag:s6] =	ssyncset.done $0x0  }
0x3f6: {  	[sflag:s6] =	ssyncadd.s32 $0xFFFFEC00  }
0x3f7: {  	[tilespmem:s8], [sflag:$0x3] =	stream.indirect.gather [hbm4b:s30+s7], $0x20, s3, s7, $0xb8;
	[tilespmem:$0x1F800] =	vst v63  }
0x3f8: {  	_ = 	snop  }
0x3f9: {  	[tilespmem:s9], [sflag:$0x4] =	stream.indirect.gather [hbm4b:s30+s7], $0x20, s7, s7, $0xb8;
	[tilespmem:$0x1F800] =	vst v63  }
0x3fa: {  	_ =	swait.ge [sflag:s10], $0x1400  }
0x3fb: {  	[sflag:s10] =	ssyncset.done $0x0  }
0x3fc: {  	s15 =	rddreg [dreg:$0x5];
	[sflag:s10] =	ssyncadd.s32 $0xFFFFEC00  }
0x3fd: {  	[tilespmem:s11], [sflag:$0x5] =	stream.indirect.gather [hbm4b:s30+s7], $0x20, s15, s7, $0xb8;
	[tilespmem:$0x1F800] =	vst v63  }
0x3fe: {  	_ =	swait.ge [sflag:s12], $0x1000  }
0x3ff: {  	[sflag:s12] =	ssyncset.done $0x0  }
0x400: {  	[sflag:s12] =	ssyncadd.s32 $0xFFFFF000  }
0x401: {  	[spmem:s2] =	stream.indirect.scatter.add.f32 [tilespmem:s8], [sflag:$0x6], $0x20, s5, s7, $0xb8;
	[tilespmem:$0x1F800] =	vst v63  }
0x402: {  	_ =	swait.ge [sflag:s4], $0x1000  }
0x403: {  	[sflag:s4] =	ssyncset.done $0x0  }
0x404: {  	s29 =	rddreg [dreg:$0x6];
	[sflag:s4] =	ssyncadd.s32 $0xFFFFF000  }
0x405: {  	[tilespmem:s8], [sflag:$0x3] =	stream.indirect.gather [hbm4b:s30+s7], $0x20, s29, s7, $0xb8;
	[tilespmem:$0x1F800] =	vst v63  }
0x406: {  	_ =	swait.ge [sflag:s13], $0x1000  }
0x407: {  	[sflag:s13] =	ssyncset.done $0x0  }
0x408: {  	s31 =	rddreg [dreg:$0x7];
	[sflag:s13] =	ssyncadd.s32 $0xFFFFF000  }
0x409: {  	[spmem:s2] =	stream.indirect.scatter.add.f32 [tilespmem:s9], [sflag:$0x6], $0x20, s31, s7, $0xb8;
	[tilespmem:$0x1F800] =	vst v63  }
0x40a: {  	_ =	swait.ge [sflag:s4], $0x1000  }
0x40b: {  	[sflag:s4] =	ssyncset.done $0x0  }
0x40c: {  	s1 =	rddreg [dreg:$0x8];
	[sflag:s4] =	ssyncadd.s32 $0xFFFFF000  }
0x40d: {  	[tilespmem:s9], [sflag:$0x4] =	stream.indirect.gather [hbm4b:s30+s7], $0x20, s1, s7, $0xb8;
	[tilespmem:$0x1F800] =	vst v63  }
0x40e: {  	_ =	swait.ge [sflag:s14], $0x1000  }
0x40f: {  	[sflag:s14] =	ssyncset.done $0x0  }
0x410: {  	s15 =	rddreg [dreg:$0x9];
	[sflag:s14] =	ssyncadd.s32 $0xFFFFF000  }
0x411: {  	[spmem:s2] =	stream.indirect.scatter.add.f32 [tilespmem:s11], [sflag:$0x6], $0x20, s15, s7, $0xb8;
	[tilespmem:$0x1F800] =	vst v63  }
0x412: {  	_ =	swait.ge [sflag:s4], $0x1000  }
0x413: {  	[sflag:s4] =	ssyncset.done $0x0  }
0x414: {  	s29 =	rddreg [dreg:$0xa];
	[sflag:s4] =	ssyncadd.s32 $0xFFFFF000  }
0x415: {  	[tilespmem:s11], [sflag:$0x5] =	stream.indirect.gather [hbm4b:s30+s7], $0x20, s29, s7, $0xb8;
	[tilespmem:$0x1F800] =	vst v63  }
0x416: {  	_ =	swait.ge [sflag:s12], $0x1000  }
0x417: {  	[sflag:s12] =	ssyncset.done $0x0  }
0x418: {  	s31 =	rddreg [dreg:$0xb];
	[sflag:s12] =	ssyncadd.s32 $0xFFFFF000  }
0x419: {  	[spmem:s2] =	stream.indirect.scatter.add.f32 [tilespmem:s8], [sflag:$0x6], $0x20, s31, s7, $0xb8;
	[tilespmem:$0x1F800] =	vst v63  }
0x41a: {  	_ =	swait.ge [sflag:s4], $0x1000  }
0x41b: {  	[sflag:s4] =	ssyncset.done $0x0  }
0x41c: {  	s1 =	rddreg [dreg:$0xc];
	[sflag:s4] =	ssyncadd.s32 $0xFFFFF000  }
0x41d: {  	[tilespmem:s8], [sflag:$0x3] =	stream.indirect.gather [hbm4b:s30+s7], $0x20, s1, s7, $0xb8;
	[tilespmem:$0x1F800] =	vst v63  }
0x41e: {  	_ =	swait.ge [sflag:s13], $0x1000  }
0x41f: {  	[sflag:s13] =	ssyncset.done $0x0  }
0x420: {  	s15 =	rddreg [dreg:$0xd];
	[sflag:s13] =	ssyncadd.s32 $0xFFFFF000  }
0x421: {  	[spmem:s2] =	stream.indirect.scatter.add.f32 [tilespmem:s9], [sflag:$0x6], $0x20, s15, s7, $0xb8;
	[tilespmem:$0x1F800] =	vst v63  }
0x422: {  	_ =	swait.ge [sflag:s4], $0x1000  }
0x423: {  	[sflag:s4] =	ssyncset.done $0x0  }
0x424: {  	s29 =	rddreg [dreg:$0xe];
	[sflag:s4] =	ssyncadd.s32 $0xFFFFF000  }
0x425: {  	[tilespmem:s9], [sflag:$0x4] =	stream.indirect.gather [hbm4b:s30+s7], $0x20, s29, s7, $0xb8;
	[tilespmem:$0x1F800] =	vst v63  }
0x426: {  	_ =	swait.ge [sflag:s14], $0x1000  }
0x427: {  	[sflag:s14] =	ssyncset.done $0x0  }
0x428: {  	s31 =	rddreg [dreg:$0xf];
	[sflag:s14] =	ssyncadd.s32 $0xFFFFF000  }
0x429: {  	[spmem:s2] =	stream.indirect.scatter.add.f32 [tilespmem:s11], [sflag:$0x6], $0x20, s31, s7, $0xb8;
	[tilespmem:$0x1F800] =	vst v63  }
0x42a: {  	_ =	swait.ge [sflag:s4], $0x1000  }
0x42b: {  	[sflag:s4] =	ssyncset.done $0x0  }
0x42c: {  	s1 =	rddreg [dreg:$0x10];
	[sflag:s4] =	ssyncadd.s32 $0xFFFFF000  }
0x42d: {  	[tilespmem:s11], [sflag:$0x5] =	stream.indirect.gather [hbm4b:s30+s7], $0x20, s1, s7, $0xb8;
	[tilespmem:$0x1F800] =	vst v63  }
0x42e: {  	_ =	swait.ge [sflag:s12], $0x1000  }
0x42f: {  	[sflag:s12] =	ssyncset.done $0x0  }
0x430: {  	s15 =	rddreg [dreg:$0x11];
	[sflag:s12] =	ssyncadd.s32 $0xFFFFF000  }
0x431: {  	[spmem:s2] =	stream.indirect.scatter.add.f32 [tilespmem:s8], [sflag:$0x6], $0x20, s15, s7, $0xb8;
	[tilespmem:$0x1F800] =	vst v63  }
0x432: {  	_ =	swait.ge [sflag:s4], $0x1000  }
0x433: {  	[sflag:s4] =	ssyncset.done $0x0  }
0x434: {  	s29 =	rddreg [dreg:$0x12];
	[sflag:s4] =	ssyncadd.s32 $0xFFFFF000  }
0x435: {  	[tilespmem:s8], [sflag:$0x3] =	stream.indirect.gather [hbm4b:s30+s7], $0x20, s29, s7, $0xb8;
	[tilespmem:$0x1F800] =	vst v63  }
0x436: {  	_ =	swait.ge [sflag:s13], $0x1000  }
0x437: {  	[sflag:s13] =	ssyncset.done $0x0  }
0x438: {  	s31 =	rddreg [dreg:$0x13];
	[sflag:s13] =	ssyncadd.s32 $0xFFFFF000  }
0x439: {  	[spmem:s2] =	stream.indirect.scatter.add.f32 [tilespmem:s9], [sflag:$0x6], $0x20, s31, s7, $0xb8;
	[tilespmem:$0x1F800] =	vst v63  }
0x43a: {  	_ =	swait.ge [sflag:s4], $0x1000  }
0x43b: {  	[sflag:s4] =	ssyncset.done $0x0  }
0x43c: {  	s1 =	rddreg [dreg:$0x14];
	[sflag:s4] =	ssyncadd.s32 $0xFFFFF000  }
0x43d: {  	[tilespmem:s9], [sflag:$0x4] =	stream.indirect.gather [hbm4b:s30+s7], $0x20, s1, s7, $0xb8;
	[tilespmem:$0x1F800] =	vst v63  }
0x43e: {  	_ =	swait.ge [sflag:s14], $0x1000  }
0x43f: {  	[sflag:s14] =	ssyncset.done $0x0  }
0x440: {  	s15 =	rddreg [dreg:$0x15];
	[sflag:s14] =	ssyncadd.s32 $0xFFFFF000  }
0x441: {  	[spmem:s2] =	stream.indirect.scatter.add.f32 [tilespmem:s11], [sflag:$0x6], $0x20, s15, s7, $0xb8;
	[tilespmem:$0x1F800] =	vst v63  }
0x442: {  	_ =	swait.ge [sflag:s4], $0x1000  }
0x443: {  	[sflag:s4] =	ssyncset.done $0x0  }
0x444: {  	s29 =	rddreg [dreg:$0x16];
	[sflag:s4] =	ssyncadd.s32 $0xFFFFF000  }
0x445: {  	[tilespmem:s11], [sflag:$0x5] =	stream.indirect.gather [hbm4b:s30+s7], $0x20, s29, s7, $0xb8;
	[tilespmem:$0x1F800] =	vst v63  }
0x446: {  	_ =	swait.ge [sflag:s12], $0x1000  }
0x447: {  	[sflag:s12] =	ssyncset.done $0x0  }
0x448: {  	s31 =	rddreg [dreg:$0x17];
	[sflag:s12] =	ssyncadd.s32 $0xFFFFF000  }
0x449: {  	[spmem:s2] =	stream.indirect.scatter.add.f32 [tilespmem:s8], [sflag:$0x6], $0x20, s31, s7, $0xb8;
	[tilespmem:$0x1F800] =	vst v63  }
0x44a: {  	_ =	swait.ge [sflag:s4], $0x1000  }
0x44b: {  	[sflag:s4] =	ssyncset.done $0x0  }
0x44c: {  	s1 =	rddreg [dreg:$0x18];
	[sflag:s4] =	ssyncadd.s32 $0xFFFFF000  }
0x44d: {  	[tilespmem:s8], [sflag:$0x3] =	stream.indirect.gather [hbm4b:s30+s7], $0x20, s1, s7, $0xb8;
	[tilespmem:$0x1F800] =	vst v63  }
0x44e: {  	_ =	swait.ge [sflag:s13], $0x1000  }
0x44f: {  	[sflag:s13] =	ssyncset.done $0x0  }
0x450: {  	s15 =	rddreg [dreg:$0x19];
	[sflag:s13] =	ssyncadd.s32 $0xFFFFF000  }
0x451: {  	[spmem:s2] =	stream.indirect.scatter.add.f32 [tilespmem:s9], [sflag:$0x6], $0x20, s15, s7, $0xb8;
	[tilespmem:$0x1F800] =	vst v63  }
0x452: {  	_ =	swait.ge [sflag:s4], $0x1000  }
0x453: {  	[sflag:s4] =	ssyncset.done $0x0  }
0x454: {  	s29 =	rddreg [dreg:$0x1a];
	[sflag:s4] =	ssyncadd.s32 $0xFFFFF000  }
0x455: {  	[tilespmem:s9], [sflag:$0x4] =	stream.indirect.gather [hbm4b:s30+s7], $0x20, s29, s7, $0xb8;
	[tilespmem:$0x1F800] =	vst v63  }
0x456: {  	_ =	swait.ge [sflag:s14], $0x1000  }
0x457: {  	[sflag:s14] =	ssyncset.done $0x0  }
0x458: {  	s31 =	rddreg [dreg:$0x1b];
	[sflag:s14] =	ssyncadd.s32 $0xFFFFF000  }
0x459: {  	[spmem:s2] =	stream.indirect.scatter.add.f32 [tilespmem:s11], [sflag:$0x6], $0x20, s31, s7, $0xb8;
	[tilespmem:$0x1F800] =	vst v63  }
0x45a: {  	_ =	swait.ge [sflag:s4], $0x1000  }
0x45b: {  	[sflag:s4] =	ssyncset.done $0x0  }
0x45c: {  	s1 =	rddreg [dreg:$0x1c];
	[sflag:s4] =	ssyncadd.s32 $0xFFFFF000  }
0x45d: {  	[tilespmem:s11], [sflag:$0x5] =	stream.indirect.gather [hbm4b:s30+s7], $0x20, s1, s7, $0xb8;
	[tilespmem:$0x1F800] =	vst v63  }
0x45e: {  	_ =	swait.ge [sflag:s12], $0x1000  }
0x45f: {  	[sflag:s12] =	ssyncset.done $0x0  }
0x460: {  	s15 =	rddreg [dreg:$0x1d];
	[sflag:s12] =	ssyncadd.s32 $0xFFFFF000  }
0x461: {  	[spmem:s2] =	stream.indirect.scatter.add.f32 [tilespmem:s8], [sflag:$0x6], $0x20, s15, s7, $0xb8;
	[tilespmem:$0x1F800] =	vst v63  }
0x462: {  	_ =	swait.ge [sflag:s4], $0x1000  }
0x463: {  	[sflag:s4] =	ssyncset.done $0x0  }
0x464: {  	s29 =	rddreg [dreg:$0x1e];
	[sflag:s4] =	ssyncadd.s32 $0xFFFFF000  }
0x465: {  	[tilespmem:s8], [sflag:$0x3] =	stream.indirect.gather [hbm4b:s30+s7], $0x20, s29, s7, $0xb8;
	[tilespmem:$0x1F800] =	vst v63  }
0x466: {  	_ =	swait.ge [sflag:s13], $0x1000  }
0x467: {  	[sflag:s13] =	ssyncset.done $0x0  }
0x468: {  	s31 =	rddreg [dreg:$0x1f];
	[sflag:s13] =	ssyncadd.s32 $0xFFFFF000  }
0x469: {  	[spmem:s2] =	stream.indirect.scatter.add.f32 [tilespmem:s9], [sflag:$0x6], $0x20, s31, s7, $0xb8;
	[tilespmem:$0x1F800] =	vst v63  }
0x46a: {  	_ =	swait.ge [sflag:s4], $0x1000  }
0x46b: {  	s1 =	sld [smem:$0x79F]  }
0x46c: {  	[sflag:s4] =	ssyncset.done $0x0  }
0x46d: {  	[sflag:s4] =	ssyncadd.s32 $0xFFFFF000  }
0x46e: {  	[tilespmem:s9], [sflag:$0x4] =	stream.indirect.gather [hbm4b:s30+s7], $0x20, s1, s7, $0xb8;
	[tilespmem:$0x1F800] =	vst v63  }
0x46f: {  	_ =	swait.ge [sflag:s14], $0x1000  }
0x470: {  	s15 =	sld [smem:$0x7A0]  }
0x471: {  	[sflag:s14] =	ssyncset.done $0x0  }
0x472: {  	[sflag:s14] =	ssyncadd.s32 $0xFFFFF000  }
0x473: {  	[spmem:s2] =	stream.indirect.scatter.add.f32 [tilespmem:s11], [sflag:$0x6], $0x20, s15, s7, $0xb8;
	[tilespmem:$0x1F800] =	vst v63  }
0x474: {  	_ =	swait.ge [sflag:s4], $0x1000  }
0x475: {  	s29 =	sld [smem:$0x7A1]  }
0x476: {  	[sflag:s4] =	ssyncset.done $0x0  }
0x477: {  	[sflag:s4] =	ssyncadd.s32 $0xFFFFF000  }
0x478: {  	[tilespmem:s11], [sflag:$0x5] =	stream.indirect.gather [hbm4b:s30+s7], $0x20, s29, s7, $0xb8;
	[tilespmem:$0x1F800] =	vst v63  }
0x479: {  	_ =	swait.ge [sflag:s12], $0x1000  }
0x47a: {  	s31 =	sld [smem:$0x7A2]  }
0x47b: {  	[sflag:s12] =	ssyncset.done $0x0  }
0x47c: {  	[sflag:s12] =	ssyncadd.s32 $0xFFFFF000  }
0x47d: {  	[spmem:s2] =	stream.indirect.scatter.add.f32 [tilespmem:s8], [sflag:$0x6], $0x20, s31, s7, $0xb8;
	[tilespmem:$0x1F800] =	vst v63  }
0x47e: {  	_ =	swait.ge [sflag:s4], $0x1000  }
0x47f: {  	s1 =	sld [smem:$0x7A3]  }
0x480: {  	[sflag:s4] =	ssyncset.done $0x0  }
0x481: {  	[sflag:s4] =	ssyncadd.s32 $0xFFFFF000  }
0x482: {  	[tilespmem:s8], [sflag:$0x3] =	stream.indirect.gather [hbm4b:s30+s7], $0x20, s1, s7, $0xb8;
	[tilespmem:$0x1F800] =	vst v63  }
0x483: {  	_ =	swait.ge [sflag:s13], $0x1000  }
0x484: {  	s15 =	sld [smem:$0x7A4]  }
0x485: {  	[sflag:s13] =	ssyncset.done $0x0  }
0x486: {  	[sflag:s13] =	ssyncadd.s32 $0xFFFFF000  }
0x487: {  	[spmem:s2] =	stream.indirect.scatter.add.f32 [tilespmem:s9], [sflag:$0x6], $0x20, s15, s7, $0xb8;
	[tilespmem:$0x1F800] =	vst v63  }
0x488: {  	_ =	swait.ge [sflag:s4], $0x1000  }
0x489: {  	s29 =	sld [smem:$0x7A5]  }
0x48a: {  	[sflag:s4] =	ssyncset.done $0x0  }
0x48b: {  	[sflag:s4] =	ssyncadd.s32 $0xFFFFF000  }
0x48c: {  	[tilespmem:s9], [sflag:$0x4] =	stream.indirect.gather [hbm4b:s30+s7], $0x20, s29, s7, $0xb8;
	[tilespmem:$0x1F800] =	vst v63  }
0x48d: {  	_ =	swait.ge [sflag:s14], $0x1000  }
0x48e: {  	s31 =	sld [smem:$0x7A6]  }
0x48f: {  	[sflag:s14] =	ssyncset.done $0x0  }
0x490: {  	[sflag:s14] =	ssyncadd.s32 $0xFFFFF000  }
0x491: {  	[spmem:s2] =	stream.indirect.scatter.add.f32 [tilespmem:s11], [sflag:$0x6], $0x20, s31, s7, $0xb8;
	[tilespmem:$0x1F800] =	vst v63  }
0x492: {  	_ =	swait.ge [sflag:s4], $0x1000  }
0x493: {  	s1 =	sld [smem:$0x7A7]  }
0x494: {  	[sflag:s4] =	ssyncset.done $0x0  }
0x495: {  	[sflag:s4] =	ssyncadd.s32 $0xFFFFF000  }
0x496: {  	[tilespmem:s11], [sflag:$0x5] =	stream.indirect.gather [hbm4b:s30+s7], $0x20, s1, s7, $0xb8;
	[tilespmem:$0x1F800] =	vst v63  }
0x497: {  	_ =	swait.ge [sflag:s12], $0x1000  }
0x498: {  	s15 =	sld [smem:$0x7A8]  }
0x499: {  	[sflag:s12] =	ssyncset.done $0x0  }
0x49a: {  	[sflag:s12] =	ssyncadd.s32 $0xFFFFF000  }
0x49b: {  	[spmem:s2] =	stream.indirect.scatter.add.f32 [tilespmem:s8], [sflag:$0x6], $0x20, s15, s7, $0xb8;
	[tilespmem:$0x1F800] =	vst v63  }
0x49c: {  	_ =	swait.ge [sflag:s4], $0x1000  }
0x49d: {  	s29 =	sld [smem:$0x7A9]  }
0x49e: {  	[sflag:s4] =	ssyncset.done $0x0  }
0x49f: {  	[sflag:s4] =	ssyncadd.s32 $0xFFFFF000  }
0x4a0: {  	[tilespmem:s8], [sflag:$0x3] =	stream.indirect.gather [hbm4b:s30+s7], $0x20, s29, s7, $0xb8;
	[tilespmem:$0x1F800] =	vst v63  }
0x4a1: {  	_ =	swait.ge [sflag:s13], $0x1000  }
0x4a2: {  	s31 =	sld [smem:$0x7AA]  }
0x4a3: {  	[sflag:s13] =	ssyncset.done $0x0  }
0x4a4: {  	[sflag:s13] =	ssyncadd.s32 $0xFFFFF000  }
0x4a5: {  	[spmem:s2] =	stream.indirect.scatter.add.f32 [tilespmem:s9], [sflag:$0x6], $0x20, s31, s7, $0xb8;
	[tilespmem:$0x1F800] =	vst v63  }
0x4a6: {  	_ =	swait.ge [sflag:s4], $0x1000  }
0x4a7: {  	s1 =	sld [smem:$0x7AB]  }
0x4a8: {  	[sflag:s4] =	ssyncset.done $0x0  }
0x4a9: {  	[sflag:s4] =	ssyncadd.s32 $0xFFFFF000  }
0x4aa: {  	[tilespmem:s9], [sflag:$0x4] =	stream.indirect.gather [hbm4b:s30+s7], $0x20, s1, s7, $0xb8;
	[tilespmem:$0x1F800] =	vst v63  }
0x4ab: {  	_ =	swait.ge [sflag:s14], $0x1000  }
0x4ac: {  	s15 =	sld [smem:$0x7AC]  }
0x4ad: {  	[sflag:s14] =	ssyncset.done $0x0  }
0x4ae: {  	[sflag:s14] =	ssyncadd.s32 $0xFFFFF000  }
0x4af: {  	[spmem:s2] =	stream.indirect.scatter.add.f32 [tilespmem:s11], [sflag:$0x6], $0x20, s15, s7, $0xb8;
	[tilespmem:$0x1F800] =	vst v63  }
0x4b0: {  	_ =	swait.ge [sflag:s4], $0x1000  }
0x4b1: {  	s29 =	sld [smem:$0x7AD]  }
0x4b2: {  	[sflag:s4] =	ssyncset.done $0x0  }
0x4b3: {  	[sflag:s4] =	ssyncadd.s32 $0xFFFFF000  }
0x4b4: {  	[tilespmem:s11], [sflag:$0x5] =	stream.indirect.gather [hbm4b:s30+s7], $0x20, s29, s7, $0xb8;
	[tilespmem:$0x1F800] =	vst v63  }
0x4b5: {  	_ =	swait.ge [sflag:s12], $0x1000  }
0x4b6: {  	s31 =	sld [smem:$0x7AE]  }
0x4b7: {  	[sflag:s12] =	ssyncset.done $0x0  }
0x4b8: {  	[sflag:s12] =	ssyncadd.s32 $0xFFFFF000  }
0x4b9: {  	[spmem:s2] =	stream.indirect.scatter.add.f32 [tilespmem:s8], [sflag:$0x6], $0x20, s31, s7, $0xb8;
	[tilespmem:$0x1F800] =	vst v63  }
0x4ba: {  	_ =	swait.ge [sflag:s4], $0x1000  }
0x4bb: {  	s1 =	sld [smem:$0x7AF]  }
0x4bc: {  	[sflag:s4] =	ssyncset.done $0x0  }
0x4bd: {  	[sflag:s4] =	ssyncadd.s32 $0xFFFFF000  }
0x4be: {  	[tilespmem:s8], [sflag:$0x3] =	stream.indirect.gather [hbm4b:s30+s7], $0x20, s1, s7, $0xb8;
	[tilespmem:$0x1F800] =	vst v63  }
0x4bf: {  	_ =	swait.ge [sflag:s13], $0x1000  }
0x4c0: {  	s15 =	sld [smem:$0x7B0]  }
0x4c1: {  	[sflag:s13] =	ssyncset.done $0x0  }
0x4c2: {  	[sflag:s13] =	ssyncadd.s32 $0xFFFFF000  }
0x4c3: {  	[spmem:s2] =	stream.indirect.scatter.add.f32 [tilespmem:s9], [sflag:$0x6], $0x20, s15, s7, $0xb8;
	[tilespmem:$0x1F800] =	vst v63  }
0x4c4: {  	_ =	swait.ge [sflag:s4], $0x1000  }
0x4c5: {  	s29 =	sld [smem:$0x7B1]  }
0x4c6: {  	[sflag:s4] =	ssyncset.done $0x0  }
0x4c7: {  	[sflag:s4] =	ssyncadd.s32 $0xFFFFF000  }
0x4c8: {  	[tilespmem:s9], [sflag:$0x4] =	stream.indirect.gather [hbm4b:s30+s7], $0x20, s29, s7, $0xb8;
	[tilespmem:$0x1F800] =	vst v63  }
0x4c9: {  	_ =	swait.ge [sflag:s14], $0x1000  }
0x4ca: {  	s31 =	sld [smem:$0x7B2]  }
0x4cb: {  	[sflag:s14] =	ssyncset.done $0x0  }
0x4cc: {  	[sflag:s14] =	ssyncadd.s32 $0xFFFFF000  }
0x4cd: {  	[spmem:s2] =	stream.indirect.scatter.add.f32 [tilespmem:s11], [sflag:$0x6], $0x20, s31, s7, $0xb8;
	[tilespmem:$0x1F800] =	vst v63  }
0x4ce: {  	_ =	swait.ge [sflag:s4], $0x1000  }
0x4cf: {  	s1 =	sld [smem:$0x7B4]  }
0x4d0: {  	[sflag:s4] =	ssyncset.done $0x0  }
0x4d1: {  	[sflag:s4] =	ssyncadd.s32 $0xFFFFF000  }
0x4d2: {  	[tilespmem:s11], [sflag:$0x5] =	stream.indirect.gather [hbm4b:s30+s7], $0x20, s1, s7, $0xb8;
	[tilespmem:$0x1F800] =	vst v63  }
0x4d3: {  	_ =	swait.ge [sflag:s12], $0x1000  }
0x4d4: {  	s15 =	sld [smem:$0x7B5]  }
0x4d5: {  	[sflag:s12] =	ssyncset.done $0x0  }
0x4d6: {  	[sflag:s12] =	ssyncadd.s32 $0xFFFFF000  }
0x4d7: {  	[spmem:s2] =	stream.indirect.scatter.add.f32 [tilespmem:s8], [sflag:$0x6], $0x20, s15, s7, $0xb8;
	[tilespmem:$0x1F800] =	vst v63  }
0x4d8: {  	_ =	swait.ge [sflag:s4], $0x1000  }
0x4d9: {  	s29 =	sld [smem:$0x7B6]  }
0x4da: {  	[sflag:s4] =	ssyncset.done $0x0  }
0x4db: {  	[sflag:s4] =	ssyncadd.s32 $0xFFFFF000  }
0x4dc: {  	[tilespmem:s8], [sflag:$0x3] =	stream.indirect.gather [hbm4b:s30+s7], $0x20, s29, s7, $0xb8;
	[tilespmem:$0x1F800] =	vst v63  }
0x4dd: {  	_ =	swait.ge [sflag:s13], $0x1000  }
0x4de: {  	s31 =	sld [smem:$0x7B8]  }
0x4df: {  	[sflag:s13] =	ssyncset.done $0x0  }
0x4e0: {  	[sflag:s13] =	ssyncadd.s32 $0xFFFFF000  }
0x4e1: {  	[spmem:s2] =	stream.indirect.scatter.add.f32 [tilespmem:s9], [sflag:$0x6], $0x20, s31, s7, $0xb8;
	[tilespmem:$0x1F800] =	vst v63  }
0x4e2: {  	_ =	swait.ge [sflag:s4], $0x1000  }
0x4e3: {  	s1 =	sld [smem:$0x7B9]  }
0x4e4: {  	[sflag:s4] =	ssyncset.done $0x0  }
0x4e5: {  	[sflag:s4] =	ssyncadd.s32 $0xFFFFF000  }
0x4e6: {  	[tilespmem:s9], [sflag:$0x4] =	stream.indirect.gather [hbm4b:s30+s7], $0x20, s1, s7, $0xb8;
	[tilespmem:$0x1F800] =	vst v63  }
0x4e7: {  	_ =	swait.ge [sflag:s14], $0x1000  }
0x4e8: {  	s15 =	sld [smem:$0x7BA]  }
0x4e9: {  	[sflag:s14] =	ssyncset.done $0x0  }
0x4ea: {  	[sflag:s14] =	ssyncadd.s32 $0xFFFFF000  }
0x4eb: {  	[spmem:s2] =	stream.indirect.scatter.add.f32 [tilespmem:s11], [sflag:$0x6], $0x20, s15, s7, $0xb8;
	[tilespmem:$0x1F800] =	vst v63  }
0x4ec: {  	_ =	swait.ge [sflag:s4], $0x1000  }
0x4ed: {  	s29 =	sld [smem:$0x7BC]  }
0x4ee: {  	[sflag:s4] =	ssyncset.done $0x0  }
0x4ef: {  	[sflag:s4] =	ssyncadd.s32 $0xFFFFF000  }
0x4f0: {  	[tilespmem:s11], [sflag:$0x5] =	stream.indirect.gather [hbm4b:s30+s7], $0x20, s29, s7, $0xb8;
	[tilespmem:$0x1F800] =	vst v63  }
0x4f1: {  	_ =	swait.ge [sflag:s12], $0x1000  }
0x4f2: {  	s31 =	sld [smem:$0x7BD]  }
0x4f3: {  	[sflag:s12] =	ssyncset.done $0x0  }
0x4f4: {  	[sflag:s12] =	ssyncadd.s32 $0xFFFFF000  }
0x4f5: {  	[spmem:s2] =	stream.indirect.scatter.add.f32 [tilespmem:s8], [sflag:$0x6], $0x20, s31, s7, $0xb8;
	[tilespmem:$0x1F800] =	vst v63  }
0x4f6: {  	_ =	swait.ge [sflag:s4], $0x1000  }
0x4f7: {  	s1 =	sld [smem:$0x7BE]  }
0x4f8: {  	[sflag:s4] =	ssyncset.done $0x0  }
0x4f9: {  	[sflag:s4] =	ssyncadd.s32 $0xFFFFF000  }
0x4fa: {  	[tilespmem:s8], [sflag:$0x3] =	stream.indirect.gather [hbm4b:s30+s7], $0x20, s1, s7, $0xb8;
	[tilespmem:$0x1F800] =	vst v63  }
0x4fb: {  	_ =	swait.ge [sflag:s13], $0x1000  }
0x4fc: {  	s15 =	sld [smem:$0x7C0]  }
0x4fd: {  	[sflag:s13] =	ssyncset.done $0x0  }
0x4fe: {  	[sflag:s13] =	ssyncadd.s32 $0xFFFFF000  }
0x4ff: {  	[spmem:s2] =	stream.indirect.scatter.add.f32 [tilespmem:s9], [sflag:$0x6], $0x20, s15, s7, $0xb8;
	[tilespmem:$0x1F800] =	vst v63  }
0x500: {  	_ =	swait.ge [sflag:s4], $0x1000  }
0x501: {  	s29 =	sld [smem:$0x7C1]  }
0x502: {  	[sflag:s4] =	ssyncset.done $0x0  }
0x503: {  	[sflag:s4] =	ssyncadd.s32 $0xFFFFF000  }
0x504: {  	[tilespmem:s9], [sflag:$0x4] =	stream.indirect.gather [hbm4b:s30+s7], $0x20, s29, s7, $0xb8;
	[tilespmem:$0x1F800] =	vst v63  }
0x505: {  	_ =	swait.ge [sflag:s14], $0x1000  }
0x506: {  	s31 =	sld [smem:$0x7C2]  }
0x507: {  	[sflag:s14] =	ssyncset.done $0x0  }
0x508: {  	[sflag:s14] =	ssyncadd.s32 $0xFFFFF000  }
0x509: {  	[spmem:s2] =	stream.indirect.scatter.add.f32 [tilespmem:s11], [sflag:$0x6], $0x20, s31, s7, $0xb8;
	[tilespmem:$0x1F800] =	vst v63  }
0x50a: {  	_ =	swait.ge [sflag:s4], $0x1000  }
0x50b: {  	s1 =	sld [smem:$0x7C4]  }
0x50c: {  	[sflag:s4] =	ssyncset.done $0x0  }
0x50d: {  	[sflag:s4] =	ssyncadd.s32 $0xFFFFF000  }
0x50e: {  	[tilespmem:s11], [sflag:$0x5] =	stream.indirect.gather [hbm4b:s30+s7], $0x20, s1, s7, $0xb8;
	[tilespmem:$0x1F800] =	vst v63  }
0x50f: {  	_ =	swait.ge [sflag:s12], $0x1000  }
0x510: {  	s15 =	sld [smem:$0x7C5]  }
0x511: {  	[sflag:s12] =	ssyncset.done $0x0  }
0x512: {  	[sflag:s12] =	ssyncadd.s32 $0xFFFFF000  }
0x513: {  	[spmem:s2] =	stream.indirect.scatter.add.f32 [tilespmem:s8], [sflag:$0x6], $0x20, s15, s7, $0xb8;
	[tilespmem:$0x1F800] =	vst v63  }
0x514: {  	_ =	swait.ge [sflag:s4], $0x1000  }
0x515: {  	s29 =	sld [smem:$0x7C6]  }
0x516: {  	[sflag:s4] =	ssyncset.done $0x0  }
0x517: {  	[sflag:s4] =	ssyncadd.s32 $0xFFFFF000  }
0x518: {  	[tilespmem:s8], [sflag:$0x3] =	stream.indirect.gather [hbm4b:s30+s7], $0x20, s29, s7, $0xb8;
	[tilespmem:$0x1F800] =	vst v63  }
0x519: {  	_ =	swait.ge [sflag:s13], $0x1000  }
0x51a: {  	s31 =	sld [smem:$0x7C7]  }
0x51b: {  	[sflag:s13] =	ssyncset.done $0x0  }
0x51c: {  	[sflag:s13] =	ssyncadd.s32 $0xFFFFF000  }
0x51d: {  	[spmem:s2] =	stream.indirect.scatter.add.f32 [tilespmem:s9], [sflag:$0x6], $0x20, s31, s7, $0xb8;
	[tilespmem:$0x1F800] =	vst v63  }
0x51e: {  	_ =	swait.ge [sflag:s4], $0x1000  }
0x51f: {  	s1 =	sld [smem:$0x7DD]  }
0x520: {  	[sflag:s4] =	ssyncset.done $0x0  }
0x521: {  	[sflag:s4] =	ssyncadd.s32 $0xFFFFF000  }
0x522: {  	[tilespmem:s9], [sflag:$0x4] =	stream.indirect.gather [hbm4b:s30+s7], $0x20, s1, s7, $0xb8;
	[tilespmem:$0x1F800] =	vst v63  }
0x523: {  	_ =	swait.ge [sflag:s14], $0x1000  }
0x524: {  	[sflag:s14] =	ssyncset.done $0x0  }
0x525: {  	s15 =	simm.s32 $0x2400;
	[sflag:s14] =	ssyncadd.s32 $0xFFFFF000  }
0x526: {  	[spmem:s2] =	stream.indirect.scatter.add.f32 [tilespmem:s11], [sflag:$0x6], $0x20, s15, s7, $0xb8;
	[tilespmem:$0x1F800] =	vst v63  }
0x527: {  	_ =	swait.ge [sflag:s4], $0x1000  }
0x528: {  	[sflag:s4] =	ssyncset.done $0x0  }
0x529: {  	[sflag:s4] =	ssyncadd.s32 $0xFFFFF000  }
0x52a: {  	[tilespmem:s11], [sflag:$0x5] =	stream.indirect.gather [hbm4b:s30+s7], $0x20, s16, s7, $0xb8;
	[tilespmem:$0x1F800] =	vst v63  }
0x52b: {  	_ =	swait.ge [sflag:s12], $0x1000  }
0x52c: {  	[sflag:s12] =	ssyncset.done $0x0  }
0x52d: {  	[sflag:s12] =	ssyncadd.s32 $0xFFFFF000  }
0x52e: {  	[spmem:s2] =	stream.indirect.scatter.add.f32 [tilespmem:s8], [sflag:$0x6], $0x20, s17, s7, $0xb8;
	[tilespmem:$0x1F800] =	vst v63  }
0x52f: {  	_ =	swait.ge [sflag:s4], $0x1000  }
0x530: {  	[sflag:s4] =	ssyncset.done $0x0  }
0x531: {  	[sflag:s4] =	ssyncadd.s32 $0xFFFFF000  }
0x532: {  	[tilespmem:s8], [sflag:$0x3] =	stream.indirect.gather [hbm4b:s30+s7], $0x20, s18, s7, $0xb8;
	[tilespmem:$0x1F800] =	vst v63  }
0x533: {  	_ =	swait.ge [sflag:s13], $0x1000  }
0x534: {  	[sflag:s13] =	ssyncset.done $0x0  }
0x535: {  	[sflag:s13] =	ssyncadd.s32 $0xFFFFF000  }
0x536: {  	[spmem:s2] =	stream.indirect.scatter.add.f32 [tilespmem:s9], [sflag:$0x6], $0x20, s19, s7, $0xb8;
	[tilespmem:$0x1F800] =	vst v63  }
0x537: {  	_ =	swait.ge [sflag:s4], $0x1000  }
0x538: {  	[sflag:s4] =	ssyncset.done $0x0  }
0x539: {  	[sflag:s4] =	ssyncadd.s32 $0xFFFFF000  }
0x53a: {  	[tilespmem:s9], [sflag:$0x4] =	stream.indirect.gather [hbm4b:s30+s7], $0x20, s20, s7, $0xb8;
	[tilespmem:$0x1F800] =	vst v63  }
0x53b: {  	_ =	swait.ge [sflag:s14], $0x1000  }
0x53c: {  	[sflag:s14] =	ssyncset.done $0x0  }
0x53d: {  	[sflag:s14] =	ssyncadd.s32 $0xFFFFF000  }
0x53e: {  	[spmem:s2] =	stream.indirect.scatter.add.f32 [tilespmem:s11], [sflag:$0x6], $0x20, s21, s7, $0xb8;
	[tilespmem:$0x1F800] =	vst v63  }
0x53f: {  	_ =	swait.ge [sflag:s4], $0x1000  }
0x540: {  	[sflag:s4] =	ssyncset.done $0x0  }
0x541: {  	[sflag:s4] =	ssyncadd.s32 $0xFFFFF000  }
0x542: {  	[tilespmem:s11], [sflag:$0x5] =	stream.indirect.gather [hbm4b:s30+s7], $0x20, s22, s7, $0xb8;
	[tilespmem:$0x1F800] =	vst v63  }
0x543: {  	_ =	swait.ge [sflag:s12], $0x1000  }
0x544: {  	[sflag:s12] =	ssyncset.done $0x0  }
0x545: {  	[sflag:s12] =	ssyncadd.s32 $0xFFFFF000  }
0x546: {  	[spmem:s2] =	stream.indirect.scatter.add.f32 [tilespmem:s8], [sflag:$0x6], $0x20, s23, s7, $0xb8;
	[tilespmem:$0x1F800] =	vst v63  }
0x547: {  	_ =	swait.ge [sflag:s4], $0x1000  }
0x548: {  	[sflag:s4] =	ssyncset.done $0x0  }
0x549: {  	[sflag:s4] =	ssyncadd.s32 $0xFFFFF000  }
0x54a: {  	[tilespmem:s8], [sflag:$0x3] =	stream.indirect.gather [hbm4b:s30+s7], $0x20, s24, s7, $0xb8;
	[tilespmem:$0x1F800] =	vst v63  }
0x54b: {  	_ =	swait.ge [sflag:s13], $0x1000  }
0x54c: {  	[sflag:s13] =	ssyncset.done $0x0  }
0x54d: {  	[sflag:s13] =	ssyncadd.s32 $0xFFFFF000  }
0x54e: {  	[spmem:s2] =	stream.indirect.scatter.add.f32 [tilespmem:s9], [sflag:$0x6], $0x20, s25, s7, $0xb8;
	[tilespmem:$0x1F800] =	vst v63  }
0x54f: {  	_ =	swait.ge [sflag:s4], $0x1000  }
0x550: {  	[sflag:s4] =	ssyncset.done $0x0  }
0x551: {  	[sflag:s4] =	ssyncadd.s32 $0xFFFFF000  }
0x552: {  	_ =	swait.ge [sflag:s14], $0x1000  }
0x553: {  	[sflag:s14] =	ssyncset.done $0x0  }
0x554: {  	[sflag:s14] =	ssyncadd.s32 $0xFFFFF000  }
0x555: {  	[spmem:s2] =	stream.indirect.scatter.add.f32 [tilespmem:s11], [sflag:$0x6], $0x20, s26, s7, $0xb8;
	[tilespmem:$0x1F800] =	vst v63  }
0x556: {  	_ =	swait.ge [sflag:s4], $0x1000  }
0x557: {  	[sflag:s4] =	ssyncset.done $0x0  }
0x558: {  	[sflag:s4] =	ssyncadd.s32 $0xFFFFF000  }
0x559: {  	_ =	swait.ge [sflag:s12], $0x1000  }
0x55a: {  	[sflag:s12] =	ssyncset.done $0x0  }
0x55b: {  	[sflag:s12] =	ssyncadd.s32 $0xFFFFF000  }
0x55c: {  	[spmem:s2] =	stream.indirect.scatter.add.f32 [tilespmem:s8], [sflag:$0x6], $0x20, s28, s7, $0xb8;
	[tilespmem:$0x1F800] =	vst v63  }
0x55d: {  	_ =	swait.ge [sflag:s4], $0x1000  }
0x55e: {  	[sflag:s4] =	ssyncset.done $0x0  }
0x55f: {  	[sflag:s4] =	ssyncadd.s32 $0xFFFFF000  }
0x560: {  	[bflag:$0x0] =	sbarrier.arrive $0xFFFF  }
0x561: {  	s29 =	sld [smem:$0x7B3]  }
0x562: {  	s15 =	sld [smem:$0x7FD]  }
0x563: {  	s31 =	sld [smem:$0x785];
	_ =	sdelay $0x2  }
0x564: {  	[hbm:s29], [sflag:s15] =	dma.local [spmem:s31], $0x200  }
0x565: {  	_ =	swait.ge [sflag:s4], $0x200  }
0x566: {  	s29 =	sld [smem:$0x7B7]  }
0x567: {  	s31 =	sld [smem:$0x786]  }
0x568: {  	[sflag:s4] =	ssyncset.done $0x0  }
0x569: {  	[sflag:s4] =	ssyncadd.s32 $0xFFFFFE00  }
0x56a: {  	[hbm:s29], [sflag:s15] =	dma.local [spmem:s31], $0x200  }
0x56b: {  	_ =	swait.ge [sflag:s4], $0x200  }
0x56c: {  	s29 =	sld [smem:$0x7BB]  }
0x56d: {  	s31 =	sld [smem:$0x787]  }
0x56e: {  	[sflag:s4] =	ssyncset.done $0x0  }
0x56f: {  	[sflag:s4] =	ssyncadd.s32 $0xFFFFFE00  }
0x570: {  	[hbm:s29], [sflag:s15] =	dma.local [spmem:s31], $0x200  }
0x571: {  	_ =	swait.ge [sflag:s4], $0x200  }
0x572: {  	s29 =	sld [smem:$0x7BF]  }
0x573: {  	s31 =	sld [smem:$0x788]  }
0x574: {  	[sflag:s4] =	ssyncset.done $0x0  }
0x575: {  	[sflag:s4] =	ssyncadd.s32 $0xFFFFFE00  }
0x576: {  	[hbm:s29], [sflag:s15] =	dma.local [spmem:s31], $0x200  }
0x577: {  	_ =	swait.ge [sflag:s4], $0x200  }
0x578: {  	s29 =	sld [smem:$0x7C3]  }
0x579: {  	s31 =	sld [smem:$0x789]  }
0x57a: {  	[sflag:s4] =	ssyncset.done $0x0  }
0x57b: {  	[sflag:s4] =	ssyncadd.s32 $0xFFFFFE00  }
0x57c: {  	[hbm:s29], [sflag:s15] =	dma.local [spmem:s31], $0x200  }
0x57d: {  	_ =	swait.ge [sflag:s4], $0x200  }
0x57e: {  	s29 =	sld [smem:$0x7C8]  }
0x57f: {  	s31 =	sld [smem:$0x78A]  }
0x580: {  	[sflag:s4] =	ssyncset.done $0x0  }
0x581: {  	[sflag:s4] =	ssyncadd.s32 $0xFFFFFE00  }
0x582: {  	[hbm:s29], [sflag:s15] =	dma.local [spmem:s31], $0x200  }
0x583: {  	_ =	swait.ge [sflag:s4], $0x200  }
0x584: {  	s29 =	sld [smem:$0x7C9]  }
0x585: {  	s31 =	sld [smem:$0x78B]  }
0x586: {  	[sflag:s4] =	ssyncset.done $0x0  }
0x587: {  	[sflag:s4] =	ssyncadd.s32 $0xFFFFFE00  }
0x588: {  	[hbm:s29], [sflag:s15] =	dma.local [spmem:s31], $0x200  }
0x589: {  	_ =	swait.ge [sflag:s4], $0x200  }
0x58a: {  	s29 =	sld [smem:$0x7CA]  }
0x58b: {  	s31 =	sld [smem:$0x78C]  }
0x58c: {  	[sflag:s4] =	ssyncset.done $0x0  }
0x58d: {  	[sflag:s4] =	ssyncadd.s32 $0xFFFFFE00  }
0x58e: {  	[hbm:s29], [sflag:s15] =	dma.local [spmem:s31], $0x200  }
0x58f: {  	_ =	swait.ge [sflag:s4], $0x200  }
0x590: {  	s29 =	sld [smem:$0x7CB]  }
0x591: {  	s31 =	sld [smem:$0x78D]  }
0x592: {  	[sflag:s4] =	ssyncset.done $0x0  }
0x593: {  	[sflag:s4] =	ssyncadd.s32 $0xFFFFFE00  }
0x594: {  	[hbm:s29], [sflag:s15] =	dma.local [spmem:s31], $0x200  }
0x595: {  	_ =	swait.ge [sflag:s4], $0x200  }
0x596: {  	s29 =	sld [smem:$0x7CC]  }
0x597: {  	s31 =	sld [smem:$0x78E]  }
0x598: {  	[sflag:s4] =	ssyncset.done $0x0  }
0x599: {  	[sflag:s4] =	ssyncadd.s32 $0xFFFFFE00  }
0x59a: {  	[hbm:s29], [sflag:s15] =	dma.local [spmem:s31], $0x200  }
0x59b: {  	_ =	swait.ge [sflag:s4], $0x200  }
0x59c: {  	s29 =	sld [smem:$0x7CD]  }
0x59d: {  	s31 =	sld [smem:$0x78F]  }
0x59e: {  	[sflag:s4] =	ssyncset.done $0x0  }
0x59f: {  	[sflag:s4] =	ssyncadd.s32 $0xFFFFFE00  }
0x5a0: {  	[hbm:s29], [sflag:s15] =	dma.local [spmem:s31], $0x200  }
0x5a1: {  	_ =	swait.ge [sflag:s4], $0x200  }
0x5a2: {  	s29 =	sld [smem:$0x7CE]  }
0x5a3: {  	s31 =	sld [smem:$0x790]  }
0x5a4: {  	[sflag:s4] =	ssyncset.done $0x0  }
0x5a5: {  	[sflag:s4] =	ssyncadd.s32 $0xFFFFFE00  }
0x5a6: {  	[hbm:s29], [sflag:s15] =	dma.local [spmem:s31], $0x200  }
0x5a7: {  	_ =	swait.ge [sflag:s4], $0x200  }
0x5a8: {  	s29 =	sld [smem:$0x7CF]  }
0x5a9: {  	s31 =	sld [smem:$0x791]  }
0x5aa: {  	[sflag:s4] =	ssyncset.done $0x0  }
0x5ab: {  	[sflag:s4] =	ssyncadd.s32 $0xFFFFFE00  }
0x5ac: {  	[hbm:s29], [sflag:s15] =	dma.local [spmem:s31], $0x200  }
0x5ad: {  	_ =	swait.ge [sflag:s4], $0x200  }
0x5ae: {  	s29 =	sld [smem:$0x7D0]  }
0x5af: {  	s31 =	sld [smem:$0x792]  }
0x5b0: {  	[sflag:s4] =	ssyncset.done $0x0  }
0x5b1: {  	[sflag:s4] =	ssyncadd.s32 $0xFFFFFE00  }
0x5b2: {  	[hbm:s29], [sflag:s15] =	dma.local [spmem:s31], $0x200  }
0x5b3: {  	_ =	swait.ge [sflag:s4], $0x200  }
0x5b4: {  	s29 =	sld [smem:$0x7D1]  }
0x5b5: {  	s31 =	sld [smem:$0x793]  }
0x5b6: {  	[sflag:s4] =	ssyncset.done $0x0  }
0x5b7: {  	[sflag:s4] =	ssyncadd.s32 $0xFFFFFE00  }
0x5b8: {  	[hbm:s29], [sflag:s15] =	dma.local [spmem:s31], $0x200  }
0x5b9: {  	_ =	swait.ge [sflag:s4], $0x200  }
0x5ba: {  	s29 =	sld [smem:$0x7D2]  }
0x5bb: {  	s31 =	sld [smem:$0x794]  }
0x5bc: {  	[sflag:s4] =	ssyncset.done $0x0  }
0x5bd: {  	[sflag:s4] =	ssyncadd.s32 $0xFFFFFE00  }
0x5be: {  	[hbm:s29], [sflag:s15] =	dma.local [spmem:s31], $0x200  }
0x5bf: {  	_ =	swait.ge [sflag:s4], $0x200  }
0x5c0: {  	s29 =	sld [smem:$0x7D3]  }
0x5c1: {  	s31 =	sld [smem:$0x795]  }
0x5c2: {  	[sflag:s4] =	ssyncset.done $0x0  }
0x5c3: {  	[sflag:s4] =	ssyncadd.s32 $0xFFFFFE00  }
0x5c4: {  	[hbm:s29], [sflag:s15] =	dma.local [spmem:s31], $0x200  }
0x5c5: {  	_ =	swait.ge [sflag:s4], $0x200  }
0x5c6: {  	s29 =	sld [smem:$0x7D4]  }
0x5c7: {  	s31 =	sld [smem:$0x796]  }
0x5c8: {  	[sflag:s4] =	ssyncset.done $0x0  }
0x5c9: {  	[sflag:s4] =	ssyncadd.s32 $0xFFFFFE00  }
0x5ca: {  	[hbm:s29], [sflag:s15] =	dma.local [spmem:s31], $0x200  }
0x5cb: {  	_ =	swait.ge [sflag:s4], $0x200  }
0x5cc: {  	s29 =	sld [smem:$0x7D5]  }
0x5cd: {  	s31 =	sld [smem:$0x797]  }
0x5ce: {  	[sflag:s4] =	ssyncset.done $0x0  }
0x5cf: {  	[sflag:s4] =	ssyncadd.s32 $0xFFFFFE00  }
0x5d0: {  	[hbm:s29], [sflag:s15] =	dma.local [spmem:s31], $0x200  }
0x5d1: {  	_ =	swait.ge [sflag:s4], $0x200  }
0x5d2: {  	s29 =	sld [smem:$0x7D6]  }
0x5d3: {  	s31 =	sld [smem:$0x798]  }
0x5d4: {  	[sflag:s4] =	ssyncset.done $0x0  }
0x5d5: {  	[sflag:s4] =	ssyncadd.s32 $0xFFFFFE00  }
0x5d6: {  	[hbm:s29], [sflag:s15] =	dma.local [spmem:s31], $0x200  }
0x5d7: {  	_ =	swait.ge [sflag:s4], $0x200  }
0x5d8: {  	s29 =	sld [smem:$0x7D7]  }
0x5d9: {  	s31 =	sld [smem:$0x799]  }
0x5da: {  	[sflag:s4] =	ssyncset.done $0x0  }
0x5db: {  	[sflag:s4] =	ssyncadd.s32 $0xFFFFFE00  }
0x5dc: {  	[hbm:s29], [sflag:s15] =	dma.local [spmem:s31], $0x200  }
0x5dd: {  	_ =	swait.ge [sflag:s4], $0x200  }
0x5de: {  	s29 =	sld [smem:$0x7D8]  }
0x5df: {  	s31 =	sld [smem:$0x79A]  }
0x5e0: {  	[sflag:s4] =	ssyncset.done $0x0  }
0x5e1: {  	[sflag:s4] =	ssyncadd.s32 $0xFFFFFE00  }
0x5e2: {  	[hbm:s29], [sflag:s15] =	dma.local [spmem:s31], $0x200  }
0x5e3: {  	_ =	swait.ge [sflag:s4], $0x200  }
0x5e4: {  	s29 =	sld [smem:$0x7D9]  }
0x5e5: {  	s31 =	sld [smem:$0x79B]  }
0x5e6: {  	[sflag:s4] =	ssyncset.done $0x0  }
0x5e7: {  	[sflag:s4] =	ssyncadd.s32 $0xFFFFFE00  }
0x5e8: {  	[hbm:s29], [sflag:s15] =	dma.local [spmem:s31], $0x200  }
0x5e9: {  	_ =	swait.ge [sflag:s4], $0x200  }
0x5ea: {  	s29 =	sld [smem:$0x7DA]  }
0x5eb: {  	s31 =	sld [smem:$0x79C]  }
0x5ec: {  	[sflag:s4] =	ssyncset.done $0x0  }
0x5ed: {  	[sflag:s4] =	ssyncadd.s32 $0xFFFFFE00  }
0x5ee: {  	[hbm:s29], [sflag:s15] =	dma.local [spmem:s31], $0x200  }
0x5ef: {  	_ =	swait.ge [sflag:s4], $0x200  }
0x5f0: {  	s29 =	sld [smem:$0x7DB]  }
0x5f1: {  	s31 =	sld [smem:$0x79D]  }
0x5f2: {  	[sflag:s4] =	ssyncset.done $0x0  }
0x5f3: {  	[sflag:s4] =	ssyncadd.s32 $0xFFFFFE00  }
0x5f4: {  	[hbm:s29], [sflag:s15] =	dma.local [spmem:s31], $0x200  }
0x5f5: {  	_ =	swait.ge [sflag:s4], $0x200  }
0x5f6: {  	s29 =	sld [smem:$0x7DC]  }
0x5f7: {  	s31 =	sld [smem:$0x79E]  }
0x5f8: {  	[sflag:s4] =	ssyncset.done $0x0  }
0x5f9: {  	[sflag:s4] =	ssyncadd.s32 $0xFFFFFE00  }
0x5fa: {  	[hbm:s29], [sflag:s15] =	dma.local [spmem:s31], $0x200  }
0x5fb: {  	_ =	swait.ge [sflag:s4], $0x200  }
0x5fc: {  	s29 =	sld [smem:$0x784]  }
0x5fd: {  	s31 =	sld [smem:$0x7FC];
	_ =	sdelay $0x1  }
0x5fe: {  	s1 =	sadd.s32 $0x1, s29  }
0x5ff: {  	p0 =	sne.s32 s1, s31  }
.Ltmp1:
0x600: {  	_ = 	snop;
	(pc) =	sbr.rel @p0 .LBB2_1-.Ltmp1, $3  }
0x601: {  	_ =	sdelay $0x1  }
0x602: {  	[sflag:s4] =	ssyncset.done $0x0  }
0x603: {  	[sflag:s4] =	ssyncadd.s32 $0xFFFFFE00  }
0x604: {  	_ =	sfence.sel $0x180000  }
0x605: {  	[bflag:$0x0] =	sbarrier.arrive $0xFFFF  }
0x606: {  	_ =	strace $0x90000047  }
0x607: {  	s0 =	stileid.u32;
	[bflag:$0x2] =	sbarrier.arrive $0xFFFF  }
0x608: {  	p0 =	sne.s32 s0, $0x0;
	s0 =	rddreg [dreg:$0x2]  }
0x609: {  	s0 =	sadd.s32 @!p0 $0x100000, s0  }
0x60a: {  	[sflag:s0] =	ssyncadd.tile.s32 @!p0 $0x1;
	_ =	shalt  }
.Lfunc_end2:
_tile_overlayer_lowered:
.L_overlay_start_2:
0x60b: {  	(tag) =	ssettag $0x2  }
0x60c: {  	s0 =	rddreg [dreg:$0x0];
	s2 =	stileid.u32  }
0x60d: {  	s1 =	rddreg [dreg:$0x1];
	p0 =	sne.s32 s2, $0x0  }
0x60e: {  	s3 =	rddreg [dreg:$0x2];
	[bflag:$0x3] =	sbarrier.arrive $0xFFFF;
	s2 =	simm.s32 @!p0 $0x1C06  }
0x60f: {  	[timem:s3], [sflag:s2] =	dma.local @!p0 [hbm:s0], s1  }
0x610: {  	s0 =	simm.s32 @!p0 $0x6  }
0x611: {  	_ =	swait.ge @!p0 [sflag:s0], s1  }
0x612: {  	s1 =	ssub.s32 @!p0 $0x0, s1;
	[sflag:s0] =	ssyncset.done @!p0 $0x0  }
0x613: {  	[sflag:s0] =	ssyncadd.s32 @!p0 s1  }
0x614: {  	[bflag:$0x3] =	sbarrier.arrive $0xFFFF  }
0x615: {  	_ =	shalt  }

</sc_bundles>
